<compile_context>
chip_gen: v7x
topology: tpu7x:2x2x1
jax: 0.10.2.dev20260603
libtpu: 0.0.44.dev20260713+nightly
codegen_flags: <defaults>
</compile_context>

<pallas_src>
import functools

import jax
import jax.numpy as jnp
from jax import lax
from jax.experimental import pallas as pl
from jax.experimental.pallas import tpu as pltpu
from jax.experimental.pallas import tpu_sc as plsc

MAXN = 1_000_000
D = 64
B = 16384
NC = 2
NS = 16
L = 16
NW = NC * NS
RANGE = 31_264
MPAD = NW * RANGE
SUMCHUNK = 31_248
SUMTAIL = MAXN - NW * SUMCHUNK
Q = B // NW
NIDX = Q // 128

_mesh = plsc.VectorSubcoreMesh(core_axis_name="c", subcore_axis_name="s")


def _wid():
    return lax.axis_index("s") * NC + lax.axis_index("c")


@functools.partial(
    pl.kernel,
    out_type=(
        jax.ShapeDtypeStruct((MPAD,), jnp.int32),
        jax.ShapeDtypeStruct((NW, 128), jnp.float32),
    ),
    mesh=_mesh,
    compiler_params=pltpu.CompilerParams(needs_layout_passes=False, use_tc_tiling_on_sc=False),
    scratch_types=[
        pltpu.VMEM((B,), jnp.int32),
        pltpu.VMEM((RANGE,), jnp.int32),
        pltpu.VMEM((SUMCHUNK,), jnp.float32),
        pltpu.VMEM((SUMTAIL,), jnp.float32),
        pltpu.VMEM((128,), jnp.float32),
        pltpu.SemaphoreType.DMA,
        pltpu.SemaphoreType.DMA,
    ],
)
def _build_marker(sidx_hbm, pri_hbm, m_hbm, pp_hbm,
                  sidx_v, mark_v, pri_v, tail_v, acc_v, sem0, sem1):
    wid = _wid()
    base = wid * RANGE
    cp_idx = pltpu.async_copy(sidx_hbm, sidx_v, sem0)
    cp_pri = pltpu.async_copy(
        pri_hbm.at[pl.ds(wid * SUMCHUNK, SUMCHUNK)], pri_v, sem1)

    neg1 = jnp.full((L,), -1, jnp.int32)

    def init_body(i, c):
        mark_v[pl.ds(i * L, L)] = neg1
        return c
    lax.fori_loop(0, RANGE // L, init_body, 0)

    cp_idx.wait()
    iota = lax.iota(jnp.int32, L)

    def scatter_pass(check):
        def body(g, c):
            v = sidx_v[pl.ds(g * L, L)]
            rel = v - base
            msk = (rel >= 0) & (rel < RANGE)
            jv = iota + g * L
            if check:
                cur = plsc.load_gather(mark_v, [rel], mask=msk)
                wr = msk & (jv > cur)
            else:
                wr = msk
            plsc.store_scatter(mark_v, [rel], jv, mask=wr)
            return c
        lax.fori_loop(0, B // L, body, 0)

    scatter_pass(False)
    scatter_pass(True)
    scatter_pass(True)

    pltpu.sync_copy(mark_v, m_hbm.at[pl.ds(base, RANGE)])

    cp_pri.wait()
    zeros = jnp.zeros((L,), jnp.float32)
    for p in range(8):
        acc_v[pl.ds(p * L, L)] = zeros

    def sum_body(i, c):
        for p in range(4):
            sl = pl.ds(p * L, L)
            acc_v[sl] = acc_v[sl] + pri_v[pl.ds(i * 4 * L + p * L, L)]
        return c
    lax.fori_loop(0, SUMCHUNK // (4 * L), sum_body, 0)

    @pl.when(wid == NW - 1)
    def _():
        pltpu.sync_copy(pri_hbm.at[pl.ds(NW * SUMCHUNK, SUMTAIL)], tail_v)
        for t in range(SUMTAIL // L):
            acc_v[pl.ds(0, L)] = acc_v[pl.ds(0, L)] + tail_v[pl.ds(t * L, L)]

    pltpu.sync_copy(acc_v, pp_hbm.at[wid])


@functools.partial(
    pl.kernel,
    out_type=(
        jax.ShapeDtypeStruct((B, D), jnp.float32),
        jax.ShapeDtypeStruct((B,), jnp.float32),
        jax.ShapeDtypeStruct((B,), jnp.float32),
        jax.ShapeDtypeStruct((B,), jnp.float32),
        jax.ShapeDtypeStruct((NW, 128), jnp.float32),
    ),
    mesh=_mesh,
    compiler_params=pltpu.CompilerParams(needs_layout_passes=False, use_tc_tiling_on_sc=False),
    scratch_types=[
        pltpu.VMEM((NIDX, 128), jnp.int32),
        pltpu.VMEM((NIDX, 128), jnp.int32),
        pltpu.VMEM((NIDX, 128), jnp.int32),
        pltpu.VMEM((Q,), jnp.int32),
        pltpu.VMEM((Q,), jnp.int32),
        pltpu.VMEM((Q,), jnp.float32),
        pltpu.VMEM((Q,), jnp.float32),
        pltpu.VMEM((Q,), jnp.float32),
        pltpu.VMEM((Q,), jnp.float32),
        pltpu.VMEM((Q,), jnp.float32),
        pltpu.VMEM((Q,), jnp.float32),
        pltpu.VMEM((Q,), jnp.float32),
        pltpu.VMEM((Q,), jnp.float32),
        pltpu.VMEM((Q,), jnp.float32),
        pltpu.VMEM((Q, D), jnp.float32),
        pltpu.VMEM((128,), jnp.float32),
        pltpu.SemaphoreType.DMA,
        pltpu.SemaphoreType.DMA,
    ],
)
def _gather_select(m_hbm, btgt_hbm, pri_hbm, items_hbm, tgt_hbm,
                   npri_hbm, sidx_hbm, qsel_hbm,
                   hrow_hbm, hit_hbm, stgt_hbm, spri_hbm, dp_hbm,
                   qidx, sidxc, wcbuf, wbuf, mw, pb, tb, tw, pw, pst, npc,
                   tsel, psel, hsel, irows, dacc_v, semA, semB):
    wid = _wid()
    qbase = wid * Q

    w1 = []
    for c in range(NIDX):
        src = pl.ds(qbase + c * 128, 128)
        w1.append(pltpu.async_copy(qsel_hbm.at[src], qidx.at[c], semA))
        w1.append(pltpu.async_copy(sidx_hbm.at[src], sidxc.at[c], semA))
    w1.append(pltpu.async_copy(npri_hbm.at[pl.ds(qbase, Q)], npc, semA))
    for cp in w1:
        cp.wait()

    w2 = []
    for c in range(NIDX):
        sl = pl.ds(c * 128, 128)
        w2.append(pltpu.async_copy(m_hbm.at[qidx.at[c]], wbuf.at[sl], semB))
        w2.append(pltpu.async_copy(pri_hbm.at[qidx.at[c]], pb.at[sl], semB))
        w2.append(pltpu.async_copy(btgt_hbm.at[qidx.at[c]], tb.at[sl], semB))
        w2.append(pltpu.async_copy(m_hbm.at[sidxc.at[c]], mw.at[sl], semB))
        w2.append(pltpu.async_copy(pri_hbm.at[sidxc.at[c]], pst.at[sl], semB))
    for cp in w2:
        cp.wait()

    for c in range(NIDX):
        for k in range(128 // L):
            wv = wbuf[pl.ds(c * 128 + k * L, L)]
            wcbuf[c, pl.ds(k * L, L)] = jnp.maximum(wv, 0)

    w3 = []
    for c in range(NIDX):
        sl = pl.ds(c * 128, 128)
        w3.append(pltpu.async_copy(items_hbm.at[wcbuf.at[c]], irows.at[sl], semA))
        w3.append(pltpu.async_copy(tgt_hbm.at[wcbuf.at[c]], tw.at[sl], semA))
        w3.append(pltpu.async_copy(npri_hbm.at[wcbuf.at[c]], pw.at[sl], semA))
    for cp in w3:
        cp.wait()

    iota = lax.iota(jnp.int32, L)
    for p in range(8):
        dacc_v[pl.ds(p * L, L)] = jnp.zeros((L,), jnp.float32)
    for t in range(Q // L):
        sl = pl.ds(t * L, L)
        wv = wbuf[sl]
        hit = wv >= 0
        tsel[sl] = jnp.where(hit, tw[sl], tb[sl])
        psel[sl] = jnp.where(hit, pw[sl], pb[sl])
        hsel[sl] = jnp.where(hit, 1.0, 0.0)
        jvq = iota + (qbase + t * L)
        win = mw[sl] == jvq
        dv = pl.ds(0, L)
        dacc_v[dv] = dacc_v[dv] + jnp.where(win, npc[sl] - pst[sl], 0.0)

    pltpu.sync_copy(irows, hrow_hbm.at[pl.ds(qbase, Q)])
    pltpu.sync_copy(hsel, hit_hbm.at[pl.ds(qbase, Q)])
    pltpu.sync_copy(tsel, stgt_hbm.at[pl.ds(qbase, Q)])
    pltpu.sync_copy(psel, spri_hbm.at[pl.ds(qbase, Q)])
    pltpu.sync_copy(dacc_v, dp_hbm.at[wid])


@functools.partial(
    pl.kernel,
    out_type=jax.ShapeDtypeStruct((B, 2 * D), jnp.float32),
    mesh=_mesh,
    compiler_params=pltpu.CompilerParams(needs_layout_passes=False, use_tc_tiling_on_sc=True),
    scratch_types=[
        pltpu.VMEM((NIDX, 128), jnp.int32),
        pltpu.VMEM((NIDX, 128), jnp.int32),
        pltpu.VMEM((Q, 2 * D), jnp.float32),
        pltpu.SemaphoreType.DMA,
        pltpu.SemaphoreType.DMA,
    ],
)
def _gather_rows(buf_hbm, qsel_hbm, out_hbm, qidx, ridx, rows, semA, semB):
    wid = _wid()
    qbase = wid * Q
    w1 = []
    for c in range(NIDX):
        w1.append(pltpu.async_copy(
            qsel_hbm.at[pl.ds(qbase + c * 128, 128)], qidx.at[c], semA))
    for cp in w1:
        cp.wait()
    for c in range(NIDX):
        for k in range(128 // L):
            v = qidx[c, pl.ds(k * L, L)]
            ridx[c, pl.ds(k * L, L)] = lax.shift_right_logical(v, 1)
    w2 = []
    for c in range(NIDX):
        w2.append(pltpu.async_copy(
            buf_hbm.at[ridx.at[c]], rows.at[pl.ds(c * 128, 128)], semB))
    for cp in w2:
        cp.wait()
    pltpu.sync_copy(rows, out_hbm.at[pl.ds(qbase, Q)])


def _norm_body(spri_ref, pp_ref, dp_ref, out_ref):
    tot = jnp.sum(pp_ref[...]) + jnp.sum(dp_ref[...])
    out_ref[...] = spri_ref[...] / tot


_normalize = pl.pallas_call(
    _norm_body,
    out_shape=jax.ShapeDtypeStruct((128, 128), jnp.float32),
)


def kernel(buffer, buffer_targets, priorities, items, targets,
           new_priorities, store_idx, sample_idx):
    m, pp = _build_marker(store_idx, priorities)
    hitrows, hitf, stgt, spri, dp = _gather_select(
        m, buffer_targets, priorities, items, targets,
        new_priorities, store_idx, sample_idx)
    bout = _gather_rows(buffer.reshape(MAXN // 2, 2 * D), sample_idx)
    brow = jnp.where((sample_idx & 1)[:, None] == 1, bout[:, D:], bout[:, :D])
    samples = jnp.where(hitf[:, None] > 0.5, hitrows, brow)
    probs = _normalize(spri.reshape(128, 128), pp, dp)
    return samples, stgt, probs.reshape(B), sample_idx

# --- scband reference (transcript-rebuilt; emitter-appended) ---
"""Pipeline reference for scband-continual-learning-memory-81003083202868 (READ-ONLY COPY).

The authoritative reference and input builder live on the scoring server;
editing this copy changes nothing except your own understanding.
"""

import jax, jax.numpy as jnp
import numpy as np

MAX_SIZE = 1000000
ITEM_SIZE = 64
BATCH = 16384

def setup_inputs(seed: int = 0) -> dict:
    key = jax.random.key(seed)
    ks = jax.random.split(key, 8)
    return {
        "buffer": jax.random.normal(ks[0], (MAX_SIZE, ITEM_SIZE), dtype=jnp.float32),
        "buffer_targets": jax.random.normal(ks[1], (MAX_SIZE,), dtype=jnp.float32),
        "priorities": jax.random.uniform(ks[2], (MAX_SIZE,), dtype=jnp.float32) + 0.1,
        "items": jax.random.normal(ks[3], (BATCH, ITEM_SIZE), dtype=jnp.float32),
        "targets": jax.random.normal(ks[4], (BATCH,), dtype=jnp.float32),
        "new_priorities": jax.random.uniform(ks[5], (BATCH,), dtype=jnp.float32) + 0.1,
        "store_idx": jax.random.randint(ks[6], (BATCH,), 0, MAX_SIZE, dtype=jnp.int32),
        "sample_idx": jax.random.randint(ks[7], (BATCH,), 0, MAX_SIZE, dtype=jnp.int32),
    }

def reference(buffer, buffer_targets, priorities, items, targets, new_priorities, store_idx, sample_idx):
    # store(): vectorized reservoir writes (scatter-overwrite at given slots)
    buf = buffer.at[store_idx].set(items)
    tgt = buffer_targets.at[store_idx].set(targets)
    pri = priorities.at[store_idx].set(new_priorities)
    # sample(): priority distribution (indices supplied externally in place of multinomial)
    probs = pri / jnp.sum(pri)
    samples = jnp.take(buf, sample_idx, axis=0)
    sampled_targets = jnp.take(tgt, sample_idx, axis=0)
    sampled_probs = jnp.take(probs, sample_idx, axis=0)
    return (samples, sampled_targets, sampled_probs, sample_idx)

if __name__ == "__main__":
    import jax
    _d = setup_inputs()
    print(jax.jit(kernel)(*tuple(_d.values())))

</pallas_src>

<mosaic_0001>
#map = affine_map<(d0, d1) -> (0)>
#map1 = affine_map<(d0, d1) -> (0, 0)>
module attributes {stable_mosaic.version = 14 : i64} {
  func.func @_gather_select(%arg0: i32, %arg1: i32, %arg2: memref<1000448xi32, #tpu.memory_space<hbm>>, %arg3: memref<1000000xf32, #tpu.memory_space<hbm>>, %arg4: memref<1000000xf32, #tpu.memory_space<hbm>>, %arg5: memref<16384x64xf32, #tpu.memory_space<hbm>>, %arg6: memref<16384xf32, #tpu.memory_space<hbm>>, %arg7: memref<16384xf32, #tpu.memory_space<hbm>>, %arg8: memref<16384xi32, #tpu.memory_space<hbm>>, %arg9: memref<16384xi32, #tpu.memory_space<hbm>>, %arg10: memref<16384x64xf32, #tpu.memory_space<hbm>>, %arg11: memref<16384xf32, #tpu.memory_space<hbm>>, %arg12: memref<16384xf32, #tpu.memory_space<hbm>>, %arg13: memref<16384xf32, #tpu.memory_space<hbm>>, %arg14: memref<32x128xf32, #tpu.memory_space<hbm>>, %arg15: memref<4x128xi32, #tpu.memory_space<vmem>>, %arg16: memref<4x128xi32, #tpu.memory_space<vmem>>, %arg17: memref<4x128xi32, #tpu.memory_space<vmem>>, %arg18: memref<512xi32, #tpu.memory_space<vmem>>, %arg19: memref<512xi32, #tpu.memory_space<vmem>>, %arg20: memref<512xf32, #tpu.memory_space<vmem>>, %arg21: memref<512xf32, #tpu.memory_space<vmem>>, %arg22: memref<512xf32, #tpu.memory_space<vmem>>, %arg23: memref<512xf32, #tpu.memory_space<vmem>>, %arg24: memref<512xf32, #tpu.memory_space<vmem>>, %arg25: memref<512xf32, #tpu.memory_space<vmem>>, %arg26: memref<512xf32, #tpu.memory_space<vmem>>, %arg27: memref<512xf32, #tpu.memory_space<vmem>>, %arg28: memref<512xf32, #tpu.memory_space<vmem>>, %arg29: memref<512x64xf32, #tpu.memory_space<vmem>>, %arg30: memref<128xf32, #tpu.memory_space<vmem>>, %arg31: memref<!tpu.dma_semaphore, #tpu.memory_space<semaphore_mem>>, %arg32: memref<!tpu.dma_semaphore, #tpu.memory_space<semaphore_mem>>) attributes {dimension_semantics = [#tpu.dimension_semantics<core_parallel>, #tpu.dimension_semantics<subcore_parallel>], iteration_bounds = array<i64: 2, 16>, scalar_prefetch = 0 : i64, scratch_operands = 18 : i64, tpu.core_type = #tpu.core_type<sc_vector_subcore>, window_params = [{transform_indices = #map}, {transform_indices = #map}, {transform_indices = #map}, {transform_indices = #map1}, {transform_indices = #map}, {transform_indices = #map}, {transform_indices = #map}, {transform_indices = #map}, {transform_indices = #map1}, {transform_indices = #map}, {transform_indices = #map}, {transform_indices = #map}, {transform_indices = #map1}]} {
    %mul3A = arith.constant 2 : i32
    %mul3A_0 = arith.muli %arg1, %mul3A : i32
    %add3A = arith.addi %mul3A_0, %arg0 : i32
    %mul3A_1 = arith.constant 512 : i32
    %mul3A_2 = arith.muli %add3A, %mul3A_1 : i32
    %add3A_3 = arith.constant 0 : i32
    %add3A_4 = arith.addi %mul3A_2, %add3A_3 : i32
    %dma_start3A = arith.constant 0 : i32
    %dma_start3A_5 = arith.constant 0 : i32
    %dma_start3A_6 = tpu.memref_slice %arg15[%dma_start3A, %dma_start3A_5] : memref<4x128xi32, #tpu.memory_space<vmem>> -> memref<1x128xi32, #tpu.memory_space<vmem>>
    %dma_start3A_7 = tpu.memref_squeeze %dma_start3A_6 : memref<1x128xi32, #tpu.memory_space<vmem>> -> memref<128xi32, #tpu.memory_space<vmem>>
    %dma_start3A_8 = tpu.memref_slice %arg9[%add3A_4] : memref<16384xi32, #tpu.memory_space<hbm>> -> memref<128xi32, #tpu.memory_space<hbm>>
    %dma_start3A_9 = arith.constant 0 : i32
    %dma_start3A_10 = tpu.memref_slice %arg15[%dma_start3A, %dma_start3A_9] : memref<4x128xi32, #tpu.memory_space<vmem>> -> memref<1x128xi32, #tpu.memory_space<vmem>>
    %dma_start3A_11 = tpu.memref_squeeze %dma_start3A_10 : memref<1x128xi32, #tpu.memory_space<vmem>> -> memref<128xi32, #tpu.memory_space<vmem>>
    %dma_start3A_12 = tpu.memref_slice %arg9[%add3A_4] : memref<16384xi32, #tpu.memory_space<hbm>> -> memref<128xi32, #tpu.memory_space<hbm>>
    tpu.enqueue_dma source(%dma_start3A_12 : memref<128xi32, #tpu.memory_space<hbm>>) target(%dma_start3A_11 : memref<128xi32, #tpu.memory_space<vmem>>) target_semaphore(%arg31 : memref<!tpu.dma_semaphore, #tpu.memory_space<semaphore_mem>>)
    %dma_start3A_13 = arith.constant 0 : i32
    %dma_start3A_14 = arith.constant 0 : i32
    %dma_start3A_15 = tpu.memref_slice %arg16[%dma_start3A_13, %dma_start3A_14] : memref<4x128xi32, #tpu.memory_space<vmem>> -> memref<1x128xi32, #tpu.memory_space<vmem>>
    %dma_start3A_16 = tpu.memref_squeeze %dma_start3A_15 : memref<1x128xi32, #tpu.memory_space<vmem>> -> memref<128xi32, #tpu.memory_space<vmem>>
    %dma_start3A_17 = tpu.memref_slice %arg8[%add3A_4] : memref<16384xi32, #tpu.memory_space<hbm>> -> memref<128xi32, #tpu.memory_space<hbm>>
    %dma_start3A_18 = arith.constant 0 : i32
    %dma_start3A_19 = tpu.memref_slice %arg16[%dma_start3A_13, %dma_start3A_18] : memref<4x128xi32, #tpu.memory_space<vmem>> -> memref<1x128xi32, #tpu.memory_space<vmem>>
    %dma_start3A_20 = tpu.memref_squeeze %dma_start3A_19 : memref<1x128xi32, #tpu.memory_space<vmem>> -> memref<128xi32, #tpu.memory_space<vmem>>
    %dma_start3A_21 = tpu.memref_slice %arg8[%add3A_4] : memref<16384xi32, #tpu.memory_space<hbm>> -> memref<128xi32, #tpu.memory_space<hbm>>
    tpu.enqueue_dma source(%dma_start3A_21 : memref<128xi32, #tpu.memory_space<hbm>>) target(%dma_start3A_20 : memref<128xi32, #tpu.memory_space<vmem>>) target_semaphore(%arg31 : memref<!tpu.dma_semaphore, #tpu.memory_space<semaphore_mem>>)
    %add3A_22 = arith.constant 128 : i32
    %add3A_23 = arith.addi %mul3A_2, %add3A_22 : i32
    %dma_start3A_24 = arith.constant 1 : i32
    %dma_start3A_25 = arith.constant 0 : i32
    %dma_start3A_26 = tpu.memref_slice %arg15[%dma_start3A_24, %dma_start3A_25] : memref<4x128xi32, #tpu.memory_space<vmem>> -> memref<1x128xi32, #tpu.memory_space<vmem>>
    %dma_start3A_27 = tpu.memref_squeeze %dma_start3A_26 : memref<1x128xi32, #tpu.memory_space<vmem>> -> memref<128xi32, #tpu.memory_space<vmem>>
    %dma_start3A_28 = tpu.memref_slice %arg9[%add3A_23] : memref<16384xi32, #tpu.memory_space<hbm>> -> memref<128xi32, #tpu.memory_space<hbm>>
    %dma_start3A_29 = arith.constant 0 : i32
    %dma_start3A_30 = tpu.memref_slice %arg15[%dma_start3A_24, %dma_start3A_29] : memref<4x128xi32, #tpu.memory_space<vmem>> -> memref<1x128xi32, #tpu.memory_space<vmem>>
    %dma_start3A_31 = tpu.memref_squeeze %dma_start3A_30 : memref<1x128xi32, #tpu.memory_space<vmem>> -> memref<128xi32, #tpu.memory_space<vmem>>
    %dma_start3A_32 = tpu.memref_slice %arg9[%add3A_23] : memref<16384xi32, #tpu.memory_space<hbm>> -> memref<128xi32, #tpu.memory_space<hbm>>
    tpu.enqueue_dma source(%dma_start3A_32 : memref<128xi32, #tpu.memory_space<hbm>>) target(%dma_start3A_31 : memref<128xi32, #tpu.memory_space<vmem>>) target_semaphore(%arg31 : memref<!tpu.dma_semaphore, #tpu.memory_space<semaphore_mem>>)
    %dma_start3A_33 = arith.constant 1 : i32
    %dma_start3A_34 = arith.constant 0 : i32
    %dma_start3A_35 = tpu.memref_slice %arg16[%dma_start3A_33, %dma_start3A_34] : memref<4x128xi32, #tpu.memory_space<vmem>> -> memref<1x128xi32, #tpu.memory_space<vmem>>
    %dma_start3A_36 = tpu.memref_squeeze %dma_start3A_35 : memref<1x128xi32, #tpu.memory_space<vmem>> -> memref<128xi32, #tpu.memory_space<vmem>>
    %dma_start3A_37 = tpu.memref_slice %arg8[%add3A_23] : memref<16384xi32, #tpu.memory_space<hbm>> -> memref<128xi32, #tpu.memory_space<hbm>>
    %dma_start3A_38 = arith.constant 0 : i32
    %dma_start3A_39 = tpu.memref_slice %arg16[%dma_start3A_33, %dma_start3A_38] : memref<4x128xi32, #tpu.memory_space<vmem>> -> memref<1x128xi32, #tpu.memory_space<vmem>>
    %dma_start3A_40 = tpu.memref_squeeze %dma_start3A_39 : memref<1x128xi32, #tpu.memory_space<vmem>> -> memref<128xi32, #tpu.memory_space<vmem>>
    %dma_start3A_41 = tpu.memref_slice %arg8[%add3A_23] : memref<16384xi32, #tpu.memory_space<hbm>> -> memref<128xi32, #tpu.memory_space<hbm>>
    tpu.enqueue_dma source(%dma_start3A_41 : memref<128xi32, #tpu.memory_space<hbm>>) target(%dma_start3A_40 : memref<128xi32, #tpu.memory_space<vmem>>) target_semaphore(%arg31 : memref<!tpu.dma_semaphore, #tpu.memory_space<semaphore_mem>>)
    %add3A_42 = arith.constant 256 : i32
    %add3A_43 = arith.addi %mul3A_2, %add3A_42 : i32
    %dma_start3A_44 = arith.constant 2 : i32
    %dma_start3A_45 = arith.constant 0 : i32
    %dma_start3A_46 = tpu.memref_slice %arg15[%dma_start3A_44, %dma_start3A_45] : memref<4x128xi32, #tpu.memory_space<vmem>> -> memref<1x128xi32, #tpu.memory_space<vmem>>
    %dma_start3A_47 = tpu.memref_squeeze %dma_start3A_46 : memref<1x128xi32, #tpu.memory_space<vmem>> -> memref<128xi32, #tpu.memory_space<vmem>>
    %dma_start3A_48 = tpu.memref_slice %arg9[%add3A_43] : memref<16384xi32, #tpu.memory_space<hbm>> -> memref<128xi32, #tpu.memory_space<hbm>>
    %dma_start3A_49 = arith.constant 0 : i32
    %dma_start3A_50 = tpu.memref_slice %arg15[%dma_start3A_44, %dma_start3A_49] : memref<4x128xi32, #tpu.memory_space<vmem>> -> memref<1x128xi32, #tpu.memory_space<vmem>>
    %dma_start3A_51 = tpu.memref_squeeze %dma_start3A_50 : memref<1x128xi32, #tpu.memory_space<vmem>> -> memref<128xi32, #tpu.memory_space<vmem>>
    %dma_start3A_52 = tpu.memref_slice %arg9[%add3A_43] : memref<16384xi32, #tpu.memory_space<hbm>> -> memref<128xi32, #tpu.memory_space<hbm>>
    tpu.enqueue_dma source(%dma_start3A_52 : memref<128xi32, #tpu.memory_space<hbm>>) target(%dma_start3A_51 : memref<128xi32, #tpu.memory_space<vmem>>) target_semaphore(%arg31 : memref<!tpu.dma_semaphore, #tpu.memory_space<semaphore_mem>>)
    %dma_start3A_53 = arith.constant 2 : i32
    %dma_start3A_54 = arith.constant 0 : i32
    %dma_start3A_55 = tpu.memref_slice %arg16[%dma_start3A_53, %dma_start3A_54] : memref<4x128xi32, #tpu.memory_space<vmem>> -> memref<1x128xi32, #tpu.memory_space<vmem>>
    %dma_start3A_56 = tpu.memref_squeeze %dma_start3A_55 : memref<1x128xi32, #tpu.memory_space<vmem>> -> memref<128xi32, #tpu.memory_space<vmem>>
    %dma_start3A_57 = tpu.memref_slice %arg8[%add3A_43] : memref<16384xi32, #tpu.memory_space<hbm>> -> memref<128xi32, #tpu.memory_space<hbm>>
    %dma_start3A_58 = arith.constant 0 : i32
    %dma_start3A_59 = tpu.memref_slice %arg16[%dma_start3A_53, %dma_start3A_58] : memref<4x128xi32, #tpu.memory_space<vmem>> -> memref<1x128xi32, #tpu.memory_space<vmem>>
    %dma_start3A_60 = tpu.memref_squeeze %dma_start3A_59 : memref<1x128xi32, #tpu.memory_space<vmem>> -> memref<128xi32, #tpu.memory_space<vmem>>
    %dma_start3A_61 = tpu.memref_slice %arg8[%add3A_43] : memref<16384xi32, #tpu.memory_space<hbm>> -> memref<128xi32, #tpu.memory_space<hbm>>
    tpu.enqueue_dma source(%dma_start3A_61 : memref<128xi32, #tpu.memory_space<hbm>>) target(%dma_start3A_60 : memref<128xi32, #tpu.memory_space<vmem>>) target_semaphore(%arg31 : memref<!tpu.dma_semaphore, #tpu.memory_space<semaphore_mem>>)
    %add3A_62 = arith.constant 384 : i32
    %add3A_63 = arith.addi %mul3A_2, %add3A_62 : i32
    %dma_start3A_64 = arith.constant 3 : i32
    %dma_start3A_65 = arith.constant 0 : i32
    %dma_start3A_66 = tpu.memref_slice %arg15[%dma_start3A_64, %dma_start3A_65] : memref<4x128xi32, #tpu.memory_space<vmem>> -> memref<1x128xi32, #tpu.memory_space<vmem>>
    %dma_start3A_67 = tpu.memref_squeeze %dma_start3A_66 : memref<1x128xi32, #tpu.memory_space<vmem>> -> memref<128xi32, #tpu.memory_space<vmem>>
    %dma_start3A_68 = tpu.memref_slice %arg9[%add3A_63] : memref<16384xi32, #tpu.memory_space<hbm>> -> memref<128xi32, #tpu.memory_space<hbm>>
    %dma_start3A_69 = arith.constant 0 : i32
    %dma_start3A_70 = tpu.memref_slice %arg15[%dma_start3A_64, %dma_start3A_69] : memref<4x128xi32, #tpu.memory_space<vmem>> -> memref<1x128xi32, #tpu.memory_space<vmem>>
    %dma_start3A_71 = tpu.memref_squeeze %dma_start3A_70 : memref<1x128xi32, #tpu.memory_space<vmem>> -> memref<128xi32, #tpu.memory_space<vmem>>
    %dma_start3A_72 = tpu.memref_slice %arg9[%add3A_63] : memref<16384xi32, #tpu.memory_space<hbm>> -> memref<128xi32, #tpu.memory_space<hbm>>
    tpu.enqueue_dma source(%dma_start3A_72 : memref<128xi32, #tpu.memory_space<hbm>>) target(%dma_start3A_71 : memref<128xi32, #tpu.memory_space<vmem>>) target_semaphore(%arg31 : memref<!tpu.dma_semaphore, #tpu.memory_space<semaphore_mem>>)
    %dma_start3A_73 = arith.constant 3 : i32
    %dma_start3A_74 = arith.constant 0 : i32
    %dma_start3A_75 = tpu.memref_slice %arg16[%dma_start3A_73, %dma_start3A_74] : memref<4x128xi32, #tpu.memory_space<vmem>> -> memref<1x128xi32, #tpu.memory_space<vmem>>
    %dma_start3A_76 = tpu.memref_squeeze %dma_start3A_75 : memref<1x128xi32, #tpu.memory_space<vmem>> -> memref<128xi32, #tpu.memory_space<vmem>>
    %dma_start3A_77 = tpu.memref_slice %arg8[%add3A_63] : memref<16384xi32, #tpu.memory_space<hbm>> -> memref<128xi32, #tpu.memory_space<hbm>>
    %dma_start3A_78 = arith.constant 0 : i32
    %dma_start3A_79 = tpu.memref_slice %arg16[%dma_start3A_73, %dma_start3A_78] : memref<4x128xi32, #tpu.memory_space<vmem>> -> memref<1x128xi32, #tpu.memory_space<vmem>>
    %dma_start3A_80 = tpu.memref_squeeze %dma_start3A_79 : memref<1x128xi32, #tpu.memory_space<vmem>> -> memref<128xi32, #tpu.memory_space<vmem>>
    %dma_start3A_81 = tpu.memref_slice %arg8[%add3A_63] : memref<16384xi32, #tpu.memory_space<hbm>> -> memref<128xi32, #tpu.memory_space<hbm>>
    tpu.enqueue_dma source(%dma_start3A_81 : memref<128xi32, #tpu.memory_space<hbm>>) target(%dma_start3A_80 : memref<128xi32, #tpu.memory_space<vmem>>) target_semaphore(%arg31 : memref<!tpu.dma_semaphore, #tpu.memory_space<semaphore_mem>>)
    %dma_start3A_82 = tpu.memref_slice %arg7[%mul3A_2] : memref<16384xf32, #tpu.memory_space<hbm>> -> memref<512xf32, #tpu.memory_space<hbm>>
    %dma_start3A_83 = tpu.memref_slice %arg7[%mul3A_2] : memref<16384xf32, #tpu.memory_space<hbm>> -> memref<512xf32, #tpu.memory_space<hbm>>
    tpu.enqueue_dma source(%dma_start3A_83 : memref<512xf32, #tpu.memory_space<hbm>>) target(%arg25 : memref<512xf32, #tpu.memory_space<vmem>>) target_semaphore(%arg31 : memref<!tpu.dma_semaphore, #tpu.memory_space<semaphore_mem>>)
    %dma_wait3A = arith.constant 0 : i32
    %dma_wait3A_84 = arith.constant 0 : i32
    %dma_wait3A_85 = tpu.memref_slice %arg15[%dma_wait3A, %dma_wait3A_84] : memref<4x128xi32, #tpu.memory_space<vmem>> -> memref<1x128xi32, #tpu.memory_space<vmem>>
    %dma_wait3A_86 = tpu.memref_squeeze %dma_wait3A_85 : memref<1x128xi32, #tpu.memory_space<vmem>> -> memref<128xi32, #tpu.memory_space<vmem>>
    %dma_wait3A_87 = tpu.memref_slice %arg9[%add3A_4] : memref<16384xi32, #tpu.memory_space<hbm>> -> memref<128xi32, #tpu.memory_space<hbm>>
    %dma_wait3A_88 = arith.constant 0 : i32
    %dma_wait3A_89 = tpu.memref_slice %arg15[%dma_wait3A, %dma_wait3A_88] : memref<4x128xi32, #tpu.memory_space<vmem>> -> memref<1x128xi32, #tpu.memory_space<vmem>>
    %dma_wait3A_90 = tpu.memref_squeeze %dma_wait3A_89 : memref<1x128xi32, #tpu.memory_space<vmem>> -> memref<128xi32, #tpu.memory_space<vmem>>
    %dma_wait3A_91 = tpu.memref_slice %arg9[%add3A_4] : memref<16384xi32, #tpu.memory_space<hbm>> -> memref<128xi32, #tpu.memory_space<hbm>>
    tpu.wait_dma2 semaphore(%arg31 : memref<!tpu.dma_semaphore, #tpu.memory_space<semaphore_mem>>) src(%dma_wait3A_91 : memref<128xi32, #tpu.memory_space<hbm>>) dst(%dma_wait3A_90 : memref<128xi32, #tpu.memory_space<vmem>>)
    %dma_wait3A_92 = arith.constant 0 : i32
    %dma_wait3A_93 = arith.constant 0 : i32
    %dma_wait3A_94 = tpu.memref_slice %arg16[%dma_wait3A_92, %dma_wait3A_93] : memref<4x128xi32, #tpu.memory_space<vmem>> -> memref<1x128xi32, #tpu.memory_space<vmem>>
    %dma_wait3A_95 = tpu.memref_squeeze %dma_wait3A_94 : memref<1x128xi32, #tpu.memory_space<vmem>> -> memref<128xi32, #tpu.memory_space<vmem>>
    %dma_wait3A_96 = tpu.memref_slice %arg8[%add3A_4] : memref<16384xi32, #tpu.memory_space<hbm>> -> memref<128xi32, #tpu.memory_space<hbm>>
    %dma_wait3A_97 = arith.constant 0 : i32
    %dma_wait3A_98 = tpu.memref_slice %arg16[%dma_wait3A_92, %dma_wait3A_97] : memref<4x128xi32, #tpu.memory_space<vmem>> -> memref<1x128xi32, #tpu.memory_space<vmem>>
    %dma_wait3A_99 = tpu.memref_squeeze %dma_wait3A_98 : memref<1x128xi32, #tpu.memory_space<vmem>> -> memref<128xi32, #tpu.memory_space<vmem>>
    %dma_wait3A_100 = tpu.memref_slice %arg8[%add3A_4] : memref<16384xi32, #tpu.memory_space<hbm>> -> memref<128xi32, #tpu.memory_space<hbm>>
    tpu.wait_dma2 semaphore(%arg31 : memref<!tpu.dma_semaphore, #tpu.memory_space<semaphore_mem>>) src(%dma_wait3A_100 : memref<128xi32, #tpu.memory_space<hbm>>) dst(%dma_wait3A_99 : memref<128xi32, #tpu.memory_space<vmem>>)
    %dma_wait3A_101 = arith.constant 1 : i32
    %dma_wait3A_102 = arith.constant 0 : i32
    %dma_wait3A_103 = tpu.memref_slice %arg15[%dma_wait3A_101, %dma_wait3A_102] : memref<4x128xi32, #tpu.memory_space<vmem>> -> memref<1x128xi32, #tpu.memory_space<vmem>>
    %dma_wait3A_104 = tpu.memref_squeeze %dma_wait3A_103 : memref<1x128xi32, #tpu.memory_space<vmem>> -> memref<128xi32, #tpu.memory_space<vmem>>
    %dma_wait3A_105 = tpu.memref_slice %arg9[%add3A_23] : memref<16384xi32, #tpu.memory_space<hbm>> -> memref<128xi32, #tpu.memory_space<hbm>>
    %dma_wait3A_106 = arith.constant 0 : i32
    %dma_wait3A_107 = tpu.memref_slice %arg15[%dma_wait3A_101, %dma_wait3A_106] : memref<4x128xi32, #tpu.memory_space<vmem>> -> memref<1x128xi32, #tpu.memory_space<vmem>>
    %dma_wait3A_108 = tpu.memref_squeeze %dma_wait3A_107 : memref<1x128xi32, #tpu.memory_space<vmem>> -> memref<128xi32, #tpu.memory_space<vmem>>
    %dma_wait3A_109 = tpu.memref_slice %arg9[%add3A_23] : memref<16384xi32, #tpu.memory_space<hbm>> -> memref<128xi32, #tpu.memory_space<hbm>>
    tpu.wait_dma2 semaphore(%arg31 : memref<!tpu.dma_semaphore, #tpu.memory_space<semaphore_mem>>) src(%dma_wait3A_109 : memref<128xi32, #tpu.memory_space<hbm>>) dst(%dma_wait3A_108 : memref<128xi32, #tpu.memory_space<vmem>>)
    %dma_wait3A_110 = arith.constant 1 : i32
    %dma_wait3A_111 = arith.constant 0 : i32
    %dma_wait3A_112 = tpu.memref_slice %arg16[%dma_wait3A_110, %dma_wait3A_111] : memref<4x128xi32, #tpu.memory_space<vmem>> -> memref<1x128xi32, #tpu.memory_space<vmem>>
    %dma_wait3A_113 = tpu.memref_squeeze %dma_wait3A_112 : memref<1x128xi32, #tpu.memory_space<vmem>> -> memref<128xi32, #tpu.memory_space<vmem>>
    %dma_wait3A_114 = tpu.memref_slice %arg8[%add3A_23] : memref<16384xi32, #tpu.memory_space<hbm>> -> memref<128xi32, #tpu.memory_space<hbm>>
    %dma_wait3A_115 = arith.constant 0 : i32
    %dma_wait3A_116 = tpu.memref_slice %arg16[%dma_wait3A_110, %dma_wait3A_115] : memref<4x128xi32, #tpu.memory_space<vmem>> -> memref<1x128xi32, #tpu.memory_space<vmem>>
    %dma_wait3A_117 = tpu.memref_squeeze %dma_wait3A_116 : memref<1x128xi32, #tpu.memory_space<vmem>> -> memref<128xi32, #tpu.memory_space<vmem>>
    %dma_wait3A_118 = tpu.memref_slice %arg8[%add3A_23] : memref<16384xi32, #tpu.memory_space<hbm>> -> memref<128xi32, #tpu.memory_space<hbm>>
    tpu.wait_dma2 semaphore(%arg31 : memref<!tpu.dma_semaphore, #tpu.memory_space<semaphore_mem>>) src(%dma_wait3A_118 : memref<128xi32, #tpu.memory_space<hbm>>) dst(%dma_wait3A_117 : memref<128xi32, #tpu.memory_space<vmem>>)
    %dma_wait3A_119 = arith.constant 2 : i32
    %dma_wait3A_120 = arith.constant 0 : i32
    %dma_wait3A_121 = tpu.memref_slice %arg15[%dma_wait3A_119, %dma_wait3A_120] : memref<4x128xi32, #tpu.memory_space<vmem>> -> memref<1x128xi32, #tpu.memory_space<vmem>>
    %dma_wait3A_122 = tpu.memref_squeeze %dma_wait3A_121 : memref<1x128xi32, #tpu.memory_space<vmem>> -> memref<128xi32, #tpu.memory_space<vmem>>
    %dma_wait3A_123 = tpu.memref_slice %arg9[%add3A_43] : memref<16384xi32, #tpu.memory_space<hbm>> -> memref<128xi32, #tpu.memory_space<hbm>>
    %dma_wait3A_124 = arith.constant 0 : i32
    %dma_wait3A_125 = tpu.memref_slice %arg15[%dma_wait3A_119, %dma_wait3A_124] : memref<4x128xi32, #tpu.memory_space<vmem>> -> memref<1x128xi32, #tpu.memory_space<vmem>>
    %dma_wait3A_126 = tpu.memref_squeeze %dma_wait3A_125 : memref<1x128xi32, #tpu.memory_space<vmem>> -> memref<128xi32, #tpu.memory_space<vmem>>
    %dma_wait3A_127 = tpu.memref_slice %arg9[%add3A_43] : memref<16384xi32, #tpu.memory_space<hbm>> -> memref<128xi32, #tpu.memory_space<hbm>>
    tpu.wait_dma2 semaphore(%arg31 : memref<!tpu.dma_semaphore, #tpu.memory_space<semaphore_mem>>) src(%dma_wait3A_127 : memref<128xi32, #tpu.memory_space<hbm>>) dst(%dma_wait3A_126 : memref<128xi32, #tpu.memory_space<vmem>>)
    %dma_wait3A_128 = arith.constant 2 : i32
    %dma_wait3A_129 = arith.constant 0 : i32
    %dma_wait3A_130 = tpu.memref_slice %arg16[%dma_wait3A_128, %dma_wait3A_129] : memref<4x128xi32, #tpu.memory_space<vmem>> -> memref<1x128xi32, #tpu.memory_space<vmem>>
    %dma_wait3A_131 = tpu.memref_squeeze %dma_wait3A_130 : memref<1x128xi32, #tpu.memory_space<vmem>> -> memref<128xi32, #tpu.memory_space<vmem>>
    %dma_wait3A_132 = tpu.memref_slice %arg8[%add3A_43] : memref<16384xi32, #tpu.memory_space<hbm>> -> memref<128xi32, #tpu.memory_space<hbm>>
    %dma_wait3A_133 = arith.constant 0 : i32
    %dma_wait3A_134 = tpu.memref_slice %arg16[%dma_wait3A_128, %dma_wait3A_133] : memref<4x128xi32, #tpu.memory_space<vmem>> -> memref<1x128xi32, #tpu.memory_space<vmem>>
    %dma_wait3A_135 = tpu.memref_squeeze %dma_wait3A_134 : memref<1x128xi32, #tpu.memory_space<vmem>> -> memref<128xi32, #tpu.memory_space<vmem>>
    %dma_wait3A_136 = tpu.memref_slice %arg8[%add3A_43] : memref<16384xi32, #tpu.memory_space<hbm>> -> memref<128xi32, #tpu.memory_space<hbm>>
    tpu.wait_dma2 semaphore(%arg31 : memref<!tpu.dma_semaphore, #tpu.memory_space<semaphore_mem>>) src(%dma_wait3A_136 : memref<128xi32, #tpu.memory_space<hbm>>) dst(%dma_wait3A_135 : memref<128xi32, #tpu.memory_space<vmem>>)
    %dma_wait3A_137 = arith.constant 3 : i32
    %dma_wait3A_138 = arith.constant 0 : i32
    %dma_wait3A_139 = tpu.memref_slice %arg15[%dma_wait3A_137, %dma_wait3A_138] : memref<4x128xi32, #tpu.memory_space<vmem>> -> memref<1x128xi32, #tpu.memory_space<vmem>>
    %dma_wait3A_140 = tpu.memref_squeeze %dma_wait3A_139 : memref<1x128xi32, #tpu.memory_space<vmem>> -> memref<128xi32, #tpu.memory_space<vmem>>
    %dma_wait3A_141 = tpu.memref_slice %arg9[%add3A_63] : memref<16384xi32, #tpu.memory_space<hbm>> -> memref<128xi32, #tpu.memory_space<hbm>>
    %dma_wait3A_142 = arith.constant 0 : i32
    %dma_wait3A_143 = tpu.memref_slice %arg15[%dma_wait3A_137, %dma_wait3A_142] : memref<4x128xi32, #tpu.memory_space<vmem>> -> memref<1x128xi32, #tpu.memory_space<vmem>>
    %dma_wait3A_144 = tpu.memref_squeeze %dma_wait3A_143 : memref<1x128xi32, #tpu.memory_space<vmem>> -> memref<128xi32, #tpu.memory_space<vmem>>
    %dma_wait3A_145 = tpu.memref_slice %arg9[%add3A_63] : memref<16384xi32, #tpu.memory_space<hbm>> -> memref<128xi32, #tpu.memory_space<hbm>>
    tpu.wait_dma2 semaphore(%arg31 : memref<!tpu.dma_semaphore, #tpu.memory_space<semaphore_mem>>) src(%dma_wait3A_145 : memref<128xi32, #tpu.memory_space<hbm>>) dst(%dma_wait3A_144 : memref<128xi32, #tpu.memory_space<vmem>>)
    %dma_wait3A_146 = arith.constant 3 : i32
    %dma_wait3A_147 = arith.constant 0 : i32
    %dma_wait3A_148 = tpu.memref_slice %arg16[%dma_wait3A_146, %dma_wait3A_147] : memref<4x128xi32, #tpu.memory_space<vmem>> -> memref<1x128xi32, #tpu.memory_space<vmem>>
    %dma_wait3A_149 = tpu.memref_squeeze %dma_wait3A_148 : memref<1x128xi32, #tpu.memory_space<vmem>> -> memref<128xi32, #tpu.memory_space<vmem>>
    %dma_wait3A_150 = tpu.memref_slice %arg8[%add3A_63] : memref<16384xi32, #tpu.memory_space<hbm>> -> memref<128xi32, #tpu.memory_space<hbm>>
    %dma_wait3A_151 = arith.constant 0 : i32
    %dma_wait3A_152 = tpu.memref_slice %arg16[%dma_wait3A_146, %dma_wait3A_151] : memref<4x128xi32, #tpu.memory_space<vmem>> -> memref<1x128xi32, #tpu.memory_space<vmem>>
    %dma_wait3A_153 = tpu.memref_squeeze %dma_wait3A_152 : memref<1x128xi32, #tpu.memory_space<vmem>> -> memref<128xi32, #tpu.memory_space<vmem>>
    %dma_wait3A_154 = tpu.memref_slice %arg8[%add3A_63] : memref<16384xi32, #tpu.memory_space<hbm>> -> memref<128xi32, #tpu.memory_space<hbm>>
    tpu.wait_dma2 semaphore(%arg31 : memref<!tpu.dma_semaphore, #tpu.memory_space<semaphore_mem>>) src(%dma_wait3A_154 : memref<128xi32, #tpu.memory_space<hbm>>) dst(%dma_wait3A_153 : memref<128xi32, #tpu.memory_space<vmem>>)
    %dma_wait3A_155 = tpu.memref_slice %arg7[%mul3A_2] : memref<16384xf32, #tpu.memory_space<hbm>> -> memref<512xf32, #tpu.memory_space<hbm>>
    %dma_wait3A_156 = tpu.memref_slice %arg7[%mul3A_2] : memref<16384xf32, #tpu.memory_space<hbm>> -> memref<512xf32, #tpu.memory_space<hbm>>
    tpu.wait_dma2 semaphore(%arg31 : memref<!tpu.dma_semaphore, #tpu.memory_space<semaphore_mem>>) src(%dma_wait3A_156 : memref<512xf32, #tpu.memory_space<hbm>>) dst(%arg25 : memref<512xf32, #tpu.memory_space<vmem>>)
    %dma_start3A_157 = arith.constant 0 : i32
    %dma_start3A_158 = arith.constant 0 : i32
    %dma_start3A_159 = tpu.memref_slice %arg18[%dma_start3A_158] : memref<512xi32, #tpu.memory_space<vmem>> -> memref<128xi32, #tpu.memory_space<vmem>>
    %dma_start3A_160 = arith.constant 0 : i32
    %dma_start3A_161 = tpu.memref_slice %arg15[%dma_start3A_157, %dma_start3A_160] : memref<4x128xi32, #tpu.memory_space<vmem>> -> memref<1x128xi32, #tpu.memory_space<vmem>>
    %dma_start3A_162 = tpu.memref_squeeze %dma_start3A_161 : memref<1x128xi32, #tpu.memory_space<vmem>> -> memref<128xi32, #tpu.memory_space<vmem>>
    %dma_start3A_163 = arith.constant 0 : i32
    %dma_start3A_164 = tpu.memref_slice %arg2[%dma_start3A_163] : memref<1000448xi32, #tpu.memory_space<hbm>> -> memref<1000448xi32, #tpu.memory_space<hbm>>
    tpu.enqueue_indirect_dma source(%dma_start3A_164 : memref<1000448xi32, #tpu.memory_space<hbm>>) target(%dma_start3A_159 : memref<128xi32, #tpu.memory_space<vmem>>) offsets(%dma_start3A_162 : memref<128xi32, #tpu.memory_space<vmem>>) semaphore(%arg32 : memref<!tpu.dma_semaphore, #tpu.memory_space<semaphore_mem>>)
    %dma_start3A_165 = arith.constant 0 : i32
    %dma_start3A_166 = arith.constant 0 : i32
    %dma_start3A_167 = tpu.memref_slice %arg20[%dma_start3A_166] : memref<512xf32, #tpu.memory_space<vmem>> -> memref<128xf32, #tpu.memory_space<vmem>>
    %dma_start3A_168 = arith.constant 0 : i32
    %dma_start3A_169 = tpu.memref_slice %arg15[%dma_start3A_165, %dma_start3A_168] : memref<4x128xi32, #tpu.memory_space<vmem>> -> memref<1x128xi32, #tpu.memory_space<vmem>>
    %dma_start3A_170 = tpu.memref_squeeze %dma_start3A_169 : memref<1x128xi32, #tpu.memory_space<vmem>> -> memref<128xi32, #tpu.memory_space<vmem>>
    %dma_start3A_171 = arith.constant 0 : i32
    %dma_start3A_172 = tpu.memref_slice %arg4[%dma_start3A_171] : memref<1000000xf32, #tpu.memory_space<hbm>> -> memref<1000000xf32, #tpu.memory_space<hbm>>
    tpu.enqueue_indirect_dma source(%dma_start3A_172 : memref<1000000xf32, #tpu.memory_space<hbm>>) target(%dma_start3A_167 : memref<128xf32, #tpu.memory_space<vmem>>) offsets(%dma_start3A_170 : memref<128xi32, #tpu.memory_space<vmem>>) semaphore(%arg32 : memref<!tpu.dma_semaphore, #tpu.memory_space<semaphore_mem>>)
    %dma_start3A_173 = arith.constant 0 : i32
    %dma_start3A_174 = arith.constant 0 : i32
    %dma_start3A_175 = tpu.memref_slice %arg21[%dma_start3A_174] : memref<512xf32, #tpu.memory_space<vmem>> -> memref<128xf32, #tpu.memory_space<vmem>>
    %dma_start3A_176 = arith.constant 0 : i32
    %dma_start3A_177 = tpu.memref_slice %arg15[%dma_start3A_173, %dma_start3A_176] : memref<4x128xi32, #tpu.memory_space<vmem>> -> memref<1x128xi32, #tpu.memory_space<vmem>>
    %dma_start3A_178 = tpu.memref_squeeze %dma_start3A_177 : memref<1x128xi32, #tpu.memory_space<vmem>> -> memref<128xi32, #tpu.memory_space<vmem>>
    %dma_start3A_179 = arith.constant 0 : i32
    %dma_start3A_180 = tpu.memref_slice %arg3[%dma_start3A_179] : memref<1000000xf32, #tpu.memory_space<hbm>> -> memref<1000000xf32, #tpu.memory_space<hbm>>
    tpu.enqueue_indirect_dma source(%dma_start3A_180 : memref<1000000xf32, #tpu.memory_space<hbm>>) target(%dma_start3A_175 : memref<128xf32, #tpu.memory_space<vmem>>) offsets(%dma_start3A_178 : memref<128xi32, #tpu.memory_space<vmem>>) semaphore(%arg32 : memref<!tpu.dma_semaphore, #tpu.memory_space<semaphore_mem>>)
    %dma_start3A_181 = arith.constant 0 : i32
    %dma_start3A_182 = arith.constant 0 : i32
    %dma_start3A_183 = tpu.memref_slice %arg19[%dma_start3A_182] : memref<512xi32, #tpu.memory_space<vmem>> -> memref<128xi32, #tpu.memory_space<vmem>>
    %dma_start3A_184 = arith.constant 0 : i32
    %dma_start3A_185 = tpu.memref_slice %arg16[%dma_start3A_181, %dma_start3A_184] : memref<4x128xi32, #tpu.memory_space<vmem>> -> memref<1x128xi32, #tpu.memory_space<vmem>>
    %dma_start3A_186 = tpu.memref_squeeze %dma_start3A_185 : memref<1x128xi32, #tpu.memory_space<vmem>> -> memref<128xi32, #tpu.memory_space<vmem>>
    %dma_start3A_187 = arith.constant 0 : i32
    %dma_start3A_188 = tpu.memref_slice %arg2[%dma_start3A_187] : memref<1000448xi32, #tpu.memory_space<hbm>> -> memref<1000448xi32, #tpu.memory_space<hbm>>
    tpu.enqueue_indirect_dma source(%dma_start3A_188 : memref<1000448xi32, #tpu.memory_space<hbm>>) target(%dma_start3A_183 : memref<128xi32, #tpu.memory_space<vmem>>) offsets(%dma_start3A_186 : memref<128xi32, #tpu.memory_space<vmem>>) semaphore(%arg32 : memref<!tpu.dma_semaphore, #tpu.memory_space<semaphore_mem>>)
    %dma_start3A_189 = arith.constant 0 : i32
    %dma_start3A_190 = arith.constant 0 : i32
    %dma_start3A_191 = tpu.memref_slice %arg24[%dma_start3A_190] : memref<512xf32, #tpu.memory_space<vmem>> -> memref<128xf32, #tpu.memory_space<vmem>>
    %dma_start3A_192 = arith.constant 0 : i32
    %dma_start3A_193 = tpu.memref_slice %arg16[%dma_start3A_189, %dma_start3A_192] : memref<4x128xi32, #tpu.memory_space<vmem>> -> memref<1x128xi32, #tpu.memory_space<vmem>>
    %dma_start3A_194 = tpu.memref_squeeze %dma_start3A_193 : memref<1x128xi32, #tpu.memory_space<vmem>> -> memref<128xi32, #tpu.memory_space<vmem>>
    %dma_start3A_195 = arith.constant 0 : i32
    %dma_start3A_196 = tpu.memref_slice %arg4[%dma_start3A_195] : memref<1000000xf32, #tpu.memory_space<hbm>> -> memref<1000000xf32, #tpu.memory_space<hbm>>
    tpu.enqueue_indirect_dma source(%dma_start3A_196 : memref<1000000xf32, #tpu.memory_space<hbm>>) target(%dma_start3A_191 : memref<128xf32, #tpu.memory_space<vmem>>) offsets(%dma_start3A_194 : memref<128xi32, #tpu.memory_space<vmem>>) semaphore(%arg32 : memref<!tpu.dma_semaphore, #tpu.memory_space<semaphore_mem>>)
    %dma_start3A_197 = arith.constant 1 : i32
    %dma_start3A_198 = arith.constant 128 : i32
    %dma_start3A_199 = tpu.memref_slice %arg18[%dma_start3A_198] : memref<512xi32, #tpu.memory_space<vmem>> -> memref<128xi32, #tpu.memory_space<vmem>>
    %dma_start3A_200 = arith.constant 0 : i32
    %dma_start3A_201 = tpu.memref_slice %arg15[%dma_start3A_197, %dma_start3A_200] : memref<4x128xi32, #tpu.memory_space<vmem>> -> memref<1x128xi32, #tpu.memory_space<vmem>>
    %dma_start3A_202 = tpu.memref_squeeze %dma_start3A_201 : memref<1x128xi32, #tpu.memory_space<vmem>> -> memref<128xi32, #tpu.memory_space<vmem>>
    %dma_start3A_203 = arith.constant 0 : i32
    %dma_start3A_204 = tpu.memref_slice %arg2[%dma_start3A_203] : memref<1000448xi32, #tpu.memory_space<hbm>> -> memref<1000448xi32, #tpu.memory_space<hbm>>
    tpu.enqueue_indirect_dma source(%dma_start3A_204 : memref<1000448xi32, #tpu.memory_space<hbm>>) target(%dma_start3A_199 : memref<128xi32, #tpu.memory_space<vmem>>) offsets(%dma_start3A_202 : memref<128xi32, #tpu.memory_space<vmem>>) semaphore(%arg32 : memref<!tpu.dma_semaphore, #tpu.memory_space<semaphore_mem>>)
    %dma_start3A_205 = arith.constant 1 : i32
    %dma_start3A_206 = arith.constant 128 : i32
    %dma_start3A_207 = tpu.memref_slice %arg20[%dma_start3A_206] : memref<512xf32, #tpu.memory_space<vmem>> -> memref<128xf32, #tpu.memory_space<vmem>>
    %dma_start3A_208 = arith.constant 0 : i32
    %dma_start3A_209 = tpu.memref_slice %arg15[%dma_start3A_205, %dma_start3A_208] : memref<4x128xi32, #tpu.memory_space<vmem>> -> memref<1x128xi32, #tpu.memory_space<vmem>>
    %dma_start3A_210 = tpu.memref_squeeze %dma_start3A_209 : memref<1x128xi32, #tpu.memory_space<vmem>> -> memref<128xi32, #tpu.memory_space<vmem>>
    %dma_start3A_211 = arith.constant 0 : i32
    %dma_start3A_212 = tpu.memref_slice %arg4[%dma_start3A_211] : memref<1000000xf32, #tpu.memory_space<hbm>> -> memref<1000000xf32, #tpu.memory_space<hbm>>
    tpu.enqueue_indirect_dma source(%dma_start3A_212 : memref<1000000xf32, #tpu.memory_space<hbm>>) target(%dma_start3A_207 : memref<128xf32, #tpu.memory_space<vmem>>) offsets(%dma_start3A_210 : memref<128xi32, #tpu.memory_space<vmem>>) semaphore(%arg32 : memref<!tpu.dma_semaphore, #tpu.memory_space<semaphore_mem>>)
    %dma_start3A_213 = arith.constant 1 : i32
    %dma_start3A_214 = arith.constant 128 : i32
    %dma_start3A_215 = tpu.memref_slice %arg21[%dma_start3A_214] : memref<512xf32, #tpu.memory_space<vmem>> -> memref<128xf32, #tpu.memory_space<vmem>>
    %dma_start3A_216 = arith.constant 0 : i32
    %dma_start3A_217 = tpu.memref_slice %arg15[%dma_start3A_213, %dma_start3A_216] : memref<4x128xi32, #tpu.memory_space<vmem>> -> memref<1x128xi32, #tpu.memory_space<vmem>>
    %dma_start3A_218 = tpu.memref_squeeze %dma_start3A_217 : memref<1x128xi32, #tpu.memory_space<vmem>> -> memref<128xi32, #tpu.memory_space<vmem>>
    %dma_start3A_219 = arith.constant 0 : i32
    %dma_start3A_220 = tpu.memref_slice %arg3[%dma_start3A_219] : memref<1000000xf32, #tpu.memory_space<hbm>> -> memref<1000000xf32, #tpu.memory_space<hbm>>
    tpu.enqueue_indirect_dma source(%dma_start3A_220 : memref<1000000xf32, #tpu.memory_space<hbm>>) target(%dma_start3A_215 : memref<128xf32, #tpu.memory_space<vmem>>) offsets(%dma_start3A_218 : memref<128xi32, #tpu.memory_space<vmem>>) semaphore(%arg32 : memref<!tpu.dma_semaphore, #tpu.memory_space<semaphore_mem>>)
    %dma_start3A_221 = arith.constant 1 : i32
    %dma_start3A_222 = arith.constant 128 : i32
    %dma_start3A_223 = tpu.memref_slice %arg19[%dma_start3A_222] : memref<512xi32, #tpu.memory_space<vmem>> -> memref<128xi32, #tpu.memory_space<vmem>>
    %dma_start3A_224 = arith.constant 0 : i32
    %dma_start3A_225 = tpu.memref_slice %arg16[%dma_start3A_221, %dma_start3A_224] : memref<4x128xi32, #tpu.memory_space<vmem>> -> memref<1x128xi32, #tpu.memory_space<vmem>>
    %dma_start3A_226 = tpu.memref_squeeze %dma_start3A_225 : memref<1x128xi32, #tpu.memory_space<vmem>> -> memref<128xi32, #tpu.memory_space<vmem>>
    %dma_start3A_227 = arith.constant 0 : i32
    %dma_start3A_228 = tpu.memref_slice %arg2[%dma_start3A_227] : memref<1000448xi32, #tpu.memory_space<hbm>> -> memref<1000448xi32, #tpu.memory_space<hbm>>
    tpu.enqueue_indirect_dma source(%dma_start3A_228 : memref<1000448xi32, #tpu.memory_space<hbm>>) target(%dma_start3A_223 : memref<128xi32, #tpu.memory_space<vmem>>) offsets(%dma_start3A_226 : memref<128xi32, #tpu.memory_space<vmem>>) semaphore(%arg32 : memref<!tpu.dma_semaphore, #tpu.memory_space<semaphore_mem>>)
    %dma_start3A_229 = arith.constant 1 : i32
    %dma_start3A_230 = arith.constant 128 : i32
    %dma_start3A_231 = tpu.memref_slice %arg24[%dma_start3A_230] : memref<512xf32, #tpu.memory_space<vmem>> -> memref<128xf32, #tpu.memory_space<vmem>>
    %dma_start3A_232 = arith.constant 0 : i32
    %dma_start3A_233 = tpu.memref_slice %arg16[%dma_start3A_229, %dma_start3A_232] : memref<4x128xi32, #tpu.memory_space<vmem>> -> memref<1x128xi32, #tpu.memory_space<vmem>>
    %dma_start3A_234 = tpu.memref_squeeze %dma_start3A_233 : memref<1x128xi32, #tpu.memory_space<vmem>> -> memref<128xi32, #tpu.memory_space<vmem>>
    %dma_start3A_235 = arith.constant 0 : i32
    %dma_start3A_236 = tpu.memref_slice %arg4[%dma_start3A_235] : memref<1000000xf32, #tpu.memory_space<hbm>> -> memref<1000000xf32, #tpu.memory_space<hbm>>
    tpu.enqueue_indirect_dma source(%dma_start3A_236 : memref<1000000xf32, #tpu.memory_space<hbm>>) target(%dma_start3A_231 : memref<128xf32, #tpu.memory_space<vmem>>) offsets(%dma_start3A_234 : memref<128xi32, #tpu.memory_space<vmem>>) semaphore(%arg32 : memref<!tpu.dma_semaphore, #tpu.memory_space<semaphore_mem>>)
    %dma_start3A_237 = arith.constant 2 : i32
    %dma_start3A_238 = arith.constant 256 : i32
    %dma_start3A_239 = tpu.memref_slice %arg18[%dma_start3A_238] : memref<512xi32, #tpu.memory_space<vmem>> -> memref<128xi32, #tpu.memory_space<vmem>>
    %dma_start3A_240 = arith.constant 0 : i32
    %dma_start3A_241 = tpu.memref_slice %arg15[%dma_start3A_237, %dma_start3A_240] : memref<4x128xi32, #tpu.memory_space<vmem>> -> memref<1x128xi32, #tpu.memory_space<vmem>>
    %dma_start3A_242 = tpu.memref_squeeze %dma_start3A_241 : memref<1x128xi32, #tpu.memory_space<vmem>> -> memref<128xi32, #tpu.memory_space<vmem>>
    %dma_start3A_243 = arith.constant 0 : i32
    %dma_start3A_244 = tpu.memref_slice %arg2[%dma_start3A_243] : memref<1000448xi32, #tpu.memory_space<hbm>> -> memref<1000448xi32, #tpu.memory_space<hbm>>
    tpu.enqueue_indirect_dma source(%dma_start3A_244 : memref<1000448xi32, #tpu.memory_space<hbm>>) target(%dma_start3A_239 : memref<128xi32, #tpu.memory_space<vmem>>) offsets(%dma_start3A_242 : memref<128xi32, #tpu.memory_space<vmem>>) semaphore(%arg32 : memref<!tpu.dma_semaphore, #tpu.memory_space<semaphore_mem>>)
    %dma_start3A_245 = arith.constant 2 : i32
    %dma_start3A_246 = arith.constant 256 : i32
    %dma_start3A_247 = tpu.memref_slice %arg20[%dma_start3A_246] : memref<512xf32, #tpu.memory_space<vmem>> -> memref<128xf32, #tpu.memory_space<vmem>>
    %dma_start3A_248 = arith.constant 0 : i32
    %dma_start3A_249 = tpu.memref_slice %arg15[%dma_start3A_245, %dma_start3A_248] : memref<4x128xi32, #tpu.memory_space<vmem>> -> memref<1x128xi32, #tpu.memory_space<vmem>>
    %dma_start3A_250 = tpu.memref_squeeze %dma_start3A_249 : memref<1x128xi32, #tpu.memory_space<vmem>> -> memref<128xi32, #tpu.memory_space<vmem>>
    %dma_start3A_251 = arith.constant 0 : i32
    %dma_start3A_252 = tpu.memref_slice %arg4[%dma_start3A_251] : memref<1000000xf32, #tpu.memory_space<hbm>> -> memref<1000000xf32, #tpu.memory_space<hbm>>
    tpu.enqueue_indirect_dma source(%dma_start3A_252 : memref<1000000xf32, #tpu.memory_space<hbm>>) target(%dma_start3A_247 : memref<128xf32, #tpu.memory_space<vmem>>) offsets(%dma_start3A_250 : memref<128xi32, #tpu.memory_space<vmem>>) semaphore(%arg32 : memref<!tpu.dma_semaphore, #tpu.memory_space<semaphore_mem>>)
    %dma_start3A_253 = arith.constant 2 : i32
    %dma_start3A_254 = arith.constant 256 : i32
    %dma_start3A_255 = tpu.memref_slice %arg21[%dma_start3A_254] : memref<512xf32, #tpu.memory_space<vmem>> -> memref<128xf32, #tpu.memory_space<vmem>>
    %dma_start3A_256 = arith.constant 0 : i32
    %dma_start3A_257 = tpu.memref_slice %arg15[%dma_start3A_253, %dma_start3A_256] : memref<4x128xi32, #tpu.memory_space<vmem>> -> memref<1x128xi32, #tpu.memory_space<vmem>>
    %dma_start3A_258 = tpu.memref_squeeze %dma_start3A_257 : memref<1x128xi32, #tpu.memory_space<vmem>> -> memref<128xi32, #tpu.memory_space<vmem>>
    %dma_start3A_259 = arith.constant 0 : i32
    %dma_start3A_260 = tpu.memref_slice %arg3[%dma_start3A_259] : memref<1000000xf32, #tpu.memory_space<hbm>> -> memref<1000000xf32, #tpu.memory_space<hbm>>
    tpu.enqueue_indirect_dma source(%dma_start3A_260 : memref<1000000xf32, #tpu.memory_space<hbm>>) target(%dma_start3A_255 : memref<128xf32, #tpu.memory_space<vmem>>) offsets(%dma_start3A_258 : memref<128xi32, #tpu.memory_space<vmem>>) semaphore(%arg32 : memref<!tpu.dma_semaphore, #tpu.memory_space<semaphore_mem>>)
    %dma_start3A_261 = arith.constant 2 : i32
    %dma_start3A_262 = arith.constant 256 : i32
    %dma_start3A_263 = tpu.memref_slice %arg19[%dma_start3A_262] : memref<512xi32, #tpu.memory_space<vmem>> -> memref<128xi32, #tpu.memory_space<vmem>>
    %dma_start3A_264 = arith.constant 0 : i32
    %dma_start3A_265 = tpu.memref_slice %arg16[%dma_start3A_261, %dma_start3A_264] : memref<4x128xi32, #tpu.memory_space<vmem>> -> memref<1x128xi32, #tpu.memory_space<vmem>>
    %dma_start3A_266 = tpu.memref_squeeze %dma_start3A_265 : memref<1x128xi32, #tpu.memory_space<vmem>> -> memref<128xi32, #tpu.memory_space<vmem>>
    %dma_start3A_267 = arith.constant 0 : i32
    %dma_start3A_268 = tpu.memref_slice %arg2[%dma_start3A_267] : memref<1000448xi32, #tpu.memory_space<hbm>> -> memref<1000448xi32, #tpu.memory_space<hbm>>
    tpu.enqueue_indirect_dma source(%dma_start3A_268 : memref<1000448xi32, #tpu.memory_space<hbm>>) target(%dma_start3A_263 : memref<128xi32, #tpu.memory_space<vmem>>) offsets(%dma_start3A_266 : memref<128xi32, #tpu.memory_space<vmem>>) semaphore(%arg32 : memref<!tpu.dma_semaphore, #tpu.memory_space<semaphore_mem>>)
    %dma_start3A_269 = arith.constant 2 : i32
    %dma_start3A_270 = arith.constant 256 : i32
    %dma_start3A_271 = tpu.memref_slice %arg24[%dma_start3A_270] : memref<512xf32, #tpu.memory_space<vmem>> -> memref<128xf32, #tpu.memory_space<vmem>>
    %dma_start3A_272 = arith.constant 0 : i32
    %dma_start3A_273 = tpu.memref_slice %arg16[%dma_start3A_269, %dma_start3A_272] : memref<4x128xi32, #tpu.memory_space<vmem>> -> memref<1x128xi32, #tpu.memory_space<vmem>>
    %dma_start3A_274 = tpu.memref_squeeze %dma_start3A_273 : memref<1x128xi32, #tpu.memory_space<vmem>> -> memref<128xi32, #tpu.memory_space<vmem>>
    %dma_start3A_275 = arith.constant 0 : i32
    %dma_start3A_276 = tpu.memref_slice %arg4[%dma_start3A_275] : memref<1000000xf32, #tpu.memory_space<hbm>> -> memref<1000000xf32, #tpu.memory_space<hbm>>
    tpu.enqueue_indirect_dma source(%dma_start3A_276 : memref<1000000xf32, #tpu.memory_space<hbm>>) target(%dma_start3A_271 : memref<128xf32, #tpu.memory_space<vmem>>) offsets(%dma_start3A_274 : memref<128xi32, #tpu.memory_space<vmem>>) semaphore(%arg32 : memref<!tpu.dma_semaphore, #tpu.memory_space<semaphore_mem>>)
    %dma_start3A_277 = arith.constant 3 : i32
    %dma_start3A_278 = arith.constant 384 : i32
    %dma_start3A_279 = tpu.memref_slice %arg18[%dma_start3A_278] : memref<512xi32, #tpu.memory_space<vmem>> -> memref<128xi32, #tpu.memory_space<vmem>>
    %dma_start3A_280 = arith.constant 0 : i32
    %dma_start3A_281 = tpu.memref_slice %arg15[%dma_start3A_277, %dma_start3A_280] : memref<4x128xi32, #tpu.memory_space<vmem>> -> memref<1x128xi32, #tpu.memory_space<vmem>>
    %dma_start3A_282 = tpu.memref_squeeze %dma_start3A_281 : memref<1x128xi32, #tpu.memory_space<vmem>> -> memref<128xi32, #tpu.memory_space<vmem>>
    %dma_start3A_283 = arith.constant 0 : i32
    %dma_start3A_284 = tpu.memref_slice %arg2[%dma_start3A_283] : memref<1000448xi32, #tpu.memory_space<hbm>> -> memref<1000448xi32, #tpu.memory_space<hbm>>
    tpu.enqueue_indirect_dma source(%dma_start3A_284 : memref<1000448xi32, #tpu.memory_space<hbm>>) target(%dma_start3A_279 : memref<128xi32, #tpu.memory_space<vmem>>) offsets(%dma_start3A_282 : memref<128xi32, #tpu.memory_space<vmem>>) semaphore(%arg32 : memref<!tpu.dma_semaphore, #tpu.memory_space<semaphore_mem>>)
    %dma_start3A_285 = arith.constant 3 : i32
    %dma_start3A_286 = arith.constant 384 : i32
    %dma_start3A_287 = tpu.memref_slice %arg20[%dma_start3A_286] : memref<512xf32, #tpu.memory_space<vmem>> -> memref<128xf32, #tpu.memory_space<vmem>>
    %dma_start3A_288 = arith.constant 0 : i32
    %dma_start3A_289 = tpu.memref_slice %arg15[%dma_start3A_285, %dma_start3A_288] : memref<4x128xi32, #tpu.memory_space<vmem>> -> memref<1x128xi32, #tpu.memory_space<vmem>>
    %dma_start3A_290 = tpu.memref_squeeze %dma_start3A_289 : memref<1x128xi32, #tpu.memory_space<vmem>> -> memref<128xi32, #tpu.memory_space<vmem>>
    %dma_start3A_291 = arith.constant 0 : i32
    %dma_start3A_292 = tpu.memref_slice %arg4[%dma_start3A_291] : memref<1000000xf32, #tpu.memory_space<hbm>> -> memref<1000000xf32, #tpu.memory_space<hbm>>
    tpu.enqueue_indirect_dma source(%dma_start3A_292 : memref<1000000xf32, #tpu.memory_space<hbm>>) target(%dma_start3A_287 : memref<128xf32, #tpu.memory_space<vmem>>) offsets(%dma_start3A_290 : memref<128xi32, #tpu.memory_space<vmem>>) semaphore(%arg32 : memref<!tpu.dma_semaphore, #tpu.memory_space<semaphore_mem>>)
    %dma_start3A_293 = arith.constant 3 : i32
    %dma_start3A_294 = arith.constant 384 : i32
    %dma_start3A_295 = tpu.memref_slice %arg21[%dma_start3A_294] : memref<512xf32, #tpu.memory_space<vmem>> -> memref<128xf32, #tpu.memory_space<vmem>>
    %dma_start3A_296 = arith.constant 0 : i32
    %dma_start3A_297 = tpu.memref_slice %arg15[%dma_start3A_293, %dma_start3A_296] : memref<4x128xi32, #tpu.memory_space<vmem>> -> memref<1x128xi32, #tpu.memory_space<vmem>>
    %dma_start3A_298 = tpu.memref_squeeze %dma_start3A_297 : memref<1x128xi32, #tpu.memory_space<vmem>> -> memref<128xi32, #tpu.memory_space<vmem>>
    %dma_start3A_299 = arith.constant 0 : i32
    %dma_start3A_300 = tpu.memref_slice %arg3[%dma_start3A_299] : memref<1000000xf32, #tpu.memory_space<hbm>> -> memref<1000000xf32, #tpu.memory_space<hbm>>
    tpu.enqueue_indirect_dma source(%dma_start3A_300 : memref<1000000xf32, #tpu.memory_space<hbm>>) target(%dma_start3A_295 : memref<128xf32, #tpu.memory_space<vmem>>) offsets(%dma_start3A_298 : memref<128xi32, #tpu.memory_space<vmem>>) semaphore(%arg32 : memref<!tpu.dma_semaphore, #tpu.memory_space<semaphore_mem>>)
    %dma_start3A_301 = arith.constant 3 : i32
    %dma_start3A_302 = arith.constant 384 : i32
    %dma_start3A_303 = tpu.memref_slice %arg19[%dma_start3A_302] : memref<512xi32, #tpu.memory_space<vmem>> -> memref<128xi32, #tpu.memory_space<vmem>>
    %dma_start3A_304 = arith.constant 0 : i32
    %dma_start3A_305 = tpu.memref_slice %arg16[%dma_start3A_301, %dma_start3A_304] : memref<4x128xi32, #tpu.memory_space<vmem>> -> memref<1x128xi32, #tpu.memory_space<vmem>>
    %dma_start3A_306 = tpu.memref_squeeze %dma_start3A_305 : memref<1x128xi32, #tpu.memory_space<vmem>> -> memref<128xi32, #tpu.memory_space<vmem>>
    %dma_start3A_307 = arith.constant 0 : i32
    %dma_start3A_308 = tpu.memref_slice %arg2[%dma_start3A_307] : memref<1000448xi32, #tpu.memory_space<hbm>> -> memref<1000448xi32, #tpu.memory_space<hbm>>
    tpu.enqueue_indirect_dma source(%dma_start3A_308 : memref<1000448xi32, #tpu.memory_space<hbm>>) target(%dma_start3A_303 : memref<128xi32, #tpu.memory_space<vmem>>) offsets(%dma_start3A_306 : memref<128xi32, #tpu.memory_space<vmem>>) semaphore(%arg32 : memref<!tpu.dma_semaphore, #tpu.memory_space<semaphore_mem>>)
    %dma_start3A_309 = arith.constant 3 : i32
    %dma_start3A_310 = arith.constant 384 : i32
    %dma_start3A_311 = tpu.memref_slice %arg24[%dma_start3A_310] : memref<512xf32, #tpu.memory_space<vmem>> -> memref<128xf32, #tpu.memory_space<vmem>>
    %dma_start3A_312 = arith.constant 0 : i32
    %dma_start3A_313 = tpu.memref_slice %arg16[%dma_start3A_309, %dma_start3A_312] : memref<4x128xi32, #tpu.memory_space<vmem>> -> memref<1x128xi32, #tpu.memory_space<vmem>>
    %dma_start3A_314 = tpu.memref_squeeze %dma_start3A_313 : memref<1x128xi32, #tpu.memory_space<vmem>> -> memref<128xi32, #tpu.memory_space<vmem>>
    %dma_start3A_315 = arith.constant 0 : i32
    %dma_start3A_316 = tpu.memref_slice %arg4[%dma_start3A_315] : memref<1000000xf32, #tpu.memory_space<hbm>> -> memref<1000000xf32, #tpu.memory_space<hbm>>
    tpu.enqueue_indirect_dma source(%dma_start3A_316 : memref<1000000xf32, #tpu.memory_space<hbm>>) target(%dma_start3A_311 : memref<128xf32, #tpu.memory_space<vmem>>) offsets(%dma_start3A_314 : memref<128xi32, #tpu.memory_space<vmem>>) semaphore(%arg32 : memref<!tpu.dma_semaphore, #tpu.memory_space<semaphore_mem>>)
    %dma_wait3A_317 = arith.constant 0 : i32
    %dma_wait3A_318 = arith.constant 0 : i32
    %dma_wait3A_319 = tpu.memref_slice %arg18[%dma_wait3A_318] : memref<512xi32, #tpu.memory_space<vmem>> -> memref<128xi32, #tpu.memory_space<vmem>>
    %dma_wait3A_320 = arith.constant 0 : i32
    %dma_wait3A_321 = tpu.memref_slice %arg15[%dma_wait3A_317, %dma_wait3A_320] : memref<4x128xi32, #tpu.memory_space<vmem>> -> memref<1x128xi32, #tpu.memory_space<vmem>>
    %dma_wait3A_322 = tpu.memref_squeeze %dma_wait3A_321 : memref<1x128xi32, #tpu.memory_space<vmem>> -> memref<128xi32, #tpu.memory_space<vmem>>
    %dma_wait3A_323 = arith.constant 0 : i32
    %dma_wait3A_324 = tpu.memref_slice %arg2[%dma_wait3A_323] : memref<1000448xi32, #tpu.memory_space<hbm>> -> memref<1000448xi32, #tpu.memory_space<hbm>>
    tpu.wait_indirect_dma semaphore(%arg32 : memref<!tpu.dma_semaphore, #tpu.memory_space<semaphore_mem>>) src(%dma_wait3A_324 : memref<1000448xi32, #tpu.memory_space<hbm>>) dst(%dma_wait3A_319 : memref<128xi32, #tpu.memory_space<vmem>>)
    %dma_wait3A_325 = arith.constant 0 : i32
    %dma_wait3A_326 = arith.constant 0 : i32
    %dma_wait3A_327 = tpu.memref_slice %arg20[%dma_wait3A_326] : memref<512xf32, #tpu.memory_space<vmem>> -> memref<128xf32, #tpu.memory_space<vmem>>
    %dma_wait3A_328 = arith.constant 0 : i32
    %dma_wait3A_329 = tpu.memref_slice %arg15[%dma_wait3A_325, %dma_wait3A_328] : memref<4x128xi32, #tpu.memory_space<vmem>> -> memref<1x128xi32, #tpu.memory_space<vmem>>
    %dma_wait3A_330 = tpu.memref_squeeze %dma_wait3A_329 : memref<1x128xi32, #tpu.memory_space<vmem>> -> memref<128xi32, #tpu.memory_space<vmem>>
    %dma_wait3A_331 = arith.constant 0 : i32
    %dma_wait3A_332 = tpu.memref_slice %arg4[%dma_wait3A_331] : memref<1000000xf32, #tpu.memory_space<hbm>> -> memref<1000000xf32, #tpu.memory_space<hbm>>
    tpu.wait_indirect_dma semaphore(%arg32 : memref<!tpu.dma_semaphore, #tpu.memory_space<semaphore_mem>>) src(%dma_wait3A_332 : memref<1000000xf32, #tpu.memory_space<hbm>>) dst(%dma_wait3A_327 : memref<128xf32, #tpu.memory_space<vmem>>)
    %dma_wait3A_333 = arith.constant 0 : i32
    %dma_wait3A_334 = arith.constant 0 : i32
    %dma_wait3A_335 = tpu.memref_slice %arg21[%dma_wait3A_334] : memref<512xf32, #tpu.memory_space<vmem>> -> memref<128xf32, #tpu.memory_space<vmem>>
    %dma_wait3A_336 = arith.constant 0 : i32
    %dma_wait3A_337 = tpu.memref_slice %arg15[%dma_wait3A_333, %dma_wait3A_336] : memref<4x128xi32, #tpu.memory_space<vmem>> -> memref<1x128xi32, #tpu.memory_space<vmem>>
    %dma_wait3A_338 = tpu.memref_squeeze %dma_wait3A_337 : memref<1x128xi32, #tpu.memory_space<vmem>> -> memref<128xi32, #tpu.memory_space<vmem>>
    %dma_wait3A_339 = arith.constant 0 : i32
    %dma_wait3A_340 = tpu.memref_slice %arg3[%dma_wait3A_339] : memref<1000000xf32, #tpu.memory_space<hbm>> -> memref<1000000xf32, #tpu.memory_space<hbm>>
    tpu.wait_indirect_dma semaphore(%arg32 : memref<!tpu.dma_semaphore, #tpu.memory_space<semaphore_mem>>) src(%dma_wait3A_340 : memref<1000000xf32, #tpu.memory_space<hbm>>) dst(%dma_wait3A_335 : memref<128xf32, #tpu.memory_space<vmem>>)
    %dma_wait3A_341 = arith.constant 0 : i32
    %dma_wait3A_342 = arith.constant 0 : i32
    %dma_wait3A_343 = tpu.memref_slice %arg19[%dma_wait3A_342] : memref<512xi32, #tpu.memory_space<vmem>> -> memref<128xi32, #tpu.memory_space<vmem>>
    %dma_wait3A_344 = arith.constant 0 : i32
    %dma_wait3A_345 = tpu.memref_slice %arg16[%dma_wait3A_341, %dma_wait3A_344] : memref<4x128xi32, #tpu.memory_space<vmem>> -> memref<1x128xi32, #tpu.memory_space<vmem>>
    %dma_wait3A_346 = tpu.memref_squeeze %dma_wait3A_345 : memref<1x128xi32, #tpu.memory_space<vmem>> -> memref<128xi32, #tpu.memory_space<vmem>>
    %dma_wait3A_347 = arith.constant 0 : i32
    %dma_wait3A_348 = tpu.memref_slice %arg2[%dma_wait3A_347] : memref<1000448xi32, #tpu.memory_space<hbm>> -> memref<1000448xi32, #tpu.memory_space<hbm>>
    tpu.wait_indirect_dma semaphore(%arg32 : memref<!tpu.dma_semaphore, #tpu.memory_space<semaphore_mem>>) src(%dma_wait3A_348 : memref<1000448xi32, #tpu.memory_space<hbm>>) dst(%dma_wait3A_343 : memref<128xi32, #tpu.memory_space<vmem>>)
    %dma_wait3A_349 = arith.constant 0 : i32
    %dma_wait3A_350 = arith.constant 0 : i32
    %dma_wait3A_351 = tpu.memref_slice %arg24[%dma_wait3A_350] : memref<512xf32, #tpu.memory_space<vmem>> -> memref<128xf32, #tpu.memory_space<vmem>>
    %dma_wait3A_352 = arith.constant 0 : i32
    %dma_wait3A_353 = tpu.memref_slice %arg16[%dma_wait3A_349, %dma_wait3A_352] : memref<4x128xi32, #tpu.memory_space<vmem>> -> memref<1x128xi32, #tpu.memory_space<vmem>>
    %dma_wait3A_354 = tpu.memref_squeeze %dma_wait3A_353 : memref<1x128xi32, #tpu.memory_space<vmem>> -> memref<128xi32, #tpu.memory_space<vmem>>
    %dma_wait3A_355 = arith.constant 0 : i32
    %dma_wait3A_356 = tpu.memref_slice %arg4[%dma_wait3A_355] : memref<1000000xf32, #tpu.memory_space<hbm>> -> memref<1000000xf32, #tpu.memory_space<hbm>>
    tpu.wait_indirect_dma semaphore(%arg32 : memref<!tpu.dma_semaphore, #tpu.memory_space<semaphore_mem>>) src(%dma_wait3A_356 : memref<1000000xf32, #tpu.memory_space<hbm>>) dst(%dma_wait3A_351 : memref<128xf32, #tpu.memory_space<vmem>>)
    %dma_wait3A_357 = arith.constant 1 : i32
    %dma_wait3A_358 = arith.constant 128 : i32
    %dma_wait3A_359 = tpu.memref_slice %arg18[%dma_wait3A_358] : memref<512xi32, #tpu.memory_space<vmem>> -> memref<128xi32, #tpu.memory_space<vmem>>
    %dma_wait3A_360 = arith.constant 0 : i32
    %dma_wait3A_361 = tpu.memref_slice %arg15[%dma_wait3A_357, %dma_wait3A_360] : memref<4x128xi32, #tpu.memory_space<vmem>> -> memref<1x128xi32, #tpu.memory_space<vmem>>
    %dma_wait3A_362 = tpu.memref_squeeze %dma_wait3A_361 : memref<1x128xi32, #tpu.memory_space<vmem>> -> memref<128xi32, #tpu.memory_space<vmem>>
    %dma_wait3A_363 = arith.constant 0 : i32
    %dma_wait3A_364 = tpu.memref_slice %arg2[%dma_wait3A_363] : memref<1000448xi32, #tpu.memory_space<hbm>> -> memref<1000448xi32, #tpu.memory_space<hbm>>
    tpu.wait_indirect_dma semaphore(%arg32 : memref<!tpu.dma_semaphore, #tpu.memory_space<semaphore_mem>>) src(%dma_wait3A_364 : memref<1000448xi32, #tpu.memory_space<hbm>>) dst(%dma_wait3A_359 : memref<128xi32, #tpu.memory_space<vmem>>)
    %dma_wait3A_365 = arith.constant 1 : i32
    %dma_wait3A_366 = arith.constant 128 : i32
    %dma_wait3A_367 = tpu.memref_slice %arg20[%dma_wait3A_366] : memref<512xf32, #tpu.memory_space<vmem>> -> memref<128xf32, #tpu.memory_space<vmem>>
    %dma_wait3A_368 = arith.constant 0 : i32
    %dma_wait3A_369 = tpu.memref_slice %arg15[%dma_wait3A_365, %dma_wait3A_368] : memref<4x128xi32, #tpu.memory_space<vmem>> -> memref<1x128xi32, #tpu.memory_space<vmem>>
    %dma_wait3A_370 = tpu.memref_squeeze %dma_wait3A_369 : memref<1x128xi32, #tpu.memory_space<vmem>> -> memref<128xi32, #tpu.memory_space<vmem>>
    %dma_wait3A_371 = arith.constant 0 : i32
    %dma_wait3A_372 = tpu.memref_slice %arg4[%dma_wait3A_371] : memref<1000000xf32, #tpu.memory_space<hbm>> -> memref<1000000xf32, #tpu.memory_space<hbm>>
    tpu.wait_indirect_dma semaphore(%arg32 : memref<!tpu.dma_semaphore, #tpu.memory_space<semaphore_mem>>) src(%dma_wait3A_372 : memref<1000000xf32, #tpu.memory_space<hbm>>) dst(%dma_wait3A_367 : memref<128xf32, #tpu.memory_space<vmem>>)
    %dma_wait3A_373 = arith.constant 1 : i32
    %dma_wait3A_374 = arith.constant 128 : i32
    %dma_wait3A_375 = tpu.memref_slice %arg21[%dma_wait3A_374] : memref<512xf32, #tpu.memory_space<vmem>> -> memref<128xf32, #tpu.memory_space<vmem>>
    %dma_wait3A_376 = arith.constant 0 : i32
    %dma_wait3A_377 = tpu.memref_slice %arg15[%dma_wait3A_373, %dma_wait3A_376] : memref<4x128xi32, #tpu.memory_space<vmem>> -> memref<1x128xi32, #tpu.memory_space<vmem>>
    %dma_wait3A_378 = tpu.memref_squeeze %dma_wait3A_377 : memref<1x128xi32, #tpu.memory_space<vmem>> -> memref<128xi32, #tpu.memory_space<vmem>>
    %dma_wait3A_379 = arith.constant 0 : i32
    %dma_wait3A_380 = tpu.memref_slice %arg3[%dma_wait3A_379] : memref<1000000xf32, #tpu.memory_space<hbm>> -> memref<1000000xf32, #tpu.memory_space<hbm>>
    tpu.wait_indirect_dma semaphore(%arg32 : memref<!tpu.dma_semaphore, #tpu.memory_space<semaphore_mem>>) src(%dma_wait3A_380 : memref<1000000xf32, #tpu.memory_space<hbm>>) dst(%dma_wait3A_375 : memref<128xf32, #tpu.memory_space<vmem>>)
    %dma_wait3A_381 = arith.constant 1 : i32
    %dma_wait3A_382 = arith.constant 128 : i32
    %dma_wait3A_383 = tpu.memref_slice %arg19[%dma_wait3A_382] : memref<512xi32, #tpu.memory_space<vmem>> -> memref<128xi32, #tpu.memory_space<vmem>>
    %dma_wait3A_384 = arith.constant 0 : i32
    %dma_wait3A_385 = tpu.memref_slice %arg16[%dma_wait3A_381, %dma_wait3A_384] : memref<4x128xi32, #tpu.memory_space<vmem>> -> memref<1x128xi32, #tpu.memory_space<vmem>>
    %dma_wait3A_386 = tpu.memref_squeeze %dma_wait3A_385 : memref<1x128xi32, #tpu.memory_space<vmem>> -> memref<128xi32, #tpu.memory_space<vmem>>
    %dma_wait3A_387 = arith.constant 0 : i32
    %dma_wait3A_388 = tpu.memref_slice %arg2[%dma_wait3A_387] : memref<1000448xi32, #tpu.memory_space<hbm>> -> memref<1000448xi32, #tpu.memory_space<hbm>>
    tpu.wait_indirect_dma semaphore(%arg32 : memref<!tpu.dma_semaphore, #tpu.memory_space<semaphore_mem>>) src(%dma_wait3A_388 : memref<1000448xi32, #tpu.memory_space<hbm>>) dst(%dma_wait3A_383 : memref<128xi32, #tpu.memory_space<vmem>>)
    %dma_wait3A_389 = arith.constant 1 : i32
    %dma_wait3A_390 = arith.constant 128 : i32
    %dma_wait3A_391 = tpu.memref_slice %arg24[%dma_wait3A_390] : memref<512xf32, #tpu.memory_space<vmem>> -> memref<128xf32, #tpu.memory_space<vmem>>
    %dma_wait3A_392 = arith.constant 0 : i32
    %dma_wait3A_393 = tpu.memref_slice %arg16[%dma_wait3A_389, %dma_wait3A_392] : memref<4x128xi32, #tpu.memory_space<vmem>> -> memref<1x128xi32, #tpu.memory_space<vmem>>
    %dma_wait3A_394 = tpu.memref_squeeze %dma_wait3A_393 : memref<1x128xi32, #tpu.memory_space<vmem>> -> memref<128xi32, #tpu.memory_space<vmem>>
    %dma_wait3A_395 = arith.constant 0 : i32
    %dma_wait3A_396 = tpu.memref_slice %arg4[%dma_wait3A_395] : memref<1000000xf32, #tpu.memory_space<hbm>> -> memref<1000000xf32, #tpu.memory_space<hbm>>
    tpu.wait_indirect_dma semaphore(%arg32 : memref<!tpu.dma_semaphore, #tpu.memory_space<semaphore_mem>>) src(%dma_wait3A_396 : memref<1000000xf32, #tpu.memory_space<hbm>>) dst(%dma_wait3A_391 : memref<128xf32, #tpu.memory_space<vmem>>)
    %dma_wait3A_397 = arith.constant 2 : i32
    %dma_wait3A_398 = arith.constant 256 : i32
    %dma_wait3A_399 = tpu.memref_slice %arg18[%dma_wait3A_398] : memref<512xi32, #tpu.memory_space<vmem>> -> memref<128xi32, #tpu.memory_space<vmem>>
    %dma_wait3A_400 = arith.constant 0 : i32
    %dma_wait3A_401 = tpu.memref_slice %arg15[%dma_wait3A_397, %dma_wait3A_400] : memref<4x128xi32, #tpu.memory_space<vmem>> -> memref<1x128xi32, #tpu.memory_space<vmem>>
    %dma_wait3A_402 = tpu.memref_squeeze %dma_wait3A_401 : memref<1x128xi32, #tpu.memory_space<vmem>> -> memref<128xi32, #tpu.memory_space<vmem>>
    %dma_wait3A_403 = arith.constant 0 : i32
    %dma_wait3A_404 = tpu.memref_slice %arg2[%dma_wait3A_403] : memref<1000448xi32, #tpu.memory_space<hbm>> -> memref<1000448xi32, #tpu.memory_space<hbm>>
    tpu.wait_indirect_dma semaphore(%arg32 : memref<!tpu.dma_semaphore, #tpu.memory_space<semaphore_mem>>) src(%dma_wait3A_404 : memref<1000448xi32, #tpu.memory_space<hbm>>) dst(%dma_wait3A_399 : memref<128xi32, #tpu.memory_space<vmem>>)
    %dma_wait3A_405 = arith.constant 2 : i32
    %dma_wait3A_406 = arith.constant 256 : i32
    %dma_wait3A_407 = tpu.memref_slice %arg20[%dma_wait3A_406] : memref<512xf32, #tpu.memory_space<vmem>> -> memref<128xf32, #tpu.memory_space<vmem>>
    %dma_wait3A_408 = arith.constant 0 : i32
    %dma_wait3A_409 = tpu.memref_slice %arg15[%dma_wait3A_405, %dma_wait3A_408] : memref<4x128xi32, #tpu.memory_space<vmem>> -> memref<1x128xi32, #tpu.memory_space<vmem>>
    %dma_wait3A_410 = tpu.memref_squeeze %dma_wait3A_409 : memref<1x128xi32, #tpu.memory_space<vmem>> -> memref<128xi32, #tpu.memory_space<vmem>>
    %dma_wait3A_411 = arith.constant 0 : i32
    %dma_wait3A_412 = tpu.memref_slice %arg4[%dma_wait3A_411] : memref<1000000xf32, #tpu.memory_space<hbm>> -> memref<1000000xf32, #tpu.memory_space<hbm>>
    tpu.wait_indirect_dma semaphore(%arg32 : memref<!tpu.dma_semaphore, #tpu.memory_space<semaphore_mem>>) src(%dma_wait3A_412 : memref<1000000xf32, #tpu.memory_space<hbm>>) dst(%dma_wait3A_407 : memref<128xf32, #tpu.memory_space<vmem>>)
    %dma_wait3A_413 = arith.constant 2 : i32
    %dma_wait3A_414 = arith.constant 256 : i32
    %dma_wait3A_415 = tpu.memref_slice %arg21[%dma_wait3A_414] : memref<512xf32, #tpu.memory_space<vmem>> -> memref<128xf32, #tpu.memory_space<vmem>>
    %dma_wait3A_416 = arith.constant 0 : i32
    %dma_wait3A_417 = tpu.memref_slice %arg15[%dma_wait3A_413, %dma_wait3A_416] : memref<4x128xi32, #tpu.memory_space<vmem>> -> memref<1x128xi32, #tpu.memory_space<vmem>>
    %dma_wait3A_418 = tpu.memref_squeeze %dma_wait3A_417 : memref<1x128xi32, #tpu.memory_space<vmem>> -> memref<128xi32, #tpu.memory_space<vmem>>
    %dma_wait3A_419 = arith.constant 0 : i32
    %dma_wait3A_420 = tpu.memref_slice %arg3[%dma_wait3A_419] : memref<1000000xf32, #tpu.memory_space<hbm>> -> memref<1000000xf32, #tpu.memory_space<hbm>>
    tpu.wait_indirect_dma semaphore(%arg32 : memref<!tpu.dma_semaphore, #tpu.memory_space<semaphore_mem>>) src(%dma_wait3A_420 : memref<1000000xf32, #tpu.memory_space<hbm>>) dst(%dma_wait3A_415 : memref<128xf32, #tpu.memory_space<vmem>>)
    %dma_wait3A_421 = arith.constant 2 : i32
    %dma_wait3A_422 = arith.constant 256 : i32
    %dma_wait3A_423 = tpu.memref_slice %arg19[%dma_wait3A_422] : memref<512xi32, #tpu.memory_space<vmem>> -> memref<128xi32, #tpu.memory_space<vmem>>
    %dma_wait3A_424 = arith.constant 0 : i32
    %dma_wait3A_425 = tpu.memref_slice %arg16[%dma_wait3A_421, %dma_wait3A_424] : memref<4x128xi32, #tpu.memory_space<vmem>> -> memref<1x128xi32, #tpu.memory_space<vmem>>
    %dma_wait3A_426 = tpu.memref_squeeze %dma_wait3A_425 : memref<1x128xi32, #tpu.memory_space<vmem>> -> memref<128xi32, #tpu.memory_space<vmem>>
    %dma_wait3A_427 = arith.constant 0 : i32
    %dma_wait3A_428 = tpu.memref_slice %arg2[%dma_wait3A_427] : memref<1000448xi32, #tpu.memory_space<hbm>> -> memref<1000448xi32, #tpu.memory_space<hbm>>
    tpu.wait_indirect_dma semaphore(%arg32 : memref<!tpu.dma_semaphore, #tpu.memory_space<semaphore_mem>>) src(%dma_wait3A_428 : memref<1000448xi32, #tpu.memory_space<hbm>>) dst(%dma_wait3A_423 : memref<128xi32, #tpu.memory_space<vmem>>)
    %dma_wait3A_429 = arith.constant 2 : i32
    %dma_wait3A_430 = arith.constant 256 : i32
    %dma_wait3A_431 = tpu.memref_slice %arg24[%dma_wait3A_430] : memref<512xf32, #tpu.memory_space<vmem>> -> memref<128xf32, #tpu.memory_space<vmem>>
    %dma_wait3A_432 = arith.constant 0 : i32
    %dma_wait3A_433 = tpu.memref_slice %arg16[%dma_wait3A_429, %dma_wait3A_432] : memref<4x128xi32, #tpu.memory_space<vmem>> -> memref<1x128xi32, #tpu.memory_space<vmem>>
    %dma_wait3A_434 = tpu.memref_squeeze %dma_wait3A_433 : memref<1x128xi32, #tpu.memory_space<vmem>> -> memref<128xi32, #tpu.memory_space<vmem>>
    %dma_wait3A_435 = arith.constant 0 : i32
    %dma_wait3A_436 = tpu.memref_slice %arg4[%dma_wait3A_435] : memref<1000000xf32, #tpu.memory_space<hbm>> -> memref<1000000xf32, #tpu.memory_space<hbm>>
    tpu.wait_indirect_dma semaphore(%arg32 : memref<!tpu.dma_semaphore, #tpu.memory_space<semaphore_mem>>) src(%dma_wait3A_436 : memref<1000000xf32, #tpu.memory_space<hbm>>) dst(%dma_wait3A_431 : memref<128xf32, #tpu.memory_space<vmem>>)
    %dma_wait3A_437 = arith.constant 3 : i32
    %dma_wait3A_438 = arith.constant 384 : i32
    %dma_wait3A_439 = tpu.memref_slice %arg18[%dma_wait3A_438] : memref<512xi32, #tpu.memory_space<vmem>> -> memref<128xi32, #tpu.memory_space<vmem>>
    %dma_wait3A_440 = arith.constant 0 : i32
    %dma_wait3A_441 = tpu.memref_slice %arg15[%dma_wait3A_437, %dma_wait3A_440] : memref<4x128xi32, #tpu.memory_space<vmem>> -> memref<1x128xi32, #tpu.memory_space<vmem>>
    %dma_wait3A_442 = tpu.memref_squeeze %dma_wait3A_441 : memref<1x128xi32, #tpu.memory_space<vmem>> -> memref<128xi32, #tpu.memory_space<vmem>>
    %dma_wait3A_443 = arith.constant 0 : i32
    %dma_wait3A_444 = tpu.memref_slice %arg2[%dma_wait3A_443] : memref<1000448xi32, #tpu.memory_space<hbm>> -> memref<1000448xi32, #tpu.memory_space<hbm>>
    tpu.wait_indirect_dma semaphore(%arg32 : memref<!tpu.dma_semaphore, #tpu.memory_space<semaphore_mem>>) src(%dma_wait3A_444 : memref<1000448xi32, #tpu.memory_space<hbm>>) dst(%dma_wait3A_439 : memref<128xi32, #tpu.memory_space<vmem>>)
    %dma_wait3A_445 = arith.constant 3 : i32
    %dma_wait3A_446 = arith.constant 384 : i32
    %dma_wait3A_447 = tpu.memref_slice %arg20[%dma_wait3A_446] : memref<512xf32, #tpu.memory_space<vmem>> -> memref<128xf32, #tpu.memory_space<vmem>>
    %dma_wait3A_448 = arith.constant 0 : i32
    %dma_wait3A_449 = tpu.memref_slice %arg15[%dma_wait3A_445, %dma_wait3A_448] : memref<4x128xi32, #tpu.memory_space<vmem>> -> memref<1x128xi32, #tpu.memory_space<vmem>>
    %dma_wait3A_450 = tpu.memref_squeeze %dma_wait3A_449 : memref<1x128xi32, #tpu.memory_space<vmem>> -> memref<128xi32, #tpu.memory_space<vmem>>
    %dma_wait3A_451 = arith.constant 0 : i32
    %dma_wait3A_452 = tpu.memref_slice %arg4[%dma_wait3A_451] : memref<1000000xf32, #tpu.memory_space<hbm>> -> memref<1000000xf32, #tpu.memory_space<hbm>>
    tpu.wait_indirect_dma semaphore(%arg32 : memref<!tpu.dma_semaphore, #tpu.memory_space<semaphore_mem>>) src(%dma_wait3A_452 : memref<1000000xf32, #tpu.memory_space<hbm>>) dst(%dma_wait3A_447 : memref<128xf32, #tpu.memory_space<vmem>>)
    %dma_wait3A_453 = arith.constant 3 : i32
    %dma_wait3A_454 = arith.constant 384 : i32
    %dma_wait3A_455 = tpu.memref_slice %arg21[%dma_wait3A_454] : memref<512xf32, #tpu.memory_space<vmem>> -> memref<128xf32, #tpu.memory_space<vmem>>
    %dma_wait3A_456 = arith.constant 0 : i32
    %dma_wait3A_457 = tpu.memref_slice %arg15[%dma_wait3A_453, %dma_wait3A_456] : memref<4x128xi32, #tpu.memory_space<vmem>> -> memref<1x128xi32, #tpu.memory_space<vmem>>
    %dma_wait3A_458 = tpu.memref_squeeze %dma_wait3A_457 : memref<1x128xi32, #tpu.memory_space<vmem>> -> memref<128xi32, #tpu.memory_space<vmem>>
    %dma_wait3A_459 = arith.constant 0 : i32
    %dma_wait3A_460 = tpu.memref_slice %arg3[%dma_wait3A_459] : memref<1000000xf32, #tpu.memory_space<hbm>> -> memref<1000000xf32, #tpu.memory_space<hbm>>
    tpu.wait_indirect_dma semaphore(%arg32 : memref<!tpu.dma_semaphore, #tpu.memory_space<semaphore_mem>>) src(%dma_wait3A_460 : memref<1000000xf32, #tpu.memory_space<hbm>>) dst(%dma_wait3A_455 : memref<128xf32, #tpu.memory_space<vmem>>)
    %dma_wait3A_461 = arith.constant 3 : i32
    %dma_wait3A_462 = arith.constant 384 : i32
    %dma_wait3A_463 = tpu.memref_slice %arg19[%dma_wait3A_462] : memref<512xi32, #tpu.memory_space<vmem>> -> memref<128xi32, #tpu.memory_space<vmem>>
    %dma_wait3A_464 = arith.constant 0 : i32
    %dma_wait3A_465 = tpu.memref_slice %arg16[%dma_wait3A_461, %dma_wait3A_464] : memref<4x128xi32, #tpu.memory_space<vmem>> -> memref<1x128xi32, #tpu.memory_space<vmem>>
    %dma_wait3A_466 = tpu.memref_squeeze %dma_wait3A_465 : memref<1x128xi32, #tpu.memory_space<vmem>> -> memref<128xi32, #tpu.memory_space<vmem>>
    %dma_wait3A_467 = arith.constant 0 : i32
    %dma_wait3A_468 = tpu.memref_slice %arg2[%dma_wait3A_467] : memref<1000448xi32, #tpu.memory_space<hbm>> -> memref<1000448xi32, #tpu.memory_space<hbm>>
    tpu.wait_indirect_dma semaphore(%arg32 : memref<!tpu.dma_semaphore, #tpu.memory_space<semaphore_mem>>) src(%dma_wait3A_468 : memref<1000448xi32, #tpu.memory_space<hbm>>) dst(%dma_wait3A_463 : memref<128xi32, #tpu.memory_space<vmem>>)
    %dma_wait3A_469 = arith.constant 3 : i32
    %dma_wait3A_470 = arith.constant 384 : i32
    %dma_wait3A_471 = tpu.memref_slice %arg24[%dma_wait3A_470] : memref<512xf32, #tpu.memory_space<vmem>> -> memref<128xf32, #tpu.memory_space<vmem>>
    %dma_wait3A_472 = arith.constant 0 : i32
    %dma_wait3A_473 = tpu.memref_slice %arg16[%dma_wait3A_469, %dma_wait3A_472] : memref<4x128xi32, #tpu.memory_space<vmem>> -> memref<1x128xi32, #tpu.memory_space<vmem>>
    %dma_wait3A_474 = tpu.memref_squeeze %dma_wait3A_473 : memref<1x128xi32, #tpu.memory_space<vmem>> -> memref<128xi32, #tpu.memory_space<vmem>>
    %dma_wait3A_475 = arith.constant 0 : i32
    %dma_wait3A_476 = tpu.memref_slice %arg4[%dma_wait3A_475] : memref<1000000xf32, #tpu.memory_space<hbm>> -> memref<1000000xf32, #tpu.memory_space<hbm>>
    tpu.wait_indirect_dma semaphore(%arg32 : memref<!tpu.dma_semaphore, #tpu.memory_space<semaphore_mem>>) src(%dma_wait3A_476 : memref<1000000xf32, #tpu.memory_space<hbm>>) dst(%dma_wait3A_471 : memref<128xf32, #tpu.memory_space<vmem>>)
    %get3A = arith.constant 0 : index
    %get3A_477 = tpu.vector_load %arg18[%get3A] {strides = array<i32>} : memref<512xi32, #tpu.memory_space<vmem>>, vector<16xi32>,
    %max3A = arith.constant 0 : i32
    %max3A_478 = vector.broadcast %max3A : i32 to vector<16xi32>
    %max3A_479 = arith.maxsi %get3A_477, %max3A_478 : vector<16xi32>
    %swap3A = arith.constant 0 : i32
    %swap3A_480 = arith.index_cast %swap3A : i32 to index
    %swap3A_481 = arith.constant 0 : index
    %swap3A_482 = tpu.vector_load %arg17[%swap3A_480, %swap3A_481] {strides = array<i32>} : memref<4x128xi32, #tpu.memory_space<vmem>>, vector<16xi32>,
    tpu.vector_store %arg17[%swap3A_480, %swap3A_481], %max3A_479 {strides = array<i32>} : memref<4x128xi32, #tpu.memory_space<vmem>>, vector<16xi32>,
    %get3A_483 = arith.constant 16 : index
    %get3A_484 = tpu.vector_load %arg18[%get3A_483] {strides = array<i32>} : memref<512xi32, #tpu.memory_space<vmem>>, vector<16xi32>,
    %max3A_485 = arith.constant 0 : i32
    %max3A_486 = vector.broadcast %max3A_485 : i32 to vector<16xi32>
    %max3A_487 = arith.maxsi %get3A_484, %max3A_486 : vector<16xi32>
    %swap3A_488 = arith.constant 0 : i32
    %swap3A_489 = arith.index_cast %swap3A_488 : i32 to index
    %swap3A_490 = arith.constant 16 : index
    %swap3A_491 = tpu.vector_load %arg17[%swap3A_489, %swap3A_490] {strides = array<i32>} : memref<4x128xi32, #tpu.memory_space<vmem>>, vector<16xi32>,
    tpu.vector_store %arg17[%swap3A_489, %swap3A_490], %max3A_487 {strides = array<i32>} : memref<4x128xi32, #tpu.memory_space<vmem>>, vector<16xi32>,
    %get3A_492 = arith.constant 32 : index
    %get3A_493 = tpu.vector_load %arg18[%get3A_492] {strides = array<i32>} : memref<512xi32, #tpu.memory_space<vmem>>, vector<16xi32>,
    %max3A_494 = arith.constant 0 : i32
    %max3A_495 = vector.broadcast %max3A_494 : i32 to vector<16xi32>
    %max3A_496 = arith.maxsi %get3A_493, %max3A_495 : vector<16xi32>
    %swap3A_497 = arith.constant 0 : i32
    %swap3A_498 = arith.index_cast %swap3A_497 : i32 to index
    %swap3A_499 = arith.constant 32 : index
    %swap3A_500 = tpu.vector_load %arg17[%swap3A_498, %swap3A_499] {strides = array<i32>} : memref<4x128xi32, #tpu.memory_space<vmem>>, vector<16xi32>,
    tpu.vector_store %arg17[%swap3A_498, %swap3A_499], %max3A_496 {strides = array<i32>} : memref<4x128xi32, #tpu.memory_space<vmem>>, vector<16xi32>,
    %get3A_501 = arith.constant 48 : index
    %get3A_502 = tpu.vector_load %arg18[%get3A_501] {strides = array<i32>} : memref<512xi32, #tpu.memory_space<vmem>>, vector<16xi32>,
    %max3A_503 = arith.constant 0 : i32
    %max3A_504 = vector.broadcast %max3A_503 : i32 to vector<16xi32>
    %max3A_505 = arith.maxsi %get3A_502, %max3A_504 : vector<16xi32>
    %swap3A_506 = arith.constant 0 : i32
    %swap3A_507 = arith.index_cast %swap3A_506 : i32 to index
    %swap3A_508 = arith.constant 48 : index
    %swap3A_509 = tpu.vector_load %arg17[%swap3A_507, %swap3A_508] {strides = array<i32>} : memref<4x128xi32, #tpu.memory_space<vmem>>, vector<16xi32>,
    tpu.vector_store %arg17[%swap3A_507, %swap3A_508], %max3A_505 {strides = array<i32>} : memref<4x128xi32, #tpu.memory_space<vmem>>, vector<16xi32>,
    %get3A_510 = arith.constant 64 : index
    %get3A_511 = tpu.vector_load %arg18[%get3A_510] {strides = array<i32>} : memref<512xi32, #tpu.memory_space<vmem>>, vector<16xi32>,
    %max3A_512 = arith.constant 0 : i32
    %max3A_513 = vector.broadcast %max3A_512 : i32 to vector<16xi32>
    %max3A_514 = arith.maxsi %get3A_511, %max3A_513 : vector<16xi32>
    %swap3A_515 = arith.constant 0 : i32
    %swap3A_516 = arith.index_cast %swap3A_515 : i32 to index
    %swap3A_517 = arith.constant 64 : index
    %swap3A_518 = tpu.vector_load %arg17[%swap3A_516, %swap3A_517] {strides = array<i32>} : memref<4x128xi32, #tpu.memory_space<vmem>>, vector<16xi32>,
    tpu.vector_store %arg17[%swap3A_516, %swap3A_517], %max3A_514 {strides = array<i32>} : memref<4x128xi32, #tpu.memory_space<vmem>>, vector<16xi32>,
    %get3A_519 = arith.constant 80 : index
    %get3A_520 = tpu.vector_load %arg18[%get3A_519] {strides = array<i32>} : memref<512xi32, #tpu.memory_space<vmem>>, vector<16xi32>,
    %max3A_521 = arith.constant 0 : i32
    %max3A_522 = vector.broadcast %max3A_521 : i32 to vector<16xi32>
    %max3A_523 = arith.maxsi %get3A_520, %max3A_522 : vector<16xi32>
    %swap3A_524 = arith.constant 0 : i32
    %swap3A_525 = arith.index_cast %swap3A_524 : i32 to index
    %swap3A_526 = arith.constant 80 : index
    %swap3A_527 = tpu.vector_load %arg17[%swap3A_525, %swap3A_526] {strides = array<i32>} : memref<4x128xi32, #tpu.memory_space<vmem>>, vector<16xi32>,
    tpu.vector_store %arg17[%swap3A_525, %swap3A_526], %max3A_523 {strides = array<i32>} : memref<4x128xi32, #tpu.memory_space<vmem>>, vector<16xi32>,
    %get3A_528 = arith.constant 96 : index
    %get3A_529 = tpu.vector_load %arg18[%get3A_528] {strides = array<i32>} : memref<512xi32, #tpu.memory_space<vmem>>, vector<16xi32>,
    %max3A_530 = arith.constant 0 : i32
    %max3A_531 = vector.broadcast %max3A_530 : i32 to vector<16xi32>
    %max3A_532 = arith.maxsi %get3A_529, %max3A_531 : vector<16xi32>
    %swap3A_533 = arith.constant 0 : i32
    %swap3A_534 = arith.index_cast %swap3A_533 : i32 to index
    %swap3A_535 = arith.constant 96 : index
    %swap3A_536 = tpu.vector_load %arg17[%swap3A_534, %swap3A_535] {strides = array<i32>} : memref<4x128xi32, #tpu.memory_space<vmem>>, vector<16xi32>,
    tpu.vector_store %arg17[%swap3A_534, %swap3A_535], %max3A_532 {strides = array<i32>} : memref<4x128xi32, #tpu.memory_space<vmem>>, vector<16xi32>,
    %get3A_537 = arith.constant 112 : index
    %get3A_538 = tpu.vector_load %arg18[%get3A_537] {strides = array<i32>} : memref<512xi32, #tpu.memory_space<vmem>>, vector<16xi32>,
    %max3A_539 = arith.constant 0 : i32
    %max3A_540 = vector.broadcast %max3A_539 : i32 to vector<16xi32>
    %max3A_541 = arith.maxsi %get3A_538, %max3A_540 : vector<16xi32>
    %swap3A_542 = arith.constant 0 : i32
    %swap3A_543 = arith.index_cast %swap3A_542 : i32 to index
    %swap3A_544 = arith.constant 112 : index
    %swap3A_545 = tpu.vector_load %arg17[%swap3A_543, %swap3A_544] {strides = array<i32>} : memref<4x128xi32, #tpu.memory_space<vmem>>, vector<16xi32>,
    tpu.vector_store %arg17[%swap3A_543, %swap3A_544], %max3A_541 {strides = array<i32>} : memref<4x128xi32, #tpu.memory_space<vmem>>, vector<16xi32>,
    %get3A_546 = arith.constant 128 : index
    %get3A_547 = tpu.vector_load %arg18[%get3A_546] {strides = array<i32>} : memref<512xi32, #tpu.memory_space<vmem>>, vector<16xi32>,
    %max3A_548 = arith.constant 0 : i32
    %max3A_549 = vector.broadcast %max3A_548 : i32 to vector<16xi32>
    %max3A_550 = arith.maxsi %get3A_547, %max3A_549 : vector<16xi32>
    %swap3A_551 = arith.constant 1 : i32
    %swap3A_552 = arith.index_cast %swap3A_551 : i32 to index
    %swap3A_553 = arith.constant 0 : index
    %swap3A_554 = tpu.vector_load %arg17[%swap3A_552, %swap3A_553] {strides = array<i32>} : memref<4x128xi32, #tpu.memory_space<vmem>>, vector<16xi32>,
    tpu.vector_store %arg17[%swap3A_552, %swap3A_553], %max3A_550 {strides = array<i32>} : memref<4x128xi32, #tpu.memory_space<vmem>>, vector<16xi32>,
    %get3A_555 = arith.constant 144 : index
    %get3A_556 = tpu.vector_load %arg18[%get3A_555] {strides = array<i32>} : memref<512xi32, #tpu.memory_space<vmem>>, vector<16xi32>,
    %max3A_557 = arith.constant 0 : i32
    %max3A_558 = vector.broadcast %max3A_557 : i32 to vector<16xi32>
    %max3A_559 = arith.maxsi %get3A_556, %max3A_558 : vector<16xi32>
    %swap3A_560 = arith.constant 1 : i32
    %swap3A_561 = arith.index_cast %swap3A_560 : i32 to index
    %swap3A_562 = arith.constant 16 : index
    %swap3A_563 = tpu.vector_load %arg17[%swap3A_561, %swap3A_562] {strides = array<i32>} : memref<4x128xi32, #tpu.memory_space<vmem>>, vector<16xi32>,
    tpu.vector_store %arg17[%swap3A_561, %swap3A_562], %max3A_559 {strides = array<i32>} : memref<4x128xi32, #tpu.memory_space<vmem>>, vector<16xi32>,
    %get3A_564 = arith.constant 160 : index
    %get3A_565 = tpu.vector_load %arg18[%get3A_564] {strides = array<i32>} : memref<512xi32, #tpu.memory_space<vmem>>, vector<16xi32>,
    %max3A_566 = arith.constant 0 : i32
    %max3A_567 = vector.broadcast %max3A_566 : i32 to vector<16xi32>
    %max3A_568 = arith.maxsi %get3A_565, %max3A_567 : vector<16xi32>
    %swap3A_569 = arith.constant 1 : i32
    %swap3A_570 = arith.index_cast %swap3A_569 : i32 to index
    %swap3A_571 = arith.constant 32 : index
    %swap3A_572 = tpu.vector_load %arg17[%swap3A_570, %swap3A_571] {strides = array<i32>} : memref<4x128xi32, #tpu.memory_space<vmem>>, vector<16xi32>,
    tpu.vector_store %arg17[%swap3A_570, %swap3A_571], %max3A_568 {strides = array<i32>} : memref<4x128xi32, #tpu.memory_space<vmem>>, vector<16xi32>,
    %get3A_573 = arith.constant 176 : index
    %get3A_574 = tpu.vector_load %arg18[%get3A_573] {strides = array<i32>} : memref<512xi32, #tpu.memory_space<vmem>>, vector<16xi32>,
    %max3A_575 = arith.constant 0 : i32
    %max3A_576 = vector.broadcast %max3A_575 : i32 to vector<16xi32>
    %max3A_577 = arith.maxsi %get3A_574, %max3A_576 : vector<16xi32>
    %swap3A_578 = arith.constant 1 : i32
    %swap3A_579 = arith.index_cast %swap3A_578 : i32 to index
    %swap3A_580 = arith.constant 48 : index
    %swap3A_581 = tpu.vector_load %arg17[%swap3A_579, %swap3A_580] {strides = array<i32>} : memref<4x128xi32, #tpu.memory_space<vmem>>, vector<16xi32>,
    tpu.vector_store %arg17[%swap3A_579, %swap3A_580], %max3A_577 {strides = array<i32>} : memref<4x128xi32, #tpu.memory_space<vmem>>, vector<16xi32>,
    %get3A_582 = arith.constant 192 : index
    %get3A_583 = tpu.vector_load %arg18[%get3A_582] {strides = array<i32>} : memref<512xi32, #tpu.memory_space<vmem>>, vector<16xi32>,
    %max3A_584 = arith.constant 0 : i32
    %max3A_585 = vector.broadcast %max3A_584 : i32 to vector<16xi32>
    %max3A_586 = arith.maxsi %get3A_583, %max3A_585 : vector<16xi32>
    %swap3A_587 = arith.constant 1 : i32
    %swap3A_588 = arith.index_cast %swap3A_587 : i32 to index
    %swap3A_589 = arith.constant 64 : index
    %swap3A_590 = tpu.vector_load %arg17[%swap3A_588, %swap3A_589] {strides = array<i32>} : memref<4x128xi32, #tpu.memory_space<vmem>>, vector<16xi32>,
    tpu.vector_store %arg17[%swap3A_588, %swap3A_589], %max3A_586 {strides = array<i32>} : memref<4x128xi32, #tpu.memory_space<vmem>>, vector<16xi32>,
    %get3A_591 = arith.constant 208 : index
    %get3A_592 = tpu.vector_load %arg18[%get3A_591] {strides = array<i32>} : memref<512xi32, #tpu.memory_space<vmem>>, vector<16xi32>,
    %max3A_593 = arith.constant 0 : i32
    %max3A_594 = vector.broadcast %max3A_593 : i32 to vector<16xi32>
    %max3A_595 = arith.maxsi %get3A_592, %max3A_594 : vector<16xi32>
    %swap3A_596 = arith.constant 1 : i32
    %swap3A_597 = arith.index_cast %swap3A_596 : i32 to index
    %swap3A_598 = arith.constant 80 : index
    %swap3A_599 = tpu.vector_load %arg17[%swap3A_597, %swap3A_598] {strides = array<i32>} : memref<4x128xi32, #tpu.memory_space<vmem>>, vector<16xi32>,
    tpu.vector_store %arg17[%swap3A_597, %swap3A_598], %max3A_595 {strides = array<i32>} : memref<4x128xi32, #tpu.memory_space<vmem>>, vector<16xi32>,
    %get3A_600 = arith.constant 224 : index
    %get3A_601 = tpu.vector_load %arg18[%get3A_600] {strides = array<i32>} : memref<512xi32, #tpu.memory_space<vmem>>, vector<16xi32>,
    %max3A_602 = arith.constant 0 : i32
    %max3A_603 = vector.broadcast %max3A_602 : i32 to vector<16xi32>
    %max3A_604 = arith.maxsi %get3A_601, %max3A_603 : vector<16xi32>
    %swap3A_605 = arith.constant 1 : i32
    %swap3A_606 = arith.index_cast %swap3A_605 : i32 to index
    %swap3A_607 = arith.constant 96 : index
    %swap3A_608 = tpu.vector_load %arg17[%swap3A_606, %swap3A_607] {strides = array<i32>} : memref<4x128xi32, #tpu.memory_space<vmem>>, vector<16xi32>,
    tpu.vector_store %arg17[%swap3A_606, %swap3A_607], %max3A_604 {strides = array<i32>} : memref<4x128xi32, #tpu.memory_space<vmem>>, vector<16xi32>,
    %get3A_609 = arith.constant 240 : index
    %get3A_610 = tpu.vector_load %arg18[%get3A_609] {strides = array<i32>} : memref<512xi32, #tpu.memory_space<vmem>>, vector<16xi32>,
    %max3A_611 = arith.constant 0 : i32
    %max3A_612 = vector.broadcast %max3A_611 : i32 to vector<16xi32>
    %max3A_613 = arith.maxsi %get3A_610, %max3A_612 : vector<16xi32>
    %swap3A_614 = arith.constant 1 : i32
    %swap3A_615 = arith.index_cast %swap3A_614 : i32 to index
    %swap3A_616 = arith.constant 112 : index
    %swap3A_617 = tpu.vector_load %arg17[%swap3A_615, %swap3A_616] {strides = array<i32>} : memref<4x128xi32, #tpu.memory_space<vmem>>, vector<16xi32>,
    tpu.vector_store %arg17[%swap3A_615, %swap3A_616], %max3A_613 {strides = array<i32>} : memref<4x128xi32, #tpu.memory_space<vmem>>, vector<16xi32>,
    %get3A_618 = arith.constant 256 : index
    %get3A_619 = tpu.vector_load %arg18[%get3A_618] {strides = array<i32>} : memref<512xi32, #tpu.memory_space<vmem>>, vector<16xi32>,
    %max3A_620 = arith.constant 0 : i32
    %max3A_621 = vector.broadcast %max3A_620 : i32 to vector<16xi32>
    %max3A_622 = arith.maxsi %get3A_619, %max3A_621 : vector<16xi32>
    %swap3A_623 = arith.constant 2 : i32
    %swap3A_624 = arith.index_cast %swap3A_623 : i32 to index
    %swap3A_625 = arith.constant 0 : index
    %swap3A_626 = tpu.vector_load %arg17[%swap3A_624, %swap3A_625] {strides = array<i32>} : memref<4x128xi32, #tpu.memory_space<vmem>>, vector<16xi32>,
    tpu.vector_store %arg17[%swap3A_624, %swap3A_625], %max3A_622 {strides = array<i32>} : memref<4x128xi32, #tpu.memory_space<vmem>>, vector<16xi32>,
    %get3A_627 = arith.constant 272 : index
    %get3A_628 = tpu.vector_load %arg18[%get3A_627] {strides = array<i32>} : memref<512xi32, #tpu.memory_space<vmem>>, vector<16xi32>,
    %max3A_629 = arith.constant 0 : i32
    %max3A_630 = vector.broadcast %max3A_629 : i32 to vector<16xi32>
    %max3A_631 = arith.maxsi %get3A_628, %max3A_630 : vector<16xi32>
    %swap3A_632 = arith.constant 2 : i32
    %swap3A_633 = arith.index_cast %swap3A_632 : i32 to index
    %swap3A_634 = arith.constant 16 : index
    %swap3A_635 = tpu.vector_load %arg17[%swap3A_633, %swap3A_634] {strides = array<i32>} : memref<4x128xi32, #tpu.memory_space<vmem>>, vector<16xi32>,
    tpu.vector_store %arg17[%swap3A_633, %swap3A_634], %max3A_631 {strides = array<i32>} : memref<4x128xi32, #tpu.memory_space<vmem>>, vector<16xi32>,
    %get3A_636 = arith.constant 288 : index
    %get3A_637 = tpu.vector_load %arg18[%get3A_636] {strides = array<i32>} : memref<512xi32, #tpu.memory_space<vmem>>, vector<16xi32>,
    %max3A_638 = arith.constant 0 : i32
    %max3A_639 = vector.broadcast %max3A_638 : i32 to vector<16xi32>
    %max3A_640 = arith.maxsi %get3A_637, %max3A_639 : vector<16xi32>
    %swap3A_641 = arith.constant 2 : i32
    %swap3A_642 = arith.index_cast %swap3A_641 : i32 to index
    %swap3A_643 = arith.constant 32 : index
    %swap3A_644 = tpu.vector_load %arg17[%swap3A_642, %swap3A_643] {strides = array<i32>} : memref<4x128xi32, #tpu.memory_space<vmem>>, vector<16xi32>,
    tpu.vector_store %arg17[%swap3A_642, %swap3A_643], %max3A_640 {strides = array<i32>} : memref<4x128xi32, #tpu.memory_space<vmem>>, vector<16xi32>,
    %get3A_645 = arith.constant 304 : index
    %get3A_646 = tpu.vector_load %arg18[%get3A_645] {strides = array<i32>} : memref<512xi32, #tpu.memory_space<vmem>>, vector<16xi32>,
    %max3A_647 = arith.constant 0 : i32
    %max3A_648 = vector.broadcast %max3A_647 : i32 to vector<16xi32>
    %max3A_649 = arith.maxsi %get3A_646, %max3A_648 : vector<16xi32>
    %swap3A_650 = arith.constant 2 : i32
    %swap3A_651 = arith.index_cast %swap3A_650 : i32 to index
    %swap3A_652 = arith.constant 48 : index
    %swap3A_653 = tpu.vector_load %arg17[%swap3A_651, %swap3A_652] {strides = array<i32>} : memref<4x128xi32, #tpu.memory_space<vmem>>, vector<16xi32>,
    tpu.vector_store %arg17[%swap3A_651, %swap3A_652], %max3A_649 {strides = array<i32>} : memref<4x128xi32, #tpu.memory_space<vmem>>, vector<16xi32>,
    %get3A_654 = arith.constant 320 : index
    %get3A_655 = tpu.vector_load %arg18[%get3A_654] {strides = array<i32>} : memref<512xi32, #tpu.memory_space<vmem>>, vector<16xi32>,
    %max3A_656 = arith.constant 0 : i32
    %max3A_657 = vector.broadcast %max3A_656 : i32 to vector<16xi32>
    %max3A_658 = arith.maxsi %get3A_655, %max3A_657 : vector<16xi32>
    %swap3A_659 = arith.constant 2 : i32
    %swap3A_660 = arith.index_cast %swap3A_659 : i32 to index
    %swap3A_661 = arith.constant 64 : index
    %swap3A_662 = tpu.vector_load %arg17[%swap3A_660, %swap3A_661] {strides = array<i32>} : memref<4x128xi32, #tpu.memory_space<vmem>>, vector<16xi32>,
    tpu.vector_store %arg17[%swap3A_660, %swap3A_661], %max3A_658 {strides = array<i32>} : memref<4x128xi32, #tpu.memory_space<vmem>>, vector<16xi32>,
    %get3A_663 = arith.constant 336 : index
    %get3A_664 = tpu.vector_load %arg18[%get3A_663] {strides = array<i32>} : memref<512xi32, #tpu.memory_space<vmem>>, vector<16xi32>,
    %max3A_665 = arith.constant 0 : i32
    %max3A_666 = vector.broadcast %max3A_665 : i32 to vector<16xi32>
    %max3A_667 = arith.maxsi %get3A_664, %max3A_666 : vector<16xi32>
    %swap3A_668 = arith.constant 2 : i32
    %swap3A_669 = arith.index_cast %swap3A_668 : i32 to index
    %swap3A_670 = arith.constant 80 : index
    %swap3A_671 = tpu.vector_load %arg17[%swap3A_669, %swap3A_670] {strides = array<i32>} : memref<4x128xi32, #tpu.memory_space<vmem>>, vector<16xi32>,
    tpu.vector_store %arg17[%swap3A_669, %swap3A_670], %max3A_667 {strides = array<i32>} : memref<4x128xi32, #tpu.memory_space<vmem>>, vector<16xi32>,
    %get3A_672 = arith.constant 352 : index
    %get3A_673 = tpu.vector_load %arg18[%get3A_672] {strides = array<i32>} : memref<512xi32, #tpu.memory_space<vmem>>, vector<16xi32>,
    %max3A_674 = arith.constant 0 : i32
    %max3A_675 = vector.broadcast %max3A_674 : i32 to vector<16xi32>
    %max3A_676 = arith.maxsi %get3A_673, %max3A_675 : vector<16xi32>
    %swap3A_677 = arith.constant 2 : i32
    %swap3A_678 = arith.index_cast %swap3A_677 : i32 to index
    %swap3A_679 = arith.constant 96 : index
    %swap3A_680 = tpu.vector_load %arg17[%swap3A_678, %swap3A_679] {strides = array<i32>} : memref<4x128xi32, #tpu.memory_space<vmem>>, vector<16xi32>,
    tpu.vector_store %arg17[%swap3A_678, %swap3A_679], %max3A_676 {strides = array<i32>} : memref<4x128xi32, #tpu.memory_space<vmem>>, vector<16xi32>,
    %get3A_681 = arith.constant 368 : index
    %get3A_682 = tpu.vector_load %arg18[%get3A_681] {strides = array<i32>} : memref<512xi32, #tpu.memory_space<vmem>>, vector<16xi32>,
    %max3A_683 = arith.constant 0 : i32
    %max3A_684 = vector.broadcast %max3A_683 : i32 to vector<16xi32>
    %max3A_685 = arith.maxsi %get3A_682, %max3A_684 : vector<16xi32>
    %swap3A_686 = arith.constant 2 : i32
    %swap3A_687 = arith.index_cast %swap3A_686 : i32 to index
    %swap3A_688 = arith.constant 112 : index
    %swap3A_689 = tpu.vector_load %arg17[%swap3A_687, %swap3A_688] {strides = array<i32>} : memref<4x128xi32, #tpu.memory_space<vmem>>, vector<16xi32>,
    tpu.vector_store %arg17[%swap3A_687, %swap3A_688], %max3A_685 {strides = array<i32>} : memref<4x128xi32, #tpu.memory_space<vmem>>, vector<16xi32>,
    %get3A_690 = arith.constant 384 : index
    %get3A_691 = tpu.vector_load %arg18[%get3A_690] {strides = array<i32>} : memref<512xi32, #tpu.memory_space<vmem>>, vector<16xi32>,
    %max3A_692 = arith.constant 0 : i32
    %max3A_693 = vector.broadcast %max3A_692 : i32 to vector<16xi32>
    %max3A_694 = arith.maxsi %get3A_691, %max3A_693 : vector<16xi32>
    %swap3A_695 = arith.constant 3 : i32
    %swap3A_696 = arith.index_cast %swap3A_695 : i32 to index
    %swap3A_697 = arith.constant 0 : index
    %swap3A_698 = tpu.vector_load %arg17[%swap3A_696, %swap3A_697] {strides = array<i32>} : memref<4x128xi32, #tpu.memory_space<vmem>>, vector<16xi32>,
    tpu.vector_store %arg17[%swap3A_696, %swap3A_697], %max3A_694 {strides = array<i32>} : memref<4x128xi32, #tpu.memory_space<vmem>>, vector<16xi32>,
    %get3A_699 = arith.constant 400 : index
    %get3A_700 = tpu.vector_load %arg18[%get3A_699] {strides = array<i32>} : memref<512xi32, #tpu.memory_space<vmem>>, vector<16xi32>,
    %max3A_701 = arith.constant 0 : i32
    %max3A_702 = vector.broadcast %max3A_701 : i32 to vector<16xi32>
    %max3A_703 = arith.maxsi %get3A_700, %max3A_702 : vector<16xi32>
    %swap3A_704 = arith.constant 3 : i32
    %swap3A_705 = arith.index_cast %swap3A_704 : i32 to index
    %swap3A_706 = arith.constant 16 : index
    %swap3A_707 = tpu.vector_load %arg17[%swap3A_705, %swap3A_706] {strides = array<i32>} : memref<4x128xi32, #tpu.memory_space<vmem>>, vector<16xi32>,
    tpu.vector_store %arg17[%swap3A_705, %swap3A_706], %max3A_703 {strides = array<i32>} : memref<4x128xi32, #tpu.memory_space<vmem>>, vector<16xi32>,
    %get3A_708 = arith.constant 416 : index
    %get3A_709 = tpu.vector_load %arg18[%get3A_708] {strides = array<i32>} : memref<512xi32, #tpu.memory_space<vmem>>, vector<16xi32>,
    %max3A_710 = arith.constant 0 : i32
    %max3A_711 = vector.broadcast %max3A_710 : i32 to vector<16xi32>
    %max3A_712 = arith.maxsi %get3A_709, %max3A_711 : vector<16xi32>
    %swap3A_713 = arith.constant 3 : i32
    %swap3A_714 = arith.index_cast %swap3A_713 : i32 to index
    %swap3A_715 = arith.constant 32 : index
    %swap3A_716 = tpu.vector_load %arg17[%swap3A_714, %swap3A_715] {strides = array<i32>} : memref<4x128xi32, #tpu.memory_space<vmem>>, vector<16xi32>,
    tpu.vector_store %arg17[%swap3A_714, %swap3A_715], %max3A_712 {strides = array<i32>} : memref<4x128xi32, #tpu.memory_space<vmem>>, vector<16xi32>,
    %get3A_717 = arith.constant 432 : index
    %get3A_718 = tpu.vector_load %arg18[%get3A_717] {strides = array<i32>} : memref<512xi32, #tpu.memory_space<vmem>>, vector<16xi32>,
    %max3A_719 = arith.constant 0 : i32
    %max3A_720 = vector.broadcast %max3A_719 : i32 to vector<16xi32>
    %max3A_721 = arith.maxsi %get3A_718, %max3A_720 : vector<16xi32>
    %swap3A_722 = arith.constant 3 : i32
    %swap3A_723 = arith.index_cast %swap3A_722 : i32 to index
    %swap3A_724 = arith.constant 48 : index
    %swap3A_725 = tpu.vector_load %arg17[%swap3A_723, %swap3A_724] {strides = array<i32>} : memref<4x128xi32, #tpu.memory_space<vmem>>, vector<16xi32>,
    tpu.vector_store %arg17[%swap3A_723, %swap3A_724], %max3A_721 {strides = array<i32>} : memref<4x128xi32, #tpu.memory_space<vmem>>, vector<16xi32>,
    %get3A_726 = arith.constant 448 : index
    %get3A_727 = tpu.vector_load %arg18[%get3A_726] {strides = array<i32>} : memref<512xi32, #tpu.memory_space<vmem>>, vector<16xi32>,
    %max3A_728 = arith.constant 0 : i32
    %max3A_729 = vector.broadcast %max3A_728 : i32 to vector<16xi32>
    %max3A_730 = arith.maxsi %get3A_727, %max3A_729 : vector<16xi32>
    %swap3A_731 = arith.constant 3 : i32
    %swap3A_732 = arith.index_cast %swap3A_731 : i32 to index
    %swap3A_733 = arith.constant 64 : index
    %swap3A_734 = tpu.vector_load %arg17[%swap3A_732, %swap3A_733] {strides = array<i32>} : memref<4x128xi32, #tpu.memory_space<vmem>>, vector<16xi32>,
    tpu.vector_store %arg17[%swap3A_732, %swap3A_733], %max3A_730 {strides = array<i32>} : memref<4x128xi32, #tpu.memory_space<vmem>>, vector<16xi32>,
    %get3A_735 = arith.constant 464 : index
    %get3A_736 = tpu.vector_load %arg18[%get3A_735] {strides = array<i32>} : memref<512xi32, #tpu.memory_space<vmem>>, vector<16xi32>,
    %max3A_737 = arith.constant 0 : i32
    %max3A_738 = vector.broadcast %max3A_737 : i32 to vector<16xi32>
    %max3A_739 = arith.maxsi %get3A_736, %max3A_738 : vector<16xi32>
    %swap3A_740 = arith.constant 3 : i32
    %swap3A_741 = arith.index_cast %swap3A_740 : i32 to index
    %swap3A_742 = arith.constant 80 : index
    %swap3A_743 = tpu.vector_load %arg17[%swap3A_741, %swap3A_742] {strides = array<i32>} : memref<4x128xi32, #tpu.memory_space<vmem>>, vector<16xi32>,
    tpu.vector_store %arg17[%swap3A_741, %swap3A_742], %max3A_739 {strides = array<i32>} : memref<4x128xi32, #tpu.memory_space<vmem>>, vector<16xi32>,
    %get3A_744 = arith.constant 480 : index
    %get3A_745 = tpu.vector_load %arg18[%get3A_744] {strides = array<i32>} : memref<512xi32, #tpu.memory_space<vmem>>, vector<16xi32>,
    %max3A_746 = arith.constant 0 : i32
    %max3A_747 = vector.broadcast %max3A_746 : i32 to vector<16xi32>
    %max3A_748 = arith.maxsi %get3A_745, %max3A_747 : vector<16xi32>
    %swap3A_749 = arith.constant 3 : i32
    %swap3A_750 = arith.index_cast %swap3A_749 : i32 to index
    %swap3A_751 = arith.constant 96 : index
    %swap3A_752 = tpu.vector_load %arg17[%swap3A_750, %swap3A_751] {strides = array<i32>} : memref<4x128xi32, #tpu.memory_space<vmem>>, vector<16xi32>,
    tpu.vector_store %arg17[%swap3A_750, %swap3A_751], %max3A_748 {strides = array<i32>} : memref<4x128xi32, #tpu.memory_space<vmem>>, vector<16xi32>,
    %get3A_753 = arith.constant 496 : index
    %get3A_754 = tpu.vector_load %arg18[%get3A_753] {strides = array<i32>} : memref<512xi32, #tpu.memory_space<vmem>>, vector<16xi32>,
    %max3A_755 = arith.constant 0 : i32
    %max3A_756 = vector.broadcast %max3A_755 : i32 to vector<16xi32>
    %max3A_757 = arith.maxsi %get3A_754, %max3A_756 : vector<16xi32>
    %swap3A_758 = arith.constant 3 : i32
    %swap3A_759 = arith.index_cast %swap3A_758 : i32 to index
    %swap3A_760 = arith.constant 112 : index
    %swap3A_761 = tpu.vector_load %arg17[%swap3A_759, %swap3A_760] {strides = array<i32>} : memref<4x128xi32, #tpu.memory_space<vmem>>, vector<16xi32>,
    tpu.vector_store %arg17[%swap3A_759, %swap3A_760], %max3A_757 {strides = array<i32>} : memref<4x128xi32, #tpu.memory_space<vmem>>, vector<16xi32>,
    %dma_start3A_762 = arith.constant 0 : i32
    %dma_start3A_763 = arith.constant 0 : i32
    %dma_start3A_764 = arith.constant 0 : i32
    %dma_start3A_765 = tpu.memref_slice %arg29[%dma_start3A_763, %dma_start3A_764] : memref<512x64xf32, #tpu.memory_space<vmem>> -> memref<128x64xf32, #tpu.memory_space<vmem>>
    %dma_start3A_766 = arith.constant 0 : i32
    %dma_start3A_767 = tpu.memref_slice %arg17[%dma_start3A_762, %dma_start3A_766] : memref<4x128xi32, #tpu.memory_space<vmem>> -> memref<1x128xi32, #tpu.memory_space<vmem>>
    %dma_start3A_768 = tpu.memref_squeeze %dma_start3A_767 : memref<1x128xi32, #tpu.memory_space<vmem>> -> memref<128xi32, #tpu.memory_space<vmem>>
    %dma_start3A_769 = arith.constant 0 : i32
    %dma_start3A_770 = arith.constant 0 : i32
    %dma_start3A_771 = tpu.memref_slice %arg5[%dma_start3A_769, %dma_start3A_770] : memref<16384x64xf32, #tpu.memory_space<hbm>> -> memref<16384x64xf32, #tpu.memory_space<hbm>>
    tpu.enqueue_indirect_dma source(%dma_start3A_771 : memref<16384x64xf32, #tpu.memory_space<hbm>>) target(%dma_start3A_765 : memref<128x64xf32, #tpu.memory_space<vmem>>) offsets(%dma_start3A_768 : memref<128xi32, #tpu.memory_space<vmem>>) semaphore(%arg31 : memref<!tpu.dma_semaphore, #tpu.memory_space<semaphore_mem>>)
    %dma_start3A_772 = arith.constant 0 : i32
    %dma_start3A_773 = arith.constant 0 : i32
    %dma_start3A_774 = tpu.memref_slice %arg22[%dma_start3A_773] : memref<512xf32, #tpu.memory_space<vmem>> -> memref<128xf32, #tpu.memory_space<vmem>>
    %dma_start3A_775 = arith.constant 0 : i32
    %dma_start3A_776 = tpu.memref_slice %arg17[%dma_start3A_772, %dma_start3A_775] : memref<4x128xi32, #tpu.memory_space<vmem>> -> memref<1x128xi32, #tpu.memory_space<vmem>>
    %dma_start3A_777 = tpu.memref_squeeze %dma_start3A_776 : memref<1x128xi32, #tpu.memory_space<vmem>> -> memref<128xi32, #tpu.memory_space<vmem>>
    %dma_start3A_778 = arith.constant 0 : i32
    %dma_start3A_779 = tpu.memref_slice %arg6[%dma_start3A_778] : memref<16384xf32, #tpu.memory_space<hbm>> -> memref<16384xf32, #tpu.memory_space<hbm>>
    tpu.enqueue_indirect_dma source(%dma_start3A_779 : memref<16384xf32, #tpu.memory_space<hbm>>) target(%dma_start3A_774 : memref<128xf32, #tpu.memory_space<vmem>>) offsets(%dma_start3A_777 : memref<128xi32, #tpu.memory_space<vmem>>) semaphore(%arg31 : memref<!tpu.dma_semaphore, #tpu.memory_space<semaphore_mem>>)
    %dma_start3A_780 = arith.constant 0 : i32
    %dma_start3A_781 = arith.constant 0 : i32
    %dma_start3A_782 = tpu.memref_slice %arg23[%dma_start3A_781] : memref<512xf32, #tpu.memory_space<vmem>> -> memref<128xf32, #tpu.memory_space<vmem>>
    %dma_start3A_783 = arith.constant 0 : i32
    %dma_start3A_784 = tpu.memref_slice %arg17[%dma_start3A_780, %dma_start3A_783] : memref<4x128xi32, #tpu.memory_space<vmem>> -> memref<1x128xi32, #tpu.memory_space<vmem>>
    %dma_start3A_785 = tpu.memref_squeeze %dma_start3A_784 : memref<1x128xi32, #tpu.memory_space<vmem>> -> memref<128xi32, #tpu.memory_space<vmem>>
    %dma_start3A_786 = arith.constant 0 : i32
    %dma_start3A_787 = tpu.memref_slice %arg7[%dma_start3A_786] : memref<16384xf32, #tpu.memory_space<hbm>> -> memref<16384xf32, #tpu.memory_space<hbm>>
    tpu.enqueue_indirect_dma source(%dma_start3A_787 : memref<16384xf32, #tpu.memory_space<hbm>>) target(%dma_start3A_782 : memref<128xf32, #tpu.memory_space<vmem>>) offsets(%dma_start3A_785 : memref<128xi32, #tpu.memory_space<vmem>>) semaphore(%arg31 : memref<!tpu.dma_semaphore, #tpu.memory_space<semaphore_mem>>)
    %dma_start3A_788 = arith.constant 1 : i32
    %dma_start3A_789 = arith.constant 128 : i32
    %dma_start3A_790 = arith.constant 0 : i32
    %dma_start3A_791 = tpu.memref_slice %arg29[%dma_start3A_789, %dma_start3A_790] : memref<512x64xf32, #tpu.memory_space<vmem>> -> memref<128x64xf32, #tpu.memory_space<vmem>>
    %dma_start3A_792 = arith.constant 0 : i32
    %dma_start3A_793 = tpu.memref_slice %arg17[%dma_start3A_788, %dma_start3A_792] : memref<4x128xi32, #tpu.memory_space<vmem>> -> memref<1x128xi32, #tpu.memory_space<vmem>>
    %dma_start3A_794 = tpu.memref_squeeze %dma_start3A_793 : memref<1x128xi32, #tpu.memory_space<vmem>> -> memref<128xi32, #tpu.memory_space<vmem>>
    %dma_start3A_795 = arith.constant 0 : i32
    %dma_start3A_796 = arith.constant 0 : i32
    %dma_start3A_797 = tpu.memref_slice %arg5[%dma_start3A_795, %dma_start3A_796] : memref<16384x64xf32, #tpu.memory_space<hbm>> -> memref<16384x64xf32, #tpu.memory_space<hbm>>
    tpu.enqueue_indirect_dma source(%dma_start3A_797 : memref<16384x64xf32, #tpu.memory_space<hbm>>) target(%dma_start3A_791 : memref<128x64xf32, #tpu.memory_space<vmem>>) offsets(%dma_start3A_794 : memref<128xi32, #tpu.memory_space<vmem>>) semaphore(%arg31 : memref<!tpu.dma_semaphore, #tpu.memory_space<semaphore_mem>>)
    %dma_start3A_798 = arith.constant 1 : i32
    %dma_start3A_799 = arith.constant 128 : i32
    %dma_start3A_800 = tpu.memref_slice %arg22[%dma_start3A_799] : memref<512xf32, #tpu.memory_space<vmem>> -> memref<128xf32, #tpu.memory_space<vmem>>
    %dma_start3A_801 = arith.constant 0 : i32
    %dma_start3A_802 = tpu.memref_slice %arg17[%dma_start3A_798, %dma_start3A_801] : memref<4x128xi32, #tpu.memory_space<vmem>> -> memref<1x128xi32, #tpu.memory_space<vmem>>
    %dma_start3A_803 = tpu.memref_squeeze %dma_start3A_802 : memref<1x128xi32, #tpu.memory_space<vmem>> -> memref<128xi32, #tpu.memory_space<vmem>>
    %dma_start3A_804 = arith.constant 0 : i32
    %dma_start3A_805 = tpu.memref_slice %arg6[%dma_start3A_804] : memref<16384xf32, #tpu.memory_space<hbm>> -> memref<16384xf32, #tpu.memory_space<hbm>>
    tpu.enqueue_indirect_dma source(%dma_start3A_805 : memref<16384xf32, #tpu.memory_space<hbm>>) target(%dma_start3A_800 : memref<128xf32, #tpu.memory_space<vmem>>) offsets(%dma_start3A_803 : memref<128xi32, #tpu.memory_space<vmem>>) semaphore(%arg31 : memref<!tpu.dma_semaphore, #tpu.memory_space<semaphore_mem>>)
    %dma_start3A_806 = arith.constant 1 : i32
    %dma_start3A_807 = arith.constant 128 : i32
    %dma_start3A_808 = tpu.memref_slice %arg23[%dma_start3A_807] : memref<512xf32, #tpu.memory_space<vmem>> -> memref<128xf32, #tpu.memory_space<vmem>>
    %dma_start3A_809 = arith.constant 0 : i32
    %dma_start3A_810 = tpu.memref_slice %arg17[%dma_start3A_806, %dma_start3A_809] : memref<4x128xi32, #tpu.memory_space<vmem>> -> memref<1x128xi32, #tpu.memory_space<vmem>>
    %dma_start3A_811 = tpu.memref_squeeze %dma_start3A_810 : memref<1x128xi32, #tpu.memory_space<vmem>> -> memref<128xi32, #tpu.memory_space<vmem>>
    %dma_start3A_812 = arith.constant 0 : i32
    %dma_start3A_813 = tpu.memref_slice %arg7[%dma_start3A_812] : memref<16384xf32, #tpu.memory_space<hbm>> -> memref<16384xf32, #tpu.memory_space<hbm>>
    tpu.enqueue_indirect_dma source(%dma_start3A_813 : memref<16384xf32, #tpu.memory_space<hbm>>) target(%dma_start3A_808 : memref<128xf32, #tpu.memory_space<vmem>>) offsets(%dma_start3A_811 : memref<128xi32, #tpu.memory_space<vmem>>) semaphore(%arg31 : memref<!tpu.dma_semaphore, #tpu.memory_space<semaphore_mem>>)
    %dma_start3A_814 = arith.constant 2 : i32
    %dma_start3A_815 = arith.constant 256 : i32
    %dma_start3A_816 = arith.constant 0 : i32
    %dma_start3A_817 = tpu.memref_slice %arg29[%dma_start3A_815, %dma_start3A_816] : memref<512x64xf32, #tpu.memory_space<vmem>> -> memref<128x64xf32, #tpu.memory_space<vmem>>
    %dma_start3A_818 = arith.constant 0 : i32
    %dma_start3A_819 = tpu.memref_slice %arg17[%dma_start3A_814, %dma_start3A_818] : memref<4x128xi32, #tpu.memory_space<vmem>> -> memref<1x128xi32, #tpu.memory_space<vmem>>
    %dma_start3A_820 = tpu.memref_squeeze %dma_start3A_819 : memref<1x128xi32, #tpu.memory_space<vmem>> -> memref<128xi32, #tpu.memory_space<vmem>>
    %dma_start3A_821 = arith.constant 0 : i32
    %dma_start3A_822 = arith.constant 0 : i32
    %dma_start3A_823 = tpu.memref_slice %arg5[%dma_start3A_821, %dma_start3A_822] : memref<16384x64xf32, #tpu.memory_space<hbm>> -> memref<16384x64xf32, #tpu.memory_space<hbm>>
    tpu.enqueue_indirect_dma source(%dma_start3A_823 : memref<16384x64xf32, #tpu.memory_space<hbm>>) target(%dma_start3A_817 : memref<128x64xf32, #tpu.memory_space<vmem>>) offsets(%dma_start3A_820 : memref<128xi32, #tpu.memory_space<vmem>>) semaphore(%arg31 : memref<!tpu.dma_semaphore, #tpu.memory_space<semaphore_mem>>)
    %dma_start3A_824 = arith.constant 2 : i32
    %dma_start3A_825 = arith.constant 256 : i32
    %dma_start3A_826 = tpu.memref_slice %arg22[%dma_start3A_825] : memref<512xf32, #tpu.memory_space<vmem>> -> memref<128xf32, #tpu.memory_space<vmem>>
    %dma_start3A_827 = arith.constant 0 : i32
    %dma_start3A_828 = tpu.memref_slice %arg17[%dma_start3A_824, %dma_start3A_827] : memref<4x128xi32, #tpu.memory_space<vmem>> -> memref<1x128xi32, #tpu.memory_space<vmem>>
    %dma_start3A_829 = tpu.memref_squeeze %dma_start3A_828 : memref<1x128xi32, #tpu.memory_space<vmem>> -> memref<128xi32, #tpu.memory_space<vmem>>
    %dma_start3A_830 = arith.constant 0 : i32
    %dma_start3A_831 = tpu.memref_slice %arg6[%dma_start3A_830] : memref<16384xf32, #tpu.memory_space<hbm>> -> memref<16384xf32, #tpu.memory_space<hbm>>
    tpu.enqueue_indirect_dma source(%dma_start3A_831 : memref<16384xf32, #tpu.memory_space<hbm>>) target(%dma_start3A_826 : memref<128xf32, #tpu.memory_space<vmem>>) offsets(%dma_start3A_829 : memref<128xi32, #tpu.memory_space<vmem>>) semaphore(%arg31 : memref<!tpu.dma_semaphore, #tpu.memory_space<semaphore_mem>>)
    %dma_start3A_832 = arith.constant 2 : i32
    %dma_start3A_833 = arith.constant 256 : i32
    %dma_start3A_834 = tpu.memref_slice %arg23[%dma_start3A_833] : memref<512xf32, #tpu.memory_space<vmem>> -> memref<128xf32, #tpu.memory_space<vmem>>
    %dma_start3A_835 = arith.constant 0 : i32
    %dma_start3A_836 = tpu.memref_slice %arg17[%dma_start3A_832, %dma_start3A_835] : memref<4x128xi32, #tpu.memory_space<vmem>> -> memref<1x128xi32, #tpu.memory_space<vmem>>
    %dma_start3A_837 = tpu.memref_squeeze %dma_start3A_836 : memref<1x128xi32, #tpu.memory_space<vmem>> -> memref<128xi32, #tpu.memory_space<vmem>>
    %dma_start3A_838 = arith.constant 0 : i32
    %dma_start3A_839 = tpu.memref_slice %arg7[%dma_start3A_838] : memref<16384xf32, #tpu.memory_space<hbm>> -> memref<16384xf32, #tpu.memory_space<hbm>>
    tpu.enqueue_indirect_dma source(%dma_start3A_839 : memref<16384xf32, #tpu.memory_space<hbm>>) target(%dma_start3A_834 : memref<128xf32, #tpu.memory_space<vmem>>) offsets(%dma_start3A_837 : memref<128xi32, #tpu.memory_space<vmem>>) semaphore(%arg31 : memref<!tpu.dma_semaphore, #tpu.memory_space<semaphore_mem>>)
    %dma_start3A_840 = arith.constant 3 : i32
    %dma_start3A_841 = arith.constant 384 : i32
    %dma_start3A_842 = arith.constant 0 : i32
    %dma_start3A_843 = tpu.memref_slice %arg29[%dma_start3A_841, %dma_start3A_842] : memref<512x64xf32, #tpu.memory_space<vmem>> -> memref<128x64xf32, #tpu.memory_space<vmem>>
    %dma_start3A_844 = arith.constant 0 : i32
    %dma_start3A_845 = tpu.memref_slice %arg17[%dma_start3A_840, %dma_start3A_844] : memref<4x128xi32, #tpu.memory_space<vmem>> -> memref<1x128xi32, #tpu.memory_space<vmem>>
    %dma_start3A_846 = tpu.memref_squeeze %dma_start3A_845 : memref<1x128xi32, #tpu.memory_space<vmem>> -> memref<128xi32, #tpu.memory_space<vmem>>
    %dma_start3A_847 = arith.constant 0 : i32
    %dma_start3A_848 = arith.constant 0 : i32
    %dma_start3A_849 = tpu.memref_slice %arg5[%dma_start3A_847, %dma_start3A_848] : memref<16384x64xf32, #tpu.memory_space<hbm>> -> memref<16384x64xf32, #tpu.memory_space<hbm>>
    tpu.enqueue_indirect_dma source(%dma_start3A_849 : memref<16384x64xf32, #tpu.memory_space<hbm>>) target(%dma_start3A_843 : memref<128x64xf32, #tpu.memory_space<vmem>>) offsets(%dma_start3A_846 : memref<128xi32, #tpu.memory_space<vmem>>) semaphore(%arg31 : memref<!tpu.dma_semaphore, #tpu.memory_space<semaphore_mem>>)
    %dma_start3A_850 = arith.constant 3 : i32
    %dma_start3A_851 = arith.constant 384 : i32
    %dma_start3A_852 = tpu.memref_slice %arg22[%dma_start3A_851] : memref<512xf32, #tpu.memory_space<vmem>> -> memref<128xf32, #tpu.memory_space<vmem>>
    %dma_start3A_853 = arith.constant 0 : i32
    %dma_start3A_854 = tpu.memref_slice %arg17[%dma_start3A_850, %dma_start3A_853] : memref<4x128xi32, #tpu.memory_space<vmem>> -> memref<1x128xi32, #tpu.memory_space<vmem>>
    %dma_start3A_855 = tpu.memref_squeeze %dma_start3A_854 : memref<1x128xi32, #tpu.memory_space<vmem>> -> memref<128xi32, #tpu.memory_space<vmem>>
    %dma_start3A_856 = arith.constant 0 : i32
    %dma_start3A_857 = tpu.memref_slice %arg6[%dma_start3A_856] : memref<16384xf32, #tpu.memory_space<hbm>> -> memref<16384xf32, #tpu.memory_space<hbm>>
    tpu.enqueue_indirect_dma source(%dma_start3A_857 : memref<16384xf32, #tpu.memory_space<hbm>>) target(%dma_start3A_852 : memref<128xf32, #tpu.memory_space<vmem>>) offsets(%dma_start3A_855 : memref<128xi32, #tpu.memory_space<vmem>>) semaphore(%arg31 : memref<!tpu.dma_semaphore, #tpu.memory_space<semaphore_mem>>)
    %dma_start3A_858 = arith.constant 3 : i32
    %dma_start3A_859 = arith.constant 384 : i32
    %dma_start3A_860 = tpu.memref_slice %arg23[%dma_start3A_859] : memref<512xf32, #tpu.memory_space<vmem>> -> memref<128xf32, #tpu.memory_space<vmem>>
    %dma_start3A_861 = arith.constant 0 : i32
    %dma_start3A_862 = tpu.memref_slice %arg17[%dma_start3A_858, %dma_start3A_861] : memref<4x128xi32, #tpu.memory_space<vmem>> -> memref<1x128xi32, #tpu.memory_space<vmem>>
    %dma_start3A_863 = tpu.memref_squeeze %dma_start3A_862 : memref<1x128xi32, #tpu.memory_space<vmem>> -> memref<128xi32, #tpu.memory_space<vmem>>
    %dma_start3A_864 = arith.constant 0 : i32
    %dma_start3A_865 = tpu.memref_slice %arg7[%dma_start3A_864] : memref<16384xf32, #tpu.memory_space<hbm>> -> memref<16384xf32, #tpu.memory_space<hbm>>
    tpu.enqueue_indirect_dma source(%dma_start3A_865 : memref<16384xf32, #tpu.memory_space<hbm>>) target(%dma_start3A_860 : memref<128xf32, #tpu.memory_space<vmem>>) offsets(%dma_start3A_863 : memref<128xi32, #tpu.memory_space<vmem>>) semaphore(%arg31 : memref<!tpu.dma_semaphore, #tpu.memory_space<semaphore_mem>>)
    %dma_wait3A_866 = arith.constant 0 : i32
    %dma_wait3A_867 = arith.constant 0 : i32
    %dma_wait3A_868 = arith.constant 0 : i32
    %dma_wait3A_869 = tpu.memref_slice %arg29[%dma_wait3A_867, %dma_wait3A_868] : memref<512x64xf32, #tpu.memory_space<vmem>> -> memref<128x64xf32, #tpu.memory_space<vmem>>
    %dma_wait3A_870 = arith.constant 0 : i32
    %dma_wait3A_871 = tpu.memref_slice %arg17[%dma_wait3A_866, %dma_wait3A_870] : memref<4x128xi32, #tpu.memory_space<vmem>> -> memref<1x128xi32, #tpu.memory_space<vmem>>
    %dma_wait3A_872 = tpu.memref_squeeze %dma_wait3A_871 : memref<1x128xi32, #tpu.memory_space<vmem>> -> memref<128xi32, #tpu.memory_space<vmem>>
    %dma_wait3A_873 = arith.constant 0 : i32
    %dma_wait3A_874 = arith.constant 0 : i32
    %dma_wait3A_875 = tpu.memref_slice %arg5[%dma_wait3A_873, %dma_wait3A_874] : memref<16384x64xf32, #tpu.memory_space<hbm>> -> memref<16384x64xf32, #tpu.memory_space<hbm>>
    tpu.wait_indirect_dma semaphore(%arg31 : memref<!tpu.dma_semaphore, #tpu.memory_space<semaphore_mem>>) src(%dma_wait3A_875 : memref<16384x64xf32, #tpu.memory_space<hbm>>) dst(%dma_wait3A_869 : memref<128x64xf32, #tpu.memory_space<vmem>>)
    %dma_wait3A_876 = arith.constant 0 : i32
    %dma_wait3A_877 = arith.constant 0 : i32
    %dma_wait3A_878 = tpu.memref_slice %arg22[%dma_wait3A_877] : memref<512xf32, #tpu.memory_space<vmem>> -> memref<128xf32, #tpu.memory_space<vmem>>
    %dma_wait3A_879 = arith.constant 0 : i32
    %dma_wait3A_880 = tpu.memref_slice %arg17[%dma_wait3A_876, %dma_wait3A_879] : memref<4x128xi32, #tpu.memory_space<vmem>> -> memref<1x128xi32, #tpu.memory_space<vmem>>
    %dma_wait3A_881 = tpu.memref_squeeze %dma_wait3A_880 : memref<1x128xi32, #tpu.memory_space<vmem>> -> memref<128xi32, #tpu.memory_space<vmem>>
    %dma_wait3A_882 = arith.constant 0 : i32
    %dma_wait3A_883 = tpu.memref_slice %arg6[%dma_wait3A_882] : memref<16384xf32, #tpu.memory_space<hbm>> -> memref<16384xf32, #tpu.memory_space<hbm>>
    tpu.wait_indirect_dma semaphore(%arg31 : memref<!tpu.dma_semaphore, #tpu.memory_space<semaphore_mem>>) src(%dma_wait3A_883 : memref<16384xf32, #tpu.memory_space<hbm>>) dst(%dma_wait3A_878 : memref<128xf32, #tpu.memory_space<vmem>>)
    %dma_wait3A_884 = arith.constant 0 : i32
    %dma_wait3A_885 = arith.constant 0 : i32
    %dma_wait3A_886 = tpu.memref_slice %arg23[%dma_wait3A_885] : memref<512xf32, #tpu.memory_space<vmem>> -> memref<128xf32, #tpu.memory_space<vmem>>
    %dma_wait3A_887 = arith.constant 0 : i32
    %dma_wait3A_888 = tpu.memref_slice %arg17[%dma_wait3A_884, %dma_wait3A_887] : memref<4x128xi32, #tpu.memory_space<vmem>> -> memref<1x128xi32, #tpu.memory_space<vmem>>
    %dma_wait3A_889 = tpu.memref_squeeze %dma_wait3A_888 : memref<1x128xi32, #tpu.memory_space<vmem>> -> memref<128xi32, #tpu.memory_space<vmem>>
    %dma_wait3A_890 = arith.constant 0 : i32
    %dma_wait3A_891 = tpu.memref_slice %arg7[%dma_wait3A_890] : memref<16384xf32, #tpu.memory_space<hbm>> -> memref<16384xf32, #tpu.memory_space<hbm>>
    tpu.wait_indirect_dma semaphore(%arg31 : memref<!tpu.dma_semaphore, #tpu.memory_space<semaphore_mem>>) src(%dma_wait3A_891 : memref<16384xf32, #tpu.memory_space<hbm>>) dst(%dma_wait3A_886 : memref<128xf32, #tpu.memory_space<vmem>>)
    %dma_wait3A_892 = arith.constant 1 : i32
    %dma_wait3A_893 = arith.constant 128 : i32
    %dma_wait3A_894 = arith.constant 0 : i32
    %dma_wait3A_895 = tpu.memref_slice %arg29[%dma_wait3A_893, %dma_wait3A_894] : memref<512x64xf32, #tpu.memory_space<vmem>> -> memref<128x64xf32, #tpu.memory_space<vmem>>
    %dma_wait3A_896 = arith.constant 0 : i32
    %dma_wait3A_897 = tpu.memref_slice %arg17[%dma_wait3A_892, %dma_wait3A_896] : memref<4x128xi32, #tpu.memory_space<vmem>> -> memref<1x128xi32, #tpu.memory_space<vmem>>
    %dma_wait3A_898 = tpu.memref_squeeze %dma_wait3A_897 : memref<1x128xi32, #tpu.memory_space<vmem>> -> memref<128xi32, #tpu.memory_space<vmem>>
    %dma_wait3A_899 = arith.constant 0 : i32
    %dma_wait3A_900 = arith.constant 0 : i32
    %dma_wait3A_901 = tpu.memref_slice %arg5[%dma_wait3A_899, %dma_wait3A_900] : memref<16384x64xf32, #tpu.memory_space<hbm>> -> memref<16384x64xf32, #tpu.memory_space<hbm>>
    tpu.wait_indirect_dma semaphore(%arg31 : memref<!tpu.dma_semaphore, #tpu.memory_space<semaphore_mem>>) src(%dma_wait3A_901 : memref<16384x64xf32, #tpu.memory_space<hbm>>) dst(%dma_wait3A_895 : memref<128x64xf32, #tpu.memory_space<vmem>>)
    %dma_wait3A_902 = arith.constant 1 : i32
    %dma_wait3A_903 = arith.constant 128 : i32
    %dma_wait3A_904 = tpu.memref_slice %arg22[%dma_wait3A_903] : memref<512xf32, #tpu.memory_space<vmem>> -> memref<128xf32, #tpu.memory_space<vmem>>
    %dma_wait3A_905 = arith.constant 0 : i32
    %dma_wait3A_906 = tpu.memref_slice %arg17[%dma_wait3A_902, %dma_wait3A_905] : memref<4x128xi32, #tpu.memory_space<vmem>> -> memref<1x128xi32, #tpu.memory_space<vmem>>
    %dma_wait3A_907 = tpu.memref_squeeze %dma_wait3A_906 : memref<1x128xi32, #tpu.memory_space<vmem>> -> memref<128xi32, #tpu.memory_space<vmem>>
    %dma_wait3A_908 = arith.constant 0 : i32
    %dma_wait3A_909 = tpu.memref_slice %arg6[%dma_wait3A_908] : memref<16384xf32, #tpu.memory_space<hbm>> -> memref<16384xf32, #tpu.memory_space<hbm>>
    tpu.wait_indirect_dma semaphore(%arg31 : memref<!tpu.dma_semaphore, #tpu.memory_space<semaphore_mem>>) src(%dma_wait3A_909 : memref<16384xf32, #tpu.memory_space<hbm>>) dst(%dma_wait3A_904 : memref<128xf32, #tpu.memory_space<vmem>>)
    %dma_wait3A_910 = arith.constant 1 : i32
    %dma_wait3A_911 = arith.constant 128 : i32
    %dma_wait3A_912 = tpu.memref_slice %arg23[%dma_wait3A_911] : memref<512xf32, #tpu.memory_space<vmem>> -> memref<128xf32, #tpu.memory_space<vmem>>
    %dma_wait3A_913 = arith.constant 0 : i32
    %dma_wait3A_914 = tpu.memref_slice %arg17[%dma_wait3A_910, %dma_wait3A_913] : memref<4x128xi32, #tpu.memory_space<vmem>> -> memref<1x128xi32, #tpu.memory_space<vmem>>
    %dma_wait3A_915 = tpu.memref_squeeze %dma_wait3A_914 : memref<1x128xi32, #tpu.memory_space<vmem>> -> memref<128xi32, #tpu.memory_space<vmem>>
    %dma_wait3A_916 = arith.constant 0 : i32
    %dma_wait3A_917 = tpu.memref_slice %arg7[%dma_wait3A_916] : memref<16384xf32, #tpu.memory_space<hbm>> -> memref<16384xf32, #tpu.memory_space<hbm>>
    tpu.wait_indirect_dma semaphore(%arg31 : memref<!tpu.dma_semaphore, #tpu.memory_space<semaphore_mem>>) src(%dma_wait3A_917 : memref<16384xf32, #tpu.memory_space<hbm>>) dst(%dma_wait3A_912 : memref<128xf32, #tpu.memory_space<vmem>>)
    %dma_wait3A_918 = arith.constant 2 : i32
    %dma_wait3A_919 = arith.constant 256 : i32
    %dma_wait3A_920 = arith.constant 0 : i32
    %dma_wait3A_921 = tpu.memref_slice %arg29[%dma_wait3A_919, %dma_wait3A_920] : memref<512x64xf32, #tpu.memory_space<vmem>> -> memref<128x64xf32, #tpu.memory_space<vmem>>
    %dma_wait3A_922 = arith.constant 0 : i32
    %dma_wait3A_923 = tpu.memref_slice %arg17[%dma_wait3A_918, %dma_wait3A_922] : memref<4x128xi32, #tpu.memory_space<vmem>> -> memref<1x128xi32, #tpu.memory_space<vmem>>
    %dma_wait3A_924 = tpu.memref_squeeze %dma_wait3A_923 : memref<1x128xi32, #tpu.memory_space<vmem>> -> memref<128xi32, #tpu.memory_space<vmem>>
    %dma_wait3A_925 = arith.constant 0 : i32
    %dma_wait3A_926 = arith.constant 0 : i32
    %dma_wait3A_927 = tpu.memref_slice %arg5[%dma_wait3A_925, %dma_wait3A_926] : memref<16384x64xf32, #tpu.memory_space<hbm>> -> memref<16384x64xf32, #tpu.memory_space<hbm>>
    tpu.wait_indirect_dma semaphore(%arg31 : memref<!tpu.dma_semaphore, #tpu.memory_space<semaphore_mem>>) src(%dma_wait3A_927 : memref<16384x64xf32, #tpu.memory_space<hbm>>) dst(%dma_wait3A_921 : memref<128x64xf32, #tpu.memory_space<vmem>>)
    %dma_wait3A_928 = arith.constant 2 : i32
    %dma_wait3A_929 = arith.constant 256 : i32
    %dma_wait3A_930 = tpu.memref_slice %arg22[%dma_wait3A_929] : memref<512xf32, #tpu.memory_space<vmem>> -> memref<128xf32, #tpu.memory_space<vmem>>
    %dma_wait3A_931 = arith.constant 0 : i32
    %dma_wait3A_932 = tpu.memref_slice %arg17[%dma_wait3A_928, %dma_wait3A_931] : memref<4x128xi32, #tpu.memory_space<vmem>> -> memref<1x128xi32, #tpu.memory_space<vmem>>
    %dma_wait3A_933 = tpu.memref_squeeze %dma_wait3A_932 : memref<1x128xi32, #tpu.memory_space<vmem>> -> memref<128xi32, #tpu.memory_space<vmem>>
    %dma_wait3A_934 = arith.constant 0 : i32
    %dma_wait3A_935 = tpu.memref_slice %arg6[%dma_wait3A_934] : memref<16384xf32, #tpu.memory_space<hbm>> -> memref<16384xf32, #tpu.memory_space<hbm>>
    tpu.wait_indirect_dma semaphore(%arg31 : memref<!tpu.dma_semaphore, #tpu.memory_space<semaphore_mem>>) src(%dma_wait3A_935 : memref<16384xf32, #tpu.memory_space<hbm>>) dst(%dma_wait3A_930 : memref<128xf32, #tpu.memory_space<vmem>>)
    %dma_wait3A_936 = arith.constant 2 : i32
    %dma_wait3A_937 = arith.constant 256 : i32
    %dma_wait3A_938 = tpu.memref_slice %arg23[%dma_wait3A_937] : memref<512xf32, #tpu.memory_space<vmem>> -> memref<128xf32, #tpu.memory_space<vmem>>
    %dma_wait3A_939 = arith.constant 0 : i32
    %dma_wait3A_940 = tpu.memref_slice %arg17[%dma_wait3A_936, %dma_wait3A_939] : memref<4x128xi32, #tpu.memory_space<vmem>> -> memref<1x128xi32, #tpu.memory_space<vmem>>
    %dma_wait3A_941 = tpu.memref_squeeze %dma_wait3A_940 : memref<1x128xi32, #tpu.memory_space<vmem>> -> memref<128xi32, #tpu.memory_space<vmem>>
    %dma_wait3A_942 = arith.constant 0 : i32
    %dma_wait3A_943 = tpu.memref_slice %arg7[%dma_wait3A_942] : memref<16384xf32, #tpu.memory_space<hbm>> -> memref<16384xf32, #tpu.memory_space<hbm>>
    tpu.wait_indirect_dma semaphore(%arg31 : memref<!tpu.dma_semaphore, #tpu.memory_space<semaphore_mem>>) src(%dma_wait3A_943 : memref<16384xf32, #tpu.memory_space<hbm>>) dst(%dma_wait3A_938 : memref<128xf32, #tpu.memory_space<vmem>>)
    %dma_wait3A_944 = arith.constant 3 : i32
    %dma_wait3A_945 = arith.constant 384 : i32
    %dma_wait3A_946 = arith.constant 0 : i32
    %dma_wait3A_947 = tpu.memref_slice %arg29[%dma_wait3A_945, %dma_wait3A_946] : memref<512x64xf32, #tpu.memory_space<vmem>> -> memref<128x64xf32, #tpu.memory_space<vmem>>
    %dma_wait3A_948 = arith.constant 0 : i32
    %dma_wait3A_949 = tpu.memref_slice %arg17[%dma_wait3A_944, %dma_wait3A_948] : memref<4x128xi32, #tpu.memory_space<vmem>> -> memref<1x128xi32, #tpu.memory_space<vmem>>
    %dma_wait3A_950 = tpu.memref_squeeze %dma_wait3A_949 : memref<1x128xi32, #tpu.memory_space<vmem>> -> memref<128xi32, #tpu.memory_space<vmem>>
    %dma_wait3A_951 = arith.constant 0 : i32
    %dma_wait3A_952 = arith.constant 0 : i32
    %dma_wait3A_953 = tpu.memref_slice %arg5[%dma_wait3A_951, %dma_wait3A_952] : memref<16384x64xf32, #tpu.memory_space<hbm>> -> memref<16384x64xf32, #tpu.memory_space<hbm>>
    tpu.wait_indirect_dma semaphore(%arg31 : memref<!tpu.dma_semaphore, #tpu.memory_space<semaphore_mem>>) src(%dma_wait3A_953 : memref<16384x64xf32, #tpu.memory_space<hbm>>) dst(%dma_wait3A_947 : memref<128x64xf32, #tpu.memory_space<vmem>>)
    %dma_wait3A_954 = arith.constant 3 : i32
    %dma_wait3A_955 = arith.constant 384 : i32
    %dma_wait3A_956 = tpu.memref_slice %arg22[%dma_wait3A_955] : memref<512xf32, #tpu.memory_space<vmem>> -> memref<128xf32, #tpu.memory_space<vmem>>
    %dma_wait3A_957 = arith.constant 0 : i32
    %dma_wait3A_958 = tpu.memref_slice %arg17[%dma_wait3A_954, %dma_wait3A_957] : memref<4x128xi32, #tpu.memory_space<vmem>> -> memref<1x128xi32, #tpu.memory_space<vmem>>
    %dma_wait3A_959 = tpu.memref_squeeze %dma_wait3A_958 : memref<1x128xi32, #tpu.memory_space<vmem>> -> memref<128xi32, #tpu.memory_space<vmem>>
    %dma_wait3A_960 = arith.constant 0 : i32
    %dma_wait3A_961 = tpu.memref_slice %arg6[%dma_wait3A_960] : memref<16384xf32, #tpu.memory_space<hbm>> -> memref<16384xf32, #tpu.memory_space<hbm>>
    tpu.wait_indirect_dma semaphore(%arg31 : memref<!tpu.dma_semaphore, #tpu.memory_space<semaphore_mem>>) src(%dma_wait3A_961 : memref<16384xf32, #tpu.memory_space<hbm>>) dst(%dma_wait3A_956 : memref<128xf32, #tpu.memory_space<vmem>>)
    %dma_wait3A_962 = arith.constant 3 : i32
    %dma_wait3A_963 = arith.constant 384 : i32
    %dma_wait3A_964 = tpu.memref_slice %arg23[%dma_wait3A_963] : memref<512xf32, #tpu.memory_space<vmem>> -> memref<128xf32, #tpu.memory_space<vmem>>
    %dma_wait3A_965 = arith.constant 0 : i32
    %dma_wait3A_966 = tpu.memref_slice %arg17[%dma_wait3A_962, %dma_wait3A_965] : memref<4x128xi32, #tpu.memory_space<vmem>> -> memref<1x128xi32, #tpu.memory_space<vmem>>
    %dma_wait3A_967 = tpu.memref_squeeze %dma_wait3A_966 : memref<1x128xi32, #tpu.memory_space<vmem>> -> memref<128xi32, #tpu.memory_space<vmem>>
    %dma_wait3A_968 = arith.constant 0 : i32
    %dma_wait3A_969 = tpu.memref_slice %arg7[%dma_wait3A_968] : memref<16384xf32, #tpu.memory_space<hbm>> -> memref<16384xf32, #tpu.memory_space<hbm>>
    tpu.wait_indirect_dma semaphore(%arg31 : memref<!tpu.dma_semaphore, #tpu.memory_space<semaphore_mem>>) src(%dma_wait3A_969 : memref<16384xf32, #tpu.memory_space<hbm>>) dst(%dma_wait3A_964 : memref<128xf32, #tpu.memory_space<vmem>>)
    %iota3A = tpu.iota {dimensions = array<i32: 0>} : vector<16xi32>
    %broadcast_in_dim3A = arith.constant 0.000000e+00 : f32
    %broadcast_in_dim3A_970 = vector.broadcast %broadcast_in_dim3A : f32 to vector<16xf32>
    %swap3A_971 = arith.constant 0 : index
    %swap3A_972 = tpu.vector_load %arg30[%swap3A_971] {strides = array<i32>} : memref<128xf32, #tpu.memory_space<vmem>>, vector<16xf32>,
    tpu.vector_store %arg30[%swap3A_971], %broadcast_in_dim3A_970 {strides = array<i32>} : memref<128xf32, #tpu.memory_space<vmem>>, vector<16xf32>,
    %broadcast_in_dim3A_973 = arith.constant 0.000000e+00 : f32
    %broadcast_in_dim3A_974 = vector.broadcast %broadcast_in_dim3A_973 : f32 to vector<16xf32>
    %swap3A_975 = arith.constant 16 : index
    %swap3A_976 = tpu.vector_load %arg30[%swap3A_975] {strides = array<i32>} : memref<128xf32, #tpu.memory_space<vmem>>, vector<16xf32>,
    tpu.vector_store %arg30[%swap3A_975], %broadcast_in_dim3A_974 {strides = array<i32>} : memref<128xf32, #tpu.memory_space<vmem>>, vector<16xf32>,
    %broadcast_in_dim3A_977 = arith.constant 0.000000e+00 : f32
    %broadcast_in_dim3A_978 = vector.broadcast %broadcast_in_dim3A_977 : f32 to vector<16xf32>
    %swap3A_979 = arith.constant 32 : index
    %swap3A_980 = tpu.vector_load %arg30[%swap3A_979] {strides = array<i32>} : memref<128xf32, #tpu.memory_space<vmem>>, vector<16xf32>,
    tpu.vector_store %arg30[%swap3A_979], %broadcast_in_dim3A_978 {strides = array<i32>} : memref<128xf32, #tpu.memory_space<vmem>>, vector<16xf32>,
    %broadcast_in_dim3A_981 = arith.constant 0.000000e+00 : f32
    %broadcast_in_dim3A_982 = vector.broadcast %broadcast_in_dim3A_981 : f32 to vector<16xf32>
    %swap3A_983 = arith.constant 48 : index
    %swap3A_984 = tpu.vector_load %arg30[%swap3A_983] {strides = array<i32>} : memref<128xf32, #tpu.memory_space<vmem>>, vector<16xf32>,
    tpu.vector_store %arg30[%swap3A_983], %broadcast_in_dim3A_982 {strides = array<i32>} : memref<128xf32, #tpu.memory_space<vmem>>, vector<16xf32>,
    %broadcast_in_dim3A_985 = arith.constant 0.000000e+00 : f32
    %broadcast_in_dim3A_986 = vector.broadcast %broadcast_in_dim3A_985 : f32 to vector<16xf32>
    %swap3A_987 = arith.constant 64 : index
    %swap3A_988 = tpu.vector_load %arg30[%swap3A_987] {strides = array<i32>} : memref<128xf32, #tpu.memory_space<vmem>>, vector<16xf32>,
    tpu.vector_store %arg30[%swap3A_987], %broadcast_in_dim3A_986 {strides = array<i32>} : memref<128xf32, #tpu.memory_space<vmem>>, vector<16xf32>,
    %broadcast_in_dim3A_989 = arith.constant 0.000000e+00 : f32
    %broadcast_in_dim3A_990 = vector.broadcast %broadcast_in_dim3A_989 : f32 to vector<16xf32>
    %swap3A_991 = arith.constant 80 : index
    %swap3A_992 = tpu.vector_load %arg30[%swap3A_991] {strides = array<i32>} : memref<128xf32, #tpu.memory_space<vmem>>, vector<16xf32>,
    tpu.vector_store %arg30[%swap3A_991], %broadcast_in_dim3A_990 {strides = array<i32>} : memref<128xf32, #tpu.memory_space<vmem>>, vector<16xf32>,
    %broadcast_in_dim3A_993 = arith.constant 0.000000e+00 : f32
    %broadcast_in_dim3A_994 = vector.broadcast %broadcast_in_dim3A_993 : f32 to vector<16xf32>
    %swap3A_995 = arith.constant 96 : index
    %swap3A_996 = tpu.vector_load %arg30[%swap3A_995] {strides = array<i32>} : memref<128xf32, #tpu.memory_space<vmem>>, vector<16xf32>,
    tpu.vector_store %arg30[%swap3A_995], %broadcast_in_dim3A_994 {strides = array<i32>} : memref<128xf32, #tpu.memory_space<vmem>>, vector<16xf32>,
    %broadcast_in_dim3A_997 = arith.constant 0.000000e+00 : f32
    %broadcast_in_dim3A_998 = vector.broadcast %broadcast_in_dim3A_997 : f32 to vector<16xf32>
    %swap3A_999 = arith.constant 112 : index
    %swap3A_1000 = tpu.vector_load %arg30[%swap3A_999] {strides = array<i32>} : memref<128xf32, #tpu.memory_space<vmem>>, vector<16xf32>,
    tpu.vector_store %arg30[%swap3A_999], %broadcast_in_dim3A_998 {strides = array<i32>} : memref<128xf32, #tpu.memory_space<vmem>>, vector<16xf32>,
    %get3A_1001 = arith.constant 0 : index
    %get3A_1002 = tpu.vector_load %arg18[%get3A_1001] {strides = array<i32>} : memref<512xi32, #tpu.memory_space<vmem>>, vector<16xi32>,
    %ge3A = arith.constant 0 : i32
    %ge3A_1003 = vector.broadcast %ge3A : i32 to vector<16xi32>
    %ge3A_1004 = arith.cmpi sge, %get3A_1002, %ge3A_1003 : vector<16xi32>
    %get3A_1005 = arith.constant 0 : index
    %get3A_1006 = tpu.vector_load %arg22[%get3A_1005] {strides = array<i32>} : memref<512xf32, #tpu.memory_space<vmem>>, vector<16xf32>,
    %get3A_1007 = arith.constant 0 : index
    %get3A_1008 = tpu.vector_load %arg21[%get3A_1007] {strides = array<i32>} : memref<512xf32, #tpu.memory_space<vmem>>, vector<16xf32>,
    %select_n3A = arith.select %ge3A_1004, %get3A_1006, %get3A_1008 : vector<16xi1>, vector<16xf32>
    %swap3A_1009 = arith.constant 0 : index
    %swap3A_1010 = tpu.vector_load %arg26[%swap3A_1009] {strides = array<i32>} : memref<512xf32, #tpu.memory_space<vmem>>, vector<16xf32>,
    tpu.vector_store %arg26[%swap3A_1009], %select_n3A {strides = array<i32>} : memref<512xf32, #tpu.memory_space<vmem>>, vector<16xf32>,
    %get3A_1011 = arith.constant 0 : index
    %get3A_1012 = tpu.vector_load %arg23[%get3A_1011] {strides = array<i32>} : memref<512xf32, #tpu.memory_space<vmem>>, vector<16xf32>,
    %get3A_1013 = arith.constant 0 : index
    %get3A_1014 = tpu.vector_load %arg20[%get3A_1013] {strides = array<i32>} : memref<512xf32, #tpu.memory_space<vmem>>, vector<16xf32>,
    %select_n3A_1015 = arith.select %ge3A_1004, %get3A_1012, %get3A_1014 : vector<16xi1>, vector<16xf32>
    %swap3A_1016 = arith.constant 0 : index
    %swap3A_1017 = tpu.vector_load %arg27[%swap3A_1016] {strides = array<i32>} : memref<512xf32, #tpu.memory_space<vmem>>, vector<16xf32>,
    tpu.vector_store %arg27[%swap3A_1016], %select_n3A_1015 {strides = array<i32>} : memref<512xf32, #tpu.memory_space<vmem>>, vector<16xf32>,
    %jit3A = arith.constant 1.000000e+00 : f32
    %jit3A_1018 = arith.constant 0.000000e+00 : f32
    %broadcast_in_dim3A_1019 = vector.broadcast %jit3A : f32 to vector<16xf32>
    %broadcast_in_dim3A_1020 = vector.broadcast %jit3A_1018 : f32 to vector<16xf32>
    %select_n3A_1021 = arith.select %ge3A_1004, %broadcast_in_dim3A_1019, %broadcast_in_dim3A_1020 : vector<16xi1>, vector<16xf32>
    %swap3A_1022 = arith.constant 0 : index
    %swap3A_1023 = tpu.vector_load %arg28[%swap3A_1022] {strides = array<i32>} : memref<512xf32, #tpu.memory_space<vmem>>, vector<16xf32>,
    tpu.vector_store %arg28[%swap3A_1022], %select_n3A_1021 {strides = array<i32>} : memref<512xf32, #tpu.memory_space<vmem>>, vector<16xf32>,
    %add3A_1024 = arith.constant 0 : i32
    %add3A_1025 = arith.addi %mul3A_2, %add3A_1024 : i32
    %add3A_1026 = vector.broadcast %add3A_1025 : i32 to vector<16xi32>
    %add3A_1027 = arith.addi %iota3A, %add3A_1026 : vector<16xi32>
    %get3A_1028 = arith.constant 0 : index
    %get3A_1029 = tpu.vector_load %arg19[%get3A_1028] {strides = array<i32>} : memref<512xi32, #tpu.memory_space<vmem>>, vector<16xi32>,
    %eq3A = arith.cmpi eq, %get3A_1029, %add3A_1027 : vector<16xi32>
    %get3A_1030 = arith.constant 0 : index
    %get3A_1031 = tpu.vector_load %arg30[%get3A_1030] {strides = array<i32>} : memref<128xf32, #tpu.memory_space<vmem>>, vector<16xf32>,
    %get3A_1032 = arith.constant 0 : index
    %get3A_1033 = tpu.vector_load %arg25[%get3A_1032] {strides = array<i32>} : memref<512xf32, #tpu.memory_space<vmem>>, vector<16xf32>,
    %get3A_1034 = arith.constant 0 : index
    %get3A_1035 = tpu.vector_load %arg24[%get3A_1034] {strides = array<i32>} : memref<512xf32, #tpu.memory_space<vmem>>, vector<16xf32>,
    %sub3A = arith.subf %get3A_1033, %get3A_1035 : vector<16xf32>
    %jit3A_1036 = arith.constant 0.000000e+00 : f32
    %broadcast_in_dim3A_1037 = vector.broadcast %jit3A_1036 : f32 to vector<16xf32>
    %select_n3A_1038 = arith.select %eq3A, %sub3A, %broadcast_in_dim3A_1037 : vector<16xi1>, vector<16xf32>
    %add3A_1039 = arith.addf %get3A_1031, %select_n3A_1038 : vector<16xf32>
    %swap3A_1040 = arith.constant 0 : index
    %swap3A_1041 = tpu.vector_load %arg30[%swap3A_1040] {strides = array<i32>} : memref<128xf32, #tpu.memory_space<vmem>>, vector<16xf32>,
    tpu.vector_store %arg30[%swap3A_1040], %add3A_1039 {strides = array<i32>} : memref<128xf32, #tpu.memory_space<vmem>>, vector<16xf32>,
    %get3A_1042 = arith.constant 16 : index
    %get3A_1043 = tpu.vector_load %arg18[%get3A_1042] {strides = array<i32>} : memref<512xi32, #tpu.memory_space<vmem>>, vector<16xi32>,
    %ge3A_1044 = arith.constant 0 : i32
    %ge3A_1045 = vector.broadcast %ge3A_1044 : i32 to vector<16xi32>
    %ge3A_1046 = arith.cmpi sge, %get3A_1043, %ge3A_1045 : vector<16xi32>
    %get3A_1047 = arith.constant 16 : index
    %get3A_1048 = tpu.vector_load %arg22[%get3A_1047] {strides = array<i32>} : memref<512xf32, #tpu.memory_space<vmem>>, vector<16xf32>,
    %get3A_1049 = arith.constant 16 : index
    %get3A_1050 = tpu.vector_load %arg21[%get3A_1049] {strides = array<i32>} : memref<512xf32, #tpu.memory_space<vmem>>, vector<16xf32>,
    %select_n3A_1051 = arith.select %ge3A_1046, %get3A_1048, %get3A_1050 : vector<16xi1>, vector<16xf32>
    %swap3A_1052 = arith.constant 16 : index
    %swap3A_1053 = tpu.vector_load %arg26[%swap3A_1052] {strides = array<i32>} : memref<512xf32, #tpu.memory_space<vmem>>, vector<16xf32>,
    tpu.vector_store %arg26[%swap3A_1052], %select_n3A_1051 {strides = array<i32>} : memref<512xf32, #tpu.memory_space<vmem>>, vector<16xf32>,
    %get3A_1054 = arith.constant 16 : index
    %get3A_1055 = tpu.vector_load %arg23[%get3A_1054] {strides = array<i32>} : memref<512xf32, #tpu.memory_space<vmem>>, vector<16xf32>,
    %get3A_1056 = arith.constant 16 : index
    %get3A_1057 = tpu.vector_load %arg20[%get3A_1056] {strides = array<i32>} : memref<512xf32, #tpu.memory_space<vmem>>, vector<16xf32>,
    %select_n3A_1058 = arith.select %ge3A_1046, %get3A_1055, %get3A_1057 : vector<16xi1>, vector<16xf32>
    %swap3A_1059 = arith.constant 16 : index
    %swap3A_1060 = tpu.vector_load %arg27[%swap3A_1059] {strides = array<i32>} : memref<512xf32, #tpu.memory_space<vmem>>, vector<16xf32>,
    tpu.vector_store %arg27[%swap3A_1059], %select_n3A_1058 {strides = array<i32>} : memref<512xf32, #tpu.memory_space<vmem>>, vector<16xf32>,
    %jit3A_1061 = arith.constant 1.000000e+00 : f32
    %jit3A_1062 = arith.constant 0.000000e+00 : f32
    %broadcast_in_dim3A_1063 = vector.broadcast %jit3A_1061 : f32 to vector<16xf32>
    %broadcast_in_dim3A_1064 = vector.broadcast %jit3A_1062 : f32 to vector<16xf32>
    %select_n3A_1065 = arith.select %ge3A_1046, %broadcast_in_dim3A_1063, %broadcast_in_dim3A_1064 : vector<16xi1>, vector<16xf32>
    %swap3A_1066 = arith.constant 16 : index
    %swap3A_1067 = tpu.vector_load %arg28[%swap3A_1066] {strides = array<i32>} : memref<512xf32, #tpu.memory_space<vmem>>, vector<16xf32>,
    tpu.vector_store %arg28[%swap3A_1066], %select_n3A_1065 {strides = array<i32>} : memref<512xf32, #tpu.memory_space<vmem>>, vector<16xf32>,
    %add3A_1068 = arith.constant 16 : i32
    %add3A_1069 = arith.addi %mul3A_2, %add3A_1068 : i32
    %add3A_1070 = vector.broadcast %add3A_1069 : i32 to vector<16xi32>
    %add3A_1071 = arith.addi %iota3A, %add3A_1070 : vector<16xi32>
    %get3A_1072 = arith.constant 16 : index
    %get3A_1073 = tpu.vector_load %arg19[%get3A_1072] {strides = array<i32>} : memref<512xi32, #tpu.memory_space<vmem>>, vector<16xi32>,
    %eq3A_1074 = arith.cmpi eq, %get3A_1073, %add3A_1071 : vector<16xi32>
    %get3A_1075 = arith.constant 0 : index
    %get3A_1076 = tpu.vector_load %arg30[%get3A_1075] {strides = array<i32>} : memref<128xf32, #tpu.memory_space<vmem>>, vector<16xf32>,
    %get3A_1077 = arith.constant 16 : index
    %get3A_1078 = tpu.vector_load %arg25[%get3A_1077] {strides = array<i32>} : memref<512xf32, #tpu.memory_space<vmem>>, vector<16xf32>,
    %get3A_1079 = arith.constant 16 : index
    %get3A_1080 = tpu.vector_load %arg24[%get3A_1079] {strides = array<i32>} : memref<512xf32, #tpu.memory_space<vmem>>, vector<16xf32>,
    %sub3A_1081 = arith.subf %get3A_1078, %get3A_1080 : vector<16xf32>
    %jit3A_1082 = arith.constant 0.000000e+00 : f32
    %broadcast_in_dim3A_1083 = vector.broadcast %jit3A_1082 : f32 to vector<16xf32>
    %select_n3A_1084 = arith.select %eq3A_1074, %sub3A_1081, %broadcast_in_dim3A_1083 : vector<16xi1>, vector<16xf32>
    %add3A_1085 = arith.addf %get3A_1076, %select_n3A_1084 : vector<16xf32>
    %swap3A_1086 = arith.constant 0 : index
    %swap3A_1087 = tpu.vector_load %arg30[%swap3A_1086] {strides = array<i32>} : memref<128xf32, #tpu.memory_space<vmem>>, vector<16xf32>,
    tpu.vector_store %arg30[%swap3A_1086], %add3A_1085 {strides = array<i32>} : memref<128xf32, #tpu.memory_space<vmem>>, vector<16xf32>,
    %get3A_1088 = arith.constant 32 : index
    %get3A_1089 = tpu.vector_load %arg18[%get3A_1088] {strides = array<i32>} : memref<512xi32, #tpu.memory_space<vmem>>, vector<16xi32>,
    %ge3A_1090 = arith.constant 0 : i32
    %ge3A_1091 = vector.broadcast %ge3A_1090 : i32 to vector<16xi32>
    %ge3A_1092 = arith.cmpi sge, %get3A_1089, %ge3A_1091 : vector<16xi32>
    %get3A_1093 = arith.constant 32 : index
    %get3A_1094 = tpu.vector_load %arg22[%get3A_1093] {strides = array<i32>} : memref<512xf32, #tpu.memory_space<vmem>>, vector<16xf32>,
    %get3A_1095 = arith.constant 32 : index
    %get3A_1096 = tpu.vector_load %arg21[%get3A_1095] {strides = array<i32>} : memref<512xf32, #tpu.memory_space<vmem>>, vector<16xf32>,
    %select_n3A_1097 = arith.select %ge3A_1092, %get3A_1094, %get3A_1096 : vector<16xi1>, vector<16xf32>
    %swap3A_1098 = arith.constant 32 : index
    %swap3A_1099 = tpu.vector_load %arg26[%swap3A_1098] {strides = array<i32>} : memref<512xf32, #tpu.memory_space<vmem>>, vector<16xf32>,
    tpu.vector_store %arg26[%swap3A_1098], %select_n3A_1097 {strides = array<i32>} : memref<512xf32, #tpu.memory_space<vmem>>, vector<16xf32>,
    %get3A_1100 = arith.constant 32 : index
    %get3A_1101 = tpu.vector_load %arg23[%get3A_1100] {strides = array<i32>} : memref<512xf32, #tpu.memory_space<vmem>>, vector<16xf32>,
    %get3A_1102 = arith.constant 32 : index
    %get3A_1103 = tpu.vector_load %arg20[%get3A_1102] {strides = array<i32>} : memref<512xf32, #tpu.memory_space<vmem>>, vector<16xf32>,
    %select_n3A_1104 = arith.select %ge3A_1092, %get3A_1101, %get3A_1103 : vector<16xi1>, vector<16xf32>
    %swap3A_1105 = arith.constant 32 : index
    %swap3A_1106 = tpu.vector_load %arg27[%swap3A_1105] {strides = array<i32>} : memref<512xf32, #tpu.memory_space<vmem>>, vector<16xf32>,
    tpu.vector_store %arg27[%swap3A_1105], %select_n3A_1104 {strides = array<i32>} : memref<512xf32, #tpu.memory_space<vmem>>, vector<16xf32>,
    %jit3A_1107 = arith.constant 1.000000e+00 : f32
    %jit3A_1108 = arith.constant 0.000000e+00 : f32
    %broadcast_in_dim3A_1109 = vector.broadcast %jit3A_1107 : f32 to vector<16xf32>
    %broadcast_in_dim3A_1110 = vector.broadcast %jit3A_1108 : f32 to vector<16xf32>
    %select_n3A_1111 = arith.select %ge3A_1092, %broadcast_in_dim3A_1109, %broadcast_in_dim3A_1110 : vector<16xi1>, vector<16xf32>
    %swap3A_1112 = arith.constant 32 : index
    %swap3A_1113 = tpu.vector_load %arg28[%swap3A_1112] {strides = array<i32>} : memref<512xf32, #tpu.memory_space<vmem>>, vector<16xf32>,
    tpu.vector_store %arg28[%swap3A_1112], %select_n3A_1111 {strides = array<i32>} : memref<512xf32, #tpu.memory_space<vmem>>, vector<16xf32>,
    %add3A_1114 = arith.constant 32 : i32
    %add3A_1115 = arith.addi %mul3A_2, %add3A_1114 : i32
    %add3A_1116 = vector.broadcast %add3A_1115 : i32 to vector<16xi32>
    %add3A_1117 = arith.addi %iota3A, %add3A_1116 : vector<16xi32>
    %get3A_1118 = arith.constant 32 : index
    %get3A_1119 = tpu.vector_load %arg19[%get3A_1118] {strides = array<i32>} : memref<512xi32, #tpu.memory_space<vmem>>, vector<16xi32>,
    %eq3A_1120 = arith.cmpi eq, %get3A_1119, %add3A_1117 : vector<16xi32>
    %get3A_1121 = arith.constant 0 : index
    %get3A_1122 = tpu.vector_load %arg30[%get3A_1121] {strides = array<i32>} : memref<128xf32, #tpu.memory_space<vmem>>, vector<16xf32>,
    %get3A_1123 = arith.constant 32 : index
    %get3A_1124 = tpu.vector_load %arg25[%get3A_1123] {strides = array<i32>} : memref<512xf32, #tpu.memory_space<vmem>>, vector<16xf32>,
    %get3A_1125 = arith.constant 32 : index
    %get3A_1126 = tpu.vector_load %arg24[%get3A_1125] {strides = array<i32>} : memref<512xf32, #tpu.memory_space<vmem>>, vector<16xf32>,
    %sub3A_1127 = arith.subf %get3A_1124, %get3A_1126 : vector<16xf32>
    %jit3A_1128 = arith.constant 0.000000e+00 : f32
    %broadcast_in_dim3A_1129 = vector.broadcast %jit3A_1128 : f32 to vector<16xf32>
    %select_n3A_1130 = arith.select %eq3A_1120, %sub3A_1127, %broadcast_in_dim3A_1129 : vector<16xi1>, vector<16xf32>
    %add3A_1131 = arith.addf %get3A_1122, %select_n3A_1130 : vector<16xf32>
    %swap3A_1132 = arith.constant 0 : index
    %swap3A_1133 = tpu.vector_load %arg30[%swap3A_1132] {strides = array<i32>} : memref<128xf32, #tpu.memory_space<vmem>>, vector<16xf32>,
    tpu.vector_store %arg30[%swap3A_1132], %add3A_1131 {strides = array<i32>} : memref<128xf32, #tpu.memory_space<vmem>>, vector<16xf32>,
    %get3A_1134 = arith.constant 48 : index
    %get3A_1135 = tpu.vector_load %arg18[%get3A_1134] {strides = array<i32>} : memref<512xi32, #tpu.memory_space<vmem>>, vector<16xi32>,
    %ge3A_1136 = arith.constant 0 : i32
    %ge3A_1137 = vector.broadcast %ge3A_1136 : i32 to vector<16xi32>
    %ge3A_1138 = arith.cmpi sge, %get3A_1135, %ge3A_1137 : vector<16xi32>
    %get3A_1139 = arith.constant 48 : index
    %get3A_1140 = tpu.vector_load %arg22[%get3A_1139] {strides = array<i32>} : memref<512xf32, #tpu.memory_space<vmem>>, vector<16xf32>,
    %get3A_1141 = arith.constant 48 : index
    %get3A_1142 = tpu.vector_load %arg21[%get3A_1141] {strides = array<i32>} : memref<512xf32, #tpu.memory_space<vmem>>, vector<16xf32>,
    %select_n3A_1143 = arith.select %ge3A_1138, %get3A_1140, %get3A_1142 : vector<16xi1>, vector<16xf32>
    %swap3A_1144 = arith.constant 48 : index
    %swap3A_1145 = tpu.vector_load %arg26[%swap3A_1144] {strides = array<i32>} : memref<512xf32, #tpu.memory_space<vmem>>, vector<16xf32>,
    tpu.vector_store %arg26[%swap3A_1144], %select_n3A_1143 {strides = array<i32>} : memref<512xf32, #tpu.memory_space<vmem>>, vector<16xf32>,
    %get3A_1146 = arith.constant 48 : index
    %get3A_1147 = tpu.vector_load %arg23[%get3A_1146] {strides = array<i32>} : memref<512xf32, #tpu.memory_space<vmem>>, vector<16xf32>,
    %get3A_1148 = arith.constant 48 : index
    %get3A_1149 = tpu.vector_load %arg20[%get3A_1148] {strides = array<i32>} : memref<512xf32, #tpu.memory_space<vmem>>, vector<16xf32>,
    %select_n3A_1150 = arith.select %ge3A_1138, %get3A_1147, %get3A_1149 : vector<16xi1>, vector<16xf32>
    %swap3A_1151 = arith.constant 48 : index
    %swap3A_1152 = tpu.vector_load %arg27[%swap3A_1151] {strides = array<i32>} : memref<512xf32, #tpu.memory_space<vmem>>, vector<16xf32>,
    tpu.vector_store %arg27[%swap3A_1151], %select_n3A_1150 {strides = array<i32>} : memref<512xf32, #tpu.memory_space<vmem>>, vector<16xf32>,
    %jit3A_1153 = arith.constant 1.000000e+00 : f32
    %jit3A_1154 = arith.constant 0.000000e+00 : f32
    %broadcast_in_dim3A_1155 = vector.broadcast %jit3A_1153 : f32 to vector<16xf32>
    %broadcast_in_dim3A_1156 = vector.broadcast %jit3A_1154 : f32 to vector<16xf32>
    %select_n3A_1157 = arith.select %ge3A_1138, %broadcast_in_dim3A_1155, %broadcast_in_dim3A_1156 : vector<16xi1>, vector<16xf32>
    %swap3A_1158 = arith.constant 48 : index
    %swap3A_1159 = tpu.vector_load %arg28[%swap3A_1158] {strides = array<i32>} : memref<512xf32, #tpu.memory_space<vmem>>, vector<16xf32>,
    tpu.vector_store %arg28[%swap3A_1158], %select_n3A_1157 {strides = array<i32>} : memref<512xf32, #tpu.memory_space<vmem>>, vector<16xf32>,
    %add3A_1160 = arith.constant 48 : i32
    %add3A_1161 = arith.addi %mul3A_2, %add3A_1160 : i32
    %add3A_1162 = vector.broadcast %add3A_1161 : i32 to vector<16xi32>
    %add3A_1163 = arith.addi %iota3A, %add3A_1162 : vector<16xi32>
    %get3A_1164 = arith.constant 48 : index
    %get3A_1165 = tpu.vector_load %arg19[%get3A_1164] {strides = array<i32>} : memref<512xi32, #tpu.memory_space<vmem>>, vector<16xi32>,
    %eq3A_1166 = arith.cmpi eq, %get3A_1165, %add3A_1163 : vector<16xi32>
    %get3A_1167 = arith.constant 0 : index
    %get3A_1168 = tpu.vector_load %arg30[%get3A_1167] {strides = array<i32>} : memref<128xf32, #tpu.memory_space<vmem>>, vector<16xf32>,
    %get3A_1169 = arith.constant 48 : index
    %get3A_1170 = tpu.vector_load %arg25[%get3A_1169] {strides = array<i32>} : memref<512xf32, #tpu.memory_space<vmem>>, vector<16xf32>,
    %get3A_1171 = arith.constant 48 : index
    %get3A_1172 = tpu.vector_load %arg24[%get3A_1171] {strides = array<i32>} : memref<512xf32, #tpu.memory_space<vmem>>, vector<16xf32>,
    %sub3A_1173 = arith.subf %get3A_1170, %get3A_1172 : vector<16xf32>
    %jit3A_1174 = arith.constant 0.000000e+00 : f32
    %broadcast_in_dim3A_1175 = vector.broadcast %jit3A_1174 : f32 to vector<16xf32>
    %select_n3A_1176 = arith.select %eq3A_1166, %sub3A_1173, %broadcast_in_dim3A_1175 : vector<16xi1>, vector<16xf32>
    %add3A_1177 = arith.addf %get3A_1168, %select_n3A_1176 : vector<16xf32>
    %swap3A_1178 = arith.constant 0 : index
    %swap3A_1179 = tpu.vector_load %arg30[%swap3A_1178] {strides = array<i32>} : memref<128xf32, #tpu.memory_space<vmem>>, vector<16xf32>,
    tpu.vector_store %arg30[%swap3A_1178], %add3A_1177 {strides = array<i32>} : memref<128xf32, #tpu.memory_space<vmem>>, vector<16xf32>,
    %get3A_1180 = arith.constant 64 : index
    %get3A_1181 = tpu.vector_load %arg18[%get3A_1180] {strides = array<i32>} : memref<512xi32, #tpu.memory_space<vmem>>, vector<16xi32>,
    %ge3A_1182 = arith.constant 0 : i32
    %ge3A_1183 = vector.broadcast %ge3A_1182 : i32 to vector<16xi32>
    %ge3A_1184 = arith.cmpi sge, %get3A_1181, %ge3A_1183 : vector<16xi32>
    %get3A_1185 = arith.constant 64 : index
    %get3A_1186 = tpu.vector_load %arg22[%get3A_1185] {strides = array<i32>} : memref<512xf32, #tpu.memory_space<vmem>>, vector<16xf32>,
    %get3A_1187 = arith.constant 64 : index
    %get3A_1188 = tpu.vector_load %arg21[%get3A_1187] {strides = array<i32>} : memref<512xf32, #tpu.memory_space<vmem>>, vector<16xf32>,
    %select_n3A_1189 = arith.select %ge3A_1184, %get3A_1186, %get3A_1188 : vector<16xi1>, vector<16xf32>
    %swap3A_1190 = arith.constant 64 : index
    %swap3A_1191 = tpu.vector_load %arg26[%swap3A_1190] {strides = array<i32>} : memref<512xf32, #tpu.memory_space<vmem>>, vector<16xf32>,
    tpu.vector_store %arg26[%swap3A_1190], %select_n3A_1189 {strides = array<i32>} : memref<512xf32, #tpu.memory_space<vmem>>, vector<16xf32>,
    %get3A_1192 = arith.constant 64 : index
    %get3A_1193 = tpu.vector_load %arg23[%get3A_1192] {strides = array<i32>} : memref<512xf32, #tpu.memory_space<vmem>>, vector<16xf32>,
    %get3A_1194 = arith.constant 64 : index
    %get3A_1195 = tpu.vector_load %arg20[%get3A_1194] {strides = array<i32>} : memref<512xf32, #tpu.memory_space<vmem>>, vector<16xf32>,
    %select_n3A_1196 = arith.select %ge3A_1184, %get3A_1193, %get3A_1195 : vector<16xi1>, vector<16xf32>
    %swap3A_1197 = arith.constant 64 : index
    %swap3A_1198 = tpu.vector_load %arg27[%swap3A_1197] {strides = array<i32>} : memref<512xf32, #tpu.memory_space<vmem>>, vector<16xf32>,
    tpu.vector_store %arg27[%swap3A_1197], %select_n3A_1196 {strides = array<i32>} : memref<512xf32, #tpu.memory_space<vmem>>, vector<16xf32>,
    %jit3A_1199 = arith.constant 1.000000e+00 : f32
    %jit3A_1200 = arith.constant 0.000000e+00 : f32
    %broadcast_in_dim3A_1201 = vector.broadcast %jit3A_1199 : f32 to vector<16xf32>
    %broadcast_in_dim3A_1202 = vector.broadcast %jit3A_1200 : f32 to vector<16xf32>
    %select_n3A_1203 = arith.select %ge3A_1184, %broadcast_in_dim3A_1201, %broadcast_in_dim3A_1202 : vector<16xi1>, vector<16xf32>
    %swap3A_1204 = arith.constant 64 : index
    %swap3A_1205 = tpu.vector_load %arg28[%swap3A_1204] {strides = array<i32>} : memref<512xf32, #tpu.memory_space<vmem>>, vector<16xf32>,
    tpu.vector_store %arg28[%swap3A_1204], %select_n3A_1203 {strides = array<i32>} : memref<512xf32, #tpu.memory_space<vmem>>, vector<16xf32>,
    %add3A_1206 = arith.constant 64 : i32
    %add3A_1207 = arith.addi %mul3A_2, %add3A_1206 : i32
    %add3A_1208 = vector.broadcast %add3A_1207 : i32 to vector<16xi32>
    %add3A_1209 = arith.addi %iota3A, %add3A_1208 : vector<16xi32>
    %get3A_1210 = arith.constant 64 : index
    %get3A_1211 = tpu.vector_load %arg19[%get3A_1210] {strides = array<i32>} : memref<512xi32, #tpu.memory_space<vmem>>, vector<16xi32>,
    %eq3A_1212 = arith.cmpi eq, %get3A_1211, %add3A_1209 : vector<16xi32>
    %get3A_1213 = arith.constant 0 : index
    %get3A_1214 = tpu.vector_load %arg30[%get3A_1213] {strides = array<i32>} : memref<128xf32, #tpu.memory_space<vmem>>, vector<16xf32>,
    %get3A_1215 = arith.constant 64 : index
    %get3A_1216 = tpu.vector_load %arg25[%get3A_1215] {strides = array<i32>} : memref<512xf32, #tpu.memory_space<vmem>>, vector<16xf32>,
    %get3A_1217 = arith.constant 64 : index
    %get3A_1218 = tpu.vector_load %arg24[%get3A_1217] {strides = array<i32>} : memref<512xf32, #tpu.memory_space<vmem>>, vector<16xf32>,
    %sub3A_1219 = arith.subf %get3A_1216, %get3A_1218 : vector<16xf32>
    %jit3A_1220 = arith.constant 0.000000e+00 : f32
    %broadcast_in_dim3A_1221 = vector.broadcast %jit3A_1220 : f32 to vector<16xf32>
    %select_n3A_1222 = arith.select %eq3A_1212, %sub3A_1219, %broadcast_in_dim3A_1221 : vector<16xi1>, vector<16xf32>
    %add3A_1223 = arith.addf %get3A_1214, %select_n3A_1222 : vector<16xf32>
    %swap3A_1224 = arith.constant 0 : index
    %swap3A_1225 = tpu.vector_load %arg30[%swap3A_1224] {strides = array<i32>} : memref<128xf32, #tpu.memory_space<vmem>>, vector<16xf32>,
    tpu.vector_store %arg30[%swap3A_1224], %add3A_1223 {strides = array<i32>} : memref<128xf32, #tpu.memory_space<vmem>>, vector<16xf32>,
    %get3A_1226 = arith.constant 80 : index
    %get3A_1227 = tpu.vector_load %arg18[%get3A_1226] {strides = array<i32>} : memref<512xi32, #tpu.memory_space<vmem>>, vector<16xi32>,
    %ge3A_1228 = arith.constant 0 : i32
    %ge3A_1229 = vector.broadcast %ge3A_1228 : i32 to vector<16xi32>
    %ge3A_1230 = arith.cmpi sge, %get3A_1227, %ge3A_1229 : vector<16xi32>
    %get3A_1231 = arith.constant 80 : index
    %get3A_1232 = tpu.vector_load %arg22[%get3A_1231] {strides = array<i32>} : memref<512xf32, #tpu.memory_space<vmem>>, vector<16xf32>,
    %get3A_1233 = arith.constant 80 : index
    %get3A_1234 = tpu.vector_load %arg21[%get3A_1233] {strides = array<i32>} : memref<512xf32, #tpu.memory_space<vmem>>, vector<16xf32>,
    %select_n3A_1235 = arith.select %ge3A_1230, %get3A_1232, %get3A_1234 : vector<16xi1>, vector<16xf32>
    %swap3A_1236 = arith.constant 80 : index
    %swap3A_1237 = tpu.vector_load %arg26[%swap3A_1236] {strides = array<i32>} : memref<512xf32, #tpu.memory_space<vmem>>, vector<16xf32>,
    tpu.vector_store %arg26[%swap3A_1236], %select_n3A_1235 {strides = array<i32>} : memref<512xf32, #tpu.memory_space<vmem>>, vector<16xf32>,
    %get3A_1238 = arith.constant 80 : index
    %get3A_1239 = tpu.vector_load %arg23[%get3A_1238] {strides = array<i32>} : memref<512xf32, #tpu.memory_space<vmem>>, vector<16xf32>,
    %get3A_1240 = arith.constant 80 : index
    %get3A_1241 = tpu.vector_load %arg20[%get3A_1240] {strides = array<i32>} : memref<512xf32, #tpu.memory_space<vmem>>, vector<16xf32>,
    %select_n3A_1242 = arith.select %ge3A_1230, %get3A_1239, %get3A_1241 : vector<16xi1>, vector<16xf32>
    %swap3A_1243 = arith.constant 80 : index
    %swap3A_1244 = tpu.vector_load %arg27[%swap3A_1243] {strides = array<i32>} : memref<512xf32, #tpu.memory_space<vmem>>, vector<16xf32>,
    tpu.vector_store %arg27[%swap3A_1243], %select_n3A_1242 {strides = array<i32>} : memref<512xf32, #tpu.memory_space<vmem>>, vector<16xf32>,
    %jit3A_1245 = arith.constant 1.000000e+00 : f32
    %jit3A_1246 = arith.constant 0.000000e+00 : f32
    %broadcast_in_dim3A_1247 = vector.broadcast %jit3A_1245 : f32 to vector<16xf32>
    %broadcast_in_dim3A_1248 = vector.broadcast %jit3A_1246 : f32 to vector<16xf32>
    %select_n3A_1249 = arith.select %ge3A_1230, %broadcast_in_dim3A_1247, %broadcast_in_dim3A_1248 : vector<16xi1>, vector<16xf32>
    %swap3A_1250 = arith.constant 80 : index
    %swap3A_1251 = tpu.vector_load %arg28[%swap3A_1250] {strides = array<i32>} : memref<512xf32, #tpu.memory_space<vmem>>, vector<16xf32>,
    tpu.vector_store %arg28[%swap3A_1250], %select_n3A_1249 {strides = array<i32>} : memref<512xf32, #tpu.memory_space<vmem>>, vector<16xf32>,
    %add3A_1252 = arith.constant 80 : i32
    %add3A_1253 = arith.addi %mul3A_2, %add3A_1252 : i32
    %add3A_1254 = vector.broadcast %add3A_1253 : i32 to vector<16xi32>
    %add3A_1255 = arith.addi %iota3A, %add3A_1254 : vector<16xi32>
    %get3A_1256 = arith.constant 80 : index
    %get3A_1257 = tpu.vector_load %arg19[%get3A_1256] {strides = array<i32>} : memref<512xi32, #tpu.memory_space<vmem>>, vector<16xi32>,
    %eq3A_1258 = arith.cmpi eq, %get3A_1257, %add3A_1255 : vector<16xi32>
    %get3A_1259 = arith.constant 0 : index
    %get3A_1260 = tpu.vector_load %arg30[%get3A_1259] {strides = array<i32>} : memref<128xf32, #tpu.memory_space<vmem>>, vector<16xf32>,
    %get3A_1261 = arith.constant 80 : index
    %get3A_1262 = tpu.vector_load %arg25[%get3A_1261] {strides = array<i32>} : memref<512xf32, #tpu.memory_space<vmem>>, vector<16xf32>,
    %get3A_1263 = arith.constant 80 : index
    %get3A_1264 = tpu.vector_load %arg24[%get3A_1263] {strides = array<i32>} : memref<512xf32, #tpu.memory_space<vmem>>, vector<16xf32>,
    %sub3A_1265 = arith.subf %get3A_1262, %get3A_1264 : vector<16xf32>
    %jit3A_1266 = arith.constant 0.000000e+00 : f32
    %broadcast_in_dim3A_1267 = vector.broadcast %jit3A_1266 : f32 to vector<16xf32>
    %select_n3A_1268 = arith.select %eq3A_1258, %sub3A_1265, %broadcast_in_dim3A_1267 : vector<16xi1>, vector<16xf32>
    %add3A_1269 = arith.addf %get3A_1260, %select_n3A_1268 : vector<16xf32>
    %swap3A_1270 = arith.constant 0 : index
    %swap3A_1271 = tpu.vector_load %arg30[%swap3A_1270] {strides = array<i32>} : memref<128xf32, #tpu.memory_space<vmem>>, vector<16xf32>,
    tpu.vector_store %arg30[%swap3A_1270], %add3A_1269 {strides = array<i32>} : memref<128xf32, #tpu.memory_space<vmem>>, vector<16xf32>,
    %get3A_1272 = arith.constant 96 : index
    %get3A_1273 = tpu.vector_load %arg18[%get3A_1272] {strides = array<i32>} : memref<512xi32, #tpu.memory_space<vmem>>, vector<16xi32>,
    %ge3A_1274 = arith.constant 0 : i32
    %ge3A_1275 = vector.broadcast %ge3A_1274 : i32 to vector<16xi32>
    %ge3A_1276 = arith.cmpi sge, %get3A_1273, %ge3A_1275 : vector<16xi32>
    %get3A_1277 = arith.constant 96 : index
    %get3A_1278 = tpu.vector_load %arg22[%get3A_1277] {strides = array<i32>} : memref<512xf32, #tpu.memory_space<vmem>>, vector<16xf32>,
    %get3A_1279 = arith.constant 96 : index
    %get3A_1280 = tpu.vector_load %arg21[%get3A_1279] {strides = array<i32>} : memref<512xf32, #tpu.memory_space<vmem>>, vector<16xf32>,
    %select_n3A_1281 = arith.select %ge3A_1276, %get3A_1278, %get3A_1280 : vector<16xi1>, vector<16xf32>
    %swap3A_1282 = arith.constant 96 : index
    %swap3A_1283 = tpu.vector_load %arg26[%swap3A_1282] {strides = array<i32>} : memref<512xf32, #tpu.memory_space<vmem>>, vector<16xf32>,
    tpu.vector_store %arg26[%swap3A_1282], %select_n3A_1281 {strides = array<i32>} : memref<512xf32, #tpu.memory_space<vmem>>, vector<16xf32>,
    %get3A_1284 = arith.constant 96 : index
    %get3A_1285 = tpu.vector_load %arg23[%get3A_1284] {strides = array<i32>} : memref<512xf32, #tpu.memory_space<vmem>>, vector<16xf32>,
    %get3A_1286 = arith.constant 96 : index
    %get3A_1287 = tpu.vector_load %arg20[%get3A_1286] {strides = array<i32>} : memref<512xf32, #tpu.memory_space<vmem>>, vector<16xf32>,
    %select_n3A_1288 = arith.select %ge3A_1276, %get3A_1285, %get3A_1287 : vector<16xi1>, vector<16xf32>
    %swap3A_1289 = arith.constant 96 : index
    %swap3A_1290 = tpu.vector_load %arg27[%swap3A_1289] {strides = array<i32>} : memref<512xf32, #tpu.memory_space<vmem>>, vector<16xf32>,
    tpu.vector_store %arg27[%swap3A_1289], %select_n3A_1288 {strides = array<i32>} : memref<512xf32, #tpu.memory_space<vmem>>, vector<16xf32>,
    %jit3A_1291 = arith.constant 1.000000e+00 : f32
    %jit3A_1292 = arith.constant 0.000000e+00 : f32
    %broadcast_in_dim3A_1293 = vector.broadcast %jit3A_1291 : f32 to vector<16xf32>
    %broadcast_in_dim3A_1294 = vector.broadcast %jit3A_1292 : f32 to vector<16xf32>
    %select_n3A_1295 = arith.select %ge3A_1276, %broadcast_in_dim3A_1293, %broadcast_in_dim3A_1294 : vector<16xi1>, vector<16xf32>
    %swap3A_1296 = arith.constant 96 : index
    %swap3A_1297 = tpu.vector_load %arg28[%swap3A_1296] {strides = array<i32>} : memref<512xf32, #tpu.memory_space<vmem>>, vector<16xf32>,
    tpu.vector_store %arg28[%swap3A_1296], %select_n3A_1295 {strides = array<i32>} : memref<512xf32, #tpu.memory_space<vmem>>, vector<16xf32>,
    %add3A_1298 = arith.constant 96 : i32
    %add3A_1299 = arith.addi %mul3A_2, %add3A_1298 : i32
    %add3A_1300 = vector.broadcast %add3A_1299 : i32 to vector<16xi32>
    %add3A_1301 = arith.addi %iota3A, %add3A_1300 : vector<16xi32>
    %get3A_1302 = arith.constant 96 : index
    %get3A_1303 = tpu.vector_load %arg19[%get3A_1302] {strides = array<i32>} : memref<512xi32, #tpu.memory_space<vmem>>, vector<16xi32>,
    %eq3A_1304 = arith.cmpi eq, %get3A_1303, %add3A_1301 : vector<16xi32>
    %get3A_1305 = arith.constant 0 : index
    %get3A_1306 = tpu.vector_load %arg30[%get3A_1305] {strides = array<i32>} : memref<128xf32, #tpu.memory_space<vmem>>, vector<16xf32>,
    %get3A_1307 = arith.constant 96 : index
    %get3A_1308 = tpu.vector_load %arg25[%get3A_1307] {strides = array<i32>} : memref<512xf32, #tpu.memory_space<vmem>>, vector<16xf32>,
    %get3A_1309 = arith.constant 96 : index
    %get3A_1310 = tpu.vector_load %arg24[%get3A_1309] {strides = array<i32>} : memref<512xf32, #tpu.memory_space<vmem>>, vector<16xf32>,
    %sub3A_1311 = arith.subf %get3A_1308, %get3A_1310 : vector<16xf32>
    %jit3A_1312 = arith.constant 0.000000e+00 : f32
    %broadcast_in_dim3A_1313 = vector.broadcast %jit3A_1312 : f32 to vector<16xf32>
    %select_n3A_1314 = arith.select %eq3A_1304, %sub3A_1311, %broadcast_in_dim3A_1313 : vector<16xi1>, vector<16xf32>
    %add3A_1315 = arith.addf %get3A_1306, %select_n3A_1314 : vector<16xf32>
    %swap3A_1316 = arith.constant 0 : index
    %swap3A_1317 = tpu.vector_load %arg30[%swap3A_1316] {strides = array<i32>} : memref<128xf32, #tpu.memory_space<vmem>>, vector<16xf32>,
    tpu.vector_store %arg30[%swap3A_1316], %add3A_1315 {strides = array<i32>} : memref<128xf32, #tpu.memory_space<vmem>>, vector<16xf32>,
    %get3A_1318 = arith.constant 112 : index
    %get3A_1319 = tpu.vector_load %arg18[%get3A_1318] {strides = array<i32>} : memref<512xi32, #tpu.memory_space<vmem>>, vector<16xi32>,
    %ge3A_1320 = arith.constant 0 : i32
    %ge3A_1321 = vector.broadcast %ge3A_1320 : i32 to vector<16xi32>
    %ge3A_1322 = arith.cmpi sge, %get3A_1319, %ge3A_1321 : vector<16xi32>
    %get3A_1323 = arith.constant 112 : index
    %get3A_1324 = tpu.vector_load %arg22[%get3A_1323] {strides = array<i32>} : memref<512xf32, #tpu.memory_space<vmem>>, vector<16xf32>,
    %get3A_1325 = arith.constant 112 : index
    %get3A_1326 = tpu.vector_load %arg21[%get3A_1325] {strides = array<i32>} : memref<512xf32, #tpu.memory_space<vmem>>, vector<16xf32>,
    %select_n3A_1327 = arith.select %ge3A_1322, %get3A_1324, %get3A_1326 : vector<16xi1>, vector<16xf32>
    %swap3A_1328 = arith.constant 112 : index
    %swap3A_1329 = tpu.vector_load %arg26[%swap3A_1328] {strides = array<i32>} : memref<512xf32, #tpu.memory_space<vmem>>, vector<16xf32>,
    tpu.vector_store %arg26[%swap3A_1328], %select_n3A_1327 {strides = array<i32>} : memref<512xf32, #tpu.memory_space<vmem>>, vector<16xf32>,
    %get3A_1330 = arith.constant 112 : index
    %get3A_1331 = tpu.vector_load %arg23[%get3A_1330] {strides = array<i32>} : memref<512xf32, #tpu.memory_space<vmem>>, vector<16xf32>,
    %get3A_1332 = arith.constant 112 : index
    %get3A_1333 = tpu.vector_load %arg20[%get3A_1332] {strides = array<i32>} : memref<512xf32, #tpu.memory_space<vmem>>, vector<16xf32>,
    %select_n3A_1334 = arith.select %ge3A_1322, %get3A_1331, %get3A_1333 : vector<16xi1>, vector<16xf32>
    %swap3A_1335 = arith.constant 112 : index
    %swap3A_1336 = tpu.vector_load %arg27[%swap3A_1335] {strides = array<i32>} : memref<512xf32, #tpu.memory_space<vmem>>, vector<16xf32>,
    tpu.vector_store %arg27[%swap3A_1335], %select_n3A_1334 {strides = array<i32>} : memref<512xf32, #tpu.memory_space<vmem>>, vector<16xf32>,
    %jit3A_1337 = arith.constant 1.000000e+00 : f32
    %jit3A_1338 = arith.constant 0.000000e+00 : f32
    %broadcast_in_dim3A_1339 = vector.broadcast %jit3A_1337 : f32 to vector<16xf32>
    %broadcast_in_dim3A_1340 = vector.broadcast %jit3A_1338 : f32 to vector<16xf32>
    %select_n3A_1341 = arith.select %ge3A_1322, %broadcast_in_dim3A_1339, %broadcast_in_dim3A_1340 : vector<16xi1>, vector<16xf32>
    %swap3A_1342 = arith.constant 112 : index
    %swap3A_1343 = tpu.vector_load %arg28[%swap3A_1342] {strides = array<i32>} : memref<512xf32, #tpu.memory_space<vmem>>, vector<16xf32>,
    tpu.vector_store %arg28[%swap3A_1342], %select_n3A_1341 {strides = array<i32>} : memref<512xf32, #tpu.memory_space<vmem>>, vector<16xf32>,
    %add3A_1344 = arith.constant 112 : i32
    %add3A_1345 = arith.addi %mul3A_2, %add3A_1344 : i32
    %add3A_1346 = vector.broadcast %add3A_1345 : i32 to vector<16xi32>
    %add3A_1347 = arith.addi %iota3A, %add3A_1346 : vector<16xi32>
    %get3A_1348 = arith.constant 112 : index
    %get3A_1349 = tpu.vector_load %arg19[%get3A_1348] {strides = array<i32>} : memref<512xi32, #tpu.memory_space<vmem>>, vector<16xi32>,
    %eq3A_1350 = arith.cmpi eq, %get3A_1349, %add3A_1347 : vector<16xi32>
    %get3A_1351 = arith.constant 0 : index
    %get3A_1352 = tpu.vector_load %arg30[%get3A_1351] {strides = array<i32>} : memref<128xf32, #tpu.memory_space<vmem>>, vector<16xf32>,
    %get3A_1353 = arith.constant 112 : index
    %get3A_1354 = tpu.vector_load %arg25[%get3A_1353] {strides = array<i32>} : memref<512xf32, #tpu.memory_space<vmem>>, vector<16xf32>,
    %get3A_1355 = arith.constant 112 : index
    %get3A_1356 = tpu.vector_load %arg24[%get3A_1355] {strides = array<i32>} : memref<512xf32, #tpu.memory_space<vmem>>, vector<16xf32>,
    %sub3A_1357 = arith.subf %get3A_1354, %get3A_1356 : vector<16xf32>
    %jit3A_1358 = arith.constant 0.000000e+00 : f32
    %broadcast_in_dim3A_1359 = vector.broadcast %jit3A_1358 : f32 to vector<16xf32>
    %select_n3A_1360 = arith.select %eq3A_1350, %sub3A_1357, %broadcast_in_dim3A_1359 : vector<16xi1>, vector<16xf32>
    %add3A_1361 = arith.addf %get3A_1352, %select_n3A_1360 : vector<16xf32>
    %swap3A_1362 = arith.constant 0 : index
    %swap3A_1363 = tpu.vector_load %arg30[%swap3A_1362] {strides = array<i32>} : memref<128xf32, #tpu.memory_space<vmem>>, vector<16xf32>,
    tpu.vector_store %arg30[%swap3A_1362], %add3A_1361 {strides = array<i32>} : memref<128xf32, #tpu.memory_space<vmem>>, vector<16xf32>,
    %get3A_1364 = arith.constant 128 : index
    %get3A_1365 = tpu.vector_load %arg18[%get3A_1364] {strides = array<i32>} : memref<512xi32, #tpu.memory_space<vmem>>, vector<16xi32>,
    %ge3A_1366 = arith.constant 0 : i32
    %ge3A_1367 = vector.broadcast %ge3A_1366 : i32 to vector<16xi32>
    %ge3A_1368 = arith.cmpi sge, %get3A_1365, %ge3A_1367 : vector<16xi32>
    %get3A_1369 = arith.constant 128 : index
    %get3A_1370 = tpu.vector_load %arg22[%get3A_1369] {strides = array<i32>} : memref<512xf32, #tpu.memory_space<vmem>>, vector<16xf32>,
    %get3A_1371 = arith.constant 128 : index
    %get3A_1372 = tpu.vector_load %arg21[%get3A_1371] {strides = array<i32>} : memref<512xf32, #tpu.memory_space<vmem>>, vector<16xf32>,
    %select_n3A_1373 = arith.select %ge3A_1368, %get3A_1370, %get3A_1372 : vector<16xi1>, vector<16xf32>
    %swap3A_1374 = arith.constant 128 : index
    %swap3A_1375 = tpu.vector_load %arg26[%swap3A_1374] {strides = array<i32>} : memref<512xf32, #tpu.memory_space<vmem>>, vector<16xf32>,
    tpu.vector_store %arg26[%swap3A_1374], %select_n3A_1373 {strides = array<i32>} : memref<512xf32, #tpu.memory_space<vmem>>, vector<16xf32>,
    %get3A_1376 = arith.constant 128 : index
    %get3A_1377 = tpu.vector_load %arg23[%get3A_1376] {strides = array<i32>} : memref<512xf32, #tpu.memory_space<vmem>>, vector<16xf32>,
    %get3A_1378 = arith.constant 128 : index
    %get3A_1379 = tpu.vector_load %arg20[%get3A_1378] {strides = array<i32>} : memref<512xf32, #tpu.memory_space<vmem>>, vector<16xf32>,
    %select_n3A_1380 = arith.select %ge3A_1368, %get3A_1377, %get3A_1379 : vector<16xi1>, vector<16xf32>
    %swap3A_1381 = arith.constant 128 : index
    %swap3A_1382 = tpu.vector_load %arg27[%swap3A_1381] {strides = array<i32>} : memref<512xf32, #tpu.memory_space<vmem>>, vector<16xf32>,
    tpu.vector_store %arg27[%swap3A_1381], %select_n3A_1380 {strides = array<i32>} : memref<512xf32, #tpu.memory_space<vmem>>, vector<16xf32>,
    %jit3A_1383 = arith.constant 1.000000e+00 : f32
    %jit3A_1384 = arith.constant 0.000000e+00 : f32
    %broadcast_in_dim3A_1385 = vector.broadcast %jit3A_1383 : f32 to vector<16xf32>
    %broadcast_in_dim3A_1386 = vector.broadcast %jit3A_1384 : f32 to vector<16xf32>
    %select_n3A_1387 = arith.select %ge3A_1368, %broadcast_in_dim3A_1385, %broadcast_in_dim3A_1386 : vector<16xi1>, vector<16xf32>
    %swap3A_1388 = arith.constant 128 : index
    %swap3A_1389 = tpu.vector_load %arg28[%swap3A_1388] {strides = array<i32>} : memref<512xf32, #tpu.memory_space<vmem>>, vector<16xf32>,
    tpu.vector_store %arg28[%swap3A_1388], %select_n3A_1387 {strides = array<i32>} : memref<512xf32, #tpu.memory_space<vmem>>, vector<16xf32>,
    %add3A_1390 = arith.constant 128 : i32
    %add3A_1391 = arith.addi %mul3A_2, %add3A_1390 : i32
    %add3A_1392 = vector.broadcast %add3A_1391 : i32 to vector<16xi32>
    %add3A_1393 = arith.addi %iota3A, %add3A_1392 : vector<16xi32>
    %get3A_1394 = arith.constant 128 : index
    %get3A_1395 = tpu.vector_load %arg19[%get3A_1394] {strides = array<i32>} : memref<512xi32, #tpu.memory_space<vmem>>, vector<16xi32>,
    %eq3A_1396 = arith.cmpi eq, %get3A_1395, %add3A_1393 : vector<16xi32>
    %get3A_1397 = arith.constant 0 : index
    %get3A_1398 = tpu.vector_load %arg30[%get3A_1397] {strides = array<i32>} : memref<128xf32, #tpu.memory_space<vmem>>, vector<16xf32>,
    %get3A_1399 = arith.constant 128 : index
    %get3A_1400 = tpu.vector_load %arg25[%get3A_1399] {strides = array<i32>} : memref<512xf32, #tpu.memory_space<vmem>>, vector<16xf32>,
    %get3A_1401 = arith.constant 128 : index
    %get3A_1402 = tpu.vector_load %arg24[%get3A_1401] {strides = array<i32>} : memref<512xf32, #tpu.memory_space<vmem>>, vector<16xf32>,
    %sub3A_1403 = arith.subf %get3A_1400, %get3A_1402 : vector<16xf32>
    %jit3A_1404 = arith.constant 0.000000e+00 : f32
    %broadcast_in_dim3A_1405 = vector.broadcast %jit3A_1404 : f32 to vector<16xf32>
    %select_n3A_1406 = arith.select %eq3A_1396, %sub3A_1403, %broadcast_in_dim3A_1405 : vector<16xi1>, vector<16xf32>
    %add3A_1407 = arith.addf %get3A_1398, %select_n3A_1406 : vector<16xf32>
    %swap3A_1408 = arith.constant 0 : index
    %swap3A_1409 = tpu.vector_load %arg30[%swap3A_1408] {strides = array<i32>} : memref<128xf32, #tpu.memory_space<vmem>>, vector<16xf32>,
    tpu.vector_store %arg30[%swap3A_1408], %add3A_1407 {strides = array<i32>} : memref<128xf32, #tpu.memory_space<vmem>>, vector<16xf32>,
    %get3A_1410 = arith.constant 144 : index
    %get3A_1411 = tpu.vector_load %arg18[%get3A_1410] {strides = array<i32>} : memref<512xi32, #tpu.memory_space<vmem>>, vector<16xi32>,
    %ge3A_1412 = arith.constant 0 : i32
    %ge3A_1413 = vector.broadcast %ge3A_1412 : i32 to vector<16xi32>
    %ge3A_1414 = arith.cmpi sge, %get3A_1411, %ge3A_1413 : vector<16xi32>
    %get3A_1415 = arith.constant 144 : index
    %get3A_1416 = tpu.vector_load %arg22[%get3A_1415] {strides = array<i32>} : memref<512xf32, #tpu.memory_space<vmem>>, vector<16xf32>,
    %get3A_1417 = arith.constant 144 : index
    %get3A_1418 = tpu.vector_load %arg21[%get3A_1417] {strides = array<i32>} : memref<512xf32, #tpu.memory_space<vmem>>, vector<16xf32>,
    %select_n3A_1419 = arith.select %ge3A_1414, %get3A_1416, %get3A_1418 : vector<16xi1>, vector<16xf32>
    %swap3A_1420 = arith.constant 144 : index
    %swap3A_1421 = tpu.vector_load %arg26[%swap3A_1420] {strides = array<i32>} : memref<512xf32, #tpu.memory_space<vmem>>, vector<16xf32>,
    tpu.vector_store %arg26[%swap3A_1420], %select_n3A_1419 {strides = array<i32>} : memref<512xf32, #tpu.memory_space<vmem>>, vector<16xf32>,
    %get3A_1422 = arith.constant 144 : index
    %get3A_1423 = tpu.vector_load %arg23[%get3A_1422] {strides = array<i32>} : memref<512xf32, #tpu.memory_space<vmem>>, vector<16xf32>,
    %get3A_1424 = arith.constant 144 : index
    %get3A_1425 = tpu.vector_load %arg20[%get3A_1424] {strides = array<i32>} : memref<512xf32, #tpu.memory_space<vmem>>, vector<16xf32>,
    %select_n3A_1426 = arith.select %ge3A_1414, %get3A_1423, %get3A_1425 : vector<16xi1>, vector<16xf32>
    %swap3A_1427 = arith.constant 144 : index
    %swap3A_1428 = tpu.vector_load %arg27[%swap3A_1427] {strides = array<i32>} : memref<512xf32, #tpu.memory_space<vmem>>, vector<16xf32>,
    tpu.vector_store %arg27[%swap3A_1427], %select_n3A_1426 {strides = array<i32>} : memref<512xf32, #tpu.memory_space<vmem>>, vector<16xf32>,
    %jit3A_1429 = arith.constant 1.000000e+00 : f32
    %jit3A_1430 = arith.constant 0.000000e+00 : f32
    %broadcast_in_dim3A_1431 = vector.broadcast %jit3A_1429 : f32 to vector<16xf32>
    %broadcast_in_dim3A_1432 = vector.broadcast %jit3A_1430 : f32 to vector<16xf32>
    %select_n3A_1433 = arith.select %ge3A_1414, %broadcast_in_dim3A_1431, %broadcast_in_dim3A_1432 : vector<16xi1>, vector<16xf32>
    %swap3A_1434 = arith.constant 144 : index
    %swap3A_1435 = tpu.vector_load %arg28[%swap3A_1434] {strides = array<i32>} : memref<512xf32, #tpu.memory_space<vmem>>, vector<16xf32>,
    tpu.vector_store %arg28[%swap3A_1434], %select_n3A_1433 {strides = array<i32>} : memref<512xf32, #tpu.memory_space<vmem>>, vector<16xf32>,
    %add3A_1436 = arith.constant 144 : i32
    %add3A_1437 = arith.addi %mul3A_2, %add3A_1436 : i32
    %add3A_1438 = vector.broadcast %add3A_1437 : i32 to vector<16xi32>
    %add3A_1439 = arith.addi %iota3A, %add3A_1438 : vector<16xi32>
    %get3A_1440 = arith.constant 144 : index
    %get3A_1441 = tpu.vector_load %arg19[%get3A_1440] {strides = array<i32>} : memref<512xi32, #tpu.memory_space<vmem>>, vector<16xi32>,
    %eq3A_1442 = arith.cmpi eq, %get3A_1441, %add3A_1439 : vector<16xi32>
    %get3A_1443 = arith.constant 0 : index
    %get3A_1444 = tpu.vector_load %arg30[%get3A_1443] {strides = array<i32>} : memref<128xf32, #tpu.memory_space<vmem>>, vector<16xf32>,
    %get3A_1445 = arith.constant 144 : index
    %get3A_1446 = tpu.vector_load %arg25[%get3A_1445] {strides = array<i32>} : memref<512xf32, #tpu.memory_space<vmem>>, vector<16xf32>,
    %get3A_1447 = arith.constant 144 : index
    %get3A_1448 = tpu.vector_load %arg24[%get3A_1447] {strides = array<i32>} : memref<512xf32, #tpu.memory_space<vmem>>, vector<16xf32>,
    %sub3A_1449 = arith.subf %get3A_1446, %get3A_1448 : vector<16xf32>
    %jit3A_1450 = arith.constant 0.000000e+00 : f32
    %broadcast_in_dim3A_1451 = vector.broadcast %jit3A_1450 : f32 to vector<16xf32>
    %select_n3A_1452 = arith.select %eq3A_1442, %sub3A_1449, %broadcast_in_dim3A_1451 : vector<16xi1>, vector<16xf32>
    %add3A_1453 = arith.addf %get3A_1444, %select_n3A_1452 : vector<16xf32>
    %swap3A_1454 = arith.constant 0 : index
    %swap3A_1455 = tpu.vector_load %arg30[%swap3A_1454] {strides = array<i32>} : memref<128xf32, #tpu.memory_space<vmem>>, vector<16xf32>,
    tpu.vector_store %arg30[%swap3A_1454], %add3A_1453 {strides = array<i32>} : memref<128xf32, #tpu.memory_space<vmem>>, vector<16xf32>,
    %get3A_1456 = arith.constant 160 : index
    %get3A_1457 = tpu.vector_load %arg18[%get3A_1456] {strides = array<i32>} : memref<512xi32, #tpu.memory_space<vmem>>, vector<16xi32>,
    %ge3A_1458 = arith.constant 0 : i32
    %ge3A_1459 = vector.broadcast %ge3A_1458 : i32 to vector<16xi32>
    %ge3A_1460 = arith.cmpi sge, %get3A_1457, %ge3A_1459 : vector<16xi32>
    %get3A_1461 = arith.constant 160 : index
    %get3A_1462 = tpu.vector_load %arg22[%get3A_1461] {strides = array<i32>} : memref<512xf32, #tpu.memory_space<vmem>>, vector<16xf32>,
    %get3A_1463 = arith.constant 160 : index
    %get3A_1464 = tpu.vector_load %arg21[%get3A_1463] {strides = array<i32>} : memref<512xf32, #tpu.memory_space<vmem>>, vector<16xf32>,
    %select_n3A_1465 = arith.select %ge3A_1460, %get3A_1462, %get3A_1464 : vector<16xi1>, vector<16xf32>
    %swap3A_1466 = arith.constant 160 : index
    %swap3A_1467 = tpu.vector_load %arg26[%swap3A_1466] {strides = array<i32>} : memref<512xf32, #tpu.memory_space<vmem>>, vector<16xf32>,
    tpu.vector_store %arg26[%swap3A_1466], %select_n3A_1465 {strides = array<i32>} : memref<512xf32, #tpu.memory_space<vmem>>, vector<16xf32>,
    %get3A_1468 = arith.constant 160 : index
    %get3A_1469 = tpu.vector_load %arg23[%get3A_1468] {strides = array<i32>} : memref<512xf32, #tpu.memory_space<vmem>>, vector<16xf32>,
    %get3A_1470 = arith.constant 160 : index
    %get3A_1471 = tpu.vector_load %arg20[%get3A_1470] {strides = array<i32>} : memref<512xf32, #tpu.memory_space<vmem>>, vector<16xf32>,
    %select_n3A_1472 = arith.select %ge3A_1460, %get3A_1469, %get3A_1471 : vector<16xi1>, vector<16xf32>
    %swap3A_1473 = arith.constant 160 : index
    %swap3A_1474 = tpu.vector_load %arg27[%swap3A_1473] {strides = array<i32>} : memref<512xf32, #tpu.memory_space<vmem>>, vector<16xf32>,
    tpu.vector_store %arg27[%swap3A_1473], %select_n3A_1472 {strides = array<i32>} : memref<512xf32, #tpu.memory_space<vmem>>, vector<16xf32>,
    %jit3A_1475 = arith.constant 1.000000e+00 : f32
    %jit3A_1476 = arith.constant 0.000000e+00 : f32
    %broadcast_in_dim3A_1477 = vector.broadcast %jit3A_1475 : f32 to vector<16xf32>
    %broadcast_in_dim3A_1478 = vector.broadcast %jit3A_1476 : f32 to vector<16xf32>
    %select_n3A_1479 = arith.select %ge3A_1460, %broadcast_in_dim3A_1477, %broadcast_in_dim3A_1478 : vector<16xi1>, vector<16xf32>
    %swap3A_1480 = arith.constant 160 : index
    %swap3A_1481 = tpu.vector_load %arg28[%swap3A_1480] {strides = array<i32>} : memref<512xf32, #tpu.memory_space<vmem>>, vector<16xf32>,
    tpu.vector_store %arg28[%swap3A_1480], %select_n3A_1479 {strides = array<i32>} : memref<512xf32, #tpu.memory_space<vmem>>, vector<16xf32>,
    %add3A_1482 = arith.constant 160 : i32
    %add3A_1483 = arith.addi %mul3A_2, %add3A_1482 : i32
    %add3A_1484 = vector.broadcast %add3A_1483 : i32 to vector<16xi32>
    %add3A_1485 = arith.addi %iota3A, %add3A_1484 : vector<16xi32>
    %get3A_1486 = arith.constant 160 : index
    %get3A_1487 = tpu.vector_load %arg19[%get3A_1486] {strides = array<i32>} : memref<512xi32, #tpu.memory_space<vmem>>, vector<16xi32>,
    %eq3A_1488 = arith.cmpi eq, %get3A_1487, %add3A_1485 : vector<16xi32>
    %get3A_1489 = arith.constant 0 : index
    %get3A_1490 = tpu.vector_load %arg30[%get3A_1489] {strides = array<i32>} : memref<128xf32, #tpu.memory_space<vmem>>, vector<16xf32>,
    %get3A_1491 = arith.constant 160 : index
    %get3A_1492 = tpu.vector_load %arg25[%get3A_1491] {strides = array<i32>} : memref<512xf32, #tpu.memory_space<vmem>>, vector<16xf32>,
    %get3A_1493 = arith.constant 160 : index
    %get3A_1494 = tpu.vector_load %arg24[%get3A_1493] {strides = array<i32>} : memref<512xf32, #tpu.memory_space<vmem>>, vector<16xf32>,
    %sub3A_1495 = arith.subf %get3A_1492, %get3A_1494 : vector<16xf32>
    %jit3A_1496 = arith.constant 0.000000e+00 : f32
    %broadcast_in_dim3A_1497 = vector.broadcast %jit3A_1496 : f32 to vector<16xf32>
    %select_n3A_1498 = arith.select %eq3A_1488, %sub3A_1495, %broadcast_in_dim3A_1497 : vector<16xi1>, vector<16xf32>
    %add3A_1499 = arith.addf %get3A_1490, %select_n3A_1498 : vector<16xf32>
    %swap3A_1500 = arith.constant 0 : index
    %swap3A_1501 = tpu.vector_load %arg30[%swap3A_1500] {strides = array<i32>} : memref<128xf32, #tpu.memory_space<vmem>>, vector<16xf32>,
    tpu.vector_store %arg30[%swap3A_1500], %add3A_1499 {strides = array<i32>} : memref<128xf32, #tpu.memory_space<vmem>>, vector<16xf32>,
    %get3A_1502 = arith.constant 176 : index
    %get3A_1503 = tpu.vector_load %arg18[%get3A_1502] {strides = array<i32>} : memref<512xi32, #tpu.memory_space<vmem>>, vector<16xi32>,
    %ge3A_1504 = arith.constant 0 : i32
    %ge3A_1505 = vector.broadcast %ge3A_1504 : i32 to vector<16xi32>
    %ge3A_1506 = arith.cmpi sge, %get3A_1503, %ge3A_1505 : vector<16xi32>
    %get3A_1507 = arith.constant 176 : index
    %get3A_1508 = tpu.vector_load %arg22[%get3A_1507] {strides = array<i32>} : memref<512xf32, #tpu.memory_space<vmem>>, vector<16xf32>,
    %get3A_1509 = arith.constant 176 : index
    %get3A_1510 = tpu.vector_load %arg21[%get3A_1509] {strides = array<i32>} : memref<512xf32, #tpu.memory_space<vmem>>, vector<16xf32>,
    %select_n3A_1511 = arith.select %ge3A_1506, %get3A_1508, %get3A_1510 : vector<16xi1>, vector<16xf32>
    %swap3A_1512 = arith.constant 176 : index
    %swap3A_1513 = tpu.vector_load %arg26[%swap3A_1512] {strides = array<i32>} : memref<512xf32, #tpu.memory_space<vmem>>, vector<16xf32>,
    tpu.vector_store %arg26[%swap3A_1512], %select_n3A_1511 {strides = array<i32>} : memref<512xf32, #tpu.memory_space<vmem>>, vector<16xf32>,
    %get3A_1514 = arith.constant 176 : index
    %get3A_1515 = tpu.vector_load %arg23[%get3A_1514] {strides = array<i32>} : memref<512xf32, #tpu.memory_space<vmem>>, vector<16xf32>,
    %get3A_1516 = arith.constant 176 : index
    %get3A_1517 = tpu.vector_load %arg20[%get3A_1516] {strides = array<i32>} : memref<512xf32, #tpu.memory_space<vmem>>, vector<16xf32>,
    %select_n3A_1518 = arith.select %ge3A_1506, %get3A_1515, %get3A_1517 : vector<16xi1>, vector<16xf32>
    %swap3A_1519 = arith.constant 176 : index
    %swap3A_1520 = tpu.vector_load %arg27[%swap3A_1519] {strides = array<i32>} : memref<512xf32, #tpu.memory_space<vmem>>, vector<16xf32>,
    tpu.vector_store %arg27[%swap3A_1519], %select_n3A_1518 {strides = array<i32>} : memref<512xf32, #tpu.memory_space<vmem>>, vector<16xf32>,
    %jit3A_1521 = arith.constant 1.000000e+00 : f32
    %jit3A_1522 = arith.constant 0.000000e+00 : f32
    %broadcast_in_dim3A_1523 = vector.broadcast %jit3A_1521 : f32 to vector<16xf32>
    %broadcast_in_dim3A_1524 = vector.broadcast %jit3A_1522 : f32 to vector<16xf32>
    %select_n3A_1525 = arith.select %ge3A_1506, %broadcast_in_dim3A_1523, %broadcast_in_dim3A_1524 : vector<16xi1>, vector<16xf32>
    %swap3A_1526 = arith.constant 176 : index
    %swap3A_1527 = tpu.vector_load %arg28[%swap3A_1526] {strides = array<i32>} : memref<512xf32, #tpu.memory_space<vmem>>, vector<16xf32>,
    tpu.vector_store %arg28[%swap3A_1526], %select_n3A_1525 {strides = array<i32>} : memref<512xf32, #tpu.memory_space<vmem>>, vector<16xf32>,
    %add3A_1528 = arith.constant 176 : i32
    %add3A_1529 = arith.addi %mul3A_2, %add3A_1528 : i32
    %add3A_1530 = vector.broadcast %add3A_1529 : i32 to vector<16xi32>
    %add3A_1531 = arith.addi %iota3A, %add3A_1530 : vector<16xi32>
    %get3A_1532 = arith.constant 176 : index
    %get3A_1533 = tpu.vector_load %arg19[%get3A_1532] {strides = array<i32>} : memref<512xi32, #tpu.memory_space<vmem>>, vector<16xi32>,
    %eq3A_1534 = arith.cmpi eq, %get3A_1533, %add3A_1531 : vector<16xi32>
    %get3A_1535 = arith.constant 0 : index
    %get3A_1536 = tpu.vector_load %arg30[%get3A_1535] {strides = array<i32>} : memref<128xf32, #tpu.memory_space<vmem>>, vector<16xf32>,
    %get3A_1537 = arith.constant 176 : index
    %get3A_1538 = tpu.vector_load %arg25[%get3A_1537] {strides = array<i32>} : memref<512xf32, #tpu.memory_space<vmem>>, vector<16xf32>,
    %get3A_1539 = arith.constant 176 : index
    %get3A_1540 = tpu.vector_load %arg24[%get3A_1539] {strides = array<i32>} : memref<512xf32, #tpu.memory_space<vmem>>, vector<16xf32>,
    %sub3A_1541 = arith.subf %get3A_1538, %get3A_1540 : vector<16xf32>
    %jit3A_1542 = arith.constant 0.000000e+00 : f32
    %broadcast_in_dim3A_1543 = vector.broadcast %jit3A_1542 : f32 to vector<16xf32>
    %select_n3A_1544 = arith.select %eq3A_1534, %sub3A_1541, %broadcast_in_dim3A_1543 : vector<16xi1>, vector<16xf32>
    %add3A_1545 = arith.addf %get3A_1536, %select_n3A_1544 : vector<16xf32>
    %swap3A_1546 = arith.constant 0 : index
    %swap3A_1547 = tpu.vector_load %arg30[%swap3A_1546] {strides = array<i32>} : memref<128xf32, #tpu.memory_space<vmem>>, vector<16xf32>,
    tpu.vector_store %arg30[%swap3A_1546], %add3A_1545 {strides = array<i32>} : memref<128xf32, #tpu.memory_space<vmem>>, vector<16xf32>,
    %get3A_1548 = arith.constant 192 : index
    %get3A_1549 = tpu.vector_load %arg18[%get3A_1548] {strides = array<i32>} : memref<512xi32, #tpu.memory_space<vmem>>, vector<16xi32>,
    %ge3A_1550 = arith.constant 0 : i32
    %ge3A_1551 = vector.broadcast %ge3A_1550 : i32 to vector<16xi32>
    %ge3A_1552 = arith.cmpi sge, %get3A_1549, %ge3A_1551 : vector<16xi32>
    %get3A_1553 = arith.constant 192 : index
    %get3A_1554 = tpu.vector_load %arg22[%get3A_1553] {strides = array<i32>} : memref<512xf32, #tpu.memory_space<vmem>>, vector<16xf32>,
    %get3A_1555 = arith.constant 192 : index
    %get3A_1556 = tpu.vector_load %arg21[%get3A_1555] {strides = array<i32>} : memref<512xf32, #tpu.memory_space<vmem>>, vector<16xf32>,
    %select_n3A_1557 = arith.select %ge3A_1552, %get3A_1554, %get3A_1556 : vector<16xi1>, vector<16xf32>
    %swap3A_1558 = arith.constant 192 : index
    %swap3A_1559 = tpu.vector_load %arg26[%swap3A_1558] {strides = array<i32>} : memref<512xf32, #tpu.memory_space<vmem>>, vector<16xf32>,
    tpu.vector_store %arg26[%swap3A_1558], %select_n3A_1557 {strides = array<i32>} : memref<512xf32, #tpu.memory_space<vmem>>, vector<16xf32>,
    %get3A_1560 = arith.constant 192 : index
    %get3A_1561 = tpu.vector_load %arg23[%get3A_1560] {strides = array<i32>} : memref<512xf32, #tpu.memory_space<vmem>>, vector<16xf32>,
    %get3A_1562 = arith.constant 192 : index
    %get3A_1563 = tpu.vector_load %arg20[%get3A_1562] {strides = array<i32>} : memref<512xf32, #tpu.memory_space<vmem>>, vector<16xf32>,
    %select_n3A_1564 = arith.select %ge3A_1552, %get3A_1561, %get3A_1563 : vector<16xi1>, vector<16xf32>
    %swap3A_1565 = arith.constant 192 : index
    %swap3A_1566 = tpu.vector_load %arg27[%swap3A_1565] {strides = array<i32>} : memref<512xf32, #tpu.memory_space<vmem>>, vector<16xf32>,
    tpu.vector_store %arg27[%swap3A_1565], %select_n3A_1564 {strides = array<i32>} : memref<512xf32, #tpu.memory_space<vmem>>, vector<16xf32>,
    %jit3A_1567 = arith.constant 1.000000e+00 : f32
    %jit3A_1568 = arith.constant 0.000000e+00 : f32
    %broadcast_in_dim3A_1569 = vector.broadcast %jit3A_1567 : f32 to vector<16xf32>
    %broadcast_in_dim3A_1570 = vector.broadcast %jit3A_1568 : f32 to vector<16xf32>
    %select_n3A_1571 = arith.select %ge3A_1552, %broadcast_in_dim3A_1569, %broadcast_in_dim3A_1570 : vector<16xi1>, vector<16xf32>
    %swap3A_1572 = arith.constant 192 : index
    %swap3A_1573 = tpu.vector_load %arg28[%swap3A_1572] {strides = array<i32>} : memref<512xf32, #tpu.memory_space<vmem>>, vector<16xf32>,
    tpu.vector_store %arg28[%swap3A_1572], %select_n3A_1571 {strides = array<i32>} : memref<512xf32, #tpu.memory_space<vmem>>, vector<16xf32>,
    %add3A_1574 = arith.constant 192 : i32
    %add3A_1575 = arith.addi %mul3A_2, %add3A_1574 : i32
    %add3A_1576 = vector.broadcast %add3A_1575 : i32 to vector<16xi32>
    %add3A_1577 = arith.addi %iota3A, %add3A_1576 : vector<16xi32>
    %get3A_1578 = arith.constant 192 : index
    %get3A_1579 = tpu.vector_load %arg19[%get3A_1578] {strides = array<i32>} : memref<512xi32, #tpu.memory_space<vmem>>, vector<16xi32>,
    %eq3A_1580 = arith.cmpi eq, %get3A_1579, %add3A_1577 : vector<16xi32>
    %get3A_1581 = arith.constant 0 : index
    %get3A_1582 = tpu.vector_load %arg30[%get3A_1581] {strides = array<i32>} : memref<128xf32, #tpu.memory_space<vmem>>, vector<16xf32>,
    %get3A_1583 = arith.constant 192 : index
    %get3A_1584 = tpu.vector_load %arg25[%get3A_1583] {strides = array<i32>} : memref<512xf32, #tpu.memory_space<vmem>>, vector<16xf32>,
    %get3A_1585 = arith.constant 192 : index
    %get3A_1586 = tpu.vector_load %arg24[%get3A_1585] {strides = array<i32>} : memref<512xf32, #tpu.memory_space<vmem>>, vector<16xf32>,
    %sub3A_1587 = arith.subf %get3A_1584, %get3A_1586 : vector<16xf32>
    %jit3A_1588 = arith.constant 0.000000e+00 : f32
    %broadcast_in_dim3A_1589 = vector.broadcast %jit3A_1588 : f32 to vector<16xf32>
    %select_n3A_1590 = arith.select %eq3A_1580, %sub3A_1587, %broadcast_in_dim3A_1589 : vector<16xi1>, vector<16xf32>
    %add3A_1591 = arith.addf %get3A_1582, %select_n3A_1590 : vector<16xf32>
    %swap3A_1592 = arith.constant 0 : index
    %swap3A_1593 = tpu.vector_load %arg30[%swap3A_1592] {strides = array<i32>} : memref<128xf32, #tpu.memory_space<vmem>>, vector<16xf32>,
    tpu.vector_store %arg30[%swap3A_1592], %add3A_1591 {strides = array<i32>} : memref<128xf32, #tpu.memory_space<vmem>>, vector<16xf32>,
    %get3A_1594 = arith.constant 208 : index
    %get3A_1595 = tpu.vector_load %arg18[%get3A_1594] {strides = array<i32>} : memref<512xi32, #tpu.memory_space<vmem>>, vector<16xi32>,
    %ge3A_1596 = arith.constant 0 : i32
    %ge3A_1597 = vector.broadcast %ge3A_1596 : i32 to vector<16xi32>
    %ge3A_1598 = arith.cmpi sge, %get3A_1595, %ge3A_1597 : vector<16xi32>
    %get3A_1599 = arith.constant 208 : index
    %get3A_1600 = tpu.vector_load %arg22[%get3A_1599] {strides = array<i32>} : memref<512xf32, #tpu.memory_space<vmem>>, vector<16xf32>,
    %get3A_1601 = arith.constant 208 : index
    %get3A_1602 = tpu.vector_load %arg21[%get3A_1601] {strides = array<i32>} : memref<512xf32, #tpu.memory_space<vmem>>, vector<16xf32>,
    %select_n3A_1603 = arith.select %ge3A_1598, %get3A_1600, %get3A_1602 : vector<16xi1>, vector<16xf32>
    %swap3A_1604 = arith.constant 208 : index
    %swap3A_1605 = tpu.vector_load %arg26[%swap3A_1604] {strides = array<i32>} : memref<512xf32, #tpu.memory_space<vmem>>, vector<16xf32>,
    tpu.vector_store %arg26[%swap3A_1604], %select_n3A_1603 {strides = array<i32>} : memref<512xf32, #tpu.memory_space<vmem>>, vector<16xf32>,
    %get3A_1606 = arith.constant 208 : index
    %get3A_1607 = tpu.vector_load %arg23[%get3A_1606] {strides = array<i32>} : memref<512xf32, #tpu.memory_space<vmem>>, vector<16xf32>,
    %get3A_1608 = arith.constant 208 : index
    %get3A_1609 = tpu.vector_load %arg20[%get3A_1608] {strides = array<i32>} : memref<512xf32, #tpu.memory_space<vmem>>, vector<16xf32>,
    %select_n3A_1610 = arith.select %ge3A_1598, %get3A_1607, %get3A_1609 : vector<16xi1>, vector<16xf32>
    %swap3A_1611 = arith.constant 208 : index
    %swap3A_1612 = tpu.vector_load %arg27[%swap3A_1611] {strides = array<i32>} : memref<512xf32, #tpu.memory_space<vmem>>, vector<16xf32>,
    tpu.vector_store %arg27[%swap3A_1611], %select_n3A_1610 {strides = array<i32>} : memref<512xf32, #tpu.memory_space<vmem>>, vector<16xf32>,
    %jit3A_1613 = arith.constant 1.000000e+00 : f32
    %jit3A_1614 = arith.constant 0.000000e+00 : f32
    %broadcast_in_dim3A_1615 = vector.broadcast %jit3A_1613 : f32 to vector<16xf32>
    %broadcast_in_dim3A_1616 = vector.broadcast %jit3A_1614 : f32 to vector<16xf32>
    %select_n3A_1617 = arith.select %ge3A_1598, %broadcast_in_dim3A_1615, %broadcast_in_dim3A_1616 : vector<16xi1>, vector<16xf32>
    %swap3A_1618 = arith.constant 208 : index
    %swap3A_1619 = tpu.vector_load %arg28[%swap3A_1618] {strides = array<i32>} : memref<512xf32, #tpu.memory_space<vmem>>, vector<16xf32>,
    tpu.vector_store %arg28[%swap3A_1618], %select_n3A_1617 {strides = array<i32>} : memref<512xf32, #tpu.memory_space<vmem>>, vector<16xf32>,
    %add3A_1620 = arith.constant 208 : i32
    %add3A_1621 = arith.addi %mul3A_2, %add3A_1620 : i32
    %add3A_1622 = vector.broadcast %add3A_1621 : i32 to vector<16xi32>
    %add3A_1623 = arith.addi %iota3A, %add3A_1622 : vector<16xi32>
    %get3A_1624 = arith.constant 208 : index
    %get3A_1625 = tpu.vector_load %arg19[%get3A_1624] {strides = array<i32>} : memref<512xi32, #tpu.memory_space<vmem>>, vector<16xi32>,
    %eq3A_1626 = arith.cmpi eq, %get3A_1625, %add3A_1623 : vector<16xi32>
    %get3A_1627 = arith.constant 0 : index
    %get3A_1628 = tpu.vector_load %arg30[%get3A_1627] {strides = array<i32>} : memref<128xf32, #tpu.memory_space<vmem>>, vector<16xf32>,
    %get3A_1629 = arith.constant 208 : index
    %get3A_1630 = tpu.vector_load %arg25[%get3A_1629] {strides = array<i32>} : memref<512xf32, #tpu.memory_space<vmem>>, vector<16xf32>,
    %get3A_1631 = arith.constant 208 : index
    %get3A_1632 = tpu.vector_load %arg24[%get3A_1631] {strides = array<i32>} : memref<512xf32, #tpu.memory_space<vmem>>, vector<16xf32>,
    %sub3A_1633 = arith.subf %get3A_1630, %get3A_1632 : vector<16xf32>
    %jit3A_1634 = arith.constant 0.000000e+00 : f32
    %broadcast_in_dim3A_1635 = vector.broadcast %jit3A_1634 : f32 to vector<16xf32>
    %select_n3A_1636 = arith.select %eq3A_1626, %sub3A_1633, %broadcast_in_dim3A_1635 : vector<16xi1>, vector<16xf32>
    %add3A_1637 = arith.addf %get3A_1628, %select_n3A_1636 : vector<16xf32>
    %swap3A_1638 = arith.constant 0 : index
    %swap3A_1639 = tpu.vector_load %arg30[%swap3A_1638] {strides = array<i32>} : memref<128xf32, #tpu.memory_space<vmem>>, vector<16xf32>,
    tpu.vector_store %arg30[%swap3A_1638], %add3A_1637 {strides = array<i32>} : memref<128xf32, #tpu.memory_space<vmem>>, vector<16xf32>,
    %get3A_1640 = arith.constant 224 : index
    %get3A_1641 = tpu.vector_load %arg18[%get3A_1640] {strides = array<i32>} : memref<512xi32, #tpu.memory_space<vmem>>, vector<16xi32>,
    %ge3A_1642 = arith.constant 0 : i32
    %ge3A_1643 = vector.broadcast %ge3A_1642 : i32 to vector<16xi32>
    %ge3A_1644 = arith.cmpi sge, %get3A_1641, %ge3A_1643 : vector<16xi32>
    %get3A_1645 = arith.constant 224 : index
    %get3A_1646 = tpu.vector_load %arg22[%get3A_1645] {strides = array<i32>} : memref<512xf32, #tpu.memory_space<vmem>>, vector<16xf32>,
    %get3A_1647 = arith.constant 224 : index
    %get3A_1648 = tpu.vector_load %arg21[%get3A_1647] {strides = array<i32>} : memref<512xf32, #tpu.memory_space<vmem>>, vector<16xf32>,
    %select_n3A_1649 = arith.select %ge3A_1644, %get3A_1646, %get3A_1648 : vector<16xi1>, vector<16xf32>
    %swap3A_1650 = arith.constant 224 : index
    %swap3A_1651 = tpu.vector_load %arg26[%swap3A_1650] {strides = array<i32>} : memref<512xf32, #tpu.memory_space<vmem>>, vector<16xf32>,
    tpu.vector_store %arg26[%swap3A_1650], %select_n3A_1649 {strides = array<i32>} : memref<512xf32, #tpu.memory_space<vmem>>, vector<16xf32>,
    %get3A_1652 = arith.constant 224 : index
    %get3A_1653 = tpu.vector_load %arg23[%get3A_1652] {strides = array<i32>} : memref<512xf32, #tpu.memory_space<vmem>>, vector<16xf32>,
    %get3A_1654 = arith.constant 224 : index
    %get3A_1655 = tpu.vector_load %arg20[%get3A_1654] {strides = array<i32>} : memref<512xf32, #tpu.memory_space<vmem>>, vector<16xf32>,
    %select_n3A_1656 = arith.select %ge3A_1644, %get3A_1653, %get3A_1655 : vector<16xi1>, vector<16xf32>
    %swap3A_1657 = arith.constant 224 : index
    %swap3A_1658 = tpu.vector_load %arg27[%swap3A_1657] {strides = array<i32>} : memref<512xf32, #tpu.memory_space<vmem>>, vector<16xf32>,
    tpu.vector_store %arg27[%swap3A_1657], %select_n3A_1656 {strides = array<i32>} : memref<512xf32, #tpu.memory_space<vmem>>, vector<16xf32>,
    %jit3A_1659 = arith.constant 1.000000e+00 : f32
    %jit3A_1660 = arith.constant 0.000000e+00 : f32
    %broadcast_in_dim3A_1661 = vector.broadcast %jit3A_1659 : f32 to vector<16xf32>
    %broadcast_in_dim3A_1662 = vector.broadcast %jit3A_1660 : f32 to vector<16xf32>
    %select_n3A_1663 = arith.select %ge3A_1644, %broadcast_in_dim3A_1661, %broadcast_in_dim3A_1662 : vector<16xi1>, vector<16xf32>
    %swap3A_1664 = arith.constant 224 : index
    %swap3A_1665 = tpu.vector_load %arg28[%swap3A_1664] {strides = array<i32>} : memref<512xf32, #tpu.memory_space<vmem>>, vector<16xf32>,
    tpu.vector_store %arg28[%swap3A_1664], %select_n3A_1663 {strides = array<i32>} : memref<512xf32, #tpu.memory_space<vmem>>, vector<16xf32>,
    %add3A_1666 = arith.constant 224 : i32
    %add3A_1667 = arith.addi %mul3A_2, %add3A_1666 : i32
    %add3A_1668 = vector.broadcast %add3A_1667 : i32 to vector<16xi32>
    %add3A_1669 = arith.addi %iota3A, %add3A_1668 : vector<16xi32>
    %get3A_1670 = arith.constant 224 : index
    %get3A_1671 = tpu.vector_load %arg19[%get3A_1670] {strides = array<i32>} : memref<512xi32, #tpu.memory_space<vmem>>, vector<16xi32>,
    %eq3A_1672 = arith.cmpi eq, %get3A_1671, %add3A_1669 : vector<16xi32>
    %get3A_1673 = arith.constant 0 : index
    %get3A_1674 = tpu.vector_load %arg30[%get3A_1673] {strides = array<i32>} : memref<128xf32, #tpu.memory_space<vmem>>, vector<16xf32>,
    %get3A_1675 = arith.constant 224 : index
    %get3A_1676 = tpu.vector_load %arg25[%get3A_1675] {strides = array<i32>} : memref<512xf32, #tpu.memory_space<vmem>>, vector<16xf32>,
    %get3A_1677 = arith.constant 224 : index
    %get3A_1678 = tpu.vector_load %arg24[%get3A_1677] {strides = array<i32>} : memref<512xf32, #tpu.memory_space<vmem>>, vector<16xf32>,
    %sub3A_1679 = arith.subf %get3A_1676, %get3A_1678 : vector<16xf32>
    %jit3A_1680 = arith.constant 0.000000e+00 : f32
    %broadcast_in_dim3A_1681 = vector.broadcast %jit3A_1680 : f32 to vector<16xf32>
    %select_n3A_1682 = arith.select %eq3A_1672, %sub3A_1679, %broadcast_in_dim3A_1681 : vector<16xi1>, vector<16xf32>
    %add3A_1683 = arith.addf %get3A_1674, %select_n3A_1682 : vector<16xf32>
    %swap3A_1684 = arith.constant 0 : index
    %swap3A_1685 = tpu.vector_load %arg30[%swap3A_1684] {strides = array<i32>} : memref<128xf32, #tpu.memory_space<vmem>>, vector<16xf32>,
    tpu.vector_store %arg30[%swap3A_1684], %add3A_1683 {strides = array<i32>} : memref<128xf32, #tpu.memory_space<vmem>>, vector<16xf32>,
    %get3A_1686 = arith.constant 240 : index
    %get3A_1687 = tpu.vector_load %arg18[%get3A_1686] {strides = array<i32>} : memref<512xi32, #tpu.memory_space<vmem>>, vector<16xi32>,
    %ge3A_1688 = arith.constant 0 : i32
    %ge3A_1689 = vector.broadcast %ge3A_1688 : i32 to vector<16xi32>
    %ge3A_1690 = arith.cmpi sge, %get3A_1687, %ge3A_1689 : vector<16xi32>
    %get3A_1691 = arith.constant 240 : index
    %get3A_1692 = tpu.vector_load %arg22[%get3A_1691] {strides = array<i32>} : memref<512xf32, #tpu.memory_space<vmem>>, vector<16xf32>,
    %get3A_1693 = arith.constant 240 : index
    %get3A_1694 = tpu.vector_load %arg21[%get3A_1693] {strides = array<i32>} : memref<512xf32, #tpu.memory_space<vmem>>, vector<16xf32>,
    %select_n3A_1695 = arith.select %ge3A_1690, %get3A_1692, %get3A_1694 : vector<16xi1>, vector<16xf32>
    %swap3A_1696 = arith.constant 240 : index
    %swap3A_1697 = tpu.vector_load %arg26[%swap3A_1696] {strides = array<i32>} : memref<512xf32, #tpu.memory_space<vmem>>, vector<16xf32>,
    tpu.vector_store %arg26[%swap3A_1696], %select_n3A_1695 {strides = array<i32>} : memref<512xf32, #tpu.memory_space<vmem>>, vector<16xf32>,
    %get3A_1698 = arith.constant 240 : index
    %get3A_1699 = tpu.vector_load %arg23[%get3A_1698] {strides = array<i32>} : memref<512xf32, #tpu.memory_space<vmem>>, vector<16xf32>,
    %get3A_1700 = arith.constant 240 : index
    %get3A_1701 = tpu.vector_load %arg20[%get3A_1700] {strides = array<i32>} : memref<512xf32, #tpu.memory_space<vmem>>, vector<16xf32>,
    %select_n3A_1702 = arith.select %ge3A_1690, %get3A_1699, %get3A_1701 : vector<16xi1>, vector<16xf32>
    %swap3A_1703 = arith.constant 240 : index
    %swap3A_1704 = tpu.vector_load %arg27[%swap3A_1703] {strides = array<i32>} : memref<512xf32, #tpu.memory_space<vmem>>, vector<16xf32>,
    tpu.vector_store %arg27[%swap3A_1703], %select_n3A_1702 {strides = array<i32>} : memref<512xf32, #tpu.memory_space<vmem>>, vector<16xf32>,
    %jit3A_1705 = arith.constant 1.000000e+00 : f32
    %jit3A_1706 = arith.constant 0.000000e+00 : f32
    %broadcast_in_dim3A_1707 = vector.broadcast %jit3A_1705 : f32 to vector<16xf32>
    %broadcast_in_dim3A_1708 = vector.broadcast %jit3A_1706 : f32 to vector<16xf32>
    %select_n3A_1709 = arith.select %ge3A_1690, %broadcast_in_dim3A_1707, %broadcast_in_dim3A_1708 : vector<16xi1>, vector<16xf32>
    %swap3A_1710 = arith.constant 240 : index
    %swap3A_1711 = tpu.vector_load %arg28[%swap3A_1710] {strides = array<i32>} : memref<512xf32, #tpu.memory_space<vmem>>, vector<16xf32>,
    tpu.vector_store %arg28[%swap3A_1710], %select_n3A_1709 {strides = array<i32>} : memref<512xf32, #tpu.memory_space<vmem>>, vector<16xf32>,
    %add3A_1712 = arith.constant 240 : i32
    %add3A_1713 = arith.addi %mul3A_2, %add3A_1712 : i32
    %add3A_1714 = vector.broadcast %add3A_1713 : i32 to vector<16xi32>
    %add3A_1715 = arith.addi %iota3A, %add3A_1714 : vector<16xi32>
    %get3A_1716 = arith.constant 240 : index
    %get3A_1717 = tpu.vector_load %arg19[%get3A_1716] {strides = array<i32>} : memref<512xi32, #tpu.memory_space<vmem>>, vector<16xi32>,
    %eq3A_1718 = arith.cmpi eq, %get3A_1717, %add3A_1715 : vector<16xi32>
    %get3A_1719 = arith.constant 0 : index
    %get3A_1720 = tpu.vector_load %arg30[%get3A_1719] {strides = array<i32>} : memref<128xf32, #tpu.memory_space<vmem>>, vector<16xf32>,
    %get3A_1721 = arith.constant 240 : index
    %get3A_1722 = tpu.vector_load %arg25[%get3A_1721] {strides = array<i32>} : memref<512xf32, #tpu.memory_space<vmem>>, vector<16xf32>,
    %get3A_1723 = arith.constant 240 : index
    %get3A_1724 = tpu.vector_load %arg24[%get3A_1723] {strides = array<i32>} : memref<512xf32, #tpu.memory_space<vmem>>, vector<16xf32>,
    %sub3A_1725 = arith.subf %get3A_1722, %get3A_1724 : vector<16xf32>
    %jit3A_1726 = arith.constant 0.000000e+00 : f32
    %broadcast_in_dim3A_1727 = vector.broadcast %jit3A_1726 : f32 to vector<16xf32>
    %select_n3A_1728 = arith.select %eq3A_1718, %sub3A_1725, %broadcast_in_dim3A_1727 : vector<16xi1>, vector<16xf32>
    %add3A_1729 = arith.addf %get3A_1720, %select_n3A_1728 : vector<16xf32>
    %swap3A_1730 = arith.constant 0 : index
    %swap3A_1731 = tpu.vector_load %arg30[%swap3A_1730] {strides = array<i32>} : memref<128xf32, #tpu.memory_space<vmem>>, vector<16xf32>,
    tpu.vector_store %arg30[%swap3A_1730], %add3A_1729 {strides = array<i32>} : memref<128xf32, #tpu.memory_space<vmem>>, vector<16xf32>,
    %get3A_1732 = arith.constant 256 : index
    %get3A_1733 = tpu.vector_load %arg18[%get3A_1732] {strides = array<i32>} : memref<512xi32, #tpu.memory_space<vmem>>, vector<16xi32>,
    %ge3A_1734 = arith.constant 0 : i32
    %ge3A_1735 = vector.broadcast %ge3A_1734 : i32 to vector<16xi32>
    %ge3A_1736 = arith.cmpi sge, %get3A_1733, %ge3A_1735 : vector<16xi32>
    %get3A_1737 = arith.constant 256 : index
    %get3A_1738 = tpu.vector_load %arg22[%get3A_1737] {strides = array<i32>} : memref<512xf32, #tpu.memory_space<vmem>>, vector<16xf32>,
    %get3A_1739 = arith.constant 256 : index
    %get3A_1740 = tpu.vector_load %arg21[%get3A_1739] {strides = array<i32>} : memref<512xf32, #tpu.memory_space<vmem>>, vector<16xf32>,
    %select_n3A_1741 = arith.select %ge3A_1736, %get3A_1738, %get3A_1740 : vector<16xi1>, vector<16xf32>
    %swap3A_1742 = arith.constant 256 : index
    %swap3A_1743 = tpu.vector_load %arg26[%swap3A_1742] {strides = array<i32>} : memref<512xf32, #tpu.memory_space<vmem>>, vector<16xf32>,
    tpu.vector_store %arg26[%swap3A_1742], %select_n3A_1741 {strides = array<i32>} : memref<512xf32, #tpu.memory_space<vmem>>, vector<16xf32>,
    %get3A_1744 = arith.constant 256 : index
    %get3A_1745 = tpu.vector_load %arg23[%get3A_1744] {strides = array<i32>} : memref<512xf32, #tpu.memory_space<vmem>>, vector<16xf32>,
    %get3A_1746 = arith.constant 256 : index
    %get3A_1747 = tpu.vector_load %arg20[%get3A_1746] {strides = array<i32>} : memref<512xf32, #tpu.memory_space<vmem>>, vector<16xf32>,
    %select_n3A_1748 = arith.select %ge3A_1736, %get3A_1745, %get3A_1747 : vector<16xi1>, vector<16xf32>
    %swap3A_1749 = arith.constant 256 : index
    %swap3A_1750 = tpu.vector_load %arg27[%swap3A_1749] {strides = array<i32>} : memref<512xf32, #tpu.memory_space<vmem>>, vector<16xf32>,
    tpu.vector_store %arg27[%swap3A_1749], %select_n3A_1748 {strides = array<i32>} : memref<512xf32, #tpu.memory_space<vmem>>, vector<16xf32>,
    %jit3A_1751 = arith.constant 1.000000e+00 : f32
    %jit3A_1752 = arith.constant 0.000000e+00 : f32
    %broadcast_in_dim3A_1753 = vector.broadcast %jit3A_1751 : f32 to vector<16xf32>
    %broadcast_in_dim3A_1754 = vector.broadcast %jit3A_1752 : f32 to vector<16xf32>
    %select_n3A_1755 = arith.select %ge3A_1736, %broadcast_in_dim3A_1753, %broadcast_in_dim3A_1754 : vector<16xi1>, vector<16xf32>
    %swap3A_1756 = arith.constant 256 : index
    %swap3A_1757 = tpu.vector_load %arg28[%swap3A_1756] {strides = array<i32>} : memref<512xf32, #tpu.memory_space<vmem>>, vector<16xf32>,
    tpu.vector_store %arg28[%swap3A_1756], %select_n3A_1755 {strides = array<i32>} : memref<512xf32, #tpu.memory_space<vmem>>, vector<16xf32>,
    %add3A_1758 = arith.constant 256 : i32
    %add3A_1759 = arith.addi %mul3A_2, %add3A_1758 : i32
    %add3A_1760 = vector.broadcast %add3A_1759 : i32 to vector<16xi32>
    %add3A_1761 = arith.addi %iota3A, %add3A_1760 : vector<16xi32>
    %get3A_1762 = arith.constant 256 : index
    %get3A_1763 = tpu.vector_load %arg19[%get3A_1762] {strides = array<i32>} : memref<512xi32, #tpu.memory_space<vmem>>, vector<16xi32>,
    %eq3A_1764 = arith.cmpi eq, %get3A_1763, %add3A_1761 : vector<16xi32>
    %get3A_1765 = arith.constant 0 : index
    %get3A_1766 = tpu.vector_load %arg30[%get3A_1765] {strides = array<i32>} : memref<128xf32, #tpu.memory_space<vmem>>, vector<16xf32>,
    %get3A_1767 = arith.constant 256 : index
    %get3A_1768 = tpu.vector_load %arg25[%get3A_1767] {strides = array<i32>} : memref<512xf32, #tpu.memory_space<vmem>>, vector<16xf32>,
    %get3A_1769 = arith.constant 256 : index
    %get3A_1770 = tpu.vector_load %arg24[%get3A_1769] {strides = array<i32>} : memref<512xf32, #tpu.memory_space<vmem>>, vector<16xf32>,
    %sub3A_1771 = arith.subf %get3A_1768, %get3A_1770 : vector<16xf32>
    %jit3A_1772 = arith.constant 0.000000e+00 : f32
    %broadcast_in_dim3A_1773 = vector.broadcast %jit3A_1772 : f32 to vector<16xf32>
    %select_n3A_1774 = arith.select %eq3A_1764, %sub3A_1771, %broadcast_in_dim3A_1773 : vector<16xi1>, vector<16xf32>
    %add3A_1775 = arith.addf %get3A_1766, %select_n3A_1774 : vector<16xf32>
    %swap3A_1776 = arith.constant 0 : index
    %swap3A_1777 = tpu.vector_load %arg30[%swap3A_1776] {strides = array<i32>} : memref<128xf32, #tpu.memory_space<vmem>>, vector<16xf32>,
    tpu.vector_store %arg30[%swap3A_1776], %add3A_1775 {strides = array<i32>} : memref<128xf32, #tpu.memory_space<vmem>>, vector<16xf32>,
    %get3A_1778 = arith.constant 272 : index
    %get3A_1779 = tpu.vector_load %arg18[%get3A_1778] {strides = array<i32>} : memref<512xi32, #tpu.memory_space<vmem>>, vector<16xi32>,
    %ge3A_1780 = arith.constant 0 : i32
    %ge3A_1781 = vector.broadcast %ge3A_1780 : i32 to vector<16xi32>
    %ge3A_1782 = arith.cmpi sge, %get3A_1779, %ge3A_1781 : vector<16xi32>
    %get3A_1783 = arith.constant 272 : index
    %get3A_1784 = tpu.vector_load %arg22[%get3A_1783] {strides = array<i32>} : memref<512xf32, #tpu.memory_space<vmem>>, vector<16xf32>,
    %get3A_1785 = arith.constant 272 : index
    %get3A_1786 = tpu.vector_load %arg21[%get3A_1785] {strides = array<i32>} : memref<512xf32, #tpu.memory_space<vmem>>, vector<16xf32>,
    %select_n3A_1787 = arith.select %ge3A_1782, %get3A_1784, %get3A_1786 : vector<16xi1>, vector<16xf32>
    %swap3A_1788 = arith.constant 272 : index
    %swap3A_1789 = tpu.vector_load %arg26[%swap3A_1788] {strides = array<i32>} : memref<512xf32, #tpu.memory_space<vmem>>, vector<16xf32>,
    tpu.vector_store %arg26[%swap3A_1788], %select_n3A_1787 {strides = array<i32>} : memref<512xf32, #tpu.memory_space<vmem>>, vector<16xf32>,
    %get3A_1790 = arith.constant 272 : index
    %get3A_1791 = tpu.vector_load %arg23[%get3A_1790] {strides = array<i32>} : memref<512xf32, #tpu.memory_space<vmem>>, vector<16xf32>,
    %get3A_1792 = arith.constant 272 : index
    %get3A_1793 = tpu.vector_load %arg20[%get3A_1792] {strides = array<i32>} : memref<512xf32, #tpu.memory_space<vmem>>, vector<16xf32>,
    %select_n3A_1794 = arith.select %ge3A_1782, %get3A_1791, %get3A_1793 : vector<16xi1>, vector<16xf32>
    %swap3A_1795 = arith.constant 272 : index
    %swap3A_1796 = tpu.vector_load %arg27[%swap3A_1795] {strides = array<i32>} : memref<512xf32, #tpu.memory_space<vmem>>, vector<16xf32>,
    tpu.vector_store %arg27[%swap3A_1795], %select_n3A_1794 {strides = array<i32>} : memref<512xf32, #tpu.memory_space<vmem>>, vector<16xf32>,
    %jit3A_1797 = arith.constant 1.000000e+00 : f32
    %jit3A_1798 = arith.constant 0.000000e+00 : f32
    %broadcast_in_dim3A_1799 = vector.broadcast %jit3A_1797 : f32 to vector<16xf32>
    %broadcast_in_dim3A_1800 = vector.broadcast %jit3A_1798 : f32 to vector<16xf32>
    %select_n3A_1801 = arith.select %ge3A_1782, %broadcast_in_dim3A_1799, %broadcast_in_dim3A_1800 : vector<16xi1>, vector<16xf32>
    %swap3A_1802 = arith.constant 272 : index
    %swap3A_1803 = tpu.vector_load %arg28[%swap3A_1802] {strides = array<i32>} : memref<512xf32, #tpu.memory_space<vmem>>, vector<16xf32>,
    tpu.vector_store %arg28[%swap3A_1802], %select_n3A_1801 {strides = array<i32>} : memref<512xf32, #tpu.memory_space<vmem>>, vector<16xf32>,
    %add3A_1804 = arith.constant 272 : i32
    %add3A_1805 = arith.addi %mul3A_2, %add3A_1804 : i32
    %add3A_1806 = vector.broadcast %add3A_1805 : i32 to vector<16xi32>
    %add3A_1807 = arith.addi %iota3A, %add3A_1806 : vector<16xi32>
    %get3A_1808 = arith.constant 272 : index
    %get3A_1809 = tpu.vector_load %arg19[%get3A_1808] {strides = array<i32>} : memref<512xi32, #tpu.memory_space<vmem>>, vector<16xi32>,
    %eq3A_1810 = arith.cmpi eq, %get3A_1809, %add3A_1807 : vector<16xi32>
    %get3A_1811 = arith.constant 0 : index
    %get3A_1812 = tpu.vector_load %arg30[%get3A_1811] {strides = array<i32>} : memref<128xf32, #tpu.memory_space<vmem>>, vector<16xf32>,
    %get3A_1813 = arith.constant 272 : index
    %get3A_1814 = tpu.vector_load %arg25[%get3A_1813] {strides = array<i32>} : memref<512xf32, #tpu.memory_space<vmem>>, vector<16xf32>,
    %get3A_1815 = arith.constant 272 : index
    %get3A_1816 = tpu.vector_load %arg24[%get3A_1815] {strides = array<i32>} : memref<512xf32, #tpu.memory_space<vmem>>, vector<16xf32>,
    %sub3A_1817 = arith.subf %get3A_1814, %get3A_1816 : vector<16xf32>
    %jit3A_1818 = arith.constant 0.000000e+00 : f32
    %broadcast_in_dim3A_1819 = vector.broadcast %jit3A_1818 : f32 to vector<16xf32>
    %select_n3A_1820 = arith.select %eq3A_1810, %sub3A_1817, %broadcast_in_dim3A_1819 : vector<16xi1>, vector<16xf32>
    %add3A_1821 = arith.addf %get3A_1812, %select_n3A_1820 : vector<16xf32>
    %swap3A_1822 = arith.constant 0 : index
    %swap3A_1823 = tpu.vector_load %arg30[%swap3A_1822] {strides = array<i32>} : memref<128xf32, #tpu.memory_space<vmem>>, vector<16xf32>,
    tpu.vector_store %arg30[%swap3A_1822], %add3A_1821 {strides = array<i32>} : memref<128xf32, #tpu.memory_space<vmem>>, vector<16xf32>,
    %get3A_1824 = arith.constant 288 : index
    %get3A_1825 = tpu.vector_load %arg18[%get3A_1824] {strides = array<i32>} : memref<512xi32, #tpu.memory_space<vmem>>, vector<16xi32>,
    %ge3A_1826 = arith.constant 0 : i32
    %ge3A_1827 = vector.broadcast %ge3A_1826 : i32 to vector<16xi32>
    %ge3A_1828 = arith.cmpi sge, %get3A_1825, %ge3A_1827 : vector<16xi32>
    %get3A_1829 = arith.constant 288 : index
    %get3A_1830 = tpu.vector_load %arg22[%get3A_1829] {strides = array<i32>} : memref<512xf32, #tpu.memory_space<vmem>>, vector<16xf32>,
    %get3A_1831 = arith.constant 288 : index
    %get3A_1832 = tpu.vector_load %arg21[%get3A_1831] {strides = array<i32>} : memref<512xf32, #tpu.memory_space<vmem>>, vector<16xf32>,
    %select_n3A_1833 = arith.select %ge3A_1828, %get3A_1830, %get3A_1832 : vector<16xi1>, vector<16xf32>
    %swap3A_1834 = arith.constant 288 : index
    %swap3A_1835 = tpu.vector_load %arg26[%swap3A_1834] {strides = array<i32>} : memref<512xf32, #tpu.memory_space<vmem>>, vector<16xf32>,
    tpu.vector_store %arg26[%swap3A_1834], %select_n3A_1833 {strides = array<i32>} : memref<512xf32, #tpu.memory_space<vmem>>, vector<16xf32>,
    %get3A_1836 = arith.constant 288 : index
    %get3A_1837 = tpu.vector_load %arg23[%get3A_1836] {strides = array<i32>} : memref<512xf32, #tpu.memory_space<vmem>>, vector<16xf32>,
    %get3A_1838 = arith.constant 288 : index
    %get3A_1839 = tpu.vector_load %arg20[%get3A_1838] {strides = array<i32>} : memref<512xf32, #tpu.memory_space<vmem>>, vector<16xf32>,
    %select_n3A_1840 = arith.select %ge3A_1828, %get3A_1837, %get3A_1839 : vector<16xi1>, vector<16xf32>
    %swap3A_1841 = arith.constant 288 : index
    %swap3A_1842 = tpu.vector_load %arg27[%swap3A_1841] {strides = array<i32>} : memref<512xf32, #tpu.memory_space<vmem>>, vector<16xf32>,
    tpu.vector_store %arg27[%swap3A_1841], %select_n3A_1840 {strides = array<i32>} : memref<512xf32, #tpu.memory_space<vmem>>, vector<16xf32>,
    %jit3A_1843 = arith.constant 1.000000e+00 : f32
    %jit3A_1844 = arith.constant 0.000000e+00 : f32
    %broadcast_in_dim3A_1845 = vector.broadcast %jit3A_1843 : f32 to vector<16xf32>
    %broadcast_in_dim3A_1846 = vector.broadcast %jit3A_1844 : f32 to vector<16xf32>
    %select_n3A_1847 = arith.select %ge3A_1828, %broadcast_in_dim3A_1845, %broadcast_in_dim3A_1846 : vector<16xi1>, vector<16xf32>
    %swap3A_1848 = arith.constant 288 : index
    %swap3A_1849 = tpu.vector_load %arg28[%swap3A_1848] {strides = array<i32>} : memref<512xf32, #tpu.memory_space<vmem>>, vector<16xf32>,
    tpu.vector_store %arg28[%swap3A_1848], %select_n3A_1847 {strides = array<i32>} : memref<512xf32, #tpu.memory_space<vmem>>, vector<16xf32>,
    %add3A_1850 = arith.constant 288 : i32
    %add3A_1851 = arith.addi %mul3A_2, %add3A_1850 : i32
    %add3A_1852 = vector.broadcast %add3A_1851 : i32 to vector<16xi32>
    %add3A_1853 = arith.addi %iota3A, %add3A_1852 : vector<16xi32>
    %get3A_1854 = arith.constant 288 : index
    %get3A_1855 = tpu.vector_load %arg19[%get3A_1854] {strides = array<i32>} : memref<512xi32, #tpu.memory_space<vmem>>, vector<16xi32>,
    %eq3A_1856 = arith.cmpi eq, %get3A_1855, %add3A_1853 : vector<16xi32>
    %get3A_1857 = arith.constant 0 : index
    %get3A_1858 = tpu.vector_load %arg30[%get3A_1857] {strides = array<i32>} : memref<128xf32, #tpu.memory_space<vmem>>, vector<16xf32>,
    %get3A_1859 = arith.constant 288 : index
    %get3A_1860 = tpu.vector_load %arg25[%get3A_1859] {strides = array<i32>} : memref<512xf32, #tpu.memory_space<vmem>>, vector<16xf32>,
    %get3A_1861 = arith.constant 288 : index
    %get3A_1862 = tpu.vector_load %arg24[%get3A_1861] {strides = array<i32>} : memref<512xf32, #tpu.memory_space<vmem>>, vector<16xf32>,
    %sub3A_1863 = arith.subf %get3A_1860, %get3A_1862 : vector<16xf32>
    %jit3A_1864 = arith.constant 0.000000e+00 : f32
    %broadcast_in_dim3A_1865 = vector.broadcast %jit3A_1864 : f32 to vector<16xf32>
    %select_n3A_1866 = arith.select %eq3A_1856, %sub3A_1863, %broadcast_in_dim3A_1865 : vector<16xi1>, vector<16xf32>
    %add3A_1867 = arith.addf %get3A_1858, %select_n3A_1866 : vector<16xf32>
    %swap3A_1868 = arith.constant 0 : index
    %swap3A_1869 = tpu.vector_load %arg30[%swap3A_1868] {strides = array<i32>} : memref<128xf32, #tpu.memory_space<vmem>>, vector<16xf32>,
    tpu.vector_store %arg30[%swap3A_1868], %add3A_1867 {strides = array<i32>} : memref<128xf32, #tpu.memory_space<vmem>>, vector<16xf32>,
    %get3A_1870 = arith.constant 304 : index
    %get3A_1871 = tpu.vector_load %arg18[%get3A_1870] {strides = array<i32>} : memref<512xi32, #tpu.memory_space<vmem>>, vector<16xi32>,
    %ge3A_1872 = arith.constant 0 : i32
    %ge3A_1873 = vector.broadcast %ge3A_1872 : i32 to vector<16xi32>
    %ge3A_1874 = arith.cmpi sge, %get3A_1871, %ge3A_1873 : vector<16xi32>
    %get3A_1875 = arith.constant 304 : index
    %get3A_1876 = tpu.vector_load %arg22[%get3A_1875] {strides = array<i32>} : memref<512xf32, #tpu.memory_space<vmem>>, vector<16xf32>,
    %get3A_1877 = arith.constant 304 : index
    %get3A_1878 = tpu.vector_load %arg21[%get3A_1877] {strides = array<i32>} : memref<512xf32, #tpu.memory_space<vmem>>, vector<16xf32>,
    %select_n3A_1879 = arith.select %ge3A_1874, %get3A_1876, %get3A_1878 : vector<16xi1>, vector<16xf32>
    %swap3A_1880 = arith.constant 304 : index
    %swap3A_1881 = tpu.vector_load %arg26[%swap3A_1880] {strides = array<i32>} : memref<512xf32, #tpu.memory_space<vmem>>, vector<16xf32>,
    tpu.vector_store %arg26[%swap3A_1880], %select_n3A_1879 {strides = array<i32>} : memref<512xf32, #tpu.memory_space<vmem>>, vector<16xf32>,
    %get3A_1882 = arith.constant 304 : index
    %get3A_1883 = tpu.vector_load %arg23[%get3A_1882] {strides = array<i32>} : memref<512xf32, #tpu.memory_space<vmem>>, vector<16xf32>,
    %get3A_1884 = arith.constant 304 : index
    %get3A_1885 = tpu.vector_load %arg20[%get3A_1884] {strides = array<i32>} : memref<512xf32, #tpu.memory_space<vmem>>, vector<16xf32>,
    %select_n3A_1886 = arith.select %ge3A_1874, %get3A_1883, %get3A_1885 : vector<16xi1>, vector<16xf32>
    %swap3A_1887 = arith.constant 304 : index
    %swap3A_1888 = tpu.vector_load %arg27[%swap3A_1887] {strides = array<i32>} : memref<512xf32, #tpu.memory_space<vmem>>, vector<16xf32>,
    tpu.vector_store %arg27[%swap3A_1887], %select_n3A_1886 {strides = array<i32>} : memref<512xf32, #tpu.memory_space<vmem>>, vector<16xf32>,
    %jit3A_1889 = arith.constant 1.000000e+00 : f32
    %jit3A_1890 = arith.constant 0.000000e+00 : f32
    %broadcast_in_dim3A_1891 = vector.broadcast %jit3A_1889 : f32 to vector<16xf32>
    %broadcast_in_dim3A_1892 = vector.broadcast %jit3A_1890 : f32 to vector<16xf32>
    %select_n3A_1893 = arith.select %ge3A_1874, %broadcast_in_dim3A_1891, %broadcast_in_dim3A_1892 : vector<16xi1>, vector<16xf32>
    %swap3A_1894 = arith.constant 304 : index
    %swap3A_1895 = tpu.vector_load %arg28[%swap3A_1894] {strides = array<i32>} : memref<512xf32, #tpu.memory_space<vmem>>, vector<16xf32>,
    tpu.vector_store %arg28[%swap3A_1894], %select_n3A_1893 {strides = array<i32>} : memref<512xf32, #tpu.memory_space<vmem>>, vector<16xf32>,
    %add3A_1896 = arith.constant 304 : i32
    %add3A_1897 = arith.addi %mul3A_2, %add3A_1896 : i32
    %add3A_1898 = vector.broadcast %add3A_1897 : i32 to vector<16xi32>
    %add3A_1899 = arith.addi %iota3A, %add3A_1898 : vector<16xi32>
    %get3A_1900 = arith.constant 304 : index
    %get3A_1901 = tpu.vector_load %arg19[%get3A_1900] {strides = array<i32>} : memref<512xi32, #tpu.memory_space<vmem>>, vector<16xi32>,
    %eq3A_1902 = arith.cmpi eq, %get3A_1901, %add3A_1899 : vector<16xi32>
    %get3A_1903 = arith.constant 0 : index
    %get3A_1904 = tpu.vector_load %arg30[%get3A_1903] {strides = array<i32>} : memref<128xf32, #tpu.memory_space<vmem>>, vector<16xf32>,
    %get3A_1905 = arith.constant 304 : index
    %get3A_1906 = tpu.vector_load %arg25[%get3A_1905] {strides = array<i32>} : memref<512xf32, #tpu.memory_space<vmem>>, vector<16xf32>,
    %get3A_1907 = arith.constant 304 : index
    %get3A_1908 = tpu.vector_load %arg24[%get3A_1907] {strides = array<i32>} : memref<512xf32, #tpu.memory_space<vmem>>, vector<16xf32>,
    %sub3A_1909 = arith.subf %get3A_1906, %get3A_1908 : vector<16xf32>
    %jit3A_1910 = arith.constant 0.000000e+00 : f32
    %broadcast_in_dim3A_1911 = vector.broadcast %jit3A_1910 : f32 to vector<16xf32>
    %select_n3A_1912 = arith.select %eq3A_1902, %sub3A_1909, %broadcast_in_dim3A_1911 : vector<16xi1>, vector<16xf32>
    %add3A_1913 = arith.addf %get3A_1904, %select_n3A_1912 : vector<16xf32>
    %swap3A_1914 = arith.constant 0 : index
    %swap3A_1915 = tpu.vector_load %arg30[%swap3A_1914] {strides = array<i32>} : memref<128xf32, #tpu.memory_space<vmem>>, vector<16xf32>,
    tpu.vector_store %arg30[%swap3A_1914], %add3A_1913 {strides = array<i32>} : memref<128xf32, #tpu.memory_space<vmem>>, vector<16xf32>,
    %get3A_1916 = arith.constant 320 : index
    %get3A_1917 = tpu.vector_load %arg18[%get3A_1916] {strides = array<i32>} : memref<512xi32, #tpu.memory_space<vmem>>, vector<16xi32>,
    %ge3A_1918 = arith.constant 0 : i32
    %ge3A_1919 = vector.broadcast %ge3A_1918 : i32 to vector<16xi32>
    %ge3A_1920 = arith.cmpi sge, %get3A_1917, %ge3A_1919 : vector<16xi32>
    %get3A_1921 = arith.constant 320 : index
    %get3A_1922 = tpu.vector_load %arg22[%get3A_1921] {strides = array<i32>} : memref<512xf32, #tpu.memory_space<vmem>>, vector<16xf32>,
    %get3A_1923 = arith.constant 320 : index
    %get3A_1924 = tpu.vector_load %arg21[%get3A_1923] {strides = array<i32>} : memref<512xf32, #tpu.memory_space<vmem>>, vector<16xf32>,
    %select_n3A_1925 = arith.select %ge3A_1920, %get3A_1922, %get3A_1924 : vector<16xi1>, vector<16xf32>
    %swap3A_1926 = arith.constant 320 : index
    %swap3A_1927 = tpu.vector_load %arg26[%swap3A_1926] {strides = array<i32>} : memref<512xf32, #tpu.memory_space<vmem>>, vector<16xf32>,
    tpu.vector_store %arg26[%swap3A_1926], %select_n3A_1925 {strides = array<i32>} : memref<512xf32, #tpu.memory_space<vmem>>, vector<16xf32>,
    %get3A_1928 = arith.constant 320 : index
    %get3A_1929 = tpu.vector_load %arg23[%get3A_1928] {strides = array<i32>} : memref<512xf32, #tpu.memory_space<vmem>>, vector<16xf32>,
    %get3A_1930 = arith.constant 320 : index
    %get3A_1931 = tpu.vector_load %arg20[%get3A_1930] {strides = array<i32>} : memref<512xf32, #tpu.memory_space<vmem>>, vector<16xf32>,
    %select_n3A_1932 = arith.select %ge3A_1920, %get3A_1929, %get3A_1931 : vector<16xi1>, vector<16xf32>
    %swap3A_1933 = arith.constant 320 : index
    %swap3A_1934 = tpu.vector_load %arg27[%swap3A_1933] {strides = array<i32>} : memref<512xf32, #tpu.memory_space<vmem>>, vector<16xf32>,
    tpu.vector_store %arg27[%swap3A_1933], %select_n3A_1932 {strides = array<i32>} : memref<512xf32, #tpu.memory_space<vmem>>, vector<16xf32>,
    %jit3A_1935 = arith.constant 1.000000e+00 : f32
    %jit3A_1936 = arith.constant 0.000000e+00 : f32
    %broadcast_in_dim3A_1937 = vector.broadcast %jit3A_1935 : f32 to vector<16xf32>
    %broadcast_in_dim3A_1938 = vector.broadcast %jit3A_1936 : f32 to vector<16xf32>
    %select_n3A_1939 = arith.select %ge3A_1920, %broadcast_in_dim3A_1937, %broadcast_in_dim3A_1938 : vector<16xi1>, vector<16xf32>
    %swap3A_1940 = arith.constant 320 : index
    %swap3A_1941 = tpu.vector_load %arg28[%swap3A_1940] {strides = array<i32>} : memref<512xf32, #tpu.memory_space<vmem>>, vector<16xf32>,
    tpu.vector_store %arg28[%swap3A_1940], %select_n3A_1939 {strides = array<i32>} : memref<512xf32, #tpu.memory_space<vmem>>, vector<16xf32>,
    %add3A_1942 = arith.constant 320 : i32
    %add3A_1943 = arith.addi %mul3A_2, %add3A_1942 : i32
    %add3A_1944 = vector.broadcast %add3A_1943 : i32 to vector<16xi32>
    %add3A_1945 = arith.addi %iota3A, %add3A_1944 : vector<16xi32>
    %get3A_1946 = arith.constant 320 : index
    %get3A_1947 = tpu.vector_load %arg19[%get3A_1946] {strides = array<i32>} : memref<512xi32, #tpu.memory_space<vmem>>, vector<16xi32>,
    %eq3A_1948 = arith.cmpi eq, %get3A_1947, %add3A_1945 : vector<16xi32>
    %get3A_1949 = arith.constant 0 : index
    %get3A_1950 = tpu.vector_load %arg30[%get3A_1949] {strides = array<i32>} : memref<128xf32, #tpu.memory_space<vmem>>, vector<16xf32>,
    %get3A_1951 = arith.constant 320 : index
    %get3A_1952 = tpu.vector_load %arg25[%get3A_1951] {strides = array<i32>} : memref<512xf32, #tpu.memory_space<vmem>>, vector<16xf32>,
    %get3A_1953 = arith.constant 320 : index
    %get3A_1954 = tpu.vector_load %arg24[%get3A_1953] {strides = array<i32>} : memref<512xf32, #tpu.memory_space<vmem>>, vector<16xf32>,
    %sub3A_1955 = arith.subf %get3A_1952, %get3A_1954 : vector<16xf32>
    %jit3A_1956 = arith.constant 0.000000e+00 : f32
    %broadcast_in_dim3A_1957 = vector.broadcast %jit3A_1956 : f32 to vector<16xf32>
    %select_n3A_1958 = arith.select %eq3A_1948, %sub3A_1955, %broadcast_in_dim3A_1957 : vector<16xi1>, vector<16xf32>
    %add3A_1959 = arith.addf %get3A_1950, %select_n3A_1958 : vector<16xf32>
    %swap3A_1960 = arith.constant 0 : index
    %swap3A_1961 = tpu.vector_load %arg30[%swap3A_1960] {strides = array<i32>} : memref<128xf32, #tpu.memory_space<vmem>>, vector<16xf32>,
    tpu.vector_store %arg30[%swap3A_1960], %add3A_1959 {strides = array<i32>} : memref<128xf32, #tpu.memory_space<vmem>>, vector<16xf32>,
    %get3A_1962 = arith.constant 336 : index
    %get3A_1963 = tpu.vector_load %arg18[%get3A_1962] {strides = array<i32>} : memref<512xi32, #tpu.memory_space<vmem>>, vector<16xi32>,
    %ge3A_1964 = arith.constant 0 : i32
    %ge3A_1965 = vector.broadcast %ge3A_1964 : i32 to vector<16xi32>
    %ge3A_1966 = arith.cmpi sge, %get3A_1963, %ge3A_1965 : vector<16xi32>
    %get3A_1967 = arith.constant 336 : index
    %get3A_1968 = tpu.vector_load %arg22[%get3A_1967] {strides = array<i32>} : memref<512xf32, #tpu.memory_space<vmem>>, vector<16xf32>,
    %get3A_1969 = arith.constant 336 : index
    %get3A_1970 = tpu.vector_load %arg21[%get3A_1969] {strides = array<i32>} : memref<512xf32, #tpu.memory_space<vmem>>, vector<16xf32>,
    %select_n3A_1971 = arith.select %ge3A_1966, %get3A_1968, %get3A_1970 : vector<16xi1>, vector<16xf32>
    %swap3A_1972 = arith.constant 336 : index
    %swap3A_1973 = tpu.vector_load %arg26[%swap3A_1972] {strides = array<i32>} : memref<512xf32, #tpu.memory_space<vmem>>, vector<16xf32>,
    tpu.vector_store %arg26[%swap3A_1972], %select_n3A_1971 {strides = array<i32>} : memref<512xf32, #tpu.memory_space<vmem>>, vector<16xf32>,
    %get3A_1974 = arith.constant 336 : index
    %get3A_1975 = tpu.vector_load %arg23[%get3A_1974] {strides = array<i32>} : memref<512xf32, #tpu.memory_space<vmem>>, vector<16xf32>,
    %get3A_1976 = arith.constant 336 : index
    %get3A_1977 = tpu.vector_load %arg20[%get3A_1976] {strides = array<i32>} : memref<512xf32, #tpu.memory_space<vmem>>, vector<16xf32>,
    %select_n3A_1978 = arith.select %ge3A_1966, %get3A_1975, %get3A_1977 : vector<16xi1>, vector<16xf32>
    %swap3A_1979 = arith.constant 336 : index
    %swap3A_1980 = tpu.vector_load %arg27[%swap3A_1979] {strides = array<i32>} : memref<512xf32, #tpu.memory_space<vmem>>, vector<16xf32>,
    tpu.vector_store %arg27[%swap3A_1979], %select_n3A_1978 {strides = array<i32>} : memref<512xf32, #tpu.memory_space<vmem>>, vector<16xf32>,
    %jit3A_1981 = arith.constant 1.000000e+00 : f32
    %jit3A_1982 = arith.constant 0.000000e+00 : f32
    %broadcast_in_dim3A_1983 = vector.broadcast %jit3A_1981 : f32 to vector<16xf32>
    %broadcast_in_dim3A_1984 = vector.broadcast %jit3A_1982 : f32 to vector<16xf32>
    %select_n3A_1985 = arith.select %ge3A_1966, %broadcast_in_dim3A_1983, %broadcast_in_dim3A_1984 : vector<16xi1>, vector<16xf32>
    %swap3A_1986 = arith.constant 336 : index
    %swap3A_1987 = tpu.vector_load %arg28[%swap3A_1986] {strides = array<i32>} : memref<512xf32, #tpu.memory_space<vmem>>, vector<16xf32>,
    tpu.vector_store %arg28[%swap3A_1986], %select_n3A_1985 {strides = array<i32>} : memref<512xf32, #tpu.memory_space<vmem>>, vector<16xf32>,
    %add3A_1988 = arith.constant 336 : i32
    %add3A_1989 = arith.addi %mul3A_2, %add3A_1988 : i32
    %add3A_1990 = vector.broadcast %add3A_1989 : i32 to vector<16xi32>
    %add3A_1991 = arith.addi %iota3A, %add3A_1990 : vector<16xi32>
    %get3A_1992 = arith.constant 336 : index
    %get3A_1993 = tpu.vector_load %arg19[%get3A_1992] {strides = array<i32>} : memref<512xi32, #tpu.memory_space<vmem>>, vector<16xi32>,
    %eq3A_1994 = arith.cmpi eq, %get3A_1993, %add3A_1991 : vector<16xi32>
    %get3A_1995 = arith.constant 0 : index
    %get3A_1996 = tpu.vector_load %arg30[%get3A_1995] {strides = array<i32>} : memref<128xf32, #tpu.memory_space<vmem>>, vector<16xf32>,
    %get3A_1997 = arith.constant 336 : index
    %get3A_1998 = tpu.vector_load %arg25[%get3A_1997] {strides = array<i32>} : memref<512xf32, #tpu.memory_space<vmem>>, vector<16xf32>,
    %get3A_1999 = arith.constant 336 : index
    %get3A_2000 = tpu.vector_load %arg24[%get3A_1999] {strides = array<i32>} : memref<512xf32, #tpu.memory_space<vmem>>, vector<16xf32>,
    %sub3A_2001 = arith.subf %get3A_1998, %get3A_2000 : vector<16xf32>
    %jit3A_2002 = arith.constant 0.000000e+00 : f32
    %broadcast_in_dim3A_2003 = vector.broadcast %jit3A_2002 : f32 to vector<16xf32>
    %select_n3A_2004 = arith.select %eq3A_1994, %sub3A_2001, %broadcast_in_dim3A_2003 : vector<16xi1>, vector<16xf32>
    %add3A_2005 = arith.addf %get3A_1996, %select_n3A_2004 : vector<16xf32>
    %swap3A_2006 = arith.constant 0 : index
    %swap3A_2007 = tpu.vector_load %arg30[%swap3A_2006] {strides = array<i32>} : memref<128xf32, #tpu.memory_space<vmem>>, vector<16xf32>,
    tpu.vector_store %arg30[%swap3A_2006], %add3A_2005 {strides = array<i32>} : memref<128xf32, #tpu.memory_space<vmem>>, vector<16xf32>,
    %get3A_2008 = arith.constant 352 : index
    %get3A_2009 = tpu.vector_load %arg18[%get3A_2008] {strides = array<i32>} : memref<512xi32, #tpu.memory_space<vmem>>, vector<16xi32>,
    %ge3A_2010 = arith.constant 0 : i32
    %ge3A_2011 = vector.broadcast %ge3A_2010 : i32 to vector<16xi32>
    %ge3A_2012 = arith.cmpi sge, %get3A_2009, %ge3A_2011 : vector<16xi32>
    %get3A_2013 = arith.constant 352 : index
    %get3A_2014 = tpu.vector_load %arg22[%get3A_2013] {strides = array<i32>} : memref<512xf32, #tpu.memory_space<vmem>>, vector<16xf32>,
    %get3A_2015 = arith.constant 352 : index
    %get3A_2016 = tpu.vector_load %arg21[%get3A_2015] {strides = array<i32>} : memref<512xf32, #tpu.memory_space<vmem>>, vector<16xf32>,
    %select_n3A_2017 = arith.select %ge3A_2012, %get3A_2014, %get3A_2016 : vector<16xi1>, vector<16xf32>
    %swap3A_2018 = arith.constant 352 : index
    %swap3A_2019 = tpu.vector_load %arg26[%swap3A_2018] {strides = array<i32>} : memref<512xf32, #tpu.memory_space<vmem>>, vector<16xf32>,
    tpu.vector_store %arg26[%swap3A_2018], %select_n3A_2017 {strides = array<i32>} : memref<512xf32, #tpu.memory_space<vmem>>, vector<16xf32>,
    %get3A_2020 = arith.constant 352 : index
    %get3A_2021 = tpu.vector_load %arg23[%get3A_2020] {strides = array<i32>} : memref<512xf32, #tpu.memory_space<vmem>>, vector<16xf32>,
    %get3A_2022 = arith.constant 352 : index
    %get3A_2023 = tpu.vector_load %arg20[%get3A_2022] {strides = array<i32>} : memref<512xf32, #tpu.memory_space<vmem>>, vector<16xf32>,
    %select_n3A_2024 = arith.select %ge3A_2012, %get3A_2021, %get3A_2023 : vector<16xi1>, vector<16xf32>
    %swap3A_2025 = arith.constant 352 : index
    %swap3A_2026 = tpu.vector_load %arg27[%swap3A_2025] {strides = array<i32>} : memref<512xf32, #tpu.memory_space<vmem>>, vector<16xf32>,
    tpu.vector_store %arg27[%swap3A_2025], %select_n3A_2024 {strides = array<i32>} : memref<512xf32, #tpu.memory_space<vmem>>, vector<16xf32>,
    %jit3A_2027 = arith.constant 1.000000e+00 : f32
    %jit3A_2028 = arith.constant 0.000000e+00 : f32
    %broadcast_in_dim3A_2029 = vector.broadcast %jit3A_2027 : f32 to vector<16xf32>
    %broadcast_in_dim3A_2030 = vector.broadcast %jit3A_2028 : f32 to vector<16xf32>
    %select_n3A_2031 = arith.select %ge3A_2012, %broadcast_in_dim3A_2029, %broadcast_in_dim3A_2030 : vector<16xi1>, vector<16xf32>
    %swap3A_2032 = arith.constant 352 : index
    %swap3A_2033 = tpu.vector_load %arg28[%swap3A_2032] {strides = array<i32>} : memref<512xf32, #tpu.memory_space<vmem>>, vector<16xf32>,
    tpu.vector_store %arg28[%swap3A_2032], %select_n3A_2031 {strides = array<i32>} : memref<512xf32, #tpu.memory_space<vmem>>, vector<16xf32>,
    %add3A_2034 = arith.constant 352 : i32
    %add3A_2035 = arith.addi %mul3A_2, %add3A_2034 : i32
    %add3A_2036 = vector.broadcast %add3A_2035 : i32 to vector<16xi32>
    %add3A_2037 = arith.addi %iota3A, %add3A_2036 : vector<16xi32>
    %get3A_2038 = arith.constant 352 : index
    %get3A_2039 = tpu.vector_load %arg19[%get3A_2038] {strides = array<i32>} : memref<512xi32, #tpu.memory_space<vmem>>, vector<16xi32>,
    %eq3A_2040 = arith.cmpi eq, %get3A_2039, %add3A_2037 : vector<16xi32>
    %get3A_2041 = arith.constant 0 : index
    %get3A_2042 = tpu.vector_load %arg30[%get3A_2041] {strides = array<i32>} : memref<128xf32, #tpu.memory_space<vmem>>, vector<16xf32>,
    %get3A_2043 = arith.constant 352 : index
    %get3A_2044 = tpu.vector_load %arg25[%get3A_2043] {strides = array<i32>} : memref<512xf32, #tpu.memory_space<vmem>>, vector<16xf32>,
    %get3A_2045 = arith.constant 352 : index
    %get3A_2046 = tpu.vector_load %arg24[%get3A_2045] {strides = array<i32>} : memref<512xf32, #tpu.memory_space<vmem>>, vector<16xf32>,
    %sub3A_2047 = arith.subf %get3A_2044, %get3A_2046 : vector<16xf32>
    %jit3A_2048 = arith.constant 0.000000e+00 : f32
    %broadcast_in_dim3A_2049 = vector.broadcast %jit3A_2048 : f32 to vector<16xf32>
    %select_n3A_2050 = arith.select %eq3A_2040, %sub3A_2047, %broadcast_in_dim3A_2049 : vector<16xi1>, vector<16xf32>
    %add3A_2051 = arith.addf %get3A_2042, %select_n3A_2050 : vector<16xf32>
    %swap3A_2052 = arith.constant 0 : index
    %swap3A_2053 = tpu.vector_load %arg30[%swap3A_2052] {strides = array<i32>} : memref<128xf32, #tpu.memory_space<vmem>>, vector<16xf32>,
    tpu.vector_store %arg30[%swap3A_2052], %add3A_2051 {strides = array<i32>} : memref<128xf32, #tpu.memory_space<vmem>>, vector<16xf32>,
    %get3A_2054 = arith.constant 368 : index
    %get3A_2055 = tpu.vector_load %arg18[%get3A_2054] {strides = array<i32>} : memref<512xi32, #tpu.memory_space<vmem>>, vector<16xi32>,
    %ge3A_2056 = arith.constant 0 : i32
    %ge3A_2057 = vector.broadcast %ge3A_2056 : i32 to vector<16xi32>
    %ge3A_2058 = arith.cmpi sge, %get3A_2055, %ge3A_2057 : vector<16xi32>
    %get3A_2059 = arith.constant 368 : index
    %get3A_2060 = tpu.vector_load %arg22[%get3A_2059] {strides = array<i32>} : memref<512xf32, #tpu.memory_space<vmem>>, vector<16xf32>,
    %get3A_2061 = arith.constant 368 : index
    %get3A_2062 = tpu.vector_load %arg21[%get3A_2061] {strides = array<i32>} : memref<512xf32, #tpu.memory_space<vmem>>, vector<16xf32>,
    %select_n3A_2063 = arith.select %ge3A_2058, %get3A_2060, %get3A_2062 : vector<16xi1>, vector<16xf32>
    %swap3A_2064 = arith.constant 368 : index
    %swap3A_2065 = tpu.vector_load %arg26[%swap3A_2064] {strides = array<i32>} : memref<512xf32, #tpu.memory_space<vmem>>, vector<16xf32>,
    tpu.vector_store %arg26[%swap3A_2064], %select_n3A_2063 {strides = array<i32>} : memref<512xf32, #tpu.memory_space<vmem>>, vector<16xf32>,
    %get3A_2066 = arith.constant 368 : index
    %get3A_2067 = tpu.vector_load %arg23[%get3A_2066] {strides = array<i32>} : memref<512xf32, #tpu.memory_space<vmem>>, vector<16xf32>,
    %get3A_2068 = arith.constant 368 : index
    %get3A_2069 = tpu.vector_load %arg20[%get3A_2068] {strides = array<i32>} : memref<512xf32, #tpu.memory_space<vmem>>, vector<16xf32>,
    %select_n3A_2070 = arith.select %ge3A_2058, %get3A_2067, %get3A_2069 : vector<16xi1>, vector<16xf32>
    %swap3A_2071 = arith.constant 368 : index
    %swap3A_2072 = tpu.vector_load %arg27[%swap3A_2071] {strides = array<i32>} : memref<512xf32, #tpu.memory_space<vmem>>, vector<16xf32>,
    tpu.vector_store %arg27[%swap3A_2071], %select_n3A_2070 {strides = array<i32>} : memref<512xf32, #tpu.memory_space<vmem>>, vector<16xf32>,
    %jit3A_2073 = arith.constant 1.000000e+00 : f32
    %jit3A_2074 = arith.constant 0.000000e+00 : f32
    %broadcast_in_dim3A_2075 = vector.broadcast %jit3A_2073 : f32 to vector<16xf32>
    %broadcast_in_dim3A_2076 = vector.broadcast %jit3A_2074 : f32 to vector<16xf32>
    %select_n3A_2077 = arith.select %ge3A_2058, %broadcast_in_dim3A_2075, %broadcast_in_dim3A_2076 : vector<16xi1>, vector<16xf32>
    %swap3A_2078 = arith.constant 368 : index
    %swap3A_2079 = tpu.vector_load %arg28[%swap3A_2078] {strides = array<i32>} : memref<512xf32, #tpu.memory_space<vmem>>, vector<16xf32>,
    tpu.vector_store %arg28[%swap3A_2078], %select_n3A_2077 {strides = array<i32>} : memref<512xf32, #tpu.memory_space<vmem>>, vector<16xf32>,
    %add3A_2080 = arith.constant 368 : i32
    %add3A_2081 = arith.addi %mul3A_2, %add3A_2080 : i32
    %add3A_2082 = vector.broadcast %add3A_2081 : i32 to vector<16xi32>
    %add3A_2083 = arith.addi %iota3A, %add3A_2082 : vector<16xi32>
    %get3A_2084 = arith.constant 368 : index
    %get3A_2085 = tpu.vector_load %arg19[%get3A_2084] {strides = array<i32>} : memref<512xi32, #tpu.memory_space<vmem>>, vector<16xi32>,
    %eq3A_2086 = arith.cmpi eq, %get3A_2085, %add3A_2083 : vector<16xi32>
    %get3A_2087 = arith.constant 0 : index
    %get3A_2088 = tpu.vector_load %arg30[%get3A_2087] {strides = array<i32>} : memref<128xf32, #tpu.memory_space<vmem>>, vector<16xf32>,
    %get3A_2089 = arith.constant 368 : index
    %get3A_2090 = tpu.vector_load %arg25[%get3A_2089] {strides = array<i32>} : memref<512xf32, #tpu.memory_space<vmem>>, vector<16xf32>,
    %get3A_2091 = arith.constant 368 : index
    %get3A_2092 = tpu.vector_load %arg24[%get3A_2091] {strides = array<i32>} : memref<512xf32, #tpu.memory_space<vmem>>, vector<16xf32>,
    %sub3A_2093 = arith.subf %get3A_2090, %get3A_2092 : vector<16xf32>
    %jit3A_2094 = arith.constant 0.000000e+00 : f32
    %broadcast_in_dim3A_2095 = vector.broadcast %jit3A_2094 : f32 to vector<16xf32>
    %select_n3A_2096 = arith.select %eq3A_2086, %sub3A_2093, %broadcast_in_dim3A_2095 : vector<16xi1>, vector<16xf32>
    %add3A_2097 = arith.addf %get3A_2088, %select_n3A_2096 : vector<16xf32>
    %swap3A_2098 = arith.constant 0 : index
    %swap3A_2099 = tpu.vector_load %arg30[%swap3A_2098] {strides = array<i32>} : memref<128xf32, #tpu.memory_space<vmem>>, vector<16xf32>,
    tpu.vector_store %arg30[%swap3A_2098], %add3A_2097 {strides = array<i32>} : memref<128xf32, #tpu.memory_space<vmem>>, vector<16xf32>,
    %get3A_2100 = arith.constant 384 : index
    %get3A_2101 = tpu.vector_load %arg18[%get3A_2100] {strides = array<i32>} : memref<512xi32, #tpu.memory_space<vmem>>, vector<16xi32>,
    %ge3A_2102 = arith.constant 0 : i32
    %ge3A_2103 = vector.broadcast %ge3A_2102 : i32 to vector<16xi32>
    %ge3A_2104 = arith.cmpi sge, %get3A_2101, %ge3A_2103 : vector<16xi32>
    %get3A_2105 = arith.constant 384 : index
    %get3A_2106 = tpu.vector_load %arg22[%get3A_2105] {strides = array<i32>} : memref<512xf32, #tpu.memory_space<vmem>>, vector<16xf32>,
    %get3A_2107 = arith.constant 384 : index
    %get3A_2108 = tpu.vector_load %arg21[%get3A_2107] {strides = array<i32>} : memref<512xf32, #tpu.memory_space<vmem>>, vector<16xf32>,
    %select_n3A_2109 = arith.select %ge3A_2104, %get3A_2106, %get3A_2108 : vector<16xi1>, vector<16xf32>
    %swap3A_2110 = arith.constant 384 : index
    %swap3A_2111 = tpu.vector_load %arg26[%swap3A_2110] {strides = array<i32>} : memref<512xf32, #tpu.memory_space<vmem>>, vector<16xf32>,
    tpu.vector_store %arg26[%swap3A_2110], %select_n3A_2109 {strides = array<i32>} : memref<512xf32, #tpu.memory_space<vmem>>, vector<16xf32>,
    %get3A_2112 = arith.constant 384 : index
    %get3A_2113 = tpu.vector_load %arg23[%get3A_2112] {strides = array<i32>} : memref<512xf32, #tpu.memory_space<vmem>>, vector<16xf32>,
    %get3A_2114 = arith.constant 384 : index
    %get3A_2115 = tpu.vector_load %arg20[%get3A_2114] {strides = array<i32>} : memref<512xf32, #tpu.memory_space<vmem>>, vector<16xf32>,
    %select_n3A_2116 = arith.select %ge3A_2104, %get3A_2113, %get3A_2115 : vector<16xi1>, vector<16xf32>
    %swap3A_2117 = arith.constant 384 : index
    %swap3A_2118 = tpu.vector_load %arg27[%swap3A_2117] {strides = array<i32>} : memref<512xf32, #tpu.memory_space<vmem>>, vector<16xf32>,
    tpu.vector_store %arg27[%swap3A_2117], %select_n3A_2116 {strides = array<i32>} : memref<512xf32, #tpu.memory_space<vmem>>, vector<16xf32>,
    %jit3A_2119 = arith.constant 1.000000e+00 : f32
    %jit3A_2120 = arith.constant 0.000000e+00 : f32
    %broadcast_in_dim3A_2121 = vector.broadcast %jit3A_2119 : f32 to vector<16xf32>
    %broadcast_in_dim3A_2122 = vector.broadcast %jit3A_2120 : f32 to vector<16xf32>
    %select_n3A_2123 = arith.select %ge3A_2104, %broadcast_in_dim3A_2121, %broadcast_in_dim3A_2122 : vector<16xi1>, vector<16xf32>
    %swap3A_2124 = arith.constant 384 : index
    %swap3A_2125 = tpu.vector_load %arg28[%swap3A_2124] {strides = array<i32>} : memref<512xf32, #tpu.memory_space<vmem>>, vector<16xf32>,
    tpu.vector_store %arg28[%swap3A_2124], %select_n3A_2123 {strides = array<i32>} : memref<512xf32, #tpu.memory_space<vmem>>, vector<16xf32>,
    %add3A_2126 = arith.constant 384 : i32
    %add3A_2127 = arith.addi %mul3A_2, %add3A_2126 : i32
    %add3A_2128 = vector.broadcast %add3A_2127 : i32 to vector<16xi32>
    %add3A_2129 = arith.addi %iota3A, %add3A_2128 : vector<16xi32>
    %get3A_2130 = arith.constant 384 : index
    %get3A_2131 = tpu.vector_load %arg19[%get3A_2130] {strides = array<i32>} : memref<512xi32, #tpu.memory_space<vmem>>, vector<16xi32>,
    %eq3A_2132 = arith.cmpi eq, %get3A_2131, %add3A_2129 : vector<16xi32>
    %get3A_2133 = arith.constant 0 : index
    %get3A_2134 = tpu.vector_load %arg30[%get3A_2133] {strides = array<i32>} : memref<128xf32, #tpu.memory_space<vmem>>, vector<16xf32>,
    %get3A_2135 = arith.constant 384 : index
    %get3A_2136 = tpu.vector_load %arg25[%get3A_2135] {strides = array<i32>} : memref<512xf32, #tpu.memory_space<vmem>>, vector<16xf32>,
    %get3A_2137 = arith.constant 384 : index
    %get3A_2138 = tpu.vector_load %arg24[%get3A_2137] {strides = array<i32>} : memref<512xf32, #tpu.memory_space<vmem>>, vector<16xf32>,
    %sub3A_2139 = arith.subf %get3A_2136, %get3A_2138 : vector<16xf32>
    %jit3A_2140 = arith.constant 0.000000e+00 : f32
    %broadcast_in_dim3A_2141 = vector.broadcast %jit3A_2140 : f32 to vector<16xf32>
    %select_n3A_2142 = arith.select %eq3A_2132, %sub3A_2139, %broadcast_in_dim3A_2141 : vector<16xi1>, vector<16xf32>
    %add3A_2143 = arith.addf %get3A_2134, %select_n3A_2142 : vector<16xf32>
    %swap3A_2144 = arith.constant 0 : index
    %swap3A_2145 = tpu.vector_load %arg30[%swap3A_2144] {strides = array<i32>} : memref<128xf32, #tpu.memory_space<vmem>>, vector<16xf32>,
    tpu.vector_store %arg30[%swap3A_2144], %add3A_2143 {strides = array<i32>} : memref<128xf32, #tpu.memory_space<vmem>>, vector<16xf32>,
    %get3A_2146 = arith.constant 400 : index
    %get3A_2147 = tpu.vector_load %arg18[%get3A_2146] {strides = array<i32>} : memref<512xi32, #tpu.memory_space<vmem>>, vector<16xi32>,
    %ge3A_2148 = arith.constant 0 : i32
    %ge3A_2149 = vector.broadcast %ge3A_2148 : i32 to vector<16xi32>
    %ge3A_2150 = arith.cmpi sge, %get3A_2147, %ge3A_2149 : vector<16xi32>
    %get3A_2151 = arith.constant 400 : index
    %get3A_2152 = tpu.vector_load %arg22[%get3A_2151] {strides = array<i32>} : memref<512xf32, #tpu.memory_space<vmem>>, vector<16xf32>,
    %get3A_2153 = arith.constant 400 : index
    %get3A_2154 = tpu.vector_load %arg21[%get3A_2153] {strides = array<i32>} : memref<512xf32, #tpu.memory_space<vmem>>, vector<16xf32>,
    %select_n3A_2155 = arith.select %ge3A_2150, %get3A_2152, %get3A_2154 : vector<16xi1>, vector<16xf32>
    %swap3A_2156 = arith.constant 400 : index
    %swap3A_2157 = tpu.vector_load %arg26[%swap3A_2156] {strides = array<i32>} : memref<512xf32, #tpu.memory_space<vmem>>, vector<16xf32>,
    tpu.vector_store %arg26[%swap3A_2156], %select_n3A_2155 {strides = array<i32>} : memref<512xf32, #tpu.memory_space<vmem>>, vector<16xf32>,
    %get3A_2158 = arith.constant 400 : index
    %get3A_2159 = tpu.vector_load %arg23[%get3A_2158] {strides = array<i32>} : memref<512xf32, #tpu.memory_space<vmem>>, vector<16xf32>,
    %get3A_2160 = arith.constant 400 : index
    %get3A_2161 = tpu.vector_load %arg20[%get3A_2160] {strides = array<i32>} : memref<512xf32, #tpu.memory_space<vmem>>, vector<16xf32>,
    %select_n3A_2162 = arith.select %ge3A_2150, %get3A_2159, %get3A_2161 : vector<16xi1>, vector<16xf32>
    %swap3A_2163 = arith.constant 400 : index
    %swap3A_2164 = tpu.vector_load %arg27[%swap3A_2163] {strides = array<i32>} : memref<512xf32, #tpu.memory_space<vmem>>, vector<16xf32>,
    tpu.vector_store %arg27[%swap3A_2163], %select_n3A_2162 {strides = array<i32>} : memref<512xf32, #tpu.memory_space<vmem>>, vector<16xf32>,
    %jit3A_2165 = arith.constant 1.000000e+00 : f32
    %jit3A_2166 = arith.constant 0.000000e+00 : f32
    %broadcast_in_dim3A_2167 = vector.broadcast %jit3A_2165 : f32 to vector<16xf32>
    %broadcast_in_dim3A_2168 = vector.broadcast %jit3A_2166 : f32 to vector<16xf32>
    %select_n3A_2169 = arith.select %ge3A_2150, %broadcast_in_dim3A_2167, %broadcast_in_dim3A_2168 : vector<16xi1>, vector<16xf32>
    %swap3A_2170 = arith.constant 400 : index
    %swap3A_2171 = tpu.vector_load %arg28[%swap3A_2170] {strides = array<i32>} : memref<512xf32, #tpu.memory_space<vmem>>, vector<16xf32>,
    tpu.vector_store %arg28[%swap3A_2170], %select_n3A_2169 {strides = array<i32>} : memref<512xf32, #tpu.memory_space<vmem>>, vector<16xf32>,
    %add3A_2172 = arith.constant 400 : i32
    %add3A_2173 = arith.addi %mul3A_2, %add3A_2172 : i32
    %add3A_2174 = vector.broadcast %add3A_2173 : i32 to vector<16xi32>
    %add3A_2175 = arith.addi %iota3A, %add3A_2174 : vector<16xi32>
    %get3A_2176 = arith.constant 400 : index
    %get3A_2177 = tpu.vector_load %arg19[%get3A_2176] {strides = array<i32>} : memref<512xi32, #tpu.memory_space<vmem>>, vector<16xi32>,
    %eq3A_2178 = arith.cmpi eq, %get3A_2177, %add3A_2175 : vector<16xi32>
    %get3A_2179 = arith.constant 0 : index
    %get3A_2180 = tpu.vector_load %arg30[%get3A_2179] {strides = array<i32>} : memref<128xf32, #tpu.memory_space<vmem>>, vector<16xf32>,
    %get3A_2181 = arith.constant 400 : index
    %get3A_2182 = tpu.vector_load %arg25[%get3A_2181] {strides = array<i32>} : memref<512xf32, #tpu.memory_space<vmem>>, vector<16xf32>,
    %get3A_2183 = arith.constant 400 : index
    %get3A_2184 = tpu.vector_load %arg24[%get3A_2183] {strides = array<i32>} : memref<512xf32, #tpu.memory_space<vmem>>, vector<16xf32>,
    %sub3A_2185 = arith.subf %get3A_2182, %get3A_2184 : vector<16xf32>
    %jit3A_2186 = arith.constant 0.000000e+00 : f32
    %broadcast_in_dim3A_2187 = vector.broadcast %jit3A_2186 : f32 to vector<16xf32>
    %select_n3A_2188 = arith.select %eq3A_2178, %sub3A_2185, %broadcast_in_dim3A_2187 : vector<16xi1>, vector<16xf32>
    %add3A_2189 = arith.addf %get3A_2180, %select_n3A_2188 : vector<16xf32>
    %swap3A_2190 = arith.constant 0 : index
    %swap3A_2191 = tpu.vector_load %arg30[%swap3A_2190] {strides = array<i32>} : memref<128xf32, #tpu.memory_space<vmem>>, vector<16xf32>,
    tpu.vector_store %arg30[%swap3A_2190], %add3A_2189 {strides = array<i32>} : memref<128xf32, #tpu.memory_space<vmem>>, vector<16xf32>,
    %get3A_2192 = arith.constant 416 : index
    %get3A_2193 = tpu.vector_load %arg18[%get3A_2192] {strides = array<i32>} : memref<512xi32, #tpu.memory_space<vmem>>, vector<16xi32>,
    %ge3A_2194 = arith.constant 0 : i32
    %ge3A_2195 = vector.broadcast %ge3A_2194 : i32 to vector<16xi32>
    %ge3A_2196 = arith.cmpi sge, %get3A_2193, %ge3A_2195 : vector<16xi32>
    %get3A_2197 = arith.constant 416 : index
    %get3A_2198 = tpu.vector_load %arg22[%get3A_2197] {strides = array<i32>} : memref<512xf32, #tpu.memory_space<vmem>>, vector<16xf32>,
    %get3A_2199 = arith.constant 416 : index
    %get3A_2200 = tpu.vector_load %arg21[%get3A_2199] {strides = array<i32>} : memref<512xf32, #tpu.memory_space<vmem>>, vector<16xf32>,
    %select_n3A_2201 = arith.select %ge3A_2196, %get3A_2198, %get3A_2200 : vector<16xi1>, vector<16xf32>
    %swap3A_2202 = arith.constant 416 : index
    %swap3A_2203 = tpu.vector_load %arg26[%swap3A_2202] {strides = array<i32>} : memref<512xf32, #tpu.memory_space<vmem>>, vector<16xf32>,
    tpu.vector_store %arg26[%swap3A_2202], %select_n3A_2201 {strides = array<i32>} : memref<512xf32, #tpu.memory_space<vmem>>, vector<16xf32>,
    %get3A_2204 = arith.constant 416 : index
    %get3A_2205 = tpu.vector_load %arg23[%get3A_2204] {strides = array<i32>} : memref<512xf32, #tpu.memory_space<vmem>>, vector<16xf32>,
    %get3A_2206 = arith.constant 416 : index
    %get3A_2207 = tpu.vector_load %arg20[%get3A_2206] {strides = array<i32>} : memref<512xf32, #tpu.memory_space<vmem>>, vector<16xf32>,
    %select_n3A_2208 = arith.select %ge3A_2196, %get3A_2205, %get3A_2207 : vector<16xi1>, vector<16xf32>
    %swap3A_2209 = arith.constant 416 : index
    %swap3A_2210 = tpu.vector_load %arg27[%swap3A_2209] {strides = array<i32>} : memref<512xf32, #tpu.memory_space<vmem>>, vector<16xf32>,
    tpu.vector_store %arg27[%swap3A_2209], %select_n3A_2208 {strides = array<i32>} : memref<512xf32, #tpu.memory_space<vmem>>, vector<16xf32>,
    %jit3A_2211 = arith.constant 1.000000e+00 : f32
    %jit3A_2212 = arith.constant 0.000000e+00 : f32
    %broadcast_in_dim3A_2213 = vector.broadcast %jit3A_2211 : f32 to vector<16xf32>
    %broadcast_in_dim3A_2214 = vector.broadcast %jit3A_2212 : f32 to vector<16xf32>
    %select_n3A_2215 = arith.select %ge3A_2196, %broadcast_in_dim3A_2213, %broadcast_in_dim3A_2214 : vector<16xi1>, vector<16xf32>
    %swap3A_2216 = arith.constant 416 : index
    %swap3A_2217 = tpu.vector_load %arg28[%swap3A_2216] {strides = array<i32>} : memref<512xf32, #tpu.memory_space<vmem>>, vector<16xf32>,
    tpu.vector_store %arg28[%swap3A_2216], %select_n3A_2215 {strides = array<i32>} : memref<512xf32, #tpu.memory_space<vmem>>, vector<16xf32>,
    %add3A_2218 = arith.constant 416 : i32
    %add3A_2219 = arith.addi %mul3A_2, %add3A_2218 : i32
    %add3A_2220 = vector.broadcast %add3A_2219 : i32 to vector<16xi32>
    %add3A_2221 = arith.addi %iota3A, %add3A_2220 : vector<16xi32>
    %get3A_2222 = arith.constant 416 : index
    %get3A_2223 = tpu.vector_load %arg19[%get3A_2222] {strides = array<i32>} : memref<512xi32, #tpu.memory_space<vmem>>, vector<16xi32>,
    %eq3A_2224 = arith.cmpi eq, %get3A_2223, %add3A_2221 : vector<16xi32>
    %get3A_2225 = arith.constant 0 : index
    %get3A_2226 = tpu.vector_load %arg30[%get3A_2225] {strides = array<i32>} : memref<128xf32, #tpu.memory_space<vmem>>, vector<16xf32>,
    %get3A_2227 = arith.constant 416 : index
    %get3A_2228 = tpu.vector_load %arg25[%get3A_2227] {strides = array<i32>} : memref<512xf32, #tpu.memory_space<vmem>>, vector<16xf32>,
    %get3A_2229 = arith.constant 416 : index
    %get3A_2230 = tpu.vector_load %arg24[%get3A_2229] {strides = array<i32>} : memref<512xf32, #tpu.memory_space<vmem>>, vector<16xf32>,
    %sub3A_2231 = arith.subf %get3A_2228, %get3A_2230 : vector<16xf32>
    %jit3A_2232 = arith.constant 0.000000e+00 : f32
    %broadcast_in_dim3A_2233 = vector.broadcast %jit3A_2232 : f32 to vector<16xf32>
    %select_n3A_2234 = arith.select %eq3A_2224, %sub3A_2231, %broadcast_in_dim3A_2233 : vector<16xi1>, vector<16xf32>
    %add3A_2235 = arith.addf %get3A_2226, %select_n3A_2234 : vector<16xf32>
    %swap3A_2236 = arith.constant 0 : index
    %swap3A_2237 = tpu.vector_load %arg30[%swap3A_2236] {strides = array<i32>} : memref<128xf32, #tpu.memory_space<vmem>>, vector<16xf32>,
    tpu.vector_store %arg30[%swap3A_2236], %add3A_2235 {strides = array<i32>} : memref<128xf32, #tpu.memory_space<vmem>>, vector<16xf32>,
    %get3A_2238 = arith.constant 432 : index
    %get3A_2239 = tpu.vector_load %arg18[%get3A_2238] {strides = array<i32>} : memref<512xi32, #tpu.memory_space<vmem>>, vector<16xi32>,
    %ge3A_2240 = arith.constant 0 : i32
    %ge3A_2241 = vector.broadcast %ge3A_2240 : i32 to vector<16xi32>
    %ge3A_2242 = arith.cmpi sge, %get3A_2239, %ge3A_2241 : vector<16xi32>
    %get3A_2243 = arith.constant 432 : index
    %get3A_2244 = tpu.vector_load %arg22[%get3A_2243] {strides = array<i32>} : memref<512xf32, #tpu.memory_space<vmem>>, vector<16xf32>,
    %get3A_2245 = arith.constant 432 : index
    %get3A_2246 = tpu.vector_load %arg21[%get3A_2245] {strides = array<i32>} : memref<512xf32, #tpu.memory_space<vmem>>, vector<16xf32>,
    %select_n3A_2247 = arith.select %ge3A_2242, %get3A_2244, %get3A_2246 : vector<16xi1>, vector<16xf32>
    %swap3A_2248 = arith.constant 432 : index
    %swap3A_2249 = tpu.vector_load %arg26[%swap3A_2248] {strides = array<i32>} : memref<512xf32, #tpu.memory_space<vmem>>, vector<16xf32>,
    tpu.vector_store %arg26[%swap3A_2248], %select_n3A_2247 {strides = array<i32>} : memref<512xf32, #tpu.memory_space<vmem>>, vector<16xf32>,
    %get3A_2250 = arith.constant 432 : index
    %get3A_2251 = tpu.vector_load %arg23[%get3A_2250] {strides = array<i32>} : memref<512xf32, #tpu.memory_space<vmem>>, vector<16xf32>,
    %get3A_2252 = arith.constant 432 : index
    %get3A_2253 = tpu.vector_load %arg20[%get3A_2252] {strides = array<i32>} : memref<512xf32, #tpu.memory_space<vmem>>, vector<16xf32>,
    %select_n3A_2254 = arith.select %ge3A_2242, %get3A_2251, %get3A_2253 : vector<16xi1>, vector<16xf32>
    %swap3A_2255 = arith.constant 432 : index
    %swap3A_2256 = tpu.vector_load %arg27[%swap3A_2255] {strides = array<i32>} : memref<512xf32, #tpu.memory_space<vmem>>, vector<16xf32>,
    tpu.vector_store %arg27[%swap3A_2255], %select_n3A_2254 {strides = array<i32>} : memref<512xf32, #tpu.memory_space<vmem>>, vector<16xf32>,
    %jit3A_2257 = arith.constant 1.000000e+00 : f32
    %jit3A_2258 = arith.constant 0.000000e+00 : f32
    %broadcast_in_dim3A_2259 = vector.broadcast %jit3A_2257 : f32 to vector<16xf32>
    %broadcast_in_dim3A_2260 = vector.broadcast %jit3A_2258 : f32 to vector<16xf32>
    %select_n3A_2261 = arith.select %ge3A_2242, %broadcast_in_dim3A_2259, %broadcast_in_dim3A_2260 : vector<16xi1>, vector<16xf32>
    %swap3A_2262 = arith.constant 432 : index
    %swap3A_2263 = tpu.vector_load %arg28[%swap3A_2262] {strides = array<i32>} : memref<512xf32, #tpu.memory_space<vmem>>, vector<16xf32>,
    tpu.vector_store %arg28[%swap3A_2262], %select_n3A_2261 {strides = array<i32>} : memref<512xf32, #tpu.memory_space<vmem>>, vector<16xf32>,
    %add3A_2264 = arith.constant 432 : i32
    %add3A_2265 = arith.addi %mul3A_2, %add3A_2264 : i32
    %add3A_2266 = vector.broadcast %add3A_2265 : i32 to vector<16xi32>
    %add3A_2267 = arith.addi %iota3A, %add3A_2266 : vector<16xi32>
    %get3A_2268 = arith.constant 432 : index
    %get3A_2269 = tpu.vector_load %arg19[%get3A_2268] {strides = array<i32>} : memref<512xi32, #tpu.memory_space<vmem>>, vector<16xi32>,
    %eq3A_2270 = arith.cmpi eq, %get3A_2269, %add3A_2267 : vector<16xi32>
    %get3A_2271 = arith.constant 0 : index
    %get3A_2272 = tpu.vector_load %arg30[%get3A_2271] {strides = array<i32>} : memref<128xf32, #tpu.memory_space<vmem>>, vector<16xf32>,
    %get3A_2273 = arith.constant 432 : index
    %get3A_2274 = tpu.vector_load %arg25[%get3A_2273] {strides = array<i32>} : memref<512xf32, #tpu.memory_space<vmem>>, vector<16xf32>,
    %get3A_2275 = arith.constant 432 : index
    %get3A_2276 = tpu.vector_load %arg24[%get3A_2275] {strides = array<i32>} : memref<512xf32, #tpu.memory_space<vmem>>, vector<16xf32>,
    %sub3A_2277 = arith.subf %get3A_2274, %get3A_2276 : vector<16xf32>
    %jit3A_2278 = arith.constant 0.000000e+00 : f32
    %broadcast_in_dim3A_2279 = vector.broadcast %jit3A_2278 : f32 to vector<16xf32>
    %select_n3A_2280 = arith.select %eq3A_2270, %sub3A_2277, %broadcast_in_dim3A_2279 : vector<16xi1>, vector<16xf32>
    %add3A_2281 = arith.addf %get3A_2272, %select_n3A_2280 : vector<16xf32>
    %swap3A_2282 = arith.constant 0 : index
    %swap3A_2283 = tpu.vector_load %arg30[%swap3A_2282] {strides = array<i32>} : memref<128xf32, #tpu.memory_space<vmem>>, vector<16xf32>,
    tpu.vector_store %arg30[%swap3A_2282], %add3A_2281 {strides = array<i32>} : memref<128xf32, #tpu.memory_space<vmem>>, vector<16xf32>,
    %get3A_2284 = arith.constant 448 : index
    %get3A_2285 = tpu.vector_load %arg18[%get3A_2284] {strides = array<i32>} : memref<512xi32, #tpu.memory_space<vmem>>, vector<16xi32>,
    %ge3A_2286 = arith.constant 0 : i32
    %ge3A_2287 = vector.broadcast %ge3A_2286 : i32 to vector<16xi32>
    %ge3A_2288 = arith.cmpi sge, %get3A_2285, %ge3A_2287 : vector<16xi32>
    %get3A_2289 = arith.constant 448 : index
    %get3A_2290 = tpu.vector_load %arg22[%get3A_2289] {strides = array<i32>} : memref<512xf32, #tpu.memory_space<vmem>>, vector<16xf32>,
    %get3A_2291 = arith.constant 448 : index
    %get3A_2292 = tpu.vector_load %arg21[%get3A_2291] {strides = array<i32>} : memref<512xf32, #tpu.memory_space<vmem>>, vector<16xf32>,
    %select_n3A_2293 = arith.select %ge3A_2288, %get3A_2290, %get3A_2292 : vector<16xi1>, vector<16xf32>
    %swap3A_2294 = arith.constant 448 : index
    %swap3A_2295 = tpu.vector_load %arg26[%swap3A_2294] {strides = array<i32>} : memref<512xf32, #tpu.memory_space<vmem>>, vector<16xf32>,
    tpu.vector_store %arg26[%swap3A_2294], %select_n3A_2293 {strides = array<i32>} : memref<512xf32, #tpu.memory_space<vmem>>, vector<16xf32>,
    %get3A_2296 = arith.constant 448 : index
    %get3A_2297 = tpu.vector_load %arg23[%get3A_2296] {strides = array<i32>} : memref<512xf32, #tpu.memory_space<vmem>>, vector<16xf32>,
    %get3A_2298 = arith.constant 448 : index
    %get3A_2299 = tpu.vector_load %arg20[%get3A_2298] {strides = array<i32>} : memref<512xf32, #tpu.memory_space<vmem>>, vector<16xf32>,
    %select_n3A_2300 = arith.select %ge3A_2288, %get3A_2297, %get3A_2299 : vector<16xi1>, vector<16xf32>
    %swap3A_2301 = arith.constant 448 : index
    %swap3A_2302 = tpu.vector_load %arg27[%swap3A_2301] {strides = array<i32>} : memref<512xf32, #tpu.memory_space<vmem>>, vector<16xf32>,
    tpu.vector_store %arg27[%swap3A_2301], %select_n3A_2300 {strides = array<i32>} : memref<512xf32, #tpu.memory_space<vmem>>, vector<16xf32>,
    %jit3A_2303 = arith.constant 1.000000e+00 : f32
    %jit3A_2304 = arith.constant 0.000000e+00 : f32
    %broadcast_in_dim3A_2305 = vector.broadcast %jit3A_2303 : f32 to vector<16xf32>
    %broadcast_in_dim3A_2306 = vector.broadcast %jit3A_2304 : f32 to vector<16xf32>
    %select_n3A_2307 = arith.select %ge3A_2288, %broadcast_in_dim3A_2305, %broadcast_in_dim3A_2306 : vector<16xi1>, vector<16xf32>
    %swap3A_2308 = arith.constant 448 : index
    %swap3A_2309 = tpu.vector_load %arg28[%swap3A_2308] {strides = array<i32>} : memref<512xf32, #tpu.memory_space<vmem>>, vector<16xf32>,
    tpu.vector_store %arg28[%swap3A_2308], %select_n3A_2307 {strides = array<i32>} : memref<512xf32, #tpu.memory_space<vmem>>, vector<16xf32>,
    %add3A_2310 = arith.constant 448 : i32
    %add3A_2311 = arith.addi %mul3A_2, %add3A_2310 : i32
    %add3A_2312 = vector.broadcast %add3A_2311 : i32 to vector<16xi32>
    %add3A_2313 = arith.addi %iota3A, %add3A_2312 : vector<16xi32>
    %get3A_2314 = arith.constant 448 : index
    %get3A_2315 = tpu.vector_load %arg19[%get3A_2314] {strides = array<i32>} : memref<512xi32, #tpu.memory_space<vmem>>, vector<16xi32>,
    %eq3A_2316 = arith.cmpi eq, %get3A_2315, %add3A_2313 : vector<16xi32>
    %get3A_2317 = arith.constant 0 : index
    %get3A_2318 = tpu.vector_load %arg30[%get3A_2317] {strides = array<i32>} : memref<128xf32, #tpu.memory_space<vmem>>, vector<16xf32>,
    %get3A_2319 = arith.constant 448 : index
    %get3A_2320 = tpu.vector_load %arg25[%get3A_2319] {strides = array<i32>} : memref<512xf32, #tpu.memory_space<vmem>>, vector<16xf32>,
    %get3A_2321 = arith.constant 448 : index
    %get3A_2322 = tpu.vector_load %arg24[%get3A_2321] {strides = array<i32>} : memref<512xf32, #tpu.memory_space<vmem>>, vector<16xf32>,
    %sub3A_2323 = arith.subf %get3A_2320, %get3A_2322 : vector<16xf32>
    %jit3A_2324 = arith.constant 0.000000e+00 : f32
    %broadcast_in_dim3A_2325 = vector.broadcast %jit3A_2324 : f32 to vector<16xf32>
    %select_n3A_2326 = arith.select %eq3A_2316, %sub3A_2323, %broadcast_in_dim3A_2325 : vector<16xi1>, vector<16xf32>
    %add3A_2327 = arith.addf %get3A_2318, %select_n3A_2326 : vector<16xf32>
    %swap3A_2328 = arith.constant 0 : index
    %swap3A_2329 = tpu.vector_load %arg30[%swap3A_2328] {strides = array<i32>} : memref<128xf32, #tpu.memory_space<vmem>>, vector<16xf32>,
    tpu.vector_store %arg30[%swap3A_2328], %add3A_2327 {strides = array<i32>} : memref<128xf32, #tpu.memory_space<vmem>>, vector<16xf32>,
    %get3A_2330 = arith.constant 464 : index
    %get3A_2331 = tpu.vector_load %arg18[%get3A_2330] {strides = array<i32>} : memref<512xi32, #tpu.memory_space<vmem>>, vector<16xi32>,
    %ge3A_2332 = arith.constant 0 : i32
    %ge3A_2333 = vector.broadcast %ge3A_2332 : i32 to vector<16xi32>
    %ge3A_2334 = arith.cmpi sge, %get3A_2331, %ge3A_2333 : vector<16xi32>
    %get3A_2335 = arith.constant 464 : index
    %get3A_2336 = tpu.vector_load %arg22[%get3A_2335] {strides = array<i32>} : memref<512xf32, #tpu.memory_space<vmem>>, vector<16xf32>,
    %get3A_2337 = arith.constant 464 : index
    %get3A_2338 = tpu.vector_load %arg21[%get3A_2337] {strides = array<i32>} : memref<512xf32, #tpu.memory_space<vmem>>, vector<16xf32>,
    %select_n3A_2339 = arith.select %ge3A_2334, %get3A_2336, %get3A_2338 : vector<16xi1>, vector<16xf32>
    %swap3A_2340 = arith.constant 464 : index
    %swap3A_2341 = tpu.vector_load %arg26[%swap3A_2340] {strides = array<i32>} : memref<512xf32, #tpu.memory_space<vmem>>, vector<16xf32>,
    tpu.vector_store %arg26[%swap3A_2340], %select_n3A_2339 {strides = array<i32>} : memref<512xf32, #tpu.memory_space<vmem>>, vector<16xf32>,
    %get3A_2342 = arith.constant 464 : index
    %get3A_2343 = tpu.vector_load %arg23[%get3A_2342] {strides = array<i32>} : memref<512xf32, #tpu.memory_space<vmem>>, vector<16xf32>,
    %get3A_2344 = arith.constant 464 : index
    %get3A_2345 = tpu.vector_load %arg20[%get3A_2344] {strides = array<i32>} : memref<512xf32, #tpu.memory_space<vmem>>, vector<16xf32>,
    %select_n3A_2346 = arith.select %ge3A_2334, %get3A_2343, %get3A_2345 : vector<16xi1>, vector<16xf32>
    %swap3A_2347 = arith.constant 464 : index
    %swap3A_2348 = tpu.vector_load %arg27[%swap3A_2347] {strides = array<i32>} : memref<512xf32, #tpu.memory_space<vmem>>, vector<16xf32>,
    tpu.vector_store %arg27[%swap3A_2347], %select_n3A_2346 {strides = array<i32>} : memref<512xf32, #tpu.memory_space<vmem>>, vector<16xf32>,
    %jit3A_2349 = arith.constant 1.000000e+00 : f32
    %jit3A_2350 = arith.constant 0.000000e+00 : f32
    %broadcast_in_dim3A_2351 = vector.broadcast %jit3A_2349 : f32 to vector<16xf32>
    %broadcast_in_dim3A_2352 = vector.broadcast %jit3A_2350 : f32 to vector<16xf32>
    %select_n3A_2353 = arith.select %ge3A_2334, %broadcast_in_dim3A_2351, %broadcast_in_dim3A_2352 : vector<16xi1>, vector<16xf32>
    %swap3A_2354 = arith.constant 464 : index
    %swap3A_2355 = tpu.vector_load %arg28[%swap3A_2354] {strides = array<i32>} : memref<512xf32, #tpu.memory_space<vmem>>, vector<16xf32>,
    tpu.vector_store %arg28[%swap3A_2354], %select_n3A_2353 {strides = array<i32>} : memref<512xf32, #tpu.memory_space<vmem>>, vector<16xf32>,
    %add3A_2356 = arith.constant 464 : i32
    %add3A_2357 = arith.addi %mul3A_2, %add3A_2356 : i32
    %add3A_2358 = vector.broadcast %add3A_2357 : i32 to vector<16xi32>
    %add3A_2359 = arith.addi %iota3A, %add3A_2358 : vector<16xi32>
    %get3A_2360 = arith.constant 464 : index
    %get3A_2361 = tpu.vector_load %arg19[%get3A_2360] {strides = array<i32>} : memref<512xi32, #tpu.memory_space<vmem>>, vector<16xi32>,
    %eq3A_2362 = arith.cmpi eq, %get3A_2361, %add3A_2359 : vector<16xi32>
    %get3A_2363 = arith.constant 0 : index
    %get3A_2364 = tpu.vector_load %arg30[%get3A_2363] {strides = array<i32>} : memref<128xf32, #tpu.memory_space<vmem>>, vector<16xf32>,
    %get3A_2365 = arith.constant 464 : index
    %get3A_2366 = tpu.vector_load %arg25[%get3A_2365] {strides = array<i32>} : memref<512xf32, #tpu.memory_space<vmem>>, vector<16xf32>,
    %get3A_2367 = arith.constant 464 : index
    %get3A_2368 = tpu.vector_load %arg24[%get3A_2367] {strides = array<i32>} : memref<512xf32, #tpu.memory_space<vmem>>, vector<16xf32>,
    %sub3A_2369 = arith.subf %get3A_2366, %get3A_2368 : vector<16xf32>
    %jit3A_2370 = arith.constant 0.000000e+00 : f32
    %broadcast_in_dim3A_2371 = vector.broadcast %jit3A_2370 : f32 to vector<16xf32>
    %select_n3A_2372 = arith.select %eq3A_2362, %sub3A_2369, %broadcast_in_dim3A_2371 : vector<16xi1>, vector<16xf32>
    %add3A_2373 = arith.addf %get3A_2364, %select_n3A_2372 : vector<16xf32>
    %swap3A_2374 = arith.constant 0 : index
    %swap3A_2375 = tpu.vector_load %arg30[%swap3A_2374] {strides = array<i32>} : memref<128xf32, #tpu.memory_space<vmem>>, vector<16xf32>,
    tpu.vector_store %arg30[%swap3A_2374], %add3A_2373 {strides = array<i32>} : memref<128xf32, #tpu.memory_space<vmem>>, vector<16xf32>,
    %get3A_2376 = arith.constant 480 : index
    %get3A_2377 = tpu.vector_load %arg18[%get3A_2376] {strides = array<i32>} : memref<512xi32, #tpu.memory_space<vmem>>, vector<16xi32>,
    %ge3A_2378 = arith.constant 0 : i32
    %ge3A_2379 = vector.broadcast %ge3A_2378 : i32 to vector<16xi32>
    %ge3A_2380 = arith.cmpi sge, %get3A_2377, %ge3A_2379 : vector<16xi32>
    %get3A_2381 = arith.constant 480 : index
    %get3A_2382 = tpu.vector_load %arg22[%get3A_2381] {strides = array<i32>} : memref<512xf32, #tpu.memory_space<vmem>>, vector<16xf32>,
    %get3A_2383 = arith.constant 480 : index
    %get3A_2384 = tpu.vector_load %arg21[%get3A_2383] {strides = array<i32>} : memref<512xf32, #tpu.memory_space<vmem>>, vector<16xf32>,
    %select_n3A_2385 = arith.select %ge3A_2380, %get3A_2382, %get3A_2384 : vector<16xi1>, vector<16xf32>
    %swap3A_2386 = arith.constant 480 : index
    %swap3A_2387 = tpu.vector_load %arg26[%swap3A_2386] {strides = array<i32>} : memref<512xf32, #tpu.memory_space<vmem>>, vector<16xf32>,
    tpu.vector_store %arg26[%swap3A_2386], %select_n3A_2385 {strides = array<i32>} : memref<512xf32, #tpu.memory_space<vmem>>, vector<16xf32>,
    %get3A_2388 = arith.constant 480 : index
    %get3A_2389 = tpu.vector_load %arg23[%get3A_2388] {strides = array<i32>} : memref<512xf32, #tpu.memory_space<vmem>>, vector<16xf32>,
    %get3A_2390 = arith.constant 480 : index
    %get3A_2391 = tpu.vector_load %arg20[%get3A_2390] {strides = array<i32>} : memref<512xf32, #tpu.memory_space<vmem>>, vector<16xf32>,
    %select_n3A_2392 = arith.select %ge3A_2380, %get3A_2389, %get3A_2391 : vector<16xi1>, vector<16xf32>
    %swap3A_2393 = arith.constant 480 : index
    %swap3A_2394 = tpu.vector_load %arg27[%swap3A_2393] {strides = array<i32>} : memref<512xf32, #tpu.memory_space<vmem>>, vector<16xf32>,
    tpu.vector_store %arg27[%swap3A_2393], %select_n3A_2392 {strides = array<i32>} : memref<512xf32, #tpu.memory_space<vmem>>, vector<16xf32>,
    %jit3A_2395 = arith.constant 1.000000e+00 : f32
    %jit3A_2396 = arith.constant 0.000000e+00 : f32
    %broadcast_in_dim3A_2397 = vector.broadcast %jit3A_2395 : f32 to vector<16xf32>
    %broadcast_in_dim3A_2398 = vector.broadcast %jit3A_2396 : f32 to vector<16xf32>
    %select_n3A_2399 = arith.select %ge3A_2380, %broadcast_in_dim3A_2397, %broadcast_in_dim3A_2398 : vector<16xi1>, vector<16xf32>
    %swap3A_2400 = arith.constant 480 : index
    %swap3A_2401 = tpu.vector_load %arg28[%swap3A_2400] {strides = array<i32>} : memref<512xf32, #tpu.memory_space<vmem>>, vector<16xf32>,
    tpu.vector_store %arg28[%swap3A_2400], %select_n3A_2399 {strides = array<i32>} : memref<512xf32, #tpu.memory_space<vmem>>, vector<16xf32>,
    %add3A_2402 = arith.constant 480 : i32
    %add3A_2403 = arith.addi %mul3A_2, %add3A_2402 : i32
    %add3A_2404 = vector.broadcast %add3A_2403 : i32 to vector<16xi32>
    %add3A_2405 = arith.addi %iota3A, %add3A_2404 : vector<16xi32>
    %get3A_2406 = arith.constant 480 : index
    %get3A_2407 = tpu.vector_load %arg19[%get3A_2406] {strides = array<i32>} : memref<512xi32, #tpu.memory_space<vmem>>, vector<16xi32>,
    %eq3A_2408 = arith.cmpi eq, %get3A_2407, %add3A_2405 : vector<16xi32>
    %get3A_2409 = arith.constant 0 : index
    %get3A_2410 = tpu.vector_load %arg30[%get3A_2409] {strides = array<i32>} : memref<128xf32, #tpu.memory_space<vmem>>, vector<16xf32>,
    %get3A_2411 = arith.constant 480 : index
    %get3A_2412 = tpu.vector_load %arg25[%get3A_2411] {strides = array<i32>} : memref<512xf32, #tpu.memory_space<vmem>>, vector<16xf32>,
    %get3A_2413 = arith.constant 480 : index
    %get3A_2414 = tpu.vector_load %arg24[%get3A_2413] {strides = array<i32>} : memref<512xf32, #tpu.memory_space<vmem>>, vector<16xf32>,
    %sub3A_2415 = arith.subf %get3A_2412, %get3A_2414 : vector<16xf32>
    %jit3A_2416 = arith.constant 0.000000e+00 : f32
    %broadcast_in_dim3A_2417 = vector.broadcast %jit3A_2416 : f32 to vector<16xf32>
    %select_n3A_2418 = arith.select %eq3A_2408, %sub3A_2415, %broadcast_in_dim3A_2417 : vector<16xi1>, vector<16xf32>
    %add3A_2419 = arith.addf %get3A_2410, %select_n3A_2418 : vector<16xf32>
    %swap3A_2420 = arith.constant 0 : index
    %swap3A_2421 = tpu.vector_load %arg30[%swap3A_2420] {strides = array<i32>} : memref<128xf32, #tpu.memory_space<vmem>>, vector<16xf32>,
    tpu.vector_store %arg30[%swap3A_2420], %add3A_2419 {strides = array<i32>} : memref<128xf32, #tpu.memory_space<vmem>>, vector<16xf32>,
    %get3A_2422 = arith.constant 496 : index
    %get3A_2423 = tpu.vector_load %arg18[%get3A_2422] {strides = array<i32>} : memref<512xi32, #tpu.memory_space<vmem>>, vector<16xi32>,
    %ge3A_2424 = arith.constant 0 : i32
    %ge3A_2425 = vector.broadcast %ge3A_2424 : i32 to vector<16xi32>
    %ge3A_2426 = arith.cmpi sge, %get3A_2423, %ge3A_2425 : vector<16xi32>
    %get3A_2427 = arith.constant 496 : index
    %get3A_2428 = tpu.vector_load %arg22[%get3A_2427] {strides = array<i32>} : memref<512xf32, #tpu.memory_space<vmem>>, vector<16xf32>,
    %get3A_2429 = arith.constant 496 : index
    %get3A_2430 = tpu.vector_load %arg21[%get3A_2429] {strides = array<i32>} : memref<512xf32, #tpu.memory_space<vmem>>, vector<16xf32>,
    %select_n3A_2431 = arith.select %ge3A_2426, %get3A_2428, %get3A_2430 : vector<16xi1>, vector<16xf32>
    %swap3A_2432 = arith.constant 496 : index
    %swap3A_2433 = tpu.vector_load %arg26[%swap3A_2432] {strides = array<i32>} : memref<512xf32, #tpu.memory_space<vmem>>, vector<16xf32>,
    tpu.vector_store %arg26[%swap3A_2432], %select_n3A_2431 {strides = array<i32>} : memref<512xf32, #tpu.memory_space<vmem>>, vector<16xf32>,
    %get3A_2434 = arith.constant 496 : index
    %get3A_2435 = tpu.vector_load %arg23[%get3A_2434] {strides = array<i32>} : memref<512xf32, #tpu.memory_space<vmem>>, vector<16xf32>,
    %get3A_2436 = arith.constant 496 : index
    %get3A_2437 = tpu.vector_load %arg20[%get3A_2436] {strides = array<i32>} : memref<512xf32, #tpu.memory_space<vmem>>, vector<16xf32>,
    %select_n3A_2438 = arith.select %ge3A_2426, %get3A_2435, %get3A_2437 : vector<16xi1>, vector<16xf32>
    %swap3A_2439 = arith.constant 496 : index
    %swap3A_2440 = tpu.vector_load %arg27[%swap3A_2439] {strides = array<i32>} : memref<512xf32, #tpu.memory_space<vmem>>, vector<16xf32>,
    tpu.vector_store %arg27[%swap3A_2439], %select_n3A_2438 {strides = array<i32>} : memref<512xf32, #tpu.memory_space<vmem>>, vector<16xf32>,
    %jit3A_2441 = arith.constant 1.000000e+00 : f32
    %jit3A_2442 = arith.constant 0.000000e+00 : f32
    %broadcast_in_dim3A_2443 = vector.broadcast %jit3A_2441 : f32 to vector<16xf32>
    %broadcast_in_dim3A_2444 = vector.broadcast %jit3A_2442 : f32 to vector<16xf32>
    %select_n3A_2445 = arith.select %ge3A_2426, %broadcast_in_dim3A_2443, %broadcast_in_dim3A_2444 : vector<16xi1>, vector<16xf32>
    %swap3A_2446 = arith.constant 496 : index
    %swap3A_2447 = tpu.vector_load %arg28[%swap3A_2446] {strides = array<i32>} : memref<512xf32, #tpu.memory_space<vmem>>, vector<16xf32>,
    tpu.vector_store %arg28[%swap3A_2446], %select_n3A_2445 {strides = array<i32>} : memref<512xf32, #tpu.memory_space<vmem>>, vector<16xf32>,
    %add3A_2448 = arith.constant 496 : i32
    %add3A_2449 = arith.addi %mul3A_2, %add3A_2448 : i32
    %add3A_2450 = vector.broadcast %add3A_2449 : i32 to vector<16xi32>
    %add3A_2451 = arith.addi %iota3A, %add3A_2450 : vector<16xi32>
    %get3A_2452 = arith.constant 496 : index
    %get3A_2453 = tpu.vector_load %arg19[%get3A_2452] {strides = array<i32>} : memref<512xi32, #tpu.memory_space<vmem>>, vector<16xi32>,
    %eq3A_2454 = arith.cmpi eq, %get3A_2453, %add3A_2451 : vector<16xi32>
    %get3A_2455 = arith.constant 0 : index
    %get3A_2456 = tpu.vector_load %arg30[%get3A_2455] {strides = array<i32>} : memref<128xf32, #tpu.memory_space<vmem>>, vector<16xf32>,
    %get3A_2457 = arith.constant 496 : index
    %get3A_2458 = tpu.vector_load %arg25[%get3A_2457] {strides = array<i32>} : memref<512xf32, #tpu.memory_space<vmem>>, vector<16xf32>,
    %get3A_2459 = arith.constant 496 : index
    %get3A_2460 = tpu.vector_load %arg24[%get3A_2459] {strides = array<i32>} : memref<512xf32, #tpu.memory_space<vmem>>, vector<16xf32>,
    %sub3A_2461 = arith.subf %get3A_2458, %get3A_2460 : vector<16xf32>
    %jit3A_2462 = arith.constant 0.000000e+00 : f32
    %broadcast_in_dim3A_2463 = vector.broadcast %jit3A_2462 : f32 to vector<16xf32>
    %select_n3A_2464 = arith.select %eq3A_2454, %sub3A_2461, %broadcast_in_dim3A_2463 : vector<16xi1>, vector<16xf32>
    %add3A_2465 = arith.addf %get3A_2456, %select_n3A_2464 : vector<16xf32>
    %swap3A_2466 = arith.constant 0 : index
    %swap3A_2467 = tpu.vector_load %arg30[%swap3A_2466] {strides = array<i32>} : memref<128xf32, #tpu.memory_space<vmem>>, vector<16xf32>,
    tpu.vector_store %arg30[%swap3A_2466], %add3A_2465 {strides = array<i32>} : memref<128xf32, #tpu.memory_space<vmem>>, vector<16xf32>,
    "tpu.region"() ({
      %run_scoped3A = tpu.sem_alloc : memref<!tpu.dma_semaphore, #tpu.memory_space<semaphore_mem>>
      %dma_start3A_2468 = arith.constant 0 : i32
      %dma_start3A_2469 = tpu.memref_slice %arg10[%mul3A_2, %dma_start3A_2468] : memref<16384x64xf32, #tpu.memory_space<hbm>> -> memref<512x64xf32, #tpu.memory_space<hbm>>
      %dma_start3A_2470 = arith.constant 0 : i32
      %dma_start3A_2471 = tpu.memref_slice %arg10[%mul3A_2, %dma_start3A_2470] : memref<16384x64xf32, #tpu.memory_space<hbm>> -> memref<512x64xf32, #tpu.memory_space<hbm>>
      tpu.enqueue_dma source(%arg29 : memref<512x64xf32, #tpu.memory_space<vmem>>) target(%dma_start3A_2471 : memref<512x64xf32, #tpu.memory_space<hbm>>) target_semaphore(%run_scoped3A : memref<!tpu.dma_semaphore, #tpu.memory_space<semaphore_mem>>)
      %dma_wait3A_2472 = arith.constant 0 : i32
      %dma_wait3A_2473 = tpu.memref_slice %arg10[%mul3A_2, %dma_wait3A_2472] : memref<16384x64xf32, #tpu.memory_space<hbm>> -> memref<512x64xf32, #tpu.memory_space<hbm>>
      %dma_wait3A_2474 = arith.constant 0 : i32
      %dma_wait3A_2475 = tpu.memref_slice %arg10[%mul3A_2, %dma_wait3A_2474] : memref<16384x64xf32, #tpu.memory_space<hbm>> -> memref<512x64xf32, #tpu.memory_space<hbm>>
      tpu.wait_dma2 semaphore(%run_scoped3A : memref<!tpu.dma_semaphore, #tpu.memory_space<semaphore_mem>>) src(%arg29 : memref<512x64xf32, #tpu.memory_space<vmem>>) dst(%dma_wait3A_2475 : memref<512x64xf32, #tpu.memory_space<hbm>>)
      tpu.yield
    }) : () -> ()
    "tpu.region"() ({
      %run_scoped3A = tpu.sem_alloc : memref<!tpu.dma_semaphore, #tpu.memory_space<semaphore_mem>>
      %dma_start3A_2468 = tpu.memref_slice %arg11[%mul3A_2] : memref<16384xf32, #tpu.memory_space<hbm>> -> memref<512xf32, #tpu.memory_space<hbm>>
      %dma_start3A_2469 = tpu.memref_slice %arg11[%mul3A_2] : memref<16384xf32, #tpu.memory_space<hbm>> -> memref<512xf32, #tpu.memory_space<hbm>>
      tpu.enqueue_dma source(%arg28 : memref<512xf32, #tpu.memory_space<vmem>>) target(%dma_start3A_2469 : memref<512xf32, #tpu.memory_space<hbm>>) target_semaphore(%run_scoped3A : memref<!tpu.dma_semaphore, #tpu.memory_space<semaphore_mem>>)
      %dma_wait3A_2470 = tpu.memref_slice %arg11[%mul3A_2] : memref<16384xf32, #tpu.memory_space<hbm>> -> memref<512xf32, #tpu.memory_space<hbm>>
      %dma_wait3A_2471 = tpu.memref_slice %arg11[%mul3A_2] : memref<16384xf32, #tpu.memory_space<hbm>> -> memref<512xf32, #tpu.memory_space<hbm>>
      tpu.wait_dma2 semaphore(%run_scoped3A : memref<!tpu.dma_semaphore, #tpu.memory_space<semaphore_mem>>) src(%arg28 : memref<512xf32, #tpu.memory_space<vmem>>) dst(%dma_wait3A_2471 : memref<512xf32, #tpu.memory_space<hbm>>)
      tpu.yield
    }) : () -> ()
    "tpu.region"() ({
      %run_scoped3A = tpu.sem_alloc : memref<!tpu.dma_semaphore, #tpu.memory_space<semaphore_mem>>
      %dma_start3A_2468 = tpu.memref_slice %arg12[%mul3A_2] : memref<16384xf32, #tpu.memory_space<hbm>> -> memref<512xf32, #tpu.memory_space<hbm>>
      %dma_start3A_2469 = tpu.memref_slice %arg12[%mul3A_2] : memref<16384xf32, #tpu.memory_space<hbm>> -> memref<512xf32, #tpu.memory_space<hbm>>
      tpu.enqueue_dma source(%arg26 : memref<512xf32, #tpu.memory_space<vmem>>) target(%dma_start3A_2469 : memref<512xf32, #tpu.memory_space<hbm>>) target_semaphore(%run_scoped3A : memref<!tpu.dma_semaphore, #tpu.memory_space<semaphore_mem>>)
      %dma_wait3A_2470 = tpu.memref_slice %arg12[%mul3A_2] : memref<16384xf32, #tpu.memory_space<hbm>> -> memref<512xf32, #tpu.memory_space<hbm>>
      %dma_wait3A_2471 = tpu.memref_slice %arg12[%mul3A_2] : memref<16384xf32, #tpu.memory_space<hbm>> -> memref<512xf32, #tpu.memory_space<hbm>>
      tpu.wait_dma2 semaphore(%run_scoped3A : memref<!tpu.dma_semaphore, #tpu.memory_space<semaphore_mem>>) src(%arg26 : memref<512xf32, #tpu.memory_space<vmem>>) dst(%dma_wait3A_2471 : memref<512xf32, #tpu.memory_space<hbm>>)
      tpu.yield
    }) : () -> ()
    "tpu.region"() ({
      %run_scoped3A = tpu.sem_alloc : memref<!tpu.dma_semaphore, #tpu.memory_space<semaphore_mem>>
      %dma_start3A_2468 = tpu.memref_slice %arg13[%mul3A_2] : memref<16384xf32, #tpu.memory_space<hbm>> -> memref<512xf32, #tpu.memory_space<hbm>>
      %dma_start3A_2469 = tpu.memref_slice %arg13[%mul3A_2] : memref<16384xf32, #tpu.memory_space<hbm>> -> memref<512xf32, #tpu.memory_space<hbm>>
      tpu.enqueue_dma source(%arg27 : memref<512xf32, #tpu.memory_space<vmem>>) target(%dma_start3A_2469 : memref<512xf32, #tpu.memory_space<hbm>>) target_semaphore(%run_scoped3A : memref<!tpu.dma_semaphore, #tpu.memory_space<semaphore_mem>>)
      %dma_wait3A_2470 = tpu.memref_slice %arg13[%mul3A_2] : memref<16384xf32, #tpu.memory_space<hbm>> -> memref<512xf32, #tpu.memory_space<hbm>>
      %dma_wait3A_2471 = tpu.memref_slice %arg13[%mul3A_2] : memref<16384xf32, #tpu.memory_space<hbm>> -> memref<512xf32, #tpu.memory_space<hbm>>
      tpu.wait_dma2 semaphore(%run_scoped3A : memref<!tpu.dma_semaphore, #tpu.memory_space<semaphore_mem>>) src(%arg27 : memref<512xf32, #tpu.memory_space<vmem>>) dst(%dma_wait3A_2471 : memref<512xf32, #tpu.memory_space<hbm>>)
      tpu.yield
    }) : () -> ()
    "tpu.region"() ({
      %run_scoped3A = tpu.sem_alloc : memref<!tpu.dma_semaphore, #tpu.memory_space<semaphore_mem>>
      %dma_start3A_2468 = arith.constant 0 : i32
      %dma_start3A_2469 = tpu.memref_slice %arg14[%add3A, %dma_start3A_2468] : memref<32x128xf32, #tpu.memory_space<hbm>> -> memref<1x128xf32, #tpu.memory_space<hbm>>
      %dma_start3A_2470 = tpu.memref_squeeze %dma_start3A_2469 : memref<1x128xf32, #tpu.memory_space<hbm>> -> memref<128xf32, #tpu.memory_space<hbm>>
      %dma_start3A_2471 = arith.constant 0 : i32
      %dma_start3A_2472 = tpu.memref_slice %arg14[%add3A, %dma_start3A_2471] : memref<32x128xf32, #tpu.memory_space<hbm>> -> memref<1x128xf32, #tpu.memory_space<hbm>>
      %dma_start3A_2473 = tpu.memref_squeeze %dma_start3A_2472 : memref<1x128xf32, #tpu.memory_space<hbm>> -> memref<128xf32, #tpu.memory_space<hbm>>
      tpu.enqueue_dma source(%arg30 : memref<128xf32, #tpu.memory_space<vmem>>) target(%dma_start3A_2473 : memref<128xf32, #tpu.memory_space<hbm>>) target_semaphore(%run_scoped3A : memref<!tpu.dma_semaphore, #tpu.memory_space<semaphore_mem>>)
      %dma_wait3A_2474 = arith.constant 0 : i32
      %dma_wait3A_2475 = tpu.memref_slice %arg14[%add3A, %dma_wait3A_2474] : memref<32x128xf32, #tpu.memory_space<hbm>> -> memref<1x128xf32, #tpu.memory_space<hbm>>
      %dma_wait3A_2476 = tpu.memref_squeeze %dma_wait3A_2475 : memref<1x128xf32, #tpu.memory_space<hbm>> -> memref<128xf32, #tpu.memory_space<hbm>>
      %dma_wait3A_2477 = arith.constant 0 : i32
      %dma_wait3A_2478 = tpu.memref_slice %arg14[%add3A, %dma_wait3A_2477] : memref<32x128xf32, #tpu.memory_space<hbm>> -> memref<1x128xf32, #tpu.memory_space<hbm>>
      %dma_wait3A_2479 = tpu.memref_squeeze %dma_wait3A_2478 : memref<1x128xf32, #tpu.memory_space<hbm>> -> memref<128xf32, #tpu.memory_space<hbm>>
      tpu.wait_dma2 semaphore(%run_scoped3A : memref<!tpu.dma_semaphore, #tpu.memory_space<semaphore_mem>>) src(%arg30 : memref<128xf32, #tpu.memory_space<vmem>>) dst(%dma_wait3A_2479 : memref<128xf32, #tpu.memory_space<hbm>>)
      tpu.yield
    }) : () -> ()
    return
  }
}

#map = affine_map<(d0, d1) -> (0)>
#map1 = affine_map<(d0, d1) -> (0, 0)>
module attributes {stable_mosaic.version = 14 : i64} {
  func.func @_build_marker(%arg0: i32, %arg1: i32, %arg2: memref<16384xi32, #tpu.memory_space<hbm>>, %arg3: memref<1000000xf32, #tpu.memory_space<hbm>>, %arg4: memref<1000448xi32, #tpu.memory_space<hbm>>, %arg5: memref<32x128xf32, #tpu.memory_space<hbm>>, %arg6: memref<16384xi32, #tpu.memory_space<vmem>>, %arg7: memref<31264xi32, #tpu.memory_space<vmem>>, %arg8: memref<31248xf32, #tpu.memory_space<vmem>>, %arg9: memref<64xf32, #tpu.memory_space<vmem>>, %arg10: memref<128xf32, #tpu.memory_space<vmem>>, %arg11: memref<!tpu.dma_semaphore, #tpu.memory_space<semaphore_mem>>, %arg12: memref<!tpu.dma_semaphore, #tpu.memory_space<semaphore_mem>>) attributes {dimension_semantics = [#tpu.dimension_semantics<core_parallel>, #tpu.dimension_semantics<subcore_parallel>], iteration_bounds = array<i64: 2, 16>, scalar_prefetch = 0 : i64, scratch_operands = 7 : i64, tpu.core_type = #tpu.core_type<sc_vector_subcore>, window_params = [{transform_indices = #map}, {transform_indices = #map}, {transform_indices = #map}, {transform_indices = #map1}]} {
    %mul3A = arith.constant 2 : i32
    %mul3A_0 = arith.muli %arg1, %mul3A : i32
    %add3A = arith.addi %mul3A_0, %arg0 : i32
    %mul3A_1 = arith.constant 31264 : i32
    %mul3A_2 = arith.muli %add3A, %mul3A_1 : i32
    tpu.enqueue_dma source(%arg2 : memref<16384xi32, #tpu.memory_space<hbm>>) target(%arg6 : memref<16384xi32, #tpu.memory_space<vmem>>) target_semaphore(%arg11 : memref<!tpu.dma_semaphore, #tpu.memory_space<semaphore_mem>>)
    %mul3A_3 = arith.constant 31248 : i32
    %mul3A_4 = arith.muli %add3A, %mul3A_3 : i32
    %dma_start3A = tpu.memref_slice %arg3[%mul3A_4] : memref<1000000xf32, #tpu.memory_space<hbm>> -> memref<31248xf32, #tpu.memory_space<hbm>>
    %dma_start3A_5 = tpu.memref_slice %arg3[%mul3A_4] : memref<1000000xf32, #tpu.memory_space<hbm>> -> memref<31248xf32, #tpu.memory_space<hbm>>
    tpu.enqueue_dma source(%dma_start3A_5 : memref<31248xf32, #tpu.memory_space<hbm>>) target(%arg8 : memref<31248xf32, #tpu.memory_space<vmem>>) target_semaphore(%arg12 : memref<!tpu.dma_semaphore, #tpu.memory_space<semaphore_mem>>)
    %broadcast_in_dim3A = arith.constant -1 : i32
    %broadcast_in_dim3A_6 = vector.broadcast %broadcast_in_dim3A : i32 to vector<16xi32>
    %scan3A = arith.constant 0 : i32
    %scan3A_7 = arith.constant 0 : i32
    %scan3A_8 = arith.constant 1954 : i32
    %scan3A_9 = arith.addi %scan3A_7, %scan3A_8 : i32
    %scan3A_10 = arith.constant 1 : i32
    scf.for %scan3A_56 = %scan3A_7 to %scan3A_9 step %scan3A_10  : i32 {
      %mul3A_57 = arith.constant 16 : i32
      %mul3A_58 = arith.muli %scan3A_56, %mul3A_57 : i32
      %swap3A_59 = arith.index_cast %mul3A_58 : i32 to index
      %swap3A_60 = tpu.vector_load %arg7[%swap3A_59] {strides = array<i32>} : memref<31264xi32, #tpu.memory_space<vmem>>, vector<16xi32>,
      tpu.vector_store %arg7[%swap3A_59], %broadcast_in_dim3A_6 {strides = array<i32>} : memref<31264xi32, #tpu.memory_space<vmem>>, vector<16xi32>,
    }
    %scan3A_11 = arith.constant 1954 : i32
    tpu.wait_dma2 semaphore(%arg11 : memref<!tpu.dma_semaphore, #tpu.memory_space<semaphore_mem>>) src(%arg2 : memref<16384xi32, #tpu.memory_space<hbm>>) dst(%arg6 : memref<16384xi32, #tpu.memory_space<vmem>>)
    %iota3A = tpu.iota {dimensions = array<i32: 0>} : vector<16xi32>
    %scan3A_12 = arith.constant 0 : i32
    %scan3A_13 = arith.constant 0 : i32
    %scan3A_14 = arith.constant 1024 : i32
    %scan3A_15 = arith.addi %scan3A_13, %scan3A_14 : i32
    %scan3A_16 = arith.constant 1 : i32
    scf.for %scan3A_56 = %scan3A_13 to %scan3A_15 step %scan3A_16  : i32 {
      %mul3A_57 = arith.constant 16 : i32
      %mul3A_58 = arith.muli %scan3A_56, %mul3A_57 : i32
      %get3A = arith.index_cast %mul3A_58 : i32 to index
      %get3A_59 = tpu.vector_load %arg6[%get3A] {strides = array<i32>} : memref<16384xi32, #tpu.memory_space<vmem>>, vector<16xi32>,
      %sub3A = vector.broadcast %mul3A_2 : i32 to vector<16xi32>
      %sub3A_60 = arith.subi %get3A_59, %sub3A : vector<16xi32>
      %ge3A = arith.constant 0 : i32
      %ge3A_61 = vector.broadcast %ge3A : i32 to vector<16xi32>
      %ge3A_62 = arith.cmpi sge, %sub3A_60, %ge3A_61 : vector<16xi32>
      %lt3A = arith.constant 31264 : i32
      %lt3A_63 = vector.broadcast %lt3A : i32 to vector<16xi32>
      %lt3A_64 = arith.cmpi slt, %sub3A_60, %lt3A_63 : vector<16xi32>
      %and3A = arith.andi %ge3A_62, %lt3A_64 : vector<16xi1>
      %mul3A_65 = arith.constant 16 : i32
      %mul3A_66 = arith.muli %scan3A_56, %mul3A_65 : i32
      %add3A_67 = vector.broadcast %mul3A_66 : i32 to vector<16xi32>
      %add3A_68 = arith.addi %iota3A, %add3A_67 : vector<16xi32>
      tpu.vector_store_idx %arg7[%sub3A_60], %add3A_68 masked %and3A : memref<31264xi32, #tpu.memory_space<vmem>>[vector<16xi32>], vector<16xi32>, vector<16xi1>
    }
    %scan3A_17 = arith.constant 1024 : i32
    %scan3A_18 = arith.constant 0 : i32
    %scan3A_19 = arith.constant 0 : i32
    %scan3A_20 = arith.constant 1024 : i32
    %scan3A_21 = arith.addi %scan3A_19, %scan3A_20 : i32
    %scan3A_22 = arith.constant 1 : i32
    scf.for %scan3A_56 = %scan3A_19 to %scan3A_21 step %scan3A_22  : i32 {
      %mul3A_57 = arith.constant 16 : i32
      %mul3A_58 = arith.muli %scan3A_56, %mul3A_57 : i32
      %get3A = arith.index_cast %mul3A_58 : i32 to index
      %get3A_59 = tpu.vector_load %arg6[%get3A] {strides = array<i32>} : memref<16384xi32, #tpu.memory_space<vmem>>, vector<16xi32>,
      %sub3A = vector.broadcast %mul3A_2 : i32 to vector<16xi32>
      %sub3A_60 = arith.subi %get3A_59, %sub3A : vector<16xi32>
      %ge3A = arith.constant 0 : i32
      %ge3A_61 = vector.broadcast %ge3A : i32 to vector<16xi32>
      %ge3A_62 = arith.cmpi sge, %sub3A_60, %ge3A_61 : vector<16xi32>
      %lt3A = arith.constant 31264 : i32
      %lt3A_63 = vector.broadcast %lt3A : i32 to vector<16xi32>
      %lt3A_64 = arith.cmpi slt, %sub3A_60, %lt3A_63 : vector<16xi32>
      %and3A = arith.andi %ge3A_62, %lt3A_64 : vector<16xi1>
      %mul3A_65 = arith.constant 16 : i32
      %mul3A_66 = arith.muli %scan3A_56, %mul3A_65 : i32
      %add3A_67 = vector.broadcast %mul3A_66 : i32 to vector<16xi32>
      %add3A_68 = arith.addi %iota3A, %add3A_67 : vector<16xi32>
      %gather3A = tpu.vector_load_idx %arg7[%sub3A_60] masked %and3A : memref<31264xi32, #tpu.memory_space<vmem>>[vector<16xi32>], vector<16xi32>, vector<16xi1>
      %gt3A = arith.cmpi sgt, %add3A_68, %gather3A : vector<16xi32>
      %and3A_69 = arith.andi %and3A, %gt3A : vector<16xi1>
      tpu.vector_store_idx %arg7[%sub3A_60], %add3A_68 masked %and3A_69 : memref<31264xi32, #tpu.memory_space<vmem>>[vector<16xi32>], vector<16xi32>, vector<16xi1>
    }
    %scan3A_23 = arith.constant 1024 : i32
    %scan3A_24 = arith.constant 0 : i32
    %scan3A_25 = arith.constant 0 : i32
    %scan3A_26 = arith.constant 1024 : i32
    %scan3A_27 = arith.addi %scan3A_25, %scan3A_26 : i32
    %scan3A_28 = arith.constant 1 : i32
    scf.for %scan3A_56 = %scan3A_25 to %scan3A_27 step %scan3A_28  : i32 {
      %mul3A_57 = arith.constant 16 : i32
      %mul3A_58 = arith.muli %scan3A_56, %mul3A_57 : i32
      %get3A = arith.index_cast %mul3A_58 : i32 to index
      %get3A_59 = tpu.vector_load %arg6[%get3A] {strides = array<i32>} : memref<16384xi32, #tpu.memory_space<vmem>>, vector<16xi32>,
      %sub3A = vector.broadcast %mul3A_2 : i32 to vector<16xi32>
      %sub3A_60 = arith.subi %get3A_59, %sub3A : vector<16xi32>
      %ge3A = arith.constant 0 : i32
      %ge3A_61 = vector.broadcast %ge3A : i32 to vector<16xi32>
      %ge3A_62 = arith.cmpi sge, %sub3A_60, %ge3A_61 : vector<16xi32>
      %lt3A = arith.constant 31264 : i32
      %lt3A_63 = vector.broadcast %lt3A : i32 to vector<16xi32>
      %lt3A_64 = arith.cmpi slt, %sub3A_60, %lt3A_63 : vector<16xi32>
      %and3A = arith.andi %ge3A_62, %lt3A_64 : vector<16xi1>
      %mul3A_65 = arith.constant 16 : i32
      %mul3A_66 = arith.muli %scan3A_56, %mul3A_65 : i32
      %add3A_67 = vector.broadcast %mul3A_66 : i32 to vector<16xi32>
      %add3A_68 = arith.addi %iota3A, %add3A_67 : vector<16xi32>
      %gather3A = tpu.vector_load_idx %arg7[%sub3A_60] masked %and3A : memref<31264xi32, #tpu.memory_space<vmem>>[vector<16xi32>], vector<16xi32>, vector<16xi1>
      %gt3A = arith.cmpi sgt, %add3A_68, %gather3A : vector<16xi32>
      %and3A_69 = arith.andi %and3A, %gt3A : vector<16xi1>
      tpu.vector_store_idx %arg7[%sub3A_60], %add3A_68 masked %and3A_69 : memref<31264xi32, #tpu.memory_space<vmem>>[vector<16xi32>], vector<16xi32>, vector<16xi1>
    }
    %scan3A_29 = arith.constant 1024 : i32
    "tpu.region"() ({
      %run_scoped3A = tpu.sem_alloc : memref<!tpu.dma_semaphore, #tpu.memory_space<semaphore_mem>>
      %dma_start3A_56 = tpu.memref_slice %arg4[%mul3A_2] : memref<1000448xi32, #tpu.memory_space<hbm>> -> memref<31264xi32, #tpu.memory_space<hbm>>
      %dma_start3A_57 = tpu.memref_slice %arg4[%mul3A_2] : memref<1000448xi32, #tpu.memory_space<hbm>> -> memref<31264xi32, #tpu.memory_space<hbm>>
      tpu.enqueue_dma source(%arg7 : memref<31264xi32, #tpu.memory_space<vmem>>) target(%dma_start3A_57 : memref<31264xi32, #tpu.memory_space<hbm>>) target_semaphore(%run_scoped3A : memref<!tpu.dma_semaphore, #tpu.memory_space<semaphore_mem>>)
      %dma_wait3A_58 = tpu.memref_slice %arg4[%mul3A_2] : memref<1000448xi32, #tpu.memory_space<hbm>> -> memref<31264xi32, #tpu.memory_space<hbm>>
      %dma_wait3A_59 = tpu.memref_slice %arg4[%mul3A_2] : memref<1000448xi32, #tpu.memory_space<hbm>> -> memref<31264xi32, #tpu.memory_space<hbm>>
      tpu.wait_dma2 semaphore(%run_scoped3A : memref<!tpu.dma_semaphore, #tpu.memory_space<semaphore_mem>>) src(%arg7 : memref<31264xi32, #tpu.memory_space<vmem>>) dst(%dma_wait3A_59 : memref<31264xi32, #tpu.memory_space<hbm>>)
      tpu.yield
    }) : () -> ()
    %dma_wait3A = tpu.memref_slice %arg3[%mul3A_4] : memref<1000000xf32, #tpu.memory_space<hbm>> -> memref<31248xf32, #tpu.memory_space<hbm>>
    %dma_wait3A_30 = tpu.memref_slice %arg3[%mul3A_4] : memref<1000000xf32, #tpu.memory_space<hbm>> -> memref<31248xf32, #tpu.memory_space<hbm>>
    tpu.wait_dma2 semaphore(%arg12 : memref<!tpu.dma_semaphore, #tpu.memory_space<semaphore_mem>>) src(%dma_wait3A_30 : memref<31248xf32, #tpu.memory_space<hbm>>) dst(%arg8 : memref<31248xf32, #tpu.memory_space<vmem>>)
    %broadcast_in_dim3A_31 = arith.constant 0.000000e+00 : f32
    %broadcast_in_dim3A_32 = vector.broadcast %broadcast_in_dim3A_31 : f32 to vector<16xf32>
    %swap3A = arith.constant 0 : index
    %swap3A_33 = tpu.vector_load %arg10[%swap3A] {strides = array<i32>} : memref<128xf32, #tpu.memory_space<vmem>>, vector<16xf32>,
    tpu.vector_store %arg10[%swap3A], %broadcast_in_dim3A_32 {strides = array<i32>} : memref<128xf32, #tpu.memory_space<vmem>>, vector<16xf32>,
    %swap3A_34 = arith.constant 16 : index
    %swap3A_35 = tpu.vector_load %arg10[%swap3A_34] {strides = array<i32>} : memref<128xf32, #tpu.memory_space<vmem>>, vector<16xf32>,
    tpu.vector_store %arg10[%swap3A_34], %broadcast_in_dim3A_32 {strides = array<i32>} : memref<128xf32, #tpu.memory_space<vmem>>, vector<16xf32>,
    %swap3A_36 = arith.constant 32 : index
    %swap3A_37 = tpu.vector_load %arg10[%swap3A_36] {strides = array<i32>} : memref<128xf32, #tpu.memory_space<vmem>>, vector<16xf32>,
    tpu.vector_store %arg10[%swap3A_36], %broadcast_in_dim3A_32 {strides = array<i32>} : memref<128xf32, #tpu.memory_space<vmem>>, vector<16xf32>,
    %swap3A_38 = arith.constant 48 : index
    %swap3A_39 = tpu.vector_load %arg10[%swap3A_38] {strides = array<i32>} : memref<128xf32, #tpu.memory_space<vmem>>, vector<16xf32>,
    tpu.vector_store %arg10[%swap3A_38], %broadcast_in_dim3A_32 {strides = array<i32>} : memref<128xf32, #tpu.memory_space<vmem>>, vector<16xf32>,
    %swap3A_40 = arith.constant 64 : index
    %swap3A_41 = tpu.vector_load %arg10[%swap3A_40] {strides = array<i32>} : memref<128xf32, #tpu.memory_space<vmem>>, vector<16xf32>,
    tpu.vector_store %arg10[%swap3A_40], %broadcast_in_dim3A_32 {strides = array<i32>} : memref<128xf32, #tpu.memory_space<vmem>>, vector<16xf32>,
    %swap3A_42 = arith.constant 80 : index
    %swap3A_43 = tpu.vector_load %arg10[%swap3A_42] {strides = array<i32>} : memref<128xf32, #tpu.memory_space<vmem>>, vector<16xf32>,
    tpu.vector_store %arg10[%swap3A_42], %broadcast_in_dim3A_32 {strides = array<i32>} : memref<128xf32, #tpu.memory_space<vmem>>, vector<16xf32>,
    %swap3A_44 = arith.constant 96 : index
    %swap3A_45 = tpu.vector_load %arg10[%swap3A_44] {strides = array<i32>} : memref<128xf32, #tpu.memory_space<vmem>>, vector<16xf32>,
    tpu.vector_store %arg10[%swap3A_44], %broadcast_in_dim3A_32 {strides = array<i32>} : memref<128xf32, #tpu.memory_space<vmem>>, vector<16xf32>,
    %swap3A_46 = arith.constant 112 : index
    %swap3A_47 = tpu.vector_load %arg10[%swap3A_46] {strides = array<i32>} : memref<128xf32, #tpu.memory_space<vmem>>, vector<16xf32>,
    tpu.vector_store %arg10[%swap3A_46], %broadcast_in_dim3A_32 {strides = array<i32>} : memref<128xf32, #tpu.memory_space<vmem>>, vector<16xf32>,
    %scan3A_48 = arith.constant 0 : i32
    %scan3A_49 = arith.constant 0 : i32
    %scan3A_50 = arith.constant 488 : i32
    %scan3A_51 = arith.addi %scan3A_49, %scan3A_50 : i32
    %scan3A_52 = arith.constant 1 : i32
    scf.for %scan3A_56 = %scan3A_49 to %scan3A_51 step %scan3A_52  : i32 {
      %get3A = arith.constant 0 : index
      %get3A_57 = tpu.vector_load %arg10[%get3A] {strides = array<i32>} : memref<128xf32, #tpu.memory_space<vmem>>, vector<16xf32>,
      %mul3A_58 = arith.constant 4 : i32
      %mul3A_59 = arith.muli %scan3A_56, %mul3A_58 : i32
      %mul3A_60 = arith.constant 16 : i32
      %mul3A_61 = arith.muli %mul3A_59, %mul3A_60 : i32
      %add3A_62 = arith.constant 0 : i32
      %add3A_63 = arith.addi %mul3A_61, %add3A_62 : i32
      %get3A_64 = arith.index_cast %add3A_63 : i32 to index
      %get3A_65 = tpu.vector_load %arg8[%get3A_64] {strides = array<i32>} : memref<31248xf32, #tpu.memory_space<vmem>>, vector<16xf32>,
      %add3A_66 = arith.addf %get3A_57, %get3A_65 : vector<16xf32>
      %swap3A_67 = arith.constant 0 : index
      %swap3A_68 = tpu.vector_load %arg10[%swap3A_67] {strides = array<i32>} : memref<128xf32, #tpu.memory_space<vmem>>, vector<16xf32>,
      tpu.vector_store %arg10[%swap3A_67], %add3A_66 {strides = array<i32>} : memref<128xf32, #tpu.memory_space<vmem>>, vector<16xf32>,
      %get3A_69 = arith.constant 16 : index
      %get3A_70 = tpu.vector_load %arg10[%get3A_69] {strides = array<i32>} : memref<128xf32, #tpu.memory_space<vmem>>, vector<16xf32>,
      %mul3A_71 = arith.constant 4 : i32
      %mul3A_72 = arith.muli %scan3A_56, %mul3A_71 : i32
      %mul3A_73 = arith.constant 16 : i32
      %mul3A_74 = arith.muli %mul3A_72, %mul3A_73 : i32
      %add3A_75 = arith.constant 16 : i32
      %add3A_76 = arith.addi %mul3A_74, %add3A_75 : i32
      %get3A_77 = arith.index_cast %add3A_76 : i32 to index
      %get3A_78 = tpu.vector_load %arg8[%get3A_77] {strides = array<i32>} : memref<31248xf32, #tpu.memory_space<vmem>>, vector<16xf32>,
      %add3A_79 = arith.addf %get3A_70, %get3A_78 : vector<16xf32>
      %swap3A_80 = arith.constant 16 : index
      %swap3A_81 = tpu.vector_load %arg10[%swap3A_80] {strides = array<i32>} : memref<128xf32, #tpu.memory_space<vmem>>, vector<16xf32>,
      tpu.vector_store %arg10[%swap3A_80], %add3A_79 {strides = array<i32>} : memref<128xf32, #tpu.memory_space<vmem>>, vector<16xf32>,
      %get3A_82 = arith.constant 32 : index
      %get3A_83 = tpu.vector_load %arg10[%get3A_82] {strides = array<i32>} : memref<128xf32, #tpu.memory_space<vmem>>, vector<16xf32>,
      %mul3A_84 = arith.constant 4 : i32
      %mul3A_85 = arith.muli %scan3A_56, %mul3A_84 : i32
      %mul3A_86 = arith.constant 16 : i32
      %mul3A_87 = arith.muli %mul3A_85, %mul3A_86 : i32
      %add3A_88 = arith.constant 32 : i32
      %add3A_89 = arith.addi %mul3A_87, %add3A_88 : i32
      %get3A_90 = arith.index_cast %add3A_89 : i32 to index
      %get3A_91 = tpu.vector_load %arg8[%get3A_90] {strides = array<i32>} : memref<31248xf32, #tpu.memory_space<vmem>>, vector<16xf32>,
      %add3A_92 = arith.addf %get3A_83, %get3A_91 : vector<16xf32>
      %swap3A_93 = arith.constant 32 : index
      %swap3A_94 = tpu.vector_load %arg10[%swap3A_93] {strides = array<i32>} : memref<128xf32, #tpu.memory_space<vmem>>, vector<16xf32>,
      tpu.vector_store %arg10[%swap3A_93], %add3A_92 {strides = array<i32>} : memref<128xf32, #tpu.memory_space<vmem>>, vector<16xf32>,
      %get3A_95 = arith.constant 48 : index
      %get3A_96 = tpu.vector_load %arg10[%get3A_95] {strides = array<i32>} : memref<128xf32, #tpu.memory_space<vmem>>, vector<16xf32>,
      %mul3A_97 = arith.constant 4 : i32
      %mul3A_98 = arith.muli %scan3A_56, %mul3A_97 : i32
      %mul3A_99 = arith.constant 16 : i32
      %mul3A_100 = arith.muli %mul3A_98, %mul3A_99 : i32
      %add3A_101 = arith.constant 48 : i32
      %add3A_102 = arith.addi %mul3A_100, %add3A_101 : i32
      %get3A_103 = arith.index_cast %add3A_102 : i32 to index
      %get3A_104 = tpu.vector_load %arg8[%get3A_103] {strides = array<i32>} : memref<31248xf32, #tpu.memory_space<vmem>>, vector<16xf32>,
      %add3A_105 = arith.addf %get3A_96, %get3A_104 : vector<16xf32>
      %swap3A_106 = arith.constant 48 : index
      %swap3A_107 = tpu.vector_load %arg10[%swap3A_106] {strides = array<i32>} : memref<128xf32, #tpu.memory_space<vmem>>, vector<16xf32>,
      tpu.vector_store %arg10[%swap3A_106], %add3A_105 {strides = array<i32>} : memref<128xf32, #tpu.memory_space<vmem>>, vector<16xf32>,
    }
    %scan3A_53 = arith.constant 488 : i32
    %eq3A = arith.constant 31 : i32
    %eq3A_54 = arith.cmpi eq, %add3A, %eq3A : i32
    %convert_element_type3A = arith.extui %eq3A_54 : i1 to i32
    %cond3A = arith.constant 0 : i32
    %cond3A_55 = arith.cmpi ne, %convert_element_type3A, %cond3A : i32
    scf.if %cond3A_55 {
      "tpu.region"() ({
        %run_scoped3A = tpu.sem_alloc : memref<!tpu.dma_semaphore, #tpu.memory_space<semaphore_mem>>
        %dma_start3A_83 = arith.constant 999936 : i32
        %dma_start3A_84 = tpu.memref_slice %arg3[%dma_start3A_83] : memref<1000000xf32, #tpu.memory_space<hbm>> -> memref<64xf32, #tpu.memory_space<hbm>>
        %dma_start3A_85 = arith.constant 999936 : i32
        %dma_start3A_86 = tpu.memref_slice %arg3[%dma_start3A_85] : memref<1000000xf32, #tpu.memory_space<hbm>> -> memref<64xf32, #tpu.memory_space<hbm>>
        tpu.enqueue_dma source(%dma_start3A_86 : memref<64xf32, #tpu.memory_space<hbm>>) target(%arg9 : memref<64xf32, #tpu.memory_space<vmem>>) target_semaphore(%run_scoped3A : memref<!tpu.dma_semaphore, #tpu.memory_space<semaphore_mem>>)
        %dma_wait3A_87 = arith.constant 999936 : i32
        %dma_wait3A_88 = tpu.memref_slice %arg3[%dma_wait3A_87] : memref<1000000xf32, #tpu.memory_space<hbm>> -> memref<64xf32, #tpu.memory_space<hbm>>
        %dma_wait3A_89 = arith.constant 999936 : i32
        %dma_wait3A_90 = tpu.memref_slice %arg3[%dma_wait3A_89] : memref<1000000xf32, #tpu.memory_space<hbm>> -> memref<64xf32, #tpu.memory_space<hbm>>
        tpu.wait_dma2 semaphore(%run_scoped3A : memref<!tpu.dma_semaphore, #tpu.memory_space<semaphore_mem>>) src(%dma_wait3A_90 : memref<64xf32, #tpu.memory_space<hbm>>) dst(%arg9 : memref<64xf32, #tpu.memory_space<vmem>>)
        tpu.yield
      }) : () -> ()
      %get3A = arith.constant 0 : index
      %get3A_56 = tpu.vector_load %arg10[%get3A] {strides = array<i32>} : memref<128xf32, #tpu.memory_space<vmem>>, vector<16xf32>,
      %get3A_57 = arith.constant 0 : index
      %get3A_58 = tpu.vector_load %arg9[%get3A_57] {strides = array<i32>} : memref<64xf32, #tpu.memory_space<vmem>>, vector<16xf32>,
      %add3A_59 = arith.addf %get3A_56, %get3A_58 : vector<16xf32>
      %swap3A_60 = arith.constant 0 : index
      %swap3A_61 = tpu.vector_load %arg10[%swap3A_60] {strides = array<i32>} : memref<128xf32, #tpu.memory_space<vmem>>, vector<16xf32>,
      tpu.vector_store %arg10[%swap3A_60], %add3A_59 {strides = array<i32>} : memref<128xf32, #tpu.memory_space<vmem>>, vector<16xf32>,
      %get3A_62 = arith.constant 0 : index
      %get3A_63 = tpu.vector_load %arg10[%get3A_62] {strides = array<i32>} : memref<128xf32, #tpu.memory_space<vmem>>, vector<16xf32>,
      %get3A_64 = arith.constant 16 : index
      %get3A_65 = tpu.vector_load %arg9[%get3A_64] {strides = array<i32>} : memref<64xf32, #tpu.memory_space<vmem>>, vector<16xf32>,
      %add3A_66 = arith.addf %get3A_63, %get3A_65 : vector<16xf32>
      %swap3A_67 = arith.constant 0 : index
      %swap3A_68 = tpu.vector_load %arg10[%swap3A_67] {strides = array<i32>} : memref<128xf32, #tpu.memory_space<vmem>>, vector<16xf32>,
      tpu.vector_store %arg10[%swap3A_67], %add3A_66 {strides = array<i32>} : memref<128xf32, #tpu.memory_space<vmem>>, vector<16xf32>,
      %get3A_69 = arith.constant 0 : index
      %get3A_70 = tpu.vector_load %arg10[%get3A_69] {strides = array<i32>} : memref<128xf32, #tpu.memory_space<vmem>>, vector<16xf32>,
      %get3A_71 = arith.constant 32 : index
      %get3A_72 = tpu.vector_load %arg9[%get3A_71] {strides = array<i32>} : memref<64xf32, #tpu.memory_space<vmem>>, vector<16xf32>,
      %add3A_73 = arith.addf %get3A_70, %get3A_72 : vector<16xf32>
      %swap3A_74 = arith.constant 0 : index
      %swap3A_75 = tpu.vector_load %arg10[%swap3A_74] {strides = array<i32>} : memref<128xf32, #tpu.memory_space<vmem>>, vector<16xf32>,
      tpu.vector_store %arg10[%swap3A_74], %add3A_73 {strides = array<i32>} : memref<128xf32, #tpu.memory_space<vmem>>, vector<16xf32>,
      %get3A_76 = arith.constant 0 : index
      %get3A_77 = tpu.vector_load %arg10[%get3A_76] {strides = array<i32>} : memref<128xf32, #tpu.memory_space<vmem>>, vector<16xf32>,
      %get3A_78 = arith.constant 48 : index
      %get3A_79 = tpu.vector_load %arg9[%get3A_78] {strides = array<i32>} : memref<64xf32, #tpu.memory_space<vmem>>, vector<16xf32>,
      %add3A_80 = arith.addf %get3A_77, %get3A_79 : vector<16xf32>
      %swap3A_81 = arith.constant 0 : index
      %swap3A_82 = tpu.vector_load %arg10[%swap3A_81] {strides = array<i32>} : memref<128xf32, #tpu.memory_space<vmem>>, vector<16xf32>,
      tpu.vector_store %arg10[%swap3A_81], %add3A_80 {strides = array<i32>} : memref<128xf32, #tpu.memory_space<vmem>>, vector<16xf32>,
    } else {
    }
    "tpu.region"() ({
      %run_scoped3A = tpu.sem_alloc : memref<!tpu.dma_semaphore, #tpu.memory_space<semaphore_mem>>
      %dma_start3A_56 = arith.constant 0 : i32
      %dma_start3A_57 = tpu.memref_slice %arg5[%add3A, %dma_start3A_56] : memref<32x128xf32, #tpu.memory_space<hbm>> -> memref<1x128xf32, #tpu.memory_space<hbm>>
      %dma_start3A_58 = tpu.memref_squeeze %dma_start3A_57 : memref<1x128xf32, #tpu.memory_space<hbm>> -> memref<128xf32, #tpu.memory_space<hbm>>
      %dma_start3A_59 = arith.constant 0 : i32
      %dma_start3A_60 = tpu.memref_slice %arg5[%add3A, %dma_start3A_59] : memref<32x128xf32, #tpu.memory_space<hbm>> -> memref<1x128xf32, #tpu.memory_space<hbm>>
      %dma_start3A_61 = tpu.memref_squeeze %dma_start3A_60 : memref<1x128xf32, #tpu.memory_space<hbm>> -> memref<128xf32, #tpu.memory_space<hbm>>
      tpu.enqueue_dma source(%arg10 : memref<128xf32, #tpu.memory_space<vmem>>) target(%dma_start3A_61 : memref<128xf32, #tpu.memory_space<hbm>>) target_semaphore(%run_scoped3A : memref<!tpu.dma_semaphore, #tpu.memory_space<semaphore_mem>>)
      %dma_wait3A_62 = arith.constant 0 : i32
      %dma_wait3A_63 = tpu.memref_slice %arg5[%add3A, %dma_wait3A_62] : memref<32x128xf32, #tpu.memory_space<hbm>> -> memref<1x128xf32, #tpu.memory_space<hbm>>
      %dma_wait3A_64 = tpu.memref_squeeze %dma_wait3A_63 : memref<1x128xf32, #tpu.memory_space<hbm>> -> memref<128xf32, #tpu.memory_space<hbm>>
      %dma_wait3A_65 = arith.constant 0 : i32
      %dma_wait3A_66 = tpu.memref_slice %arg5[%add3A, %dma_wait3A_65] : memref<32x128xf32, #tpu.memory_space<hbm>> -> memref<1x128xf32, #tpu.memory_space<hbm>>
      %dma_wait3A_67 = tpu.memref_squeeze %dma_wait3A_66 : memref<1x128xf32, #tpu.memory_space<hbm>> -> memref<128xf32, #tpu.memory_space<hbm>>
      tpu.wait_dma2 semaphore(%run_scoped3A : memref<!tpu.dma_semaphore, #tpu.memory_space<semaphore_mem>>) src(%arg10 : memref<128xf32, #tpu.memory_space<vmem>>) dst(%dma_wait3A_67 : memref<128xf32, #tpu.memory_space<hbm>>)
      tpu.yield
    }) : () -> ()
    return
  }
}

#map = affine_map<(d0, d1) -> (0, 0)>
#map1 = affine_map<(d0, d1) -> (0)>
module attributes {stable_mosaic.version = 14 : i64} {
  func.func @_gather_rows(%arg0: i32, %arg1: i32, %arg2: memref<500000x128xf32, #tpu.memory_space<hbm>>, %arg3: memref<16384xi32, #tpu.memory_space<hbm>>, %arg4: memref<16384x128xf32, #tpu.memory_space<hbm>>, %arg5: memref<4x128xi32, #tpu.memory_space<vmem>>, %arg6: memref<4x128xi32, #tpu.memory_space<vmem>>, %arg7: memref<512x128xf32, #tpu.memory_space<vmem>>, %arg8: memref<!tpu.dma_semaphore, #tpu.memory_space<semaphore_mem>>, %arg9: memref<!tpu.dma_semaphore, #tpu.memory_space<semaphore_mem>>) attributes {dimension_semantics = [#tpu.dimension_semantics<core_parallel>, #tpu.dimension_semantics<subcore_parallel>], iteration_bounds = array<i64: 2, 16>, scalar_prefetch = 0 : i64, scratch_operands = 5 : i64, tpu.core_type = #tpu.core_type<sc_vector_subcore>, window_params = [{transform_indices = #map}, {transform_indices = #map1}, {transform_indices = #map}]} {
    %mul3A = arith.constant 2 : i32
    %mul3A_0 = arith.muli %arg1, %mul3A : i32
    %add3A = arith.addi %mul3A_0, %arg0 : i32
    %mul3A_1 = arith.constant 512 : i32
    %mul3A_2 = arith.muli %add3A, %mul3A_1 : i32
    %add3A_3 = arith.constant 0 : i32
    %add3A_4 = arith.addi %mul3A_2, %add3A_3 : i32
    %dma_start3A = arith.constant 0 : i32
    %dma_start3A_5 = arith.constant 0 : i32
    %dma_start3A_6 = tpu.memref_slice %arg5[%dma_start3A, %dma_start3A_5] : memref<4x128xi32, #tpu.memory_space<vmem>> -> memref<1x128xi32, #tpu.memory_space<vmem>>
    %dma_start3A_7 = tpu.memref_squeeze %dma_start3A_6 : memref<1x128xi32, #tpu.memory_space<vmem>> -> memref<128xi32, #tpu.memory_space<vmem>>
    %dma_start3A_8 = tpu.memref_slice %arg3[%add3A_4] : memref<16384xi32, #tpu.memory_space<hbm>> -> memref<128xi32, #tpu.memory_space<hbm>>
    %dma_start3A_9 = arith.constant 0 : i32
    %dma_start3A_10 = tpu.memref_slice %arg5[%dma_start3A, %dma_start3A_9] : memref<4x128xi32, #tpu.memory_space<vmem>> -> memref<1x128xi32, #tpu.memory_space<vmem>>
    %dma_start3A_11 = tpu.memref_squeeze %dma_start3A_10 : memref<1x128xi32, #tpu.memory_space<vmem>> -> memref<128xi32, #tpu.memory_space<vmem>>
    %dma_start3A_12 = tpu.memref_slice %arg3[%add3A_4] : memref<16384xi32, #tpu.memory_space<hbm>> -> memref<128xi32, #tpu.memory_space<hbm>>
    tpu.enqueue_dma source(%dma_start3A_12 : memref<128xi32, #tpu.memory_space<hbm>>) target(%dma_start3A_11 : memref<128xi32, #tpu.memory_space<vmem>>) target_semaphore(%arg8 : memref<!tpu.dma_semaphore, #tpu.memory_space<semaphore_mem>>)
    %add3A_13 = arith.constant 128 : i32
    %add3A_14 = arith.addi %mul3A_2, %add3A_13 : i32
    %dma_start3A_15 = arith.constant 1 : i32
    %dma_start3A_16 = arith.constant 0 : i32
    %dma_start3A_17 = tpu.memref_slice %arg5[%dma_start3A_15, %dma_start3A_16] : memref<4x128xi32, #tpu.memory_space<vmem>> -> memref<1x128xi32, #tpu.memory_space<vmem>>
    %dma_start3A_18 = tpu.memref_squeeze %dma_start3A_17 : memref<1x128xi32, #tpu.memory_space<vmem>> -> memref<128xi32, #tpu.memory_space<vmem>>
    %dma_start3A_19 = tpu.memref_slice %arg3[%add3A_14] : memref<16384xi32, #tpu.memory_space<hbm>> -> memref<128xi32, #tpu.memory_space<hbm>>
    %dma_start3A_20 = arith.constant 0 : i32
    %dma_start3A_21 = tpu.memref_slice %arg5[%dma_start3A_15, %dma_start3A_20] : memref<4x128xi32, #tpu.memory_space<vmem>> -> memref<1x128xi32, #tpu.memory_space<vmem>>
    %dma_start3A_22 = tpu.memref_squeeze %dma_start3A_21 : memref<1x128xi32, #tpu.memory_space<vmem>> -> memref<128xi32, #tpu.memory_space<vmem>>
    %dma_start3A_23 = tpu.memref_slice %arg3[%add3A_14] : memref<16384xi32, #tpu.memory_space<hbm>> -> memref<128xi32, #tpu.memory_space<hbm>>
    tpu.enqueue_dma source(%dma_start3A_23 : memref<128xi32, #tpu.memory_space<hbm>>) target(%dma_start3A_22 : memref<128xi32, #tpu.memory_space<vmem>>) target_semaphore(%arg8 : memref<!tpu.dma_semaphore, #tpu.memory_space<semaphore_mem>>)
    %add3A_24 = arith.constant 256 : i32
    %add3A_25 = arith.addi %mul3A_2, %add3A_24 : i32
    %dma_start3A_26 = arith.constant 2 : i32
    %dma_start3A_27 = arith.constant 0 : i32
    %dma_start3A_28 = tpu.memref_slice %arg5[%dma_start3A_26, %dma_start3A_27] : memref<4x128xi32, #tpu.memory_space<vmem>> -> memref<1x128xi32, #tpu.memory_space<vmem>>
    %dma_start3A_29 = tpu.memref_squeeze %dma_start3A_28 : memref<1x128xi32, #tpu.memory_space<vmem>> -> memref<128xi32, #tpu.memory_space<vmem>>
    %dma_start3A_30 = tpu.memref_slice %arg3[%add3A_25] : memref<16384xi32, #tpu.memory_space<hbm>> -> memref<128xi32, #tpu.memory_space<hbm>>
    %dma_start3A_31 = arith.constant 0 : i32
    %dma_start3A_32 = tpu.memref_slice %arg5[%dma_start3A_26, %dma_start3A_31] : memref<4x128xi32, #tpu.memory_space<vmem>> -> memref<1x128xi32, #tpu.memory_space<vmem>>
    %dma_start3A_33 = tpu.memref_squeeze %dma_start3A_32 : memref<1x128xi32, #tpu.memory_space<vmem>> -> memref<128xi32, #tpu.memory_space<vmem>>
    %dma_start3A_34 = tpu.memref_slice %arg3[%add3A_25] : memref<16384xi32, #tpu.memory_space<hbm>> -> memref<128xi32, #tpu.memory_space<hbm>>
    tpu.enqueue_dma source(%dma_start3A_34 : memref<128xi32, #tpu.memory_space<hbm>>) target(%dma_start3A_33 : memref<128xi32, #tpu.memory_space<vmem>>) target_semaphore(%arg8 : memref<!tpu.dma_semaphore, #tpu.memory_space<semaphore_mem>>)
    %add3A_35 = arith.constant 384 : i32
    %add3A_36 = arith.addi %mul3A_2, %add3A_35 : i32
    %dma_start3A_37 = arith.constant 3 : i32
    %dma_start3A_38 = arith.constant 0 : i32
    %dma_start3A_39 = tpu.memref_slice %arg5[%dma_start3A_37, %dma_start3A_38] : memref<4x128xi32, #tpu.memory_space<vmem>> -> memref<1x128xi32, #tpu.memory_space<vmem>>
    %dma_start3A_40 = tpu.memref_squeeze %dma_start3A_39 : memref<1x128xi32, #tpu.memory_space<vmem>> -> memref<128xi32, #tpu.memory_space<vmem>>
    %dma_start3A_41 = tpu.memref_slice %arg3[%add3A_36] : memref<16384xi32, #tpu.memory_space<hbm>> -> memref<128xi32, #tpu.memory_space<hbm>>
    %dma_start3A_42 = arith.constant 0 : i32
    %dma_start3A_43 = tpu.memref_slice %arg5[%dma_start3A_37, %dma_start3A_42] : memref<4x128xi32, #tpu.memory_space<vmem>> -> memref<1x128xi32, #tpu.memory_space<vmem>>
    %dma_start3A_44 = tpu.memref_squeeze %dma_start3A_43 : memref<1x128xi32, #tpu.memory_space<vmem>> -> memref<128xi32, #tpu.memory_space<vmem>>
    %dma_start3A_45 = tpu.memref_slice %arg3[%add3A_36] : memref<16384xi32, #tpu.memory_space<hbm>> -> memref<128xi32, #tpu.memory_space<hbm>>
    tpu.enqueue_dma source(%dma_start3A_45 : memref<128xi32, #tpu.memory_space<hbm>>) target(%dma_start3A_44 : memref<128xi32, #tpu.memory_space<vmem>>) target_semaphore(%arg8 : memref<!tpu.dma_semaphore, #tpu.memory_space<semaphore_mem>>)
    %dma_wait3A = arith.constant 0 : i32
    %dma_wait3A_46 = arith.constant 0 : i32
    %dma_wait3A_47 = tpu.memref_slice %arg5[%dma_wait3A, %dma_wait3A_46] : memref<4x128xi32, #tpu.memory_space<vmem>> -> memref<1x128xi32, #tpu.memory_space<vmem>>
    %dma_wait3A_48 = tpu.memref_squeeze %dma_wait3A_47 : memref<1x128xi32, #tpu.memory_space<vmem>> -> memref<128xi32, #tpu.memory_space<vmem>>
    %dma_wait3A_49 = tpu.memref_slice %arg3[%add3A_4] : memref<16384xi32, #tpu.memory_space<hbm>> -> memref<128xi32, #tpu.memory_space<hbm>>
    %dma_wait3A_50 = arith.constant 0 : i32
    %dma_wait3A_51 = tpu.memref_slice %arg5[%dma_wait3A, %dma_wait3A_50] : memref<4x128xi32, #tpu.memory_space<vmem>> -> memref<1x128xi32, #tpu.memory_space<vmem>>
    %dma_wait3A_52 = tpu.memref_squeeze %dma_wait3A_51 : memref<1x128xi32, #tpu.memory_space<vmem>> -> memref<128xi32, #tpu.memory_space<vmem>>
    %dma_wait3A_53 = tpu.memref_slice %arg3[%add3A_4] : memref<16384xi32, #tpu.memory_space<hbm>> -> memref<128xi32, #tpu.memory_space<hbm>>
    tpu.wait_dma2 semaphore(%arg8 : memref<!tpu.dma_semaphore, #tpu.memory_space<semaphore_mem>>) src(%dma_wait3A_53 : memref<128xi32, #tpu.memory_space<hbm>>) dst(%dma_wait3A_52 : memref<128xi32, #tpu.memory_space<vmem>>)
    %dma_wait3A_54 = arith.constant 1 : i32
    %dma_wait3A_55 = arith.constant 0 : i32
    %dma_wait3A_56 = tpu.memref_slice %arg5[%dma_wait3A_54, %dma_wait3A_55] : memref<4x128xi32, #tpu.memory_space<vmem>> -> memref<1x128xi32, #tpu.memory_space<vmem>>
    %dma_wait3A_57 = tpu.memref_squeeze %dma_wait3A_56 : memref<1x128xi32, #tpu.memory_space<vmem>> -> memref<128xi32, #tpu.memory_space<vmem>>
    %dma_wait3A_58 = tpu.memref_slice %arg3[%add3A_14] : memref<16384xi32, #tpu.memory_space<hbm>> -> memref<128xi32, #tpu.memory_space<hbm>>
    %dma_wait3A_59 = arith.constant 0 : i32
    %dma_wait3A_60 = tpu.memref_slice %arg5[%dma_wait3A_54, %dma_wait3A_59] : memref<4x128xi32, #tpu.memory_space<vmem>> -> memref<1x128xi32, #tpu.memory_space<vmem>>
    %dma_wait3A_61 = tpu.memref_squeeze %dma_wait3A_60 : memref<1x128xi32, #tpu.memory_space<vmem>> -> memref<128xi32, #tpu.memory_space<vmem>>
    %dma_wait3A_62 = tpu.memref_slice %arg3[%add3A_14] : memref<16384xi32, #tpu.memory_space<hbm>> -> memref<128xi32, #tpu.memory_space<hbm>>
    tpu.wait_dma2 semaphore(%arg8 : memref<!tpu.dma_semaphore, #tpu.memory_space<semaphore_mem>>) src(%dma_wait3A_62 : memref<128xi32, #tpu.memory_space<hbm>>) dst(%dma_wait3A_61 : memref<128xi32, #tpu.memory_space<vmem>>)
    %dma_wait3A_63 = arith.constant 2 : i32
    %dma_wait3A_64 = arith.constant 0 : i32
    %dma_wait3A_65 = tpu.memref_slice %arg5[%dma_wait3A_63, %dma_wait3A_64] : memref<4x128xi32, #tpu.memory_space<vmem>> -> memref<1x128xi32, #tpu.memory_space<vmem>>
    %dma_wait3A_66 = tpu.memref_squeeze %dma_wait3A_65 : memref<1x128xi32, #tpu.memory_space<vmem>> -> memref<128xi32, #tpu.memory_space<vmem>>
    %dma_wait3A_67 = tpu.memref_slice %arg3[%add3A_25] : memref<16384xi32, #tpu.memory_space<hbm>> -> memref<128xi32, #tpu.memory_space<hbm>>
    %dma_wait3A_68 = arith.constant 0 : i32
    %dma_wait3A_69 = tpu.memref_slice %arg5[%dma_wait3A_63, %dma_wait3A_68] : memref<4x128xi32, #tpu.memory_space<vmem>> -> memref<1x128xi32, #tpu.memory_space<vmem>>
    %dma_wait3A_70 = tpu.memref_squeeze %dma_wait3A_69 : memref<1x128xi32, #tpu.memory_space<vmem>> -> memref<128xi32, #tpu.memory_space<vmem>>
    %dma_wait3A_71 = tpu.memref_slice %arg3[%add3A_25] : memref<16384xi32, #tpu.memory_space<hbm>> -> memref<128xi32, #tpu.memory_space<hbm>>
    tpu.wait_dma2 semaphore(%arg8 : memref<!tpu.dma_semaphore, #tpu.memory_space<semaphore_mem>>) src(%dma_wait3A_71 : memref<128xi32, #tpu.memory_space<hbm>>) dst(%dma_wait3A_70 : memref<128xi32, #tpu.memory_space<vmem>>)
    %dma_wait3A_72 = arith.constant 3 : i32
    %dma_wait3A_73 = arith.constant 0 : i32
    %dma_wait3A_74 = tpu.memref_slice %arg5[%dma_wait3A_72, %dma_wait3A_73] : memref<4x128xi32, #tpu.memory_space<vmem>> -> memref<1x128xi32, #tpu.memory_space<vmem>>
    %dma_wait3A_75 = tpu.memref_squeeze %dma_wait3A_74 : memref<1x128xi32, #tpu.memory_space<vmem>> -> memref<128xi32, #tpu.memory_space<vmem>>
    %dma_wait3A_76 = tpu.memref_slice %arg3[%add3A_36] : memref<16384xi32, #tpu.memory_space<hbm>> -> memref<128xi32, #tpu.memory_space<hbm>>
    %dma_wait3A_77 = arith.constant 0 : i32
    %dma_wait3A_78 = tpu.memref_slice %arg5[%dma_wait3A_72, %dma_wait3A_77] : memref<4x128xi32, #tpu.memory_space<vmem>> -> memref<1x128xi32, #tpu.memory_space<vmem>>
    %dma_wait3A_79 = tpu.memref_squeeze %dma_wait3A_78 : memref<1x128xi32, #tpu.memory_space<vmem>> -> memref<128xi32, #tpu.memory_space<vmem>>
    %dma_wait3A_80 = tpu.memref_slice %arg3[%add3A_36] : memref<16384xi32, #tpu.memory_space<hbm>> -> memref<128xi32, #tpu.memory_space<hbm>>
    tpu.wait_dma2 semaphore(%arg8 : memref<!tpu.dma_semaphore, #tpu.memory_space<semaphore_mem>>) src(%dma_wait3A_80 : memref<128xi32, #tpu.memory_space<hbm>>) dst(%dma_wait3A_79 : memref<128xi32, #tpu.memory_space<vmem>>)
    %get3A = arith.constant 0 : i32
    %get3A_81 = arith.index_cast %get3A : i32 to index
    %get3A_82 = arith.constant 0 : index
    %get3A_83 = tpu.vector_load %arg5[%get3A_81, %get3A_82] {strides = array<i32>} : memref<4x128xi32, #tpu.memory_space<vmem>>, vector<16xi32>,
    %shift_right_logical3A = arith.constant 1 : i32
    %shift_right_logical3A_84 = vector.broadcast %shift_right_logical3A : i32 to vector<16xi32>
    %shift_right_logical3A_85 = arith.shrui %get3A_83, %shift_right_logical3A_84 : vector<16xi32>
    %swap3A = arith.constant 0 : i32
    %swap3A_86 = arith.index_cast %swap3A : i32 to index
    %swap3A_87 = arith.constant 0 : index
    %swap3A_88 = tpu.vector_load %arg6[%swap3A_86, %swap3A_87] {strides = array<i32>} : memref<4x128xi32, #tpu.memory_space<vmem>>, vector<16xi32>,
    tpu.vector_store %arg6[%swap3A_86, %swap3A_87], %shift_right_logical3A_85 {strides = array<i32>} : memref<4x128xi32, #tpu.memory_space<vmem>>, vector<16xi32>,
    %get3A_89 = arith.constant 0 : i32
    %get3A_90 = arith.index_cast %get3A_89 : i32 to index
    %get3A_91 = arith.constant 16 : index
    %get3A_92 = tpu.vector_load %arg5[%get3A_90, %get3A_91] {strides = array<i32>} : memref<4x128xi32, #tpu.memory_space<vmem>>, vector<16xi32>,
    %shift_right_logical3A_93 = arith.constant 1 : i32
    %shift_right_logical3A_94 = vector.broadcast %shift_right_logical3A_93 : i32 to vector<16xi32>
    %shift_right_logical3A_95 = arith.shrui %get3A_92, %shift_right_logical3A_94 : vector<16xi32>
    %swap3A_96 = arith.constant 0 : i32
    %swap3A_97 = arith.index_cast %swap3A_96 : i32 to index
    %swap3A_98 = arith.constant 16 : index
    %swap3A_99 = tpu.vector_load %arg6[%swap3A_97, %swap3A_98] {strides = array<i32>} : memref<4x128xi32, #tpu.memory_space<vmem>>, vector<16xi32>,
    tpu.vector_store %arg6[%swap3A_97, %swap3A_98], %shift_right_logical3A_95 {strides = array<i32>} : memref<4x128xi32, #tpu.memory_space<vmem>>, vector<16xi32>,
    %get3A_100 = arith.constant 0 : i32
    %get3A_101 = arith.index_cast %get3A_100 : i32 to index
    %get3A_102 = arith.constant 32 : index
    %get3A_103 = tpu.vector_load %arg5[%get3A_101, %get3A_102] {strides = array<i32>} : memref<4x128xi32, #tpu.memory_space<vmem>>, vector<16xi32>,
    %shift_right_logical3A_104 = arith.constant 1 : i32
    %shift_right_logical3A_105 = vector.broadcast %shift_right_logical3A_104 : i32 to vector<16xi32>
    %shift_right_logical3A_106 = arith.shrui %get3A_103, %shift_right_logical3A_105 : vector<16xi32>
    %swap3A_107 = arith.constant 0 : i32
    %swap3A_108 = arith.index_cast %swap3A_107 : i32 to index
    %swap3A_109 = arith.constant 32 : index
    %swap3A_110 = tpu.vector_load %arg6[%swap3A_108, %swap3A_109] {strides = array<i32>} : memref<4x128xi32, #tpu.memory_space<vmem>>, vector<16xi32>,
    tpu.vector_store %arg6[%swap3A_108, %swap3A_109], %shift_right_logical3A_106 {strides = array<i32>} : memref<4x128xi32, #tpu.memory_space<vmem>>, vector<16xi32>,
    %get3A_111 = arith.constant 0 : i32
    %get3A_112 = arith.index_cast %get3A_111 : i32 to index
    %get3A_113 = arith.constant 48 : index
    %get3A_114 = tpu.vector_load %arg5[%get3A_112, %get3A_113] {strides = array<i32>} : memref<4x128xi32, #tpu.memory_space<vmem>>, vector<16xi32>,
    %shift_right_logical3A_115 = arith.constant 1 : i32
    %shift_right_logical3A_116 = vector.broadcast %shift_right_logical3A_115 : i32 to vector<16xi32>
    %shift_right_logical3A_117 = arith.shrui %get3A_114, %shift_right_logical3A_116 : vector<16xi32>
    %swap3A_118 = arith.constant 0 : i32
    %swap3A_119 = arith.index_cast %swap3A_118 : i32 to index
    %swap3A_120 = arith.constant 48 : index
    %swap3A_121 = tpu.vector_load %arg6[%swap3A_119, %swap3A_120] {strides = array<i32>} : memref<4x128xi32, #tpu.memory_space<vmem>>, vector<16xi32>,
    tpu.vector_store %arg6[%swap3A_119, %swap3A_120], %shift_right_logical3A_117 {strides = array<i32>} : memref<4x128xi32, #tpu.memory_space<vmem>>, vector<16xi32>,
    %get3A_122 = arith.constant 0 : i32
    %get3A_123 = arith.index_cast %get3A_122 : i32 to index
    %get3A_124 = arith.constant 64 : index
    %get3A_125 = tpu.vector_load %arg5[%get3A_123, %get3A_124] {strides = array<i32>} : memref<4x128xi32, #tpu.memory_space<vmem>>, vector<16xi32>,
    %shift_right_logical3A_126 = arith.constant 1 : i32
    %shift_right_logical3A_127 = vector.broadcast %shift_right_logical3A_126 : i32 to vector<16xi32>
    %shift_right_logical3A_128 = arith.shrui %get3A_125, %shift_right_logical3A_127 : vector<16xi32>
    %swap3A_129 = arith.constant 0 : i32
    %swap3A_130 = arith.index_cast %swap3A_129 : i32 to index
    %swap3A_131 = arith.constant 64 : index
    %swap3A_132 = tpu.vector_load %arg6[%swap3A_130, %swap3A_131] {strides = array<i32>} : memref<4x128xi32, #tpu.memory_space<vmem>>, vector<16xi32>,
    tpu.vector_store %arg6[%swap3A_130, %swap3A_131], %shift_right_logical3A_128 {strides = array<i32>} : memref<4x128xi32, #tpu.memory_space<vmem>>, vector<16xi32>,
    %get3A_133 = arith.constant 0 : i32
    %get3A_134 = arith.index_cast %get3A_133 : i32 to index
    %get3A_135 = arith.constant 80 : index
    %get3A_136 = tpu.vector_load %arg5[%get3A_134, %get3A_135] {strides = array<i32>} : memref<4x128xi32, #tpu.memory_space<vmem>>, vector<16xi32>,
    %shift_right_logical3A_137 = arith.constant 1 : i32
    %shift_right_logical3A_138 = vector.broadcast %shift_right_logical3A_137 : i32 to vector<16xi32>
    %shift_right_logical3A_139 = arith.shrui %get3A_136, %shift_right_logical3A_138 : vector<16xi32>
    %swap3A_140 = arith.constant 0 : i32
    %swap3A_141 = arith.index_cast %swap3A_140 : i32 to index
    %swap3A_142 = arith.constant 80 : index
    %swap3A_143 = tpu.vector_load %arg6[%swap3A_141, %swap3A_142] {strides = array<i32>} : memref<4x128xi32, #tpu.memory_space<vmem>>, vector<16xi32>,
    tpu.vector_store %arg6[%swap3A_141, %swap3A_142], %shift_right_logical3A_139 {strides = array<i32>} : memref<4x128xi32, #tpu.memory_space<vmem>>, vector<16xi32>,
    %get3A_144 = arith.constant 0 : i32
    %get3A_145 = arith.index_cast %get3A_144 : i32 to index
    %get3A_146 = arith.constant 96 : index
    %get3A_147 = tpu.vector_load %arg5[%get3A_145, %get3A_146] {strides = array<i32>} : memref<4x128xi32, #tpu.memory_space<vmem>>, vector<16xi32>,
    %shift_right_logical3A_148 = arith.constant 1 : i32
    %shift_right_logical3A_149 = vector.broadcast %shift_right_logical3A_148 : i32 to vector<16xi32>
    %shift_right_logical3A_150 = arith.shrui %get3A_147, %shift_right_logical3A_149 : vector<16xi32>
    %swap3A_151 = arith.constant 0 : i32
    %swap3A_152 = arith.index_cast %swap3A_151 : i32 to index
    %swap3A_153 = arith.constant 96 : index
    %swap3A_154 = tpu.vector_load %arg6[%swap3A_152, %swap3A_153] {strides = array<i32>} : memref<4x128xi32, #tpu.memory_space<vmem>>, vector<16xi32>,
    tpu.vector_store %arg6[%swap3A_152, %swap3A_153], %shift_right_logical3A_150 {strides = array<i32>} : memref<4x128xi32, #tpu.memory_space<vmem>>, vector<16xi32>,
    %get3A_155 = arith.constant 0 : i32
    %get3A_156 = arith.index_cast %get3A_155 : i32 to index
    %get3A_157 = arith.constant 112 : index
    %get3A_158 = tpu.vector_load %arg5[%get3A_156, %get3A_157] {strides = array<i32>} : memref<4x128xi32, #tpu.memory_space<vmem>>, vector<16xi32>,
    %shift_right_logical3A_159 = arith.constant 1 : i32
    %shift_right_logical3A_160 = vector.broadcast %shift_right_logical3A_159 : i32 to vector<16xi32>
    %shift_right_logical3A_161 = arith.shrui %get3A_158, %shift_right_logical3A_160 : vector<16xi32>
    %swap3A_162 = arith.constant 0 : i32
    %swap3A_163 = arith.index_cast %swap3A_162 : i32 to index
    %swap3A_164 = arith.constant 112 : index
    %swap3A_165 = tpu.vector_load %arg6[%swap3A_163, %swap3A_164] {strides = array<i32>} : memref<4x128xi32, #tpu.memory_space<vmem>>, vector<16xi32>,
    tpu.vector_store %arg6[%swap3A_163, %swap3A_164], %shift_right_logical3A_161 {strides = array<i32>} : memref<4x128xi32, #tpu.memory_space<vmem>>, vector<16xi32>,
    %get3A_166 = arith.constant 1 : i32
    %get3A_167 = arith.index_cast %get3A_166 : i32 to index
    %get3A_168 = arith.constant 0 : index
    %get3A_169 = tpu.vector_load %arg5[%get3A_167, %get3A_168] {strides = array<i32>} : memref<4x128xi32, #tpu.memory_space<vmem>>, vector<16xi32>,
    %shift_right_logical3A_170 = arith.constant 1 : i32
    %shift_right_logical3A_171 = vector.broadcast %shift_right_logical3A_170 : i32 to vector<16xi32>
    %shift_right_logical3A_172 = arith.shrui %get3A_169, %shift_right_logical3A_171 : vector<16xi32>
    %swap3A_173 = arith.constant 1 : i32
    %swap3A_174 = arith.index_cast %swap3A_173 : i32 to index
    %swap3A_175 = arith.constant 0 : index
    %swap3A_176 = tpu.vector_load %arg6[%swap3A_174, %swap3A_175] {strides = array<i32>} : memref<4x128xi32, #tpu.memory_space<vmem>>, vector<16xi32>,
    tpu.vector_store %arg6[%swap3A_174, %swap3A_175], %shift_right_logical3A_172 {strides = array<i32>} : memref<4x128xi32, #tpu.memory_space<vmem>>, vector<16xi32>,
    %get3A_177 = arith.constant 1 : i32
    %get3A_178 = arith.index_cast %get3A_177 : i32 to index
    %get3A_179 = arith.constant 16 : index
    %get3A_180 = tpu.vector_load %arg5[%get3A_178, %get3A_179] {strides = array<i32>} : memref<4x128xi32, #tpu.memory_space<vmem>>, vector<16xi32>,
    %shift_right_logical3A_181 = arith.constant 1 : i32
    %shift_right_logical3A_182 = vector.broadcast %shift_right_logical3A_181 : i32 to vector<16xi32>
    %shift_right_logical3A_183 = arith.shrui %get3A_180, %shift_right_logical3A_182 : vector<16xi32>
    %swap3A_184 = arith.constant 1 : i32
    %swap3A_185 = arith.index_cast %swap3A_184 : i32 to index
    %swap3A_186 = arith.constant 16 : index
    %swap3A_187 = tpu.vector_load %arg6[%swap3A_185, %swap3A_186] {strides = array<i32>} : memref<4x128xi32, #tpu.memory_space<vmem>>, vector<16xi32>,
    tpu.vector_store %arg6[%swap3A_185, %swap3A_186], %shift_right_logical3A_183 {strides = array<i32>} : memref<4x128xi32, #tpu.memory_space<vmem>>, vector<16xi32>,
    %get3A_188 = arith.constant 1 : i32
    %get3A_189 = arith.index_cast %get3A_188 : i32 to index
    %get3A_190 = arith.constant 32 : index
    %get3A_191 = tpu.vector_load %arg5[%get3A_189, %get3A_190] {strides = array<i32>} : memref<4x128xi32, #tpu.memory_space<vmem>>, vector<16xi32>,
    %shift_right_logical3A_192 = arith.constant 1 : i32
    %shift_right_logical3A_193 = vector.broadcast %shift_right_logical3A_192 : i32 to vector<16xi32>
    %shift_right_logical3A_194 = arith.shrui %get3A_191, %shift_right_logical3A_193 : vector<16xi32>
    %swap3A_195 = arith.constant 1 : i32
    %swap3A_196 = arith.index_cast %swap3A_195 : i32 to index
    %swap3A_197 = arith.constant 32 : index
    %swap3A_198 = tpu.vector_load %arg6[%swap3A_196, %swap3A_197] {strides = array<i32>} : memref<4x128xi32, #tpu.memory_space<vmem>>, vector<16xi32>,
    tpu.vector_store %arg6[%swap3A_196, %swap3A_197], %shift_right_logical3A_194 {strides = array<i32>} : memref<4x128xi32, #tpu.memory_space<vmem>>, vector<16xi32>,
    %get3A_199 = arith.constant 1 : i32
    %get3A_200 = arith.index_cast %get3A_199 : i32 to index
    %get3A_201 = arith.constant 48 : index
    %get3A_202 = tpu.vector_load %arg5[%get3A_200, %get3A_201] {strides = array<i32>} : memref<4x128xi32, #tpu.memory_space<vmem>>, vector<16xi32>,
    %shift_right_logical3A_203 = arith.constant 1 : i32
    %shift_right_logical3A_204 = vector.broadcast %shift_right_logical3A_203 : i32 to vector<16xi32>
    %shift_right_logical3A_205 = arith.shrui %get3A_202, %shift_right_logical3A_204 : vector<16xi32>
    %swap3A_206 = arith.constant 1 : i32
    %swap3A_207 = arith.index_cast %swap3A_206 : i32 to index
    %swap3A_208 = arith.constant 48 : index
    %swap3A_209 = tpu.vector_load %arg6[%swap3A_207, %swap3A_208] {strides = array<i32>} : memref<4x128xi32, #tpu.memory_space<vmem>>, vector<16xi32>,
    tpu.vector_store %arg6[%swap3A_207, %swap3A_208], %shift_right_logical3A_205 {strides = array<i32>} : memref<4x128xi32, #tpu.memory_space<vmem>>, vector<16xi32>,
    %get3A_210 = arith.constant 1 : i32
    %get3A_211 = arith.index_cast %get3A_210 : i32 to index
    %get3A_212 = arith.constant 64 : index
    %get3A_213 = tpu.vector_load %arg5[%get3A_211, %get3A_212] {strides = array<i32>} : memref<4x128xi32, #tpu.memory_space<vmem>>, vector<16xi32>,
    %shift_right_logical3A_214 = arith.constant 1 : i32
    %shift_right_logical3A_215 = vector.broadcast %shift_right_logical3A_214 : i32 to vector<16xi32>
    %shift_right_logical3A_216 = arith.shrui %get3A_213, %shift_right_logical3A_215 : vector<16xi32>
    %swap3A_217 = arith.constant 1 : i32
    %swap3A_218 = arith.index_cast %swap3A_217 : i32 to index
    %swap3A_219 = arith.constant 64 : index
    %swap3A_220 = tpu.vector_load %arg6[%swap3A_218, %swap3A_219] {strides = array<i32>} : memref<4x128xi32, #tpu.memory_space<vmem>>, vector<16xi32>,
    tpu.vector_store %arg6[%swap3A_218, %swap3A_219], %shift_right_logical3A_216 {strides = array<i32>} : memref<4x128xi32, #tpu.memory_space<vmem>>, vector<16xi32>,
    %get3A_221 = arith.constant 1 : i32
    %get3A_222 = arith.index_cast %get3A_221 : i32 to index
    %get3A_223 = arith.constant 80 : index
    %get3A_224 = tpu.vector_load %arg5[%get3A_222, %get3A_223] {strides = array<i32>} : memref<4x128xi32, #tpu.memory_space<vmem>>, vector<16xi32>,
    %shift_right_logical3A_225 = arith.constant 1 : i32
    %shift_right_logical3A_226 = vector.broadcast %shift_right_logical3A_225 : i32 to vector<16xi32>
    %shift_right_logical3A_227 = arith.shrui %get3A_224, %shift_right_logical3A_226 : vector<16xi32>
    %swap3A_228 = arith.constant 1 : i32
    %swap3A_229 = arith.index_cast %swap3A_228 : i32 to index
    %swap3A_230 = arith.constant 80 : index
    %swap3A_231 = tpu.vector_load %arg6[%swap3A_229, %swap3A_230] {strides = array<i32>} : memref<4x128xi32, #tpu.memory_space<vmem>>, vector<16xi32>,
    tpu.vector_store %arg6[%swap3A_229, %swap3A_230], %shift_right_logical3A_227 {strides = array<i32>} : memref<4x128xi32, #tpu.memory_space<vmem>>, vector<16xi32>,
    %get3A_232 = arith.constant 1 : i32
    %get3A_233 = arith.index_cast %get3A_232 : i32 to index
    %get3A_234 = arith.constant 96 : index
    %get3A_235 = tpu.vector_load %arg5[%get3A_233, %get3A_234] {strides = array<i32>} : memref<4x128xi32, #tpu.memory_space<vmem>>, vector<16xi32>,
    %shift_right_logical3A_236 = arith.constant 1 : i32
    %shift_right_logical3A_237 = vector.broadcast %shift_right_logical3A_236 : i32 to vector<16xi32>
    %shift_right_logical3A_238 = arith.shrui %get3A_235, %shift_right_logical3A_237 : vector<16xi32>
    %swap3A_239 = arith.constant 1 : i32
    %swap3A_240 = arith.index_cast %swap3A_239 : i32 to index
    %swap3A_241 = arith.constant 96 : index
    %swap3A_242 = tpu.vector_load %arg6[%swap3A_240, %swap3A_241] {strides = array<i32>} : memref<4x128xi32, #tpu.memory_space<vmem>>, vector<16xi32>,
    tpu.vector_store %arg6[%swap3A_240, %swap3A_241], %shift_right_logical3A_238 {strides = array<i32>} : memref<4x128xi32, #tpu.memory_space<vmem>>, vector<16xi32>,
    %get3A_243 = arith.constant 1 : i32
    %get3A_244 = arith.index_cast %get3A_243 : i32 to index
    %get3A_245 = arith.constant 112 : index
    %get3A_246 = tpu.vector_load %arg5[%get3A_244, %get3A_245] {strides = array<i32>} : memref<4x128xi32, #tpu.memory_space<vmem>>, vector<16xi32>,
    %shift_right_logical3A_247 = arith.constant 1 : i32
    %shift_right_logical3A_248 = vector.broadcast %shift_right_logical3A_247 : i32 to vector<16xi32>
    %shift_right_logical3A_249 = arith.shrui %get3A_246, %shift_right_logical3A_248 : vector<16xi32>
    %swap3A_250 = arith.constant 1 : i32
    %swap3A_251 = arith.index_cast %swap3A_250 : i32 to index
    %swap3A_252 = arith.constant 112 : index
    %swap3A_253 = tpu.vector_load %arg6[%swap3A_251, %swap3A_252] {strides = array<i32>} : memref<4x128xi32, #tpu.memory_space<vmem>>, vector<16xi32>,
    tpu.vector_store %arg6[%swap3A_251, %swap3A_252], %shift_right_logical3A_249 {strides = array<i32>} : memref<4x128xi32, #tpu.memory_space<vmem>>, vector<16xi32>,
    %get3A_254 = arith.constant 2 : i32
    %get3A_255 = arith.index_cast %get3A_254 : i32 to index
    %get3A_256 = arith.constant 0 : index
    %get3A_257 = tpu.vector_load %arg5[%get3A_255, %get3A_256] {strides = array<i32>} : memref<4x128xi32, #tpu.memory_space<vmem>>, vector<16xi32>,
    %shift_right_logical3A_258 = arith.constant 1 : i32
    %shift_right_logical3A_259 = vector.broadcast %shift_right_logical3A_258 : i32 to vector<16xi32>
    %shift_right_logical3A_260 = arith.shrui %get3A_257, %shift_right_logical3A_259 : vector<16xi32>
    %swap3A_261 = arith.constant 2 : i32
    %swap3A_262 = arith.index_cast %swap3A_261 : i32 to index
    %swap3A_263 = arith.constant 0 : index
    %swap3A_264 = tpu.vector_load %arg6[%swap3A_262, %swap3A_263] {strides = array<i32>} : memref<4x128xi32, #tpu.memory_space<vmem>>, vector<16xi32>,
    tpu.vector_store %arg6[%swap3A_262, %swap3A_263], %shift_right_logical3A_260 {strides = array<i32>} : memref<4x128xi32, #tpu.memory_space<vmem>>, vector<16xi32>,
    %get3A_265 = arith.constant 2 : i32
    %get3A_266 = arith.index_cast %get3A_265 : i32 to index
    %get3A_267 = arith.constant 16 : index
    %get3A_268 = tpu.vector_load %arg5[%get3A_266, %get3A_267] {strides = array<i32>} : memref<4x128xi32, #tpu.memory_space<vmem>>, vector<16xi32>,
    %shift_right_logical3A_269 = arith.constant 1 : i32
    %shift_right_logical3A_270 = vector.broadcast %shift_right_logical3A_269 : i32 to vector<16xi32>
    %shift_right_logical3A_271 = arith.shrui %get3A_268, %shift_right_logical3A_270 : vector<16xi32>
    %swap3A_272 = arith.constant 2 : i32
    %swap3A_273 = arith.index_cast %swap3A_272 : i32 to index
    %swap3A_274 = arith.constant 16 : index
    %swap3A_275 = tpu.vector_load %arg6[%swap3A_273, %swap3A_274] {strides = array<i32>} : memref<4x128xi32, #tpu.memory_space<vmem>>, vector<16xi32>,
    tpu.vector_store %arg6[%swap3A_273, %swap3A_274], %shift_right_logical3A_271 {strides = array<i32>} : memref<4x128xi32, #tpu.memory_space<vmem>>, vector<16xi32>,
    %get3A_276 = arith.constant 2 : i32
    %get3A_277 = arith.index_cast %get3A_276 : i32 to index
    %get3A_278 = arith.constant 32 : index
    %get3A_279 = tpu.vector_load %arg5[%get3A_277, %get3A_278] {strides = array<i32>} : memref<4x128xi32, #tpu.memory_space<vmem>>, vector<16xi32>,
    %shift_right_logical3A_280 = arith.constant 1 : i32
    %shift_right_logical3A_281 = vector.broadcast %shift_right_logical3A_280 : i32 to vector<16xi32>
    %shift_right_logical3A_282 = arith.shrui %get3A_279, %shift_right_logical3A_281 : vector<16xi32>
    %swap3A_283 = arith.constant 2 : i32
    %swap3A_284 = arith.index_cast %swap3A_283 : i32 to index
    %swap3A_285 = arith.constant 32 : index
    %swap3A_286 = tpu.vector_load %arg6[%swap3A_284, %swap3A_285] {strides = array<i32>} : memref<4x128xi32, #tpu.memory_space<vmem>>, vector<16xi32>,
    tpu.vector_store %arg6[%swap3A_284, %swap3A_285], %shift_right_logical3A_282 {strides = array<i32>} : memref<4x128xi32, #tpu.memory_space<vmem>>, vector<16xi32>,
    %get3A_287 = arith.constant 2 : i32
    %get3A_288 = arith.index_cast %get3A_287 : i32 to index
    %get3A_289 = arith.constant 48 : index
    %get3A_290 = tpu.vector_load %arg5[%get3A_288, %get3A_289] {strides = array<i32>} : memref<4x128xi32, #tpu.memory_space<vmem>>, vector<16xi32>,
    %shift_right_logical3A_291 = arith.constant 1 : i32
    %shift_right_logical3A_292 = vector.broadcast %shift_right_logical3A_291 : i32 to vector<16xi32>
    %shift_right_logical3A_293 = arith.shrui %get3A_290, %shift_right_logical3A_292 : vector<16xi32>
    %swap3A_294 = arith.constant 2 : i32
    %swap3A_295 = arith.index_cast %swap3A_294 : i32 to index
    %swap3A_296 = arith.constant 48 : index
    %swap3A_297 = tpu.vector_load %arg6[%swap3A_295, %swap3A_296] {strides = array<i32>} : memref<4x128xi32, #tpu.memory_space<vmem>>, vector<16xi32>,
    tpu.vector_store %arg6[%swap3A_295, %swap3A_296], %shift_right_logical3A_293 {strides = array<i32>} : memref<4x128xi32, #tpu.memory_space<vmem>>, vector<16xi32>,
    %get3A_298 = arith.constant 2 : i32
    %get3A_299 = arith.index_cast %get3A_298 : i32 to index
    %get3A_300 = arith.constant 64 : index
    %get3A_301 = tpu.vector_load %arg5[%get3A_299, %get3A_300] {strides = array<i32>} : memref<4x128xi32, #tpu.memory_space<vmem>>, vector<16xi32>,
    %shift_right_logical3A_302 = arith.constant 1 : i32
    %shift_right_logical3A_303 = vector.broadcast %shift_right_logical3A_302 : i32 to vector<16xi32>
    %shift_right_logical3A_304 = arith.shrui %get3A_301, %shift_right_logical3A_303 : vector<16xi32>
    %swap3A_305 = arith.constant 2 : i32
    %swap3A_306 = arith.index_cast %swap3A_305 : i32 to index
    %swap3A_307 = arith.constant 64 : index
    %swap3A_308 = tpu.vector_load %arg6[%swap3A_306, %swap3A_307] {strides = array<i32>} : memref<4x128xi32, #tpu.memory_space<vmem>>, vector<16xi32>,
    tpu.vector_store %arg6[%swap3A_306, %swap3A_307], %shift_right_logical3A_304 {strides = array<i32>} : memref<4x128xi32, #tpu.memory_space<vmem>>, vector<16xi32>,
    %get3A_309 = arith.constant 2 : i32
    %get3A_310 = arith.index_cast %get3A_309 : i32 to index
    %get3A_311 = arith.constant 80 : index
    %get3A_312 = tpu.vector_load %arg5[%get3A_310, %get3A_311] {strides = array<i32>} : memref<4x128xi32, #tpu.memory_space<vmem>>, vector<16xi32>,
    %shift_right_logical3A_313 = arith.constant 1 : i32
    %shift_right_logical3A_314 = vector.broadcast %shift_right_logical3A_313 : i32 to vector<16xi32>
    %shift_right_logical3A_315 = arith.shrui %get3A_312, %shift_right_logical3A_314 : vector<16xi32>
    %swap3A_316 = arith.constant 2 : i32
    %swap3A_317 = arith.index_cast %swap3A_316 : i32 to index
    %swap3A_318 = arith.constant 80 : index
    %swap3A_319 = tpu.vector_load %arg6[%swap3A_317, %swap3A_318] {strides = array<i32>} : memref<4x128xi32, #tpu.memory_space<vmem>>, vector<16xi32>,
    tpu.vector_store %arg6[%swap3A_317, %swap3A_318], %shift_right_logical3A_315 {strides = array<i32>} : memref<4x128xi32, #tpu.memory_space<vmem>>, vector<16xi32>,
    %get3A_320 = arith.constant 2 : i32
    %get3A_321 = arith.index_cast %get3A_320 : i32 to index
    %get3A_322 = arith.constant 96 : index
    %get3A_323 = tpu.vector_load %arg5[%get3A_321, %get3A_322] {strides = array<i32>} : memref<4x128xi32, #tpu.memory_space<vmem>>, vector<16xi32>,
    %shift_right_logical3A_324 = arith.constant 1 : i32
    %shift_right_logical3A_325 = vector.broadcast %shift_right_logical3A_324 : i32 to vector<16xi32>
    %shift_right_logical3A_326 = arith.shrui %get3A_323, %shift_right_logical3A_325 : vector<16xi32>
    %swap3A_327 = arith.constant 2 : i32
    %swap3A_328 = arith.index_cast %swap3A_327 : i32 to index
    %swap3A_329 = arith.constant 96 : index
    %swap3A_330 = tpu.vector_load %arg6[%swap3A_328, %swap3A_329] {strides = array<i32>} : memref<4x128xi32, #tpu.memory_space<vmem>>, vector<16xi32>,
    tpu.vector_store %arg6[%swap3A_328, %swap3A_329], %shift_right_logical3A_326 {strides = array<i32>} : memref<4x128xi32, #tpu.memory_space<vmem>>, vector<16xi32>,
    %get3A_331 = arith.constant 2 : i32
    %get3A_332 = arith.index_cast %get3A_331 : i32 to index
    %get3A_333 = arith.constant 112 : index
    %get3A_334 = tpu.vector_load %arg5[%get3A_332, %get3A_333] {strides = array<i32>} : memref<4x128xi32, #tpu.memory_space<vmem>>, vector<16xi32>,
    %shift_right_logical3A_335 = arith.constant 1 : i32
    %shift_right_logical3A_336 = vector.broadcast %shift_right_logical3A_335 : i32 to vector<16xi32>
    %shift_right_logical3A_337 = arith.shrui %get3A_334, %shift_right_logical3A_336 : vector<16xi32>
    %swap3A_338 = arith.constant 2 : i32
    %swap3A_339 = arith.index_cast %swap3A_338 : i32 to index
    %swap3A_340 = arith.constant 112 : index
    %swap3A_341 = tpu.vector_load %arg6[%swap3A_339, %swap3A_340] {strides = array<i32>} : memref<4x128xi32, #tpu.memory_space<vmem>>, vector<16xi32>,
    tpu.vector_store %arg6[%swap3A_339, %swap3A_340], %shift_right_logical3A_337 {strides = array<i32>} : memref<4x128xi32, #tpu.memory_space<vmem>>, vector<16xi32>,
    %get3A_342 = arith.constant 3 : i32
    %get3A_343 = arith.index_cast %get3A_342 : i32 to index
    %get3A_344 = arith.constant 0 : index
    %get3A_345 = tpu.vector_load %arg5[%get3A_343, %get3A_344] {strides = array<i32>} : memref<4x128xi32, #tpu.memory_space<vmem>>, vector<16xi32>,
    %shift_right_logical3A_346 = arith.constant 1 : i32
    %shift_right_logical3A_347 = vector.broadcast %shift_right_logical3A_346 : i32 to vector<16xi32>
    %shift_right_logical3A_348 = arith.shrui %get3A_345, %shift_right_logical3A_347 : vector<16xi32>
    %swap3A_349 = arith.constant 3 : i32
    %swap3A_350 = arith.index_cast %swap3A_349 : i32 to index
    %swap3A_351 = arith.constant 0 : index
    %swap3A_352 = tpu.vector_load %arg6[%swap3A_350, %swap3A_351] {strides = array<i32>} : memref<4x128xi32, #tpu.memory_space<vmem>>, vector<16xi32>,
    tpu.vector_store %arg6[%swap3A_350, %swap3A_351], %shift_right_logical3A_348 {strides = array<i32>} : memref<4x128xi32, #tpu.memory_space<vmem>>, vector<16xi32>,
    %get3A_353 = arith.constant 3 : i32
    %get3A_354 = arith.index_cast %get3A_353 : i32 to index
    %get3A_355 = arith.constant 16 : index
    %get3A_356 = tpu.vector_load %arg5[%get3A_354, %get3A_355] {strides = array<i32>} : memref<4x128xi32, #tpu.memory_space<vmem>>, vector<16xi32>,
    %shift_right_logical3A_357 = arith.constant 1 : i32
    %shift_right_logical3A_358 = vector.broadcast %shift_right_logical3A_357 : i32 to vector<16xi32>
    %shift_right_logical3A_359 = arith.shrui %get3A_356, %shift_right_logical3A_358 : vector<16xi32>
    %swap3A_360 = arith.constant 3 : i32
    %swap3A_361 = arith.index_cast %swap3A_360 : i32 to index
    %swap3A_362 = arith.constant 16 : index
    %swap3A_363 = tpu.vector_load %arg6[%swap3A_361, %swap3A_362] {strides = array<i32>} : memref<4x128xi32, #tpu.memory_space<vmem>>, vector<16xi32>,
    tpu.vector_store %arg6[%swap3A_361, %swap3A_362], %shift_right_logical3A_359 {strides = array<i32>} : memref<4x128xi32, #tpu.memory_space<vmem>>, vector<16xi32>,
    %get3A_364 = arith.constant 3 : i32
    %get3A_365 = arith.index_cast %get3A_364 : i32 to index
    %get3A_366 = arith.constant 32 : index
    %get3A_367 = tpu.vector_load %arg5[%get3A_365, %get3A_366] {strides = array<i32>} : memref<4x128xi32, #tpu.memory_space<vmem>>, vector<16xi32>,
    %shift_right_logical3A_368 = arith.constant 1 : i32
    %shift_right_logical3A_369 = vector.broadcast %shift_right_logical3A_368 : i32 to vector<16xi32>
    %shift_right_logical3A_370 = arith.shrui %get3A_367, %shift_right_logical3A_369 : vector<16xi32>
    %swap3A_371 = arith.constant 3 : i32
    %swap3A_372 = arith.index_cast %swap3A_371 : i32 to index
    %swap3A_373 = arith.constant 32 : index
    %swap3A_374 = tpu.vector_load %arg6[%swap3A_372, %swap3A_373] {strides = array<i32>} : memref<4x128xi32, #tpu.memory_space<vmem>>, vector<16xi32>,
    tpu.vector_store %arg6[%swap3A_372, %swap3A_373], %shift_right_logical3A_370 {strides = array<i32>} : memref<4x128xi32, #tpu.memory_space<vmem>>, vector<16xi32>,
    %get3A_375 = arith.constant 3 : i32
    %get3A_376 = arith.index_cast %get3A_375 : i32 to index
    %get3A_377 = arith.constant 48 : index
    %get3A_378 = tpu.vector_load %arg5[%get3A_376, %get3A_377] {strides = array<i32>} : memref<4x128xi32, #tpu.memory_space<vmem>>, vector<16xi32>,
    %shift_right_logical3A_379 = arith.constant 1 : i32
    %shift_right_logical3A_380 = vector.broadcast %shift_right_logical3A_379 : i32 to vector<16xi32>
    %shift_right_logical3A_381 = arith.shrui %get3A_378, %shift_right_logical3A_380 : vector<16xi32>
    %swap3A_382 = arith.constant 3 : i32
    %swap3A_383 = arith.index_cast %swap3A_382 : i32 to index
    %swap3A_384 = arith.constant 48 : index
    %swap3A_385 = tpu.vector_load %arg6[%swap3A_383, %swap3A_384] {strides = array<i32>} : memref<4x128xi32, #tpu.memory_space<vmem>>, vector<16xi32>,
    tpu.vector_store %arg6[%swap3A_383, %swap3A_384], %shift_right_logical3A_381 {strides = array<i32>} : memref<4x128xi32, #tpu.memory_space<vmem>>, vector<16xi32>,
    %get3A_386 = arith.constant 3 : i32
    %get3A_387 = arith.index_cast %get3A_386 : i32 to index
    %get3A_388 = arith.constant 64 : index
    %get3A_389 = tpu.vector_load %arg5[%get3A_387, %get3A_388] {strides = array<i32>} : memref<4x128xi32, #tpu.memory_space<vmem>>, vector<16xi32>,
    %shift_right_logical3A_390 = arith.constant 1 : i32
    %shift_right_logical3A_391 = vector.broadcast %shift_right_logical3A_390 : i32 to vector<16xi32>
    %shift_right_logical3A_392 = arith.shrui %get3A_389, %shift_right_logical3A_391 : vector<16xi32>
    %swap3A_393 = arith.constant 3 : i32
    %swap3A_394 = arith.index_cast %swap3A_393 : i32 to index
    %swap3A_395 = arith.constant 64 : index
    %swap3A_396 = tpu.vector_load %arg6[%swap3A_394, %swap3A_395] {strides = array<i32>} : memref<4x128xi32, #tpu.memory_space<vmem>>, vector<16xi32>,
    tpu.vector_store %arg6[%swap3A_394, %swap3A_395], %shift_right_logical3A_392 {strides = array<i32>} : memref<4x128xi32, #tpu.memory_space<vmem>>, vector<16xi32>,
    %get3A_397 = arith.constant 3 : i32
    %get3A_398 = arith.index_cast %get3A_397 : i32 to index
    %get3A_399 = arith.constant 80 : index
    %get3A_400 = tpu.vector_load %arg5[%get3A_398, %get3A_399] {strides = array<i32>} : memref<4x128xi32, #tpu.memory_space<vmem>>, vector<16xi32>,
    %shift_right_logical3A_401 = arith.constant 1 : i32
    %shift_right_logical3A_402 = vector.broadcast %shift_right_logical3A_401 : i32 to vector<16xi32>
    %shift_right_logical3A_403 = arith.shrui %get3A_400, %shift_right_logical3A_402 : vector<16xi32>
    %swap3A_404 = arith.constant 3 : i32
    %swap3A_405 = arith.index_cast %swap3A_404 : i32 to index
    %swap3A_406 = arith.constant 80 : index
    %swap3A_407 = tpu.vector_load %arg6[%swap3A_405, %swap3A_406] {strides = array<i32>} : memref<4x128xi32, #tpu.memory_space<vmem>>, vector<16xi32>,
    tpu.vector_store %arg6[%swap3A_405, %swap3A_406], %shift_right_logical3A_403 {strides = array<i32>} : memref<4x128xi32, #tpu.memory_space<vmem>>, vector<16xi32>,
    %get3A_408 = arith.constant 3 : i32
    %get3A_409 = arith.index_cast %get3A_408 : i32 to index
    %get3A_410 = arith.constant 96 : index
    %get3A_411 = tpu.vector_load %arg5[%get3A_409, %get3A_410] {strides = array<i32>} : memref<4x128xi32, #tpu.memory_space<vmem>>, vector<16xi32>,
    %shift_right_logical3A_412 = arith.constant 1 : i32
    %shift_right_logical3A_413 = vector.broadcast %shift_right_logical3A_412 : i32 to vector<16xi32>
    %shift_right_logical3A_414 = arith.shrui %get3A_411, %shift_right_logical3A_413 : vector<16xi32>
    %swap3A_415 = arith.constant 3 : i32
    %swap3A_416 = arith.index_cast %swap3A_415 : i32 to index
    %swap3A_417 = arith.constant 96 : index
    %swap3A_418 = tpu.vector_load %arg6[%swap3A_416, %swap3A_417] {strides = array<i32>} : memref<4x128xi32, #tpu.memory_space<vmem>>, vector<16xi32>,
    tpu.vector_store %arg6[%swap3A_416, %swap3A_417], %shift_right_logical3A_414 {strides = array<i32>} : memref<4x128xi32, #tpu.memory_space<vmem>>, vector<16xi32>,
    %get3A_419 = arith.constant 3 : i32
    %get3A_420 = arith.index_cast %get3A_419 : i32 to index
    %get3A_421 = arith.constant 112 : index
    %get3A_422 = tpu.vector_load %arg5[%get3A_420, %get3A_421] {strides = array<i32>} : memref<4x128xi32, #tpu.memory_space<vmem>>, vector<16xi32>,
    %shift_right_logical3A_423 = arith.constant 1 : i32
    %shift_right_logical3A_424 = vector.broadcast %shift_right_logical3A_423 : i32 to vector<16xi32>
    %shift_right_logical3A_425 = arith.shrui %get3A_422, %shift_right_logical3A_424 : vector<16xi32>
    %swap3A_426 = arith.constant 3 : i32
    %swap3A_427 = arith.index_cast %swap3A_426 : i32 to index
    %swap3A_428 = arith.constant 112 : index
    %swap3A_429 = tpu.vector_load %arg6[%swap3A_427, %swap3A_428] {strides = array<i32>} : memref<4x128xi32, #tpu.memory_space<vmem>>, vector<16xi32>,
    tpu.vector_store %arg6[%swap3A_427, %swap3A_428], %shift_right_logical3A_425 {strides = array<i32>} : memref<4x128xi32, #tpu.memory_space<vmem>>, vector<16xi32>,
    %dma_start3A_430 = arith.constant 0 : i32
    %dma_start3A_431 = arith.constant 0 : i32
    %dma_start3A_432 = arith.constant 0 : i32
    %dma_start3A_433 = tpu.memref_slice %arg7[%dma_start3A_431, %dma_start3A_432] : memref<512x128xf32, #tpu.memory_space<vmem>> -> memref<128x128xf32, #tpu.memory_space<vmem>>
    %dma_start3A_434 = arith.constant 0 : i32
    %dma_start3A_435 = tpu.memref_slice %arg6[%dma_start3A_430, %dma_start3A_434] : memref<4x128xi32, #tpu.memory_space<vmem>> -> memref<1x128xi32, #tpu.memory_space<vmem>>
    %dma_start3A_436 = tpu.memref_squeeze %dma_start3A_435 : memref<1x128xi32, #tpu.memory_space<vmem>> -> memref<128xi32, #tpu.memory_space<vmem>>
    %dma_start3A_437 = arith.constant 0 : i32
    %dma_start3A_438 = arith.constant 0 : i32
    %dma_start3A_439 = tpu.memref_slice %arg2[%dma_start3A_437, %dma_start3A_438] : memref<500000x128xf32, #tpu.memory_space<hbm>> -> memref<500000x128xf32, #tpu.memory_space<hbm>>
    tpu.enqueue_indirect_dma source(%dma_start3A_439 : memref<500000x128xf32, #tpu.memory_space<hbm>>) target(%dma_start3A_433 : memref<128x128xf32, #tpu.memory_space<vmem>>) offsets(%dma_start3A_436 : memref<128xi32, #tpu.memory_space<vmem>>) semaphore(%arg9 : memref<!tpu.dma_semaphore, #tpu.memory_space<semaphore_mem>>)
    %dma_start3A_440 = arith.constant 1 : i32
    %dma_start3A_441 = arith.constant 128 : i32
    %dma_start3A_442 = arith.constant 0 : i32
    %dma_start3A_443 = tpu.memref_slice %arg7[%dma_start3A_441, %dma_start3A_442] : memref<512x128xf32, #tpu.memory_space<vmem>> -> memref<128x128xf32, #tpu.memory_space<vmem>>
    %dma_start3A_444 = arith.constant 0 : i32
    %dma_start3A_445 = tpu.memref_slice %arg6[%dma_start3A_440, %dma_start3A_444] : memref<4x128xi32, #tpu.memory_space<vmem>> -> memref<1x128xi32, #tpu.memory_space<vmem>>
    %dma_start3A_446 = tpu.memref_squeeze %dma_start3A_445 : memref<1x128xi32, #tpu.memory_space<vmem>> -> memref<128xi32, #tpu.memory_space<vmem>>
    %dma_start3A_447 = arith.constant 0 : i32
    %dma_start3A_448 = arith.constant 0 : i32
    %dma_start3A_449 = tpu.memref_slice %arg2[%dma_start3A_447, %dma_start3A_448] : memref<500000x128xf32, #tpu.memory_space<hbm>> -> memref<500000x128xf32, #tpu.memory_space<hbm>>
    tpu.enqueue_indirect_dma source(%dma_start3A_449 : memref<500000x128xf32, #tpu.memory_space<hbm>>) target(%dma_start3A_443 : memref<128x128xf32, #tpu.memory_space<vmem>>) offsets(%dma_start3A_446 : memref<128xi32, #tpu.memory_space<vmem>>) semaphore(%arg9 : memref<!tpu.dma_semaphore, #tpu.memory_space<semaphore_mem>>)
    %dma_start3A_450 = arith.constant 2 : i32
    %dma_start3A_451 = arith.constant 256 : i32
    %dma_start3A_452 = arith.constant 0 : i32
    %dma_start3A_453 = tpu.memref_slice %arg7[%dma_start3A_451, %dma_start3A_452] : memref<512x128xf32, #tpu.memory_space<vmem>> -> memref<128x128xf32, #tpu.memory_space<vmem>>
    %dma_start3A_454 = arith.constant 0 : i32
    %dma_start3A_455 = tpu.memref_slice %arg6[%dma_start3A_450, %dma_start3A_454] : memref<4x128xi32, #tpu.memory_space<vmem>> -> memref<1x128xi32, #tpu.memory_space<vmem>>
    %dma_start3A_456 = tpu.memref_squeeze %dma_start3A_455 : memref<1x128xi32, #tpu.memory_space<vmem>> -> memref<128xi32, #tpu.memory_space<vmem>>
    %dma_start3A_457 = arith.constant 0 : i32
    %dma_start3A_458 = arith.constant 0 : i32
    %dma_start3A_459 = tpu.memref_slice %arg2[%dma_start3A_457, %dma_start3A_458] : memref<500000x128xf32, #tpu.memory_space<hbm>> -> memref<500000x128xf32, #tpu.memory_space<hbm>>
    tpu.enqueue_indirect_dma source(%dma_start3A_459 : memref<500000x128xf32, #tpu.memory_space<hbm>>) target(%dma_start3A_453 : memref<128x128xf32, #tpu.memory_space<vmem>>) offsets(%dma_start3A_456 : memref<128xi32, #tpu.memory_space<vmem>>) semaphore(%arg9 : memref<!tpu.dma_semaphore, #tpu.memory_space<semaphore_mem>>)
    %dma_start3A_460 = arith.constant 3 : i32
    %dma_start3A_461 = arith.constant 384 : i32
    %dma_start3A_462 = arith.constant 0 : i32
    %dma_start3A_463 = tpu.memref_slice %arg7[%dma_start3A_461, %dma_start3A_462] : memref<512x128xf32, #tpu.memory_space<vmem>> -> memref<128x128xf32, #tpu.memory_space<vmem>>
    %dma_start3A_464 = arith.constant 0 : i32
    %dma_start3A_465 = tpu.memref_slice %arg6[%dma_start3A_460, %dma_start3A_464] : memref<4x128xi32, #tpu.memory_space<vmem>> -> memref<1x128xi32, #tpu.memory_space<vmem>>
    %dma_start3A_466 = tpu.memref_squeeze %dma_start3A_465 : memref<1x128xi32, #tpu.memory_space<vmem>> -> memref<128xi32, #tpu.memory_space<vmem>>
    %dma_start3A_467 = arith.constant 0 : i32
    %dma_start3A_468 = arith.constant 0 : i32
    %dma_start3A_469 = tpu.memref_slice %arg2[%dma_start3A_467, %dma_start3A_468] : memref<500000x128xf32, #tpu.memory_space<hbm>> -> memref<500000x128xf32, #tpu.memory_space<hbm>>
    tpu.enqueue_indirect_dma source(%dma_start3A_469 : memref<500000x128xf32, #tpu.memory_space<hbm>>) target(%dma_start3A_463 : memref<128x128xf32, #tpu.memory_space<vmem>>) offsets(%dma_start3A_466 : memref<128xi32, #tpu.memory_space<vmem>>) semaphore(%arg9 : memref<!tpu.dma_semaphore, #tpu.memory_space<semaphore_mem>>)
    %dma_wait3A_470 = arith.constant 0 : i32
    %dma_wait3A_471 = arith.constant 0 : i32
    %dma_wait3A_472 = arith.constant 0 : i32
    %dma_wait3A_473 = tpu.memref_slice %arg7[%dma_wait3A_471, %dma_wait3A_472] : memref<512x128xf32, #tpu.memory_space<vmem>> -> memref<128x128xf32, #tpu.memory_space<vmem>>
    %dma_wait3A_474 = arith.constant 0 : i32
    %dma_wait3A_475 = tpu.memref_slice %arg6[%dma_wait3A_470, %dma_wait3A_474] : memref<4x128xi32, #tpu.memory_space<vmem>> -> memref<1x128xi32, #tpu.memory_space<vmem>>
    %dma_wait3A_476 = tpu.memref_squeeze %dma_wait3A_475 : memref<1x128xi32, #tpu.memory_space<vmem>> -> memref<128xi32, #tpu.memory_space<vmem>>
    %dma_wait3A_477 = arith.constant 0 : i32
    %dma_wait3A_478 = arith.constant 0 : i32
    %dma_wait3A_479 = tpu.memref_slice %arg2[%dma_wait3A_477, %dma_wait3A_478] : memref<500000x128xf32, #tpu.memory_space<hbm>> -> memref<500000x128xf32, #tpu.memory_space<hbm>>
    tpu.wait_indirect_dma semaphore(%arg9 : memref<!tpu.dma_semaphore, #tpu.memory_space<semaphore_mem>>) src(%dma_wait3A_479 : memref<500000x128xf32, #tpu.memory_space<hbm>>) dst(%dma_wait3A_473 : memref<128x128xf32, #tpu.memory_space<vmem>>)
    %dma_wait3A_480 = arith.constant 1 : i32
    %dma_wait3A_481 = arith.constant 128 : i32
    %dma_wait3A_482 = arith.constant 0 : i32
    %dma_wait3A_483 = tpu.memref_slice %arg7[%dma_wait3A_481, %dma_wait3A_482] : memref<512x128xf32, #tpu.memory_space<vmem>> -> memref<128x128xf32, #tpu.memory_space<vmem>>
    %dma_wait3A_484 = arith.constant 0 : i32
    %dma_wait3A_485 = tpu.memref_slice %arg6[%dma_wait3A_480, %dma_wait3A_484] : memref<4x128xi32, #tpu.memory_space<vmem>> -> memref<1x128xi32, #tpu.memory_space<vmem>>
    %dma_wait3A_486 = tpu.memref_squeeze %dma_wait3A_485 : memref<1x128xi32, #tpu.memory_space<vmem>> -> memref<128xi32, #tpu.memory_space<vmem>>
    %dma_wait3A_487 = arith.constant 0 : i32
    %dma_wait3A_488 = arith.constant 0 : i32
    %dma_wait3A_489 = tpu.memref_slice %arg2[%dma_wait3A_487, %dma_wait3A_488] : memref<500000x128xf32, #tpu.memory_space<hbm>> -> memref<500000x128xf32, #tpu.memory_space<hbm>>
    tpu.wait_indirect_dma semaphore(%arg9 : memref<!tpu.dma_semaphore, #tpu.memory_space<semaphore_mem>>) src(%dma_wait3A_489 : memref<500000x128xf32, #tpu.memory_space<hbm>>) dst(%dma_wait3A_483 : memref<128x128xf32, #tpu.memory_space<vmem>>)
    %dma_wait3A_490 = arith.constant 2 : i32
    %dma_wait3A_491 = arith.constant 256 : i32
    %dma_wait3A_492 = arith.constant 0 : i32
    %dma_wait3A_493 = tpu.memref_slice %arg7[%dma_wait3A_491, %dma_wait3A_492] : memref<512x128xf32, #tpu.memory_space<vmem>> -> memref<128x128xf32, #tpu.memory_space<vmem>>
    %dma_wait3A_494 = arith.constant 0 : i32
    %dma_wait3A_495 = tpu.memref_slice %arg6[%dma_wait3A_490, %dma_wait3A_494] : memref<4x128xi32, #tpu.memory_space<vmem>> -> memref<1x128xi32, #tpu.memory_space<vmem>>
    %dma_wait3A_496 = tpu.memref_squeeze %dma_wait3A_495 : memref<1x128xi32, #tpu.memory_space<vmem>> -> memref<128xi32, #tpu.memory_space<vmem>>
    %dma_wait3A_497 = arith.constant 0 : i32
    %dma_wait3A_498 = arith.constant 0 : i32
    %dma_wait3A_499 = tpu.memref_slice %arg2[%dma_wait3A_497, %dma_wait3A_498] : memref<500000x128xf32, #tpu.memory_space<hbm>> -> memref<500000x128xf32, #tpu.memory_space<hbm>>
    tpu.wait_indirect_dma semaphore(%arg9 : memref<!tpu.dma_semaphore, #tpu.memory_space<semaphore_mem>>) src(%dma_wait3A_499 : memref<500000x128xf32, #tpu.memory_space<hbm>>) dst(%dma_wait3A_493 : memref<128x128xf32, #tpu.memory_space<vmem>>)
    %dma_wait3A_500 = arith.constant 3 : i32
    %dma_wait3A_501 = arith.constant 384 : i32
    %dma_wait3A_502 = arith.constant 0 : i32
    %dma_wait3A_503 = tpu.memref_slice %arg7[%dma_wait3A_501, %dma_wait3A_502] : memref<512x128xf32, #tpu.memory_space<vmem>> -> memref<128x128xf32, #tpu.memory_space<vmem>>
    %dma_wait3A_504 = arith.constant 0 : i32
    %dma_wait3A_505 = tpu.memref_slice %arg6[%dma_wait3A_500, %dma_wait3A_504] : memref<4x128xi32, #tpu.memory_space<vmem>> -> memref<1x128xi32, #tpu.memory_space<vmem>>
    %dma_wait3A_506 = tpu.memref_squeeze %dma_wait3A_505 : memref<1x128xi32, #tpu.memory_space<vmem>> -> memref<128xi32, #tpu.memory_space<vmem>>
    %dma_wait3A_507 = arith.constant 0 : i32
    %dma_wait3A_508 = arith.constant 0 : i32
    %dma_wait3A_509 = tpu.memref_slice %arg2[%dma_wait3A_507, %dma_wait3A_508] : memref<500000x128xf32, #tpu.memory_space<hbm>> -> memref<500000x128xf32, #tpu.memory_space<hbm>>
    tpu.wait_indirect_dma semaphore(%arg9 : memref<!tpu.dma_semaphore, #tpu.memory_space<semaphore_mem>>) src(%dma_wait3A_509 : memref<500000x128xf32, #tpu.memory_space<hbm>>) dst(%dma_wait3A_503 : memref<128x128xf32, #tpu.memory_space<vmem>>)
    "tpu.region"() ({
      %run_scoped3A = tpu.sem_alloc : memref<!tpu.dma_semaphore, #tpu.memory_space<semaphore_mem>>
      %dma_start3A_510 = arith.constant 0 : i32
      %dma_start3A_511 = tpu.memref_slice %arg4[%mul3A_2, %dma_start3A_510] : memref<16384x128xf32, #tpu.memory_space<hbm>> -> memref<512x128xf32, #tpu.memory_space<hbm>>
      %dma_start3A_512 = arith.constant 0 : i32
      %dma_start3A_513 = tpu.memref_slice %arg4[%mul3A_2, %dma_start3A_512] : memref<16384x128xf32, #tpu.memory_space<hbm>> -> memref<512x128xf32, #tpu.memory_space<hbm>>
      tpu.enqueue_dma source(%arg7 : memref<512x128xf32, #tpu.memory_space<vmem>>) target(%dma_start3A_513 : memref<512x128xf32, #tpu.memory_space<hbm>>) target_semaphore(%run_scoped3A : memref<!tpu.dma_semaphore, #tpu.memory_space<semaphore_mem>>)
      %dma_wait3A_514 = arith.constant 0 : i32
      %dma_wait3A_515 = tpu.memref_slice %arg4[%mul3A_2, %dma_wait3A_514] : memref<16384x128xf32, #tpu.memory_space<hbm>> -> memref<512x128xf32, #tpu.memory_space<hbm>>
      %dma_wait3A_516 = arith.constant 0 : i32
      %dma_wait3A_517 = tpu.memref_slice %arg4[%mul3A_2, %dma_wait3A_516] : memref<16384x128xf32, #tpu.memory_space<hbm>> -> memref<512x128xf32, #tpu.memory_space<hbm>>
      tpu.wait_dma2 semaphore(%run_scoped3A : memref<!tpu.dma_semaphore, #tpu.memory_space<semaphore_mem>>) src(%arg7 : memref<512x128xf32, #tpu.memory_space<vmem>>) dst(%dma_wait3A_517 : memref<512x128xf32, #tpu.memory_space<hbm>>)
      tpu.yield
    }) : () -> ()
    return
  }
}

module attributes {stable_mosaic.version = 14 : i64} {
  func.func @_norm_body(%arg0: memref<128x128xf32, #tpu.memory_space<vmem>>, %arg1: memref<32x128xf32, #tpu.memory_space<vmem>>, %arg2: memref<32x128xf32, #tpu.memory_space<vmem>>, %arg3: memref<128x128xf32, #tpu.memory_space<vmem>>) attributes {dimension_semantics = [], scalar_prefetch = 0 : i64, scratch_operands = 0 : i64, tpu.core_type = #tpu.core_type<tc>} {
    %get3A = arith.constant 0 : index
    %get3A_0 = arith.constant 0 : index
    %get3A_1 = vector.load %arg1[%get3A, %get3A_0] : memref<32x128xf32, #tpu.memory_space<vmem>>, vector<32x128xf32>
    %reduce_sum3A = vector.shape_cast %get3A_1 : vector<32x128xf32> to vector<1x32x128xf32>
    %reduce_sum3A_2 = arith.constant dense<0.000000e+00> : vector<1xf32>
    %reduce_sum3A_3 = vector.multi_reduction <add>, %reduce_sum3A, %reduce_sum3A_2 [1, 2] : vector<1x32x128xf32> to vector<1xf32>
    %reduce_sum3A_4 = vector.shape_cast %reduce_sum3A_3 : vector<1xf32> to vector<1x1x1xf32>
    %reduce_sum3A_5 = vector.extract %reduce_sum3A_4[0, 0, 0] : f32 from vector<1x1x1xf32>
    %get3A_6 = arith.constant 0 : index
    %get3A_7 = arith.constant 0 : index
    %get3A_8 = vector.load %arg2[%get3A_6, %get3A_7] : memref<32x128xf32, #tpu.memory_space<vmem>>, vector<32x128xf32>
    %reduce_sum3A_9 = vector.shape_cast %get3A_8 : vector<32x128xf32> to vector<1x32x128xf32>
    %reduce_sum3A_10 = arith.constant dense<0.000000e+00> : vector<1xf32>
    %reduce_sum3A_11 = vector.multi_reduction <add>, %reduce_sum3A_9, %reduce_sum3A_10 [1, 2] : vector<1x32x128xf32> to vector<1xf32>
    %reduce_sum3A_12 = vector.shape_cast %reduce_sum3A_11 : vector<1xf32> to vector<1x1x1xf32>
    %reduce_sum3A_13 = vector.extract %reduce_sum3A_12[0, 0, 0] : f32 from vector<1x1x1xf32>
    %add3A = arith.addf %reduce_sum3A_5, %reduce_sum3A_13 : f32
    %get3A_14 = arith.constant 0 : index
    %get3A_15 = arith.constant 0 : index
    %get3A_16 = vector.load %arg0[%get3A_14, %get3A_15] : memref<128x128xf32, #tpu.memory_space<vmem>>, vector<128x128xf32>
    %div3A = vector.broadcast %add3A : f32 to vector<128x128xf32>
    %div3A_17 = arith.divf %get3A_16, %div3A : vector<128x128xf32>
    %swap3A = arith.constant 0 : index
    %swap3A_18 = arith.constant 0 : index
    %swap3A_19 = vector.load %arg3[%swap3A, %swap3A_18] : memref<128x128xf32, #tpu.memory_space<vmem>>, vector<128x128xf32>
    tpu.vector_store %arg3[%swap3A, %swap3A_18], %div3A_17 {strides = array<i32>} : memref<128x128xf32, #tpu.memory_space<vmem>>, vector<128x128xf32>,
    return
  }
}

</mosaic_0001>

<sc_bundles>
// kernel: kernel.12.cloned.1.call-start
scs
__scs_entry_jumppad:
0x0: {  	(pc) =	sbr.rel $0x88, $3  }
0x1: {  	(tag) =	ssettag $0x0;
	lr =	simm.s32 $0x1  }
0x2: {  	[smem:$0x3F99] =	sst lr;
	_ =	strace $0xD0000000  }
0x3: {  	_ = 	snop  }
0x4: {  	_ = 	snop  }
0x5: {  	_ = 	snop  }
0x6: {  	_ = 	snop  }
0x7: {  	_ = 	snop  }
__scs_overlays_trampoline_lowered:
0x8: {  	[smem:$0x3FA8] =	sst s0  }
0x9: {  	[smem:$0x3FA9] =	sst s1  }
0xa: {  	[smem:$0x3FAA] =	sst s2  }
0xb: {  	[smem:$0x3FAB] =	sst s3  }
0xc: {  	[smem:$0x3FAC] =	sst s4  }
0xd: {  	[smem:$0x3FAD] =	sst s5  }
0xe: {  	[smem:$0x3FAE] =	sst s6  }
0xf: {  	[smem:$0x3FAF] =	sst s7  }
0x10: {  	[smem:$0x3FB0] =	sst s8  }
0x11: {  	[smem:$0x3FB1] =	sst s9;
	s0 =	simm.s32 @!p0 $0x0  }
0x12: {  	s1 =	sld [smem:$0x3F97];
	s0 =	simm.s32 @p0 $0x1  }
0x13: {  	[smem:$0x3FB2] =	sst s0;
	s0 =	simm.s32 @!p1 $0x0  }
0x14: {  	s2 =	sld [smem:$0x3F96];
	s0 =	simm.s32 @p1 $0x1  }
0x15: {  	[smem:$0x3FB3] =	sst s0;
	s0 =	simm.s32 @!p2 $0x0  }
0x16: {  	s3 =	sld [smem:$0x3FDB];
	s0 =	simm.s32 @p2 $0x1  }
0x17: {  	s4 =	simm.s32 $0x1BF5;
	[smem:$0x3FB5] =	sst s0  }
0x18: {  	s0 =	sld [smem:$0x3F98];
	_ =	swait.ge [sflag:s4], $0x0  }
0x19: {  	s7 =	sld [smem:$0x3F99]  }
0x1a: {  	s8 =	sadd.s32 $0xFFFFE003, lr  }
0x1b: {  	s9 =	sadd.s32 $0xFFFFFEF7, lr;
	s5 =	simm.s32 $0xFFFFFFFF;
	p2 =	slt.u32 s8, $0xFFFFF086  }
0x1c: {  	p1 =	slt.u32 s9, $0xF7A;
	s5 =	simm.s32 @!p2 $0x0  }
0x1d: {  	s5 =	simm.s32 @p1 $0x1;
	p0 =	seq.s32 s7, s2  }
0x1e: {  	s7 =	smul.u32 @!p0 $0xF7A, s2;
	p2 =	seq.s32 @!p0 s5, $0x0  }
0x1f: {  	s9 =	smul.u32 $0xF7A, s1;
	s8 =	simm.s32 @!p0 $0x1BF5;
	p2 =	por !p2, p0  }
0x20: {  	[sflag:s8] =	ssyncset.s32 @!p0 $0xFFFFF086;
	s6 =	sadd.s32 @!p0 s3, s7;
	s7 =	simm.s32 @!p0 $0x108  }
0x21: {  	s3 =	sadd.s32 s3, s9;
	s6 =	sadd.s32 @!p0 $0x88, s6;
	s7 =	simm.s32 @p2 $0x1082  }
0x22: {  	[simem:s7], [sflag:s8] =	dma.local @!p0 [hbm:s6], $0xF7A  }
0x23: {  	s9 =	sor.u32 $0xD0000000, s2;
	s6 =	simm.s32 $0x108;
	_ =	swait.ge @!p0 [sflag:s8], $0x0  }
0x24: {  	s3 =	sadd.s32 $0x88, s3;
	s6 =	simm.s32 @!p1 $0x1082;
	[sflag:s4] =	ssyncset.s32 $0xFFFFF086  }
0x25: {  	[simem:s6], [sflag:s4] =	dma.local [hbm:s3], $0xF7A  }
0x26: {  	[smem:$0x3F99] =	sst s1;
	(tag) =	ssettag s2;
	_ =	strace s9  }
0x27: {  	s1 =	sld [smem:$0x3FA9]  }
0x28: {  	s2 =	sld [smem:$0x3FAA]  }
0x29: {  	s4 =	sld [smem:$0x3FAC]  }
0x2a: {  	p0 =	seq.s32 s5, $0x0;
	s5 =	sld [smem:$0x3FAD]  }
0x2b: {  	s6 =	sld [smem:$0x3FAE]  }
0x2c: {  	s7 =	sld [smem:$0x3FAF]  }
0x2d: {  	s3 =	simm.s32 $0x108;
	s8 =	sld [smem:$0x3FB0]  }
0x2e: {  	s3 =	simm.s32 @!p0 $0x1082;
	s9 =	sld [smem:$0x3FB1]  }
0x2f: {  	lr =	sadd.s32 s0, s3;
	s0 =	sld [smem:$0x3FA8]  }
0x30: {  	s3 =	sld [smem:$0x3FAB]  }
0x31: {  	[smem:$0x3FB4] =	sst s10  }
0x32: {  	s10 =	sld [smem:$0x3FB2];
	_ =	sdelay $0x3  }
0x33: {  	p0 =	seq.s32 s10, $0x1;
	s10 =	sld [smem:$0x3FB4];
	_ =	sdelay $0x3  }
0x34: {  	[smem:$0x3FB4] =	sst s10  }
0x35: {  	s10 =	sld [smem:$0x3FB3];
	_ =	sdelay $0x3  }
0x36: {  	p1 =	seq.s32 s10, $0x1;
	s10 =	sld [smem:$0x3FB4];
	_ =	sdelay $0x3  }
0x37: {  	[smem:$0x3FB4] =	sst s10  }
0x38: {  	s10 =	sld [smem:$0x3FB5]  }
0x39: {  	_ = 	snop;
	(pc) =	sbr.ind lr, $3  }
0x3a: {  	_ = 	snop  }
0x3b: {  	_ = 	snop  }
0x3c: {  	p2 =	seq.s32 s10, $0x1;
	s10 =	sld [smem:$0x3FB4]  }
0x3d: {  	_ =	shalt  }
0x3e: {  	_ =	shalt  }
0x3f: {  	_ =	shalt  }
0x40: {  	_ =	shalt  }
0x41: {  	_ =	shalt  }
0x42: {  	_ =	shalt  }
0x43: {  	_ =	shalt  }
0x44: {  	_ =	shalt  }
0x45: {  	_ =	shalt  }
0x46: {  	_ =	shalt  }
0x47: {  	_ =	shalt  }
0x48: {  	_ =	shalt  }
0x49: {  	_ =	shalt  }
0x4a: {  	_ =	shalt  }
0x4b: {  	_ =	shalt  }
0x4c: {  	_ =	shalt  }
0x4d: {  	_ =	shalt  }
0x4e: {  	_ =	shalt  }
0x4f: {  	_ =	shalt  }
0x50: {  	_ =	shalt  }
0x51: {  	_ =	shalt  }
0x52: {  	_ =	shalt  }
0x53: {  	_ =	shalt  }
0x54: {  	_ =	shalt  }
0x55: {  	_ =	shalt  }
0x56: {  	_ =	shalt  }
0x57: {  	_ =	shalt  }
0x58: {  	_ =	shalt  }
0x59: {  	_ =	shalt  }
0x5a: {  	_ =	shalt  }
0x5b: {  	_ =	shalt  }
0x5c: {  	_ =	shalt  }
0x5d: {  	_ =	shalt  }
0x5e: {  	_ =	shalt  }
0x5f: {  	_ =	shalt  }
0x60: {  	_ =	shalt  }
0x61: {  	_ =	shalt  }
0x62: {  	_ =	shalt  }
0x63: {  	_ =	shalt  }
0x64: {  	_ =	shalt  }
0x65: {  	_ =	shalt  }
0x66: {  	_ =	shalt  }
0x67: {  	_ =	shalt  }
0x68: {  	_ =	shalt  }
0x69: {  	_ =	shalt  }
0x6a: {  	_ =	shalt  }
0x6b: {  	_ =	shalt  }
0x6c: {  	_ =	shalt  }
0x6d: {  	_ =	shalt  }
0x6e: {  	_ =	shalt  }
0x6f: {  	_ =	shalt  }
0x70: {  	_ =	shalt  }
0x71: {  	_ =	shalt  }
0x72: {  	_ =	shalt  }
0x73: {  	_ =	shalt  }
0x74: {  	_ =	shalt  }
0x75: {  	_ =	shalt  }
0x76: {  	_ =	shalt  }
0x77: {  	_ =	shalt  }
0x78: {  	_ =	shalt  }
0x79: {  	_ =	shalt  }
0x7a: {  	_ =	shalt  }
0x7b: {  	_ =	shalt  }
0x7c: {  	_ =	shalt  }
0x7d: {  	_ =	shalt  }
0x7e: {  	_ =	shalt  }
0x7f: {  	_ =	shalt  }
0x80: {  	_ =	shalt  }
0x81: {  	_ =	shalt  }
0x82: {  	_ =	shalt  }
0x83: {  	_ =	shalt  }
0x84: {  	_ =	shalt  }
0x85: {  	_ =	shalt  }
0x86: {  	_ =	shalt  }
0x87: {  	_ =	shalt  }
.Lfunc_end0:
.L_simem_size_0:
called_computation.2_lowered:
.L_overlay_start_0:
0x88: {  	s2 =	sld [smem:$0x3FD9]  }
0x89: {  	s3 =	sld [smem:$0x3FFE];
	_ =	sdelay $0x1  }
0x8a: {  	s1 =	srdreg.scid  }
0x8b: {  	s0 =	sand.u32 $0x1, s1  }
0x8c: {  	s17 =	sshll.u32 s0, $0xA;
	s2 =	sadd.s32 s3, s2  }
0x8d: {  	s2 =	sadd.s32 s2, s17  }
0x8e: {  	[smem:$0x3FC0] =	sst s2  }
0x8f: {  	_ = 	snop  }
0x90: {  	s18 =	sld [smem:$0x3FC2];
	(tm) =	ssettm $0x1  }
0x91: {  	s19 =	sld [smem:$0x3FFB];
	_ =	sdelay $0x3  }
0x92: {  	_ =	strace s19  }
0x93: {  	s2 =	sld [smem:$0x3FFC];
	_ =	sdelay $0x3  }
0x94: {  	_ =	strace s2  }
0x95: {  	s2 =	sld [smem:$0x3FFD];
	_ =	sdelay $0x3  }
0x96: {  	_ =	strace s2  }
0x97: {  	_ =	strace $0x8FFFFFFF  }
0x98: {  	s20 =	sld [smem:$0x3FDB];
	_ =	sdelay $0x1  }
0x99: {  	s4 =	simm.s32 $_scs_section_size  }
0x9a: {  	s5 =	simm.s32 $_size__tile_overlayer_lowered;
	s6 =	simm.s32 $_tile_overlayer_lowered  }
0x9b: {  	s7 =	simm.s32 $0x1BFF;
	s21 =	sshll.u32 s6, $0x1;
	s4 =	sadd.s32 s4, s20  }
0x9c: {  	s22 =	simm.s32 $0x0;
	s5 =	sshll.u32 s5, $0x1;
	s6 =	sadd.s32 s21, s4  }
0x9d: {  	[timem:s22], [sflag:s7] =	dma.local [hbm:s6], s5  }
0x9e: {  	_ =	swait.ge [sflag:s7], s5  }
0x9f: {  	s5 =	ssub.s32 $0x0, s5;
	[sflag:s7] =	ssyncset.done $0x0  }
0xa0: {  	[sflag:s7] =	ssyncadd.s32 s5;
	_ =	sdelay $0x1  }
0xa1: {  	s23 =	simm.s32 $0x1B8B  }
0xa2: {  	_ =	swait.ge [sflag:s23], $0x1  }
0xa3: {  	[sflag:s23] =	ssyncset.done $0x0  }
0xa4: {  	[sflag:s23] =	ssyncadd.s32 $0xFFFFFFFF  }
0xa5: {  	s5 =	sld [smem:$0x0]  }
0xa6: {  	s6 =	sand.u32 $0xFFFFFFFE, s1  }
0xa7: {  	p0 =	sne.s32 s1, s6  }
0xa8: {  	s6 =	sshll.u32 @p0 s6, $0xE  }
0xa9: {  	s6 =	sadd.s32 @p0 $0x11B8D, s6;
	s7 =	sshll.u32 @p0 s5, $0x11  }
0xaa: {  	s6 =	sor.u32 @p0 s7, s6  }
0xab: {  	[sflag:s6] =	ssyncadd.remote.s32 @p0 $0x1;
	_ =	sdelay $0x1  }
0xac: {  	s6 =	simm.s32 @p0 $0x1B8D  }
0xad: {  	_ =	swait.eq @p0 [sflag:s6], $0x1  }
0xae: {  	[sflag:s6] =	ssyncadd.s32 @p0 $0xFFFFFFFF  }
0xaf: {  	s7 =	sshll.u32 @!p0 s1, $0xE  }
0xb0: {  	s7 =	sor.u32 @!p0 $0x4000, s7;
	s6 =	simm.s32 @!p0 $0x1B8D  }
0xb1: {  	s5 =	sshll.u32 @!p0 s5, $0x11;
	s7 =	sadd.s32 @!p0 $0x11B8D, s7;
	_ =	swait.eq @!p0 [sflag:s6], $0x1  }
0xb2: {  	s5 =	sor.u32 @!p0 s5, s7;
	[sflag:s6] =	ssyncadd.s32 @!p0 $0xFFFFFFFF  }
0xb3: {  	s25 =	simm.s32 $0x1B8E;
	s24 =	sld [smem:$0x3FFE];
	[sflag:s5] =	ssyncadd.remote.s32 @!p0 $0x1  }
0xb4: {  	s26 =	simm.s32 $execute0_lowered;
	[smem:$0x3FD2] =	sst s25  }
0xb5: {  	s6 =	sshll.u32 s26, $0x1;
	_ =	strace $0x8000004C;
	[dreg:$0x1] =	wrdreg $0xFFFFFFFF  }
0xb6: {  	s28 =	simm.s32 $_size_execute0_lowered;
	s4 =	sadd.s32 s4, s6;
	[dreg:$0x0] =	wrdreg $0x0  }
0xb7: {  	s6 =	sshll.u32 s28, $0x1;
	[dreg:$0x2] =	wrdreg s4  }
0xb8: {  	[dreg:$0x3] =	wrdreg s6  }
0xb9: {  	[dreg:$0x4] =	wrdreg $0xC0  }
0xba: {  	_ =	task [dreg:s22], $0x5FFFF  }
0xbb: {  	[dreg:$0x1] =	wrdreg $0xFFFFFFFF  }
0xbc: {  	[dreg:$0x0] =	wrdreg $0x60  }
0xbd: {  	[dreg:$0x2] =	wrdreg s24  }
0xbe: {  	[dreg:$0x3] =	wrdreg s18  }
0xbf: {  	[dreg:$0x4] =	wrdreg $0xA  }
0xc0: {  	_ =	task.clear_ibuf [dreg:s22], $0x5FFFF;
	_ =	strace $0x9000004C  }
0xc1: {  	s29 =	simm.s32 $0xA;
	_ =	strace $0x8000004E  }
0xc2: {  	_ =	swait.ge [sflag:s29], $0x1  }
0xc3: {  	[sflag:s29] =	ssyncadd.s32 $0xFFFFFFFF  }
0xc4: {  	_ =	strace $0x9000004E  }
0xc5: {  	_ =	sfence  }
0xc6: {  	s30 =	sld [smem:$0x0];
	_ =	sdelay $0x2  }
0xc7: {  	s31 =	sshll.u32 s1, $0xD;
	s1 =	sshrl.u32 s1, $0x2  }
0xc8: {  	s4 =	sand.u32 $0x4000, s31;
	s1 =	sadd.s32 s1, s30  }
0xc9: {  	s0 =	sor.u32 s4, s0;
	s1 =	sshll.u32 s1, $0x11  }
0xca: {  	s0 =	sor.u32 s1, s0  }
0xcb: {  	s0 =	sadd.s32 $0x8F2B, s0  }
0xcc: {  	[sflag:s0] =	ssyncadd.remote.s32 $0x1  }
0xcd: {  	_ =	sfence.sel $0xFFFF  }
0xce: {  	[dreg:$0x0] =	wrdreg $0xFFFFFFFF;
	(pc) =	sbr.abs _section_cstart, $3  }
0xcf: {  	[dreg:$0x1] =	wrdreg $0xFFFFFFFF  }
0xd0: {  	_ =	task.clear_ibuf [dreg:s22], $0x2FFFF;
	_ =	strace $0x9FFFFFFF  }
0xd1: {  	(tm) =	ssettm $0x7FFFFFFF  }
tec
execute0_lowered:
.L_overlay_start_1:
0x0: {  	(tag) =	ssettag $0x1  }
0x1: {  	s1 =	srdreg.scid  }
0x2: {  	s0 =	stileid.u32;
	s6 =	sand.u32 $0x1, s1  }
0x3: {  	s4 =	rddreg [dreg:$0x0];
	s5 =	sshll.u32 s0, $0xA;
	s7 =	sshll.u32 s6, $0x9  }
0x4: {  	s3 =	rddreg [dreg:$0x1];
	s2 =	simm.s32 $0x0;
	s7 =	sor.u32 s7, s5  }
0x5: {  	[smem:$0x7FF] =	sst s2;
	s5 =	sshrl.u32 s7, $0x3  }
0x6: {  	s1 =	rddreg [dreg:$0x2];
	_ =	strace $0x8000004D;
	s16 =	sadd.s32 s3, s5  }
0x7: {  	[tilespmem:s2], [sflag:$0x1] =	stream.linear.gather [hbm4b:s16+s2], $0x80, $0x38;
	[tilespmem:$0x10400] =	vst v63  }
0x8: {  	s3 =	simm.s32 $0x80;
	s17 =	sadd.s32 $0x10, s16  }
0x9: {  	[tilespmem:s3], [sflag:$0x1] =	stream.linear.gather [hbm4b:s17+s2], $0x80, $0x38;
	[tilespmem:$0x10400] =	vst v63  }
0xa: {  	s19 =	simm.s32 $0x100;
	s18 =	sadd.s32 $0x20, s16  }
0xb: {  	[tilespmem:s19], [sflag:$0x1] =	stream.linear.gather [hbm4b:s18+s2], $0x80, $0x38;
	[tilespmem:$0x10400] =	vst v63  }
0xc: {  	s21 =	simm.s32 $0x180;
	s22 =	simm.s32 $0x1;
	s20 =	sadd.s32 $0x30, s16  }
0xd: {  	[tilespmem:s21], [sflag:$0x1] =	stream.linear.gather [hbm4b:s20+s2], $0x80, $0x38;
	[tilespmem:$0x10400] =	vst v63  }
0xe: {  	_ =	swait.ge [sflag:s22], $0x80  }
0xf: {  	[sflag:s22] =	ssyncset.done $0x0  }
0x10: {  	[sflag:s22] =	ssyncadd.s32 $0xFFFFFF80  }
0x11: {  	_ =	swait.ge [sflag:s22], $0x80  }
0x12: {  	s6 =	ssub.s32 $0x2, s6;
	[sflag:s22] =	ssyncset.done $0x0  }
0x13: {  	s9 =	simm.s32 $0x200;
	s8 =	sshrl.u32 s6, $0x1;
	[sflag:s22] =	ssyncadd.s32 $0xFFFFFF80  }
0x14: {  	s10 =	simm.s32 $0x280;
	s6 =	ssub.s32 s6, s8;
	_ =	swait.ge [sflag:s22], $0x80  }
0x15: {  	s11 =	simm.s32 $0x4400;
	s23 =	smax.u32 s6, $0x1;
	[sflag:s22] =	ssyncset.done $0x0  }
0x16: {  	s12 =	simm.s32 $0x300;
	p0 =	sne.s32 s23, $0x1;
	[sflag:s22] =	ssyncadd.s32 $0xFFFFFF80  }
.Ltmp0:
0x17: {  	s13 =	simm.s32 $0x8400;
	_ =	swait.ge [sflag:s22], $0x80;
	(pc) =	sbr.rel @!p0 .LBB2_2-.Ltmp0, $4  }
0x18: {  	s14 =	simm.s32 $0x380;
	s15 =	simm.s32 $0xC400;
	[sflag:s22] =	ssyncset.done $0x0  }
0x19: {  	s7 =	sshll.u32 s7, $0x4;
	s8 =	simm.s32 $0x2;
	[sflag:s22] =	ssyncadd.s32 $0xFFFFFF80  }
0x1a: {  	s5 =	sadd.s32 $0xF83400, s4;
	s4 =	sadd.s32 s7, s4;
	s6 =	simm.s32 $0x400;
	v0 =	vld [tilespmem:$0x130]  }
0x1b: {  	s7 =	simm.s32 $0x3;
	s4 =	sadd.s32 $0x41000, s4;
	s23 =	sadd.s32 $0xFFFFFFFF, s23;
	v1 =	vld [tilespmem:$0x1C0]  }
.LBB2_1:
0x1c: {  	p0 =	sne.s32 s23, $0x1;
	s23 =	sadd.s32 $0xFFFFFFFF, s23;
	v2 =	vld [tilespmem:$0x1D0]  }
0x1d: {  	v3 =	vld [tilespmem:$0x1E0]  }
0x1e: {  	v4 =	vld [tilespmem:$0x20]  }
0x1f: {  	v5 =	vld [tilespmem:$0x0]  }
0x20: {  	v6 =	vld [tilespmem:$0x40]  }
0x21: {  	v2 =	vshrl.u32 v2, $0x1;
	v7 =	vld [tilespmem:$0x1F0]  }
0x22: {  	v1 =	vshrl.u32 v1, $0x1;
	v8 =	vld [tilespmem:$0x170];
	[tilespmem:$0x3D0] =	vst v2;
	v2 =	vshrl.u32 v3, $0x1  }
0x23: {  	v0 =	vshrl.u32 v0, $0x1;
	v3 =	vshrl.u32 v4, $0x1;
	v4 =	vld [tilespmem:$0x190];
	[tilespmem:$0x3E0] =	vst v2  }
0x24: {  	v2 =	vshrl.u32 v5, $0x1;
	[tilespmem:$0x220] =	vst v3;
	v3 =	vld [tilespmem:$0x180]  }
0x25: {  	[tilespmem:$0x200] =	vst v2;
	v2 =	vld [tilespmem:$0x80]  }
0x26: {  	v5 =	vld [tilespmem:$0x50];
	[tilespmem:$0x330] =	vst v0;
	v0 =	vshrl.u32 v7, $0x1  }
0x27: {  	v7 =	vld [tilespmem:$0x60];
	v8 =	vshrl.u32 v8, $0x1;
	[tilespmem:$0x3C0] =	vst v1  }
0x28: {  	v1 =	vld [tilespmem:$0x70];
	v4 =	vshrl.u32 v4, $0x1;
	[tilespmem:$0x3F0] =	vst v0  }
0x29: {  	v0 =	vshrl.u32 v6, $0x1;
	v6 =	vld [tilespmem:$0x160];
	[tilespmem:$0x370] =	vst v8;
	v3 =	vshrl.u32 v3, $0x1  }
0x2a: {  	v8 =	vld [tilespmem:$0x90];
	[tilespmem:$0x390] =	vst v4  }
0x2b: {  	v4 =	vshrl.u32 v5, $0x1;
	v5 =	vld [tilespmem:$0x150];
	[tilespmem:$0x380] =	vst v3  }
0x2c: {  	[tilespmem:$0x240] =	vst v0;
	v0 =	vshrl.u32 v7, $0x1;
	v3 =	vld [tilespmem:$0xA0]  }
0x2d: {  	[tilespmem:$0x250] =	vst v4;
	v1 =	vshrl.u32 v1, $0x1;
	v4 =	vld [tilespmem:$0x140]  }
0x2e: {  	v7 =	vld [tilespmem:$0x30];
	[tilespmem:$0x260] =	vst v0;
	v0 =	vshrl.u32 v2, $0x1;
	v2 =	vshrl.u32 v6, $0x1  }
0x2f: {  	[tilespmem:$0x270] =	vst v1;
	v1 =	vld [tilespmem:$0xB0]  }
0x30: {  	v6 =	vshrl.u32 v8, $0x1;
	v8 =	vld [tilespmem:$0xC0];
	v5 =	vshrl.u32 v5, $0x1;
	[tilespmem:$0x360] =	vst v2  }
0x31: {  	[tilespmem:$0x280] =	vst v0;
	v0 =	vshrl.u32 v3, $0x1;
	v2 =	vld [tilespmem:$0x120]  }
0x32: {  	v3 =	vld [tilespmem:$0xD0];
	v4 =	vshrl.u32 v4, $0x1;
	[tilespmem:$0x350] =	vst v5  }
0x33: {  	v5 =	vshrl.u32 v7, $0x1;
	[tilespmem:$0x2A0] =	vst v0;
	v0 =	vld [tilespmem:$0x110]  }
0x34: {  	v1 =	vshrl.u32 v1, $0x1;
	v7 =	vld [tilespmem:$0xE0];
	[tilespmem:$0x340] =	vst v4  }
0x35: {  	[tilespmem:$0x230] =	vst v5;
	v4 =	vshrl.u32 v8, $0x1;
	v5 =	vld [tilespmem:$0x100]  }
0x36: {  	[tilespmem:$0x2B0] =	vst v1;
	v1 =	vshrl.u32 v2, $0x1  }
0x37: {  	[tilespmem:$0x2C0] =	vst v4;
	v2 =	vshrl.u32 v3, $0x1;
	v3 =	vld [tilespmem:$0xF0]  }
0x38: {  	v4 =	vld [tilespmem:$0x10];
	v0 =	vshrl.u32 v0, $0x1;
	[tilespmem:$0x320] =	vst v1  }
0x39: {  	[tilespmem:$0x2D0] =	vst v2;
	v1 =	vshrl.u32 v7, $0x1;
	v2 =	vld [tilespmem:$0x1A0]  }
0x3a: {  	v5 =	vshrl.u32 v5, $0x1;
	[tilespmem:$0x310] =	vst v0;
	v0 =	vld [tilespmem:$0x1B0]  }
0x3b: {  	[tilespmem:$0x2E0] =	vst v1  }
0x3c: {  	v1 =	vshrl.u32 v3, $0x1;
	[tilespmem:$0x300] =	vst v5  }
0x3d: {  	v3 =	vshrl.u32 v4, $0x1;
	[tilespmem:$0x290] =	vst v6  }
0x3e: {  	[tilespmem:$0x2F0] =	vst v1;
	v1 =	vshrl.u32 v2, $0x1  }
0x3f: {  	[tilespmem:$0x3A0] =	vst v1;
	v0 =	vshrl.u32 v0, $0x1  }
0x40: {  	[tilespmem:$0x3B0] =	vst v0  }
0x41: {  	[tilespmem:$0x210] =	vst v3  }
0x42: {  	[tilespmem:s6], [sflag:$0x2] =	stream.indirect.gather [hbm4b:s5+s3], $0x80, s9, s3, $0xb8;
	[tilespmem:$0x10400] =	vst v63  }
0x43: {  	_ = 	snop  }
0x44: {  	[tilespmem:s11], [sflag:$0x2] =	stream.indirect.gather [hbm4b:s5+s3], $0x80, s10, s3, $0xb8;
	[tilespmem:$0x10400] =	vst v63  }
0x45: {  	_ = 	snop  }
0x46: {  	[tilespmem:s13], [sflag:$0x2] =	stream.indirect.gather [hbm4b:s5+s3], $0x80, s12, s3, $0xb8;
	[tilespmem:$0x10400] =	vst v63  }
0x47: {  	_ = 	snop  }
0x48: {  	[tilespmem:s15], [sflag:$0x2] =	stream.indirect.gather [hbm4b:s5+s3], $0x80, s14, s3, $0xb8;
	[tilespmem:$0x10400] =	vst v63  }
0x49: {  	_ =	swait.ge [sflag:s8], $0x4000  }
0x4a: {  	[sflag:s8] =	ssyncset.done $0x0  }
0x4b: {  	[sflag:s8] =	ssyncadd.s32 $0xFFFFC000  }
0x4c: {  	_ =	swait.ge [sflag:s8], $0x4000  }
0x4d: {  	[sflag:s8] =	ssyncset.done $0x0  }
0x4e: {  	[sflag:s8] =	ssyncadd.s32 $0xFFFFC000  }
0x4f: {  	_ =	swait.ge [sflag:s8], $0x4000  }
0x50: {  	[sflag:s8] =	ssyncset.done $0x0  }
0x51: {  	[sflag:s8] =	ssyncadd.s32 $0xFFFFC000  }
0x52: {  	_ =	swait.ge [sflag:s8], $0x4000  }
0x53: {  	[sflag:s8] =	ssyncset.done $0x0  }
0x54: {  	[sflag:s8] =	ssyncadd.s32 $0xFFFFC000  }
0x55: {  	[hbm4b:s4+s2] =	stream.linear.scatter [tilespmem:s6], [sflag:$0x3], $0x10000, $0x38;
	[tilespmem:$0x10400] =	vst v63  }
0x56: {  	_ =	swait.ge [sflag:s7], $0x10000  }
0x57: {  	[sflag:s7] =	ssyncset.done $0x0  }
0x58: {  	[sflag:s7] =	ssyncadd.s32 $0xFFFF0000  }
0x59: {  	[tilespmem:s2], [sflag:$0x1] =	stream.linear.gather [hbm4b:s16+s2], $0x80, $0x38;
	[tilespmem:$0x10400] =	vst v63  }
0x5a: {  	_ = 	snop  }
0x5b: {  	[tilespmem:s3], [sflag:$0x1] =	stream.linear.gather [hbm4b:s17+s2], $0x80, $0x38;
	[tilespmem:$0x10400] =	vst v63  }
0x5c: {  	_ = 	snop  }
0x5d: {  	[tilespmem:s19], [sflag:$0x1] =	stream.linear.gather [hbm4b:s18+s2], $0x80, $0x38;
	[tilespmem:$0x10400] =	vst v63  }
0x5e: {  	_ = 	snop  }
0x5f: {  	[tilespmem:s21], [sflag:$0x1] =	stream.linear.gather [hbm4b:s20+s2], $0x80, $0x38;
	[tilespmem:$0x10400] =	vst v63  }
0x60: {  	_ =	swait.ge [sflag:s22], $0x80  }
0x61: {  	[sflag:s22] =	ssyncset.done $0x0  }
0x62: {  	[sflag:s22] =	ssyncadd.s32 $0xFFFFFF80  }
0x63: {  	_ =	swait.ge [sflag:s22], $0x80  }
0x64: {  	[sflag:s22] =	ssyncset.done $0x0  }
0x65: {  	[sflag:s22] =	ssyncadd.s32 $0xFFFFFF80  }
0x66: {  	_ =	swait.ge [sflag:s22], $0x80  }
0x67: {  	[sflag:s22] =	ssyncset.done $0x0  }
0x68: {  	[sflag:s22] =	ssyncadd.s32 $0xFFFFFF80  }
.Ltmp1:
0x69: {  	_ =	swait.ge [sflag:s22], $0x80;
	(pc) =	sbr.rel @p0 .LBB2_1-.Ltmp1, $4  }
0x6a: {  	[sflag:s22] =	ssyncset.done $0x0  }
0x6b: {  	[sflag:s22] =	ssyncadd.s32 $0xFFFFFF80  }
0x6c: {  	v0 =	vld [tilespmem:$0x130]  }
0x6d: {  	v1 =	vld [tilespmem:$0x1C0]  }
.LBB2_2:
0x6e: {  	v2 =	vld [tilespmem:$0x1D0]  }
0x6f: {  	v3 =	vld [tilespmem:$0x1E0]  }
0x70: {  	v4 =	vld [tilespmem:$0x20]  }
0x71: {  	v5 =	vld [tilespmem:$0x0];
	v0 =	vshrl.u32 v0, $0x1  }
0x72: {  	v6 =	vld [tilespmem:$0x1F0];
	v1 =	vshrl.u32 v1, $0x1;
	[tilespmem:$0x330] =	vst v0  }
0x73: {  	v29 =	vld [tilespmem:$0x170];
	v2 =	vshrl.u32 v2, $0x1;
	[tilespmem:$0x3C0] =	vst v1  }
0x74: {  	v33 =	vld [tilespmem:$0x50];
	v28 =	vshrl.u32 v3, $0x1;
	[tilespmem:$0x3D0] =	vst v2  }
0x75: {  	v34 =	vld [tilespmem:$0x60];
	v4 =	vshrl.u32 v4, $0x1;
	[tilespmem:$0x3E0] =	vst v28  }
0x76: {  	v35 =	vld [tilespmem:$0x70];
	v5 =	vshrl.u32 v5, $0x1;
	[tilespmem:$0x220] =	vst v4  }
0x77: {  	v37 =	vld [tilespmem:$0x80];
	v6 =	vshrl.u32 v6, $0x1;
	[tilespmem:$0x200] =	vst v5  }
0x78: {  	v39 =	vld [tilespmem:$0xA0];
	v3 =	vshrl.u32 v29, $0x1;
	[tilespmem:$0x3F0] =	vst v6  }
0x79: {  	v42 =	vld [tilespmem:$0x30];
	v0 =	vshrl.u32 v33, $0x1;
	[tilespmem:$0x370] =	vst v3  }
0x7a: {  	v45 =	vld [tilespmem:$0xC0];
	v1 =	vshrl.u32 v34, $0x1;
	[tilespmem:$0x250] =	vst v0  }
0x7b: {  	v48 =	vld [tilespmem:$0xD0];
	v40 =	vshrl.u32 v35, $0x1;
	[tilespmem:$0x260] =	vst v1  }
0x7c: {  	v51 =	vld [tilespmem:$0xE0];
	v43 =	vshrl.u32 v37, $0x1;
	[tilespmem:$0x270] =	vst v40  }
0x7d: {  	v56 =	vld [tilespmem:$0xF0];
	v46 =	vshrl.u32 v39, $0x1;
	[tilespmem:$0x280] =	vst v43  }
0x7e: {  	v59 =	vld [tilespmem:$0x1B0];
	v49 =	vshrl.u32 v42, $0x1;
	[tilespmem:$0x2A0] =	vst v46  }
0x7f: {  	v60 =	vld [tilespmem:$0x10];
	v52 =	vshrl.u32 v45, $0x1;
	[tilespmem:$0x230] =	vst v49  }
0x80: {  	v30 =	vld [tilespmem:$0x190];
	v55 =	vshrl.u32 v48, $0x1;
	[tilespmem:$0x2C0] =	vst v52  }
0x81: {  	v31 =	vld [tilespmem:$0x180];
	v58 =	vshrl.u32 v51, $0x1;
	[tilespmem:$0x2D0] =	vst v55  }
0x82: {  	v32 =	vld [tilespmem:$0x40];
	v61 =	vshrl.u32 v56, $0x1;
	[tilespmem:$0x2E0] =	vst v58  }
0x83: {  	v36 =	vld [tilespmem:$0x160];
	v62 =	vshrl.u32 v59, $0x1;
	[tilespmem:$0x2F0] =	vst v61  }
0x84: {  	v41 =	vld [tilespmem:$0x140];
	v63 =	vshrl.u32 v60, $0x1;
	[tilespmem:$0x3B0] =	vst v62  }
0x85: {  	v50 =	vld [tilespmem:$0x110];
	v2 =	vshrl.u32 v30, $0x1;
	[tilespmem:$0x210] =	vst v63  }
0x86: {  	v57 =	vld [tilespmem:$0x1A0];
	v4 =	vshrl.u32 v31, $0x1;
	[tilespmem:$0x390] =	vst v2  }
0x87: {  	v38 =	vld [tilespmem:$0x150];
	v5 =	vshrl.u32 v32, $0x1;
	[tilespmem:$0x380] =	vst v4  }
0x88: {  	v44 =	vld [tilespmem:$0xB0];
	v3 =	vshrl.u32 v36, $0x1;
	[tilespmem:$0x240] =	vst v5  }
0x89: {  	v47 =	vld [tilespmem:$0x120];
	v6 =	vshrl.u32 v41, $0x1;
	[tilespmem:$0x360] =	vst v3  }
0x8a: {  	v53 =	vld [tilespmem:$0x100];
	v1 =	vshrl.u32 v50, $0x1;
	[tilespmem:$0x340] =	vst v6  }
0x8b: {  	v54 =	vld [tilespmem:$0x90];
	v0 =	vshrl.u32 v57, $0x1;
	[tilespmem:$0x310] =	vst v1  }
0x8c: {  	v4 =	vshrl.u32 v38, $0x1;
	[tilespmem:$0x3A0] =	vst v0  }
0x8d: {  	v2 =	vshrl.u32 v44, $0x1;
	[tilespmem:$0x350] =	vst v4  }
0x8e: {  	v5 =	vshrl.u32 v47, $0x1;
	[tilespmem:$0x2B0] =	vst v2  }
0x8f: {  	v3 =	vshrl.u32 v53, $0x1;
	[tilespmem:$0x320] =	vst v5  }
0x90: {  	v2 =	vshrl.u32 v54, $0x1;
	[tilespmem:$0x300] =	vst v3  }
0x91: {  	[tilespmem:$0x290] =	vst v2  }
0x92: {  	[tilespmem:s6], [sflag:$0x2] =	stream.indirect.gather [hbm4b:s5+s3], $0x80, s9, s3, $0xb8;
	[tilespmem:$0x10400] =	vst v63  }
0x93: {  	_ = 	snop  }
0x94: {  	[tilespmem:s11], [sflag:$0x2] =	stream.indirect.gather [hbm4b:s5+s3], $0x80, s10, s3, $0xb8;
	[tilespmem:$0x10400] =	vst v63  }
0x95: {  	_ = 	snop  }
0x96: {  	[tilespmem:s13], [sflag:$0x2] =	stream.indirect.gather [hbm4b:s5+s3], $0x80, s12, s3, $0xb8;
	[tilespmem:$0x10400] =	vst v63  }
0x97: {  	_ = 	snop  }
0x98: {  	[tilespmem:s15], [sflag:$0x2] =	stream.indirect.gather [hbm4b:s5+s3], $0x80, s14, s3, $0xb8;
	[tilespmem:$0x10400] =	vst v63  }
0x99: {  	_ =	swait.ge [sflag:s8], $0x4000  }
0x9a: {  	[sflag:s8] =	ssyncset.done $0x0  }
0x9b: {  	[sflag:s8] =	ssyncadd.s32 $0xFFFFC000  }
0x9c: {  	_ =	swait.ge [sflag:s8], $0x4000  }
0x9d: {  	[sflag:s8] =	ssyncset.done $0x0  }
0x9e: {  	[sflag:s8] =	ssyncadd.s32 $0xFFFFC000  }
0x9f: {  	_ =	swait.ge [sflag:s8], $0x4000  }
0xa0: {  	[sflag:s8] =	ssyncset.done $0x0  }
0xa1: {  	[sflag:s8] =	ssyncadd.s32 $0xFFFFC000  }
0xa2: {  	_ =	swait.ge [sflag:s8], $0x4000  }
0xa3: {  	[sflag:s8] =	ssyncset.done $0x0  }
0xa4: {  	[sflag:s8] =	ssyncadd.s32 $0xFFFFC000  }
0xa5: {  	[hbm4b:s4+s2] =	stream.linear.scatter [tilespmem:s6], [sflag:$0x3], $0x10000, $0x38;
	[tilespmem:$0x10400] =	vst v63  }
0xa6: {  	_ =	swait.ge [sflag:s7], $0x10000  }
0xa7: {  	[sflag:s7] =	ssyncset.done $0x0  }
0xa8: {  	[sflag:s7] =	ssyncadd.s32 $0xFFFF0000  }
0xa9: {  	_ =	sfence.sel $0x180000  }
0xaa: {  	[bflag:$0x0] =	sbarrier.arrive $0xFFFF  }
0xab: {  	p0 =	sne.s32 s0, $0x0;
	_ =	strace $0x9000004D  }
0xac: {  	s0 =	sadd.s32 @!p0 $0x100000, s1;
	[bflag:$0x2] =	sbarrier.arrive $0xFFFF  }
0xad: {  	[sflag:s0] =	ssyncadd.tile.s32 @!p0 $0x1;
	_ =	shalt  }
.Lfunc_end2:
_tile_overlayer_lowered:
.L_overlay_start_2:
0xae: {  	(tag) =	ssettag $0x2  }
0xaf: {  	s0 =	rddreg [dreg:$0x0];
	s2 =	stileid.u32  }
0xb0: {  	s1 =	rddreg [dreg:$0x1];
	p0 =	sne.s32 s2, $0x0  }
0xb1: {  	s3 =	rddreg [dreg:$0x2];
	[bflag:$0x3] =	sbarrier.arrive $0xFFFF;
	s2 =	simm.s32 @!p0 $0x1C03  }
0xb2: {  	[timem:s3], [sflag:s2] =	dma.local @!p0 [hbm:s0], s1  }
0xb3: {  	s0 =	simm.s32 @!p0 $0x3  }
0xb4: {  	_ =	swait.ge @!p0 [sflag:s0], s1  }
0xb5: {  	s1 =	ssub.s32 @!p0 $0x0, s1;
	[sflag:s0] =	ssyncset.done @!p0 $0x0  }
0xb6: {  	[sflag:s0] =	ssyncadd.s32 @!p0 s1  }
0xb7: {  	[bflag:$0x3] =	sbarrier.arrive $0xFFFF  }
0xb8: {  	_ =	shalt  }

// kernel: kernel.6.cloned.1.call-start
scs
__scs_entry_jumppad:
0x0: {  	(pc) =	sbr.rel $0x88, $3  }
0x1: {  	(tag) =	ssettag $0x0;
	lr =	simm.s32 $0x1  }
0x2: {  	[smem:$0x3F99] =	sst lr;
	_ =	strace $0xD0000000  }
0x3: {  	_ = 	snop  }
0x4: {  	_ = 	snop  }
0x5: {  	_ = 	snop  }
0x6: {  	_ = 	snop  }
0x7: {  	_ = 	snop  }
__scs_overlays_trampoline_lowered:
0x8: {  	[smem:$0x3FA8] =	sst s0  }
0x9: {  	[smem:$0x3FA9] =	sst s1  }
0xa: {  	[smem:$0x3FAA] =	sst s2  }
0xb: {  	[smem:$0x3FAB] =	sst s3  }
0xc: {  	[smem:$0x3FAC] =	sst s4  }
0xd: {  	[smem:$0x3FAD] =	sst s5  }
0xe: {  	[smem:$0x3FAE] =	sst s6  }
0xf: {  	[smem:$0x3FAF] =	sst s7  }
0x10: {  	[smem:$0x3FB0] =	sst s8  }
0x11: {  	[smem:$0x3FB1] =	sst s9;
	s0 =	simm.s32 @!p0 $0x0  }
0x12: {  	s1 =	sld [smem:$0x3F97];
	s0 =	simm.s32 @p0 $0x1  }
0x13: {  	[smem:$0x3FB2] =	sst s0;
	s0 =	simm.s32 @!p1 $0x0  }
0x14: {  	s2 =	sld [smem:$0x3F96];
	s0 =	simm.s32 @p1 $0x1  }
0x15: {  	[smem:$0x3FB3] =	sst s0;
	s0 =	simm.s32 @!p2 $0x0  }
0x16: {  	s3 =	sld [smem:$0x3FDB];
	s0 =	simm.s32 @p2 $0x1  }
0x17: {  	s4 =	simm.s32 $0x1BF5;
	[smem:$0x3FB5] =	sst s0  }
0x18: {  	s0 =	sld [smem:$0x3F98];
	_ =	swait.ge [sflag:s4], $0x0  }
0x19: {  	s7 =	sld [smem:$0x3F99]  }
0x1a: {  	s8 =	sadd.s32 $0xFFFFE003, lr  }
0x1b: {  	s9 =	sadd.s32 $0xFFFFFEF7, lr;
	s5 =	simm.s32 $0xFFFFFFFF;
	p2 =	slt.u32 s8, $0xFFFFF086  }
0x1c: {  	p1 =	slt.u32 s9, $0xF7A;
	s5 =	simm.s32 @!p2 $0x0  }
0x1d: {  	s5 =	simm.s32 @p1 $0x1;
	p0 =	seq.s32 s7, s2  }
0x1e: {  	s7 =	smul.u32 @!p0 $0xF7A, s2;
	p2 =	seq.s32 @!p0 s5, $0x0  }
0x1f: {  	s9 =	smul.u32 $0xF7A, s1;
	s8 =	simm.s32 @!p0 $0x1BF5;
	p2 =	por !p2, p0  }
0x20: {  	[sflag:s8] =	ssyncset.s32 @!p0 $0xFFFFF086;
	s6 =	sadd.s32 @!p0 s3, s7;
	s7 =	simm.s32 @!p0 $0x108  }
0x21: {  	s3 =	sadd.s32 s3, s9;
	s6 =	sadd.s32 @!p0 $0x88, s6;
	s7 =	simm.s32 @p2 $0x1082  }
0x22: {  	[simem:s7], [sflag:s8] =	dma.local @!p0 [hbm:s6], $0xF7A  }
0x23: {  	s9 =	sor.u32 $0xD0000000, s2;
	s6 =	simm.s32 $0x108;
	_ =	swait.ge @!p0 [sflag:s8], $0x0  }
0x24: {  	s3 =	sadd.s32 $0x88, s3;
	s6 =	simm.s32 @!p1 $0x1082;
	[sflag:s4] =	ssyncset.s32 $0xFFFFF086  }
0x25: {  	[simem:s6], [sflag:s4] =	dma.local [hbm:s3], $0xF7A  }
0x26: {  	[smem:$0x3F99] =	sst s1;
	(tag) =	ssettag s2;
	_ =	strace s9  }
0x27: {  	s1 =	sld [smem:$0x3FA9]  }
0x28: {  	s2 =	sld [smem:$0x3FAA]  }
0x29: {  	s4 =	sld [smem:$0x3FAC]  }
0x2a: {  	p0 =	seq.s32 s5, $0x0;
	s5 =	sld [smem:$0x3FAD]  }
0x2b: {  	s6 =	sld [smem:$0x3FAE]  }
0x2c: {  	s7 =	sld [smem:$0x3FAF]  }
0x2d: {  	s3 =	simm.s32 $0x108;
	s8 =	sld [smem:$0x3FB0]  }
0x2e: {  	s3 =	simm.s32 @!p0 $0x1082;
	s9 =	sld [smem:$0x3FB1]  }
0x2f: {  	lr =	sadd.s32 s0, s3;
	s0 =	sld [smem:$0x3FA8]  }
0x30: {  	s3 =	sld [smem:$0x3FAB]  }
0x31: {  	[smem:$0x3FB4] =	sst s10  }
0x32: {  	s10 =	sld [smem:$0x3FB2];
	_ =	sdelay $0x3  }
0x33: {  	p0 =	seq.s32 s10, $0x1;
	s10 =	sld [smem:$0x3FB4];
	_ =	sdelay $0x3  }
0x34: {  	[smem:$0x3FB4] =	sst s10  }
0x35: {  	s10 =	sld [smem:$0x3FB3];
	_ =	sdelay $0x3  }
0x36: {  	p1 =	seq.s32 s10, $0x1;
	s10 =	sld [smem:$0x3FB4];
	_ =	sdelay $0x3  }
0x37: {  	[smem:$0x3FB4] =	sst s10  }
0x38: {  	s10 =	sld [smem:$0x3FB5]  }
0x39: {  	_ = 	snop;
	(pc) =	sbr.ind lr, $3  }
0x3a: {  	_ = 	snop  }
0x3b: {  	_ = 	snop  }
0x3c: {  	p2 =	seq.s32 s10, $0x1;
	s10 =	sld [smem:$0x3FB4]  }
0x3d: {  	_ =	shalt  }
0x3e: {  	_ =	shalt  }
0x3f: {  	_ =	shalt  }
0x40: {  	_ =	shalt  }
0x41: {  	_ =	shalt  }
0x42: {  	_ =	shalt  }
0x43: {  	_ =	shalt  }
0x44: {  	_ =	shalt  }
0x45: {  	_ =	shalt  }
0x46: {  	_ =	shalt  }
0x47: {  	_ =	shalt  }
0x48: {  	_ =	shalt  }
0x49: {  	_ =	shalt  }
0x4a: {  	_ =	shalt  }
0x4b: {  	_ =	shalt  }
0x4c: {  	_ =	shalt  }
0x4d: {  	_ =	shalt  }
0x4e: {  	_ =	shalt  }
0x4f: {  	_ =	shalt  }
0x50: {  	_ =	shalt  }
0x51: {  	_ =	shalt  }
0x52: {  	_ =	shalt  }
0x53: {  	_ =	shalt  }
0x54: {  	_ =	shalt  }
0x55: {  	_ =	shalt  }
0x56: {  	_ =	shalt  }
0x57: {  	_ =	shalt  }
0x58: {  	_ =	shalt  }
0x59: {  	_ =	shalt  }
0x5a: {  	_ =	shalt  }
0x5b: {  	_ =	shalt  }
0x5c: {  	_ =	shalt  }
0x5d: {  	_ =	shalt  }
0x5e: {  	_ =	shalt  }
0x5f: {  	_ =	shalt  }
0x60: {  	_ =	shalt  }
0x61: {  	_ =	shalt  }
0x62: {  	_ =	shalt  }
0x63: {  	_ =	shalt  }
0x64: {  	_ =	shalt  }
0x65: {  	_ =	shalt  }
0x66: {  	_ =	shalt  }
0x67: {  	_ =	shalt  }
0x68: {  	_ =	shalt  }
0x69: {  	_ =	shalt  }
0x6a: {  	_ =	shalt  }
0x6b: {  	_ =	shalt  }
0x6c: {  	_ =	shalt  }
0x6d: {  	_ =	shalt  }
0x6e: {  	_ =	shalt  }
0x6f: {  	_ =	shalt  }
0x70: {  	_ =	shalt  }
0x71: {  	_ =	shalt  }
0x72: {  	_ =	shalt  }
0x73: {  	_ =	shalt  }
0x74: {  	_ =	shalt  }
0x75: {  	_ =	shalt  }
0x76: {  	_ =	shalt  }
0x77: {  	_ =	shalt  }
0x78: {  	_ =	shalt  }
0x79: {  	_ =	shalt  }
0x7a: {  	_ =	shalt  }
0x7b: {  	_ =	shalt  }
0x7c: {  	_ =	shalt  }
0x7d: {  	_ =	shalt  }
0x7e: {  	_ =	shalt  }
0x7f: {  	_ =	shalt  }
0x80: {  	_ =	shalt  }
0x81: {  	_ =	shalt  }
0x82: {  	_ =	shalt  }
0x83: {  	_ =	shalt  }
0x84: {  	_ =	shalt  }
0x85: {  	_ =	shalt  }
0x86: {  	_ =	shalt  }
0x87: {  	_ =	shalt  }
.Lfunc_end0:
.L_simem_size_0:
called_computation_lowered:
.L_overlay_start_0:
0x88: {  	s2 =	sld [smem:$0x3FD9]  }
0x89: {  	s3 =	sld [smem:$0x3FFE];
	_ =	sdelay $0x1  }
0x8a: {  	s1 =	srdreg.scid  }
0x8b: {  	s0 =	sand.u32 $0x1, s1  }
0x8c: {  	s17 =	sshll.u32 s0, $0xA;
	s2 =	sadd.s32 s3, s2  }
0x8d: {  	s2 =	sadd.s32 s2, s17  }
0x8e: {  	[smem:$0x3FC0] =	sst s2  }
0x8f: {  	_ = 	snop  }
0x90: {  	s2 =	sld [smem:$0x3FC7]  }
0x91: {  	s18 =	sld [smem:$0x3FC3];
	(tm) =	ssettm $0x1  }
0x92: {  	s4 =	sld [smem:$0x3FFB];
	_ =	sdelay $0x3  }
0x93: {  	_ =	strace s4  }
0x94: {  	s4 =	sld [smem:$0x3FFC];
	_ =	sdelay $0x3  }
0x95: {  	_ =	strace s4  }
0x96: {  	s4 =	sld [smem:$0x3FFD];
	_ =	sdelay $0x3  }
0x97: {  	_ =	strace s4  }
0x98: {  	_ =	strace $0x8FFFFFFF  }
0x99: {  	s19 =	sld [smem:$0x3FDB];
	_ =	sdelay $0x1  }
0x9a: {  	s5 =	simm.s32 $_scs_section_size  }
0x9b: {  	s6 =	simm.s32 $_size__tile_overlayer_lowered;
	s7 =	simm.s32 $_tile_overlayer_lowered  }
0x9c: {  	s22 =	simm.s32 $0x1BFF;
	s21 =	sshll.u32 s7, $0x1;
	s4 =	sadd.s32 s5, s19  }
0x9d: {  	s8 =	simm.s32 $0x0;
	s20 =	sshll.u32 s6, $0x1;
	s6 =	sadd.s32 s21, s4  }
0x9e: {  	[timem:s8], [sflag:s22] =	dma.local [hbm:s6], s20  }
0x9f: {  	_ =	swait.ge [sflag:s22], s20  }
0xa0: {  	s5 =	ssub.s32 $0x0, s20;
	[sflag:s22] =	ssyncset.done $0x0  }
0xa1: {  	[sflag:s22] =	ssyncadd.s32 s5;
	_ =	sdelay $0x1  }
0xa2: {  	s23 =	simm.s32 $0x1B8B  }
0xa3: {  	_ =	swait.ge [sflag:s23], $0x1  }
0xa4: {  	[sflag:s23] =	ssyncset.done $0x0  }
0xa5: {  	s25 =	simm.s32 $0x1B8E;
	s24 =	sld [smem:$0x3FFE];
	[sflag:s23] =	ssyncadd.s32 $0xFFFFFFFF  }
0xa6: {  	s26 =	simm.s32 $execute0_lowered;
	[smem:$0x3FD2] =	sst s25  }
0xa7: {  	s6 =	sshll.u32 s26, $0x1;
	_ =	strace $0x80000046;
	[dreg:$0x1] =	wrdreg $0xFFFFFFFF  }
0xa8: {  	s28 =	simm.s32 $_size_execute0_lowered;
	s4 =	sadd.s32 s4, s6;
	[dreg:$0x0] =	wrdreg $0x0  }
0xa9: {  	s6 =	sshll.u32 s28, $0x1;
	[dreg:$0x2] =	wrdreg s4  }
0xaa: {  	[dreg:$0x3] =	wrdreg s6  }
0xab: {  	[dreg:$0x4] =	wrdreg $0xC0  }
0xac: {  	_ =	task [dreg:s8], $0x5FFFF  }
0xad: {  	[dreg:$0x1] =	wrdreg $0xFFFFFFFF  }
0xae: {  	[dreg:$0x0] =	wrdreg $0x60  }
0xaf: {  	[dreg:$0x2] =	wrdreg s18  }
0xb0: {  	[dreg:$0x3] =	wrdreg s2  }
0xb1: {  	[dreg:$0x4] =	wrdreg s24  }
0xb2: {  	[dreg:$0x5] =	wrdreg $0x9  }
0xb3: {  	_ =	task.clear_ibuf [dreg:s8], $0x6FFFF;
	_ =	strace $0x90000046  }
0xb4: {  	s29 =	simm.s32 $0x9;
	_ =	strace $0x80000048  }
0xb5: {  	_ =	swait.ge [sflag:s29], $0x1  }
0xb6: {  	[sflag:s29] =	ssyncadd.s32 $0xFFFFFFFF  }
0xb7: {  	_ =	strace $0x90000048  }
0xb8: {  	_ =	sfence  }
0xb9: {  	s30 =	sld [smem:$0x0];
	_ =	sdelay $0x2  }
0xba: {  	s31 =	sshll.u32 s1, $0xD;
	s1 =	sshrl.u32 s1, $0x2  }
0xbb: {  	s3 =	sand.u32 $0x4000, s31;
	s1 =	sadd.s32 s1, s30  }
0xbc: {  	s0 =	sor.u32 s3, s0;
	s1 =	sshll.u32 s1, $0x11  }
0xbd: {  	s0 =	sor.u32 s1, s0  }
0xbe: {  	s0 =	sadd.s32 $0x8F2B, s0  }
0xbf: {  	[sflag:s0] =	ssyncadd.remote.s32 $0x1  }
0xc0: {  	_ =	sfence.sel $0xFFFF  }
0xc1: {  	[dreg:$0x0] =	wrdreg $0xFFFFFFFF;
	(pc) =	sbr.abs _section_cstart, $3  }
0xc2: {  	[dreg:$0x1] =	wrdreg $0xFFFFFFFF  }
0xc3: {  	_ =	task.clear_ibuf [dreg:s8], $0x2FFFF;
	_ =	strace $0x9FFFFFFF  }
0xc4: {  	(tm) =	ssettm $0x7FFFFFFF  }
0xc5: {  	_ =	shalt  }
tec
execute0_lowered:
.L_overlay_start_1:
0x0: {  	(tag) =	ssettag $0x1  }
0x1: {  	s1 =	rddreg [dreg:$0x0]  }
0x2: {  	s6 =	rddreg [dreg:$0x1]  }
0x3: {  	s2 =	srdreg.scid;
	s0 =	stileid.u32  }
0x4: {  	s4 =	rddreg [dreg:$0x2];
	s3 =	simm.s32 $0x0;
	s11 =	simm.s32 $0x4000  }
0x5: {  	s12 =	simm.s32 $0x3;
	s5 =	sand.u32 $0x1, s2;
	s7 =	sshll.u32 s0, $0x1  }
0x6: {  	s13 =	simm.s32 $0x2;
	[smem:$0x7FF] =	sst s3;
	s14 =	sor.u32 s5, s7  }
0x7: {  	s2 =	rddreg [dreg:$0x3];
	_ =	strace $0x80000047;
	s15 =	smul.u32 $0x7A20, s14  }
0x8: {  	s5 =	ssub.s32 $0x2, s5;
	s8 =	smul.u32 $0xF42, s14;
	s9 =	sshll.u32 s14, $0x4  }
0x9: {  	s10 =	sshrl.u32 s5, $0x1;
	p0 =	sne.s32 s14, $0x1F;
	s14 =	simm.s32 $0x13470  }
0xa: {  	s9 =	sadd.s32 s9, s4;
	s10 =	ssub.s32 s5, s10;
	s31 =	sshrl.u32 s15, $0x3  }
0xb: {  	v0 =	vmov s15;
	s15 =	simm.s32 $0x0;
	s7 =	sadd.s32 s31, s4;
	s4 =	sadd.s32 s6, s8  }
0xc: {  	s6 =	sadd.s32 $0x1E840, s6;
	s8 =	smax.u32 s10, $0x1;
	s10 =	simm.s32 $0x1  }
0xd: {  	v1 =	vimm.s32 $0xFFFFFFFF;
	v2 =	vlaneseq.u32;
	s5 =	sadd.s32 $0x2200, s7;
	s7 =	sadd.s32 $0x20C00, s9;
	s9 =	simm.s32 $0xBA20  }
.LBB2_1:
0xe: {  	[tilespmem:s3], [sflag:$0x1] =	stream.linear.gather [hbm4b:s1+s3], $0x4000, $0x38;
	[tilespmem:$0x134F0] =	vst v63  }
0xf: {  	s16 =	simm.s32 $0x40;
	s17 =	simm.s32 $0x0  }
0x10: {  	[tilespmem:s9], [sflag:$0x2] =	stream.linear.gather [hbm4b:s4+s3], $0x7A10, $0x38;
	[tilespmem:$0x134F0] =	vst v63  }
.LBB2_2:
0x11: {  	p1 =	sne.s32 s16, $0x1E840;
	[tilespmem:s17+$0x4000] =	vst v1;
	s17 =	smov.u32 s16;
	s16 =	sadd.s32 $0x40, s16  }
.Ltmp0:
0x12: {  	(pc) =	sbr.rel @p1 .LBB2_2-.Ltmp0, $2  }
0x13: {  	_ =	sdelay $0x2  }
0x14: {  	s17 =	sshra.s32 s17, $0x2  }
0x15: {  	[tilespmem:s17+$0x4000] =	vst v1  }
0x16: {  	_ =	swait.ge [sflag:s10], $0x4000  }
0x17: {  	[sflag:s10] =	ssyncset.done $0x0  }
0x18: {  	s16 =	simm.s32 $0x0;
	[sflag:s10] =	ssyncadd.s32 $0xFFFFC000  }
0x19: {  	s18 =	simm.s32 $0x10;
	s17 =	simm.s32 $0x0;
	s19 =	simm.s32 $0x0;
	v3 =	vld [tilespmem:s16+$0x0]  }
.LBB2_4:
0x1a: {  	p1 =	sne.s32 s18, $0x3FF0;
	_ =	sdelay $0x3  }
0x1b: {  	v4 =	vsub.s32 v3, v0  }
0x1c: {  	v3 =	vand.u32 $0x7, v3;
	vm0 =	vlt.u32 v4, $0x7A20;
	v4 =	vand.u32 $0xFFFFFFF8, v4  }
0x1d: {  	v3 =	vor.u32 v3, v4;
	_ =	sdelay $0x1  }
.Ltmp1:
0x1e: {  	(pc) =	sbr.rel @p1 .LBB2_4-.Ltmp1, $4  }
0x1f: {  	_ = 	snop  }
0x20: {  	v4 =	vor.u32 s17, v2;
	s17 =	smov.u32 s18  }
0x21: {  	s19 =	sadd.s32 $0x10, s19;
	[tilespmem:v3+s11+$0x0] =	vst.idx.msk vm0, v4  }
0x22: {  	s18 =	sadd.s32 $0x10, s18;
	v3 =	vld [tilespmem:s19+$0x0]  }
0x23: {  	_ =	sdelay $0x3  }
0x24: {  	v4 =	vsub.s32 v3, v0  }
0x25: {  	v3 =	vand.u32 $0x7, v3;
	vm0 =	vlt.u32 v4, $0x7A20;
	v4 =	vand.u32 $0xFFFFFFF8, v4  }
0x26: {  	v3 =	vor.u32 v3, v4;
	_ =	sdelay $0x3  }
0x27: {  	v63 =	vor.u32 s17, v2  }
0x28: {  	s17 =	simm.s32 $0x0;
	[tilespmem:v3+s11+$0x0] =	vst.idx.msk vm0, v63  }
.LBB2_6:
0x29: {  	v3 =	vld [tilespmem:s16+$0x0];
	_ =	sdelay $0x4  }
0x2a: {  	v4 =	vsub.s32 v3, v0  }
0x2b: {  	v3 =	vand.u32 $0x7, v3;
	vm0 =	vlt.u32 v4, $0x7A20;
	v4 =	vand.u32 $0xFFFFFFF8, v4  }
0x2c: {  	v3 =	vor.u32 v3, v4;
	_ =	sdelay $0x4  }
0x2d: {  	v4 =	vld.idx.msk [tilespmem:v3+s11+$0x0], vm0;
	_ =	sdelay $0x3  }
0x2e: {  	v5 =	vor.u32 s17, v2  }
0x2f: {  	vm1 =	vgt.s32 v5, v4  }
0x30: {  	vm0 =	vmand vm0, vm1  }
0x31: {  	p1 =	sne.s32 s17, $0x3FF0  }
.Ltmp2:
0x32: {  	_ = 	snop;
	(pc) =	sbr.rel @p1 .LBB2_6-.Ltmp2, $2  }
0x33: {  	_ =	sdelay $0x2  }
0x34: {  	s16 =	sadd.s32 $0x10, s16;
	s17 =	sadd.s32 $0x10, s17;
	[tilespmem:v3+s11+$0x0] =	vst.idx.msk vm0, v5  }
0x35: {  	s16 =	simm.s32 $0x0;
	s17 =	simm.s32 $0x0  }
.LBB2_8:
0x36: {  	v3 =	vld [tilespmem:s16+$0x0];
	_ =	sdelay $0x4  }
0x37: {  	v4 =	vsub.s32 v3, v0  }
0x38: {  	v3 =	vand.u32 $0x7, v3;
	vm0 =	vlt.u32 v4, $0x7A20;
	v4 =	vand.u32 $0xFFFFFFF8, v4  }
0x39: {  	v3 =	vor.u32 v3, v4;
	_ =	sdelay $0x4  }
0x3a: {  	v4 =	vld.idx.msk [tilespmem:v3+s11+$0x0], vm0;
	_ =	sdelay $0x3  }
0x3b: {  	v5 =	vor.u32 s17, v2  }
0x3c: {  	vm1 =	vgt.s32 v5, v4  }
0x3d: {  	vm0 =	vmand vm0, vm1  }
0x3e: {  	p1 =	sne.s32 s17, $0x3FF0  }
.Ltmp3:
0x3f: {  	_ = 	snop;
	(pc) =	sbr.rel @p1 .LBB2_8-.Ltmp3, $2  }
0x40: {  	_ =	sdelay $0x2  }
0x41: {  	s16 =	sadd.s32 $0x10, s16;
	s17 =	sadd.s32 $0x10, s17;
	[tilespmem:v3+s11+$0x0] =	vst.idx.msk vm0, v5  }
0x42: {  	s16 =	simm.s32 $0x0  }
0x43: {  	[hbm4b:s5+s16] =	stream.linear.scatter [tilespmem:s11], [sflag:$0x3], $0x7A20, $0x38;
	[tilespmem:$0x134F0] =	vst v63  }
0x44: {  	_ =	swait.ge [sflag:s12], $0x7A20  }
0x45: {  	[sflag:s12] =	ssyncset.done $0x0  }
0x46: {  	[sflag:s12] =	ssyncadd.s32 $0xFFFF85E0  }
0x47: {  	_ =	swait.ge [sflag:s13], $0x7A10  }
0x48: {  	[sflag:s13] =	ssyncset.done $0x0  }
0x49: {  	v3 =	vimm.f32 $0.0e+00;
	[sflag:s13] =	ssyncadd.s32 $0xFFFF85F0  }
0x4a: {  	[tilespmem:$0x13470] =	vst v3  }
0x4b: {  	[tilespmem:$0x13480] =	vst v3  }
0x4c: {  	[tilespmem:$0x13490] =	vst v3  }
0x4d: {  	[tilespmem:$0x134A0] =	vst v3  }
0x4e: {  	[tilespmem:$0x134B0] =	vst v3  }
0x4f: {  	[tilespmem:$0x134C0] =	vst v3  }
0x50: {  	[tilespmem:$0x134D0] =	vst v3  }
0x51: {  	s17 =	simm.s32 $0x100;
	v6 =	vimm.f32 $0.0e+00;
	v5 =	vimm.f32 $0.0e+00;
	v4 =	vimm.f32 $0.0e+00;
	s16 =	simm.s32 $0x0;
	[tilespmem:$0x134E0] =	vst v3  }
.LBB2_10:
0x52: {  	p1 =	sne.s32 s17, $0x1E700;
	v7 =	vld [tilespmem:s16+$0xBA20];
	_ =	sdelay $0x4  }
0x53: {  	v3 =	vadd.f32 v7, v3;
	_ =	sdelay $0x1  }
0x54: {  	[tilespmem:$0x13470] =	vst v3  }
0x55: {  	v7 =	vld [tilespmem:s16+$0xBA30];
	_ =	sdelay $0x4  }
0x56: {  	v6 =	vadd.f32 v7, v6;
	_ =	sdelay $0x1  }
0x57: {  	[tilespmem:$0x13480] =	vst v6  }
0x58: {  	v7 =	vld [tilespmem:s16+$0xBA40];
	_ =	sdelay $0x4  }
0x59: {  	v5 =	vadd.f32 v7, v5;
	_ =	sdelay $0x1  }
0x5a: {  	[tilespmem:$0x13490] =	vst v5  }
0x5b: {  	v7 =	vld [tilespmem:s16+$0xBA50];
	_ =	sdelay $0x2  }
.Ltmp4:
0x5c: {  	(pc) =	sbr.rel @p1 .LBB2_10-.Ltmp4, $3  }
0x5d: {  	_ = 	snop  }
0x5e: {  	v4 =	vadd.f32 v7, v4;
	_ =	sdelay $0x1  }
0x5f: {  	s16 =	sshra.s32 s17, $0x2;
	s17 =	sadd.s32 $0x100, s17;
	[tilespmem:$0x134A0] =	vst v4  }
0x60: {  	v7 =	vld [tilespmem:s16+$0xBA20];
	_ =	sdelay $0x4  }
0x61: {  	v3 =	vadd.f32 v7, v3;
	_ =	sdelay $0x1  }
0x62: {  	[tilespmem:$0x13470] =	vst v3  }
0x63: {  	v3 =	vld [tilespmem:s16+$0xBA30];
	_ =	sdelay $0x4  }
0x64: {  	v3 =	vadd.f32 v3, v6;
	_ =	sdelay $0x1  }
0x65: {  	[tilespmem:$0x13480] =	vst v3  }
0x66: {  	v3 =	vld [tilespmem:s16+$0xBA40];
	_ =	sdelay $0x4  }
0x67: {  	v3 =	vadd.f32 v3, v5;
	_ =	sdelay $0x1  }
0x68: {  	[tilespmem:$0x13490] =	vst v3  }
0x69: {  	v3 =	vld [tilespmem:s16+$0xBA50];
	_ =	sdelay $0x4  }
0x6a: {  	v3 =	vadd.f32 v3, v4;
	_ =	sdelay $0x1  }
0x6b: {  	s17 =	simm.s32 @!p0 $0x13430;
	s16 =	simm.s32 @!p0 $0x0;
	[tilespmem:$0x134A0] =	vst v3  }
0x6c: {  	[tilespmem:s17], [sflag:$0x3] =	stream.linear.gather @!p0 [hbm4b:s6+s16], $0x40, $0x38;
	[tilespmem:$0x134F0] =	vst v63  }
0x6d: {  	s16 =	simm.s32 @!p0 $0x3  }
0x6e: {  	_ =	swait.ge @!p0 [sflag:s16], $0x40  }
0x6f: {  	[sflag:s16] =	ssyncset.done @!p0 $0x0  }
0x70: {  	[sflag:s16] =	ssyncadd.s32 @!p0 $0xFFFFFFC0  }
0x71: {  	v3 =	vld @!p0 [tilespmem:$0x13470]  }
0x72: {  	v4 =	vld @!p0 [tilespmem:$0x13430];
	_ =	sdelay $0x1  }
0x73: {  	v5 =	vld @!p0 [tilespmem:$0x13440];
	_ =	sdelay $0x1  }
0x74: {  	v6 =	vld @!p0 [tilespmem:$0x13450]  }
0x75: {  	v3 =	vadd.f32 @!p0 v4, v3  }
0x76: {  	v4 =	vld @!p0 [tilespmem:$0x13460]  }
0x77: {  	v5 =	vadd.f32 @!p0 v5, v3;
	_ =	sdelay $0x1  }
0x78: {  	v6 =	vadd.f32 @!p0 v6, v5  }
0x79: {  	[tilespmem:$0x13470] =	vst @!p0 v3  }
0x7a: {  	s15 =	sadd.s32 $0x1, s15;
	[tilespmem:$0x13470] =	vst @!p0 v5;
	v3 =	vadd.f32 @!p0 v4, v6  }
0x7b: {  	p1 =	sne.s32 s15, s8;
	[tilespmem:$0x13470] =	vst @!p0 v6  }
.Ltmp5:
0x7c: {  	[tilespmem:$0x13470] =	vst @!p0 v3;
	(pc) =	sbr.rel @p1 .LBB2_1-.Ltmp5, $4  }
0x7d: {  	[hbm4b:s7+s3] =	stream.linear.scatter [tilespmem:s14], [sflag:$0x3], $0x80, $0x38;
	[tilespmem:$0x134F0] =	vst v63  }
0x7e: {  	_ =	swait.ge [sflag:s12], $0x80  }
0x7f: {  	[sflag:s12] =	ssyncset.done $0x0  }
0x80: {  	[sflag:s12] =	ssyncadd.s32 $0xFFFFFF80  }
0x81: {  	_ =	sfence.sel $0x180000  }
0x82: {  	[bflag:$0x0] =	sbarrier.arrive $0xFFFF  }
0x83: {  	p0 =	sne.s32 s0, $0x0;
	_ =	strace $0x90000047  }
0x84: {  	s0 =	sadd.s32 @!p0 $0x100000, s2;
	[bflag:$0x2] =	sbarrier.arrive $0xFFFF  }
0x85: {  	[sflag:s0] =	ssyncadd.tile.s32 @!p0 $0x1;
	_ =	shalt  }
.Lfunc_end2:
_tile_overlayer_lowered:
.L_overlay_start_2:
0x86: {  	(tag) =	ssettag $0x2  }
0x87: {  	s0 =	rddreg [dreg:$0x0];
	s2 =	stileid.u32  }
0x88: {  	s1 =	rddreg [dreg:$0x1];
	p0 =	sne.s32 s2, $0x0  }
0x89: {  	s3 =	rddreg [dreg:$0x2];
	[bflag:$0x3] =	sbarrier.arrive $0xFFFF;
	s2 =	simm.s32 @!p0 $0x1C03  }
0x8a: {  	[timem:s3], [sflag:s2] =	dma.local @!p0 [hbm:s0], s1  }
0x8b: {  	s0 =	simm.s32 @!p0 $0x3  }
0x8c: {  	_ =	swait.ge @!p0 [sflag:s0], s1  }
0x8d: {  	s1 =	ssub.s32 @!p0 $0x0, s1;
	[sflag:s0] =	ssyncset.done @!p0 $0x0  }
0x8e: {  	[sflag:s0] =	ssyncadd.s32 @!p0 s1  }
0x8f: {  	[bflag:$0x3] =	sbarrier.arrive $0xFFFF  }
0x90: {  	_ =	shalt  }

// kernel: kernel.9.cloned.1.call-start
scs
__scs_entry_jumppad:
0x0: {  	(pc) =	sbr.rel $0x88, $3  }
0x1: {  	(tag) =	ssettag $0x0;
	lr =	simm.s32 $0x1  }
0x2: {  	[smem:$0x3F99] =	sst lr;
	_ =	strace $0xD0000000  }
0x3: {  	_ = 	snop  }
0x4: {  	_ = 	snop  }
0x5: {  	_ = 	snop  }
0x6: {  	_ = 	snop  }
0x7: {  	_ = 	snop  }
__scs_overlays_trampoline_lowered:
0x8: {  	[smem:$0x3FA8] =	sst s0  }
0x9: {  	[smem:$0x3FA9] =	sst s1  }
0xa: {  	[smem:$0x3FAA] =	sst s2  }
0xb: {  	[smem:$0x3FAB] =	sst s3  }
0xc: {  	[smem:$0x3FAC] =	sst s4  }
0xd: {  	[smem:$0x3FAD] =	sst s5  }
0xe: {  	[smem:$0x3FAE] =	sst s6  }
0xf: {  	[smem:$0x3FAF] =	sst s7  }
0x10: {  	[smem:$0x3FB0] =	sst s8  }
0x11: {  	[smem:$0x3FB1] =	sst s9;
	s0 =	simm.s32 @!p0 $0x0  }
0x12: {  	s1 =	sld [smem:$0x3F97];
	s0 =	simm.s32 @p0 $0x1  }
0x13: {  	[smem:$0x3FB2] =	sst s0;
	s0 =	simm.s32 @!p1 $0x0  }
0x14: {  	s2 =	sld [smem:$0x3F96];
	s0 =	simm.s32 @p1 $0x1  }
0x15: {  	[smem:$0x3FB3] =	sst s0;
	s0 =	simm.s32 @!p2 $0x0  }
0x16: {  	s3 =	sld [smem:$0x3FDB];
	s0 =	simm.s32 @p2 $0x1  }
0x17: {  	s4 =	simm.s32 $0x1BF5;
	[smem:$0x3FB5] =	sst s0  }
0x18: {  	s0 =	sld [smem:$0x3F98];
	_ =	swait.ge [sflag:s4], $0x0  }
0x19: {  	s7 =	sld [smem:$0x3F99]  }
0x1a: {  	s8 =	sadd.s32 $0xFFFFE003, lr  }
0x1b: {  	s9 =	sadd.s32 $0xFFFFFEF7, lr;
	s5 =	simm.s32 $0xFFFFFFFF;
	p2 =	slt.u32 s8, $0xFFFFF086  }
0x1c: {  	p1 =	slt.u32 s9, $0xF7A;
	s5 =	simm.s32 @!p2 $0x0  }
0x1d: {  	s5 =	simm.s32 @p1 $0x1;
	p0 =	seq.s32 s7, s2  }
0x1e: {  	s7 =	smul.u32 @!p0 $0xF7A, s2;
	p2 =	seq.s32 @!p0 s5, $0x0  }
0x1f: {  	s9 =	smul.u32 $0xF7A, s1;
	s8 =	simm.s32 @!p0 $0x1BF5;
	p2 =	por !p2, p0  }
0x20: {  	[sflag:s8] =	ssyncset.s32 @!p0 $0xFFFFF086;
	s6 =	sadd.s32 @!p0 s3, s7;
	s7 =	simm.s32 @!p0 $0x108  }
0x21: {  	s3 =	sadd.s32 s3, s9;
	s6 =	sadd.s32 @!p0 $0x88, s6;
	s7 =	simm.s32 @p2 $0x1082  }
0x22: {  	[simem:s7], [sflag:s8] =	dma.local @!p0 [hbm:s6], $0xF7A  }
0x23: {  	s9 =	sor.u32 $0xD0000000, s2;
	s6 =	simm.s32 $0x108;
	_ =	swait.ge @!p0 [sflag:s8], $0x0  }
0x24: {  	s3 =	sadd.s32 $0x88, s3;
	s6 =	simm.s32 @!p1 $0x1082;
	[sflag:s4] =	ssyncset.s32 $0xFFFFF086  }
0x25: {  	[simem:s6], [sflag:s4] =	dma.local [hbm:s3], $0xF7A  }
0x26: {  	[smem:$0x3F99] =	sst s1;
	(tag) =	ssettag s2;
	_ =	strace s9  }
0x27: {  	s1 =	sld [smem:$0x3FA9]  }
0x28: {  	s2 =	sld [smem:$0x3FAA]  }
0x29: {  	s4 =	sld [smem:$0x3FAC]  }
0x2a: {  	p0 =	seq.s32 s5, $0x0;
	s5 =	sld [smem:$0x3FAD]  }
0x2b: {  	s6 =	sld [smem:$0x3FAE]  }
0x2c: {  	s7 =	sld [smem:$0x3FAF]  }
0x2d: {  	s3 =	simm.s32 $0x108;
	s8 =	sld [smem:$0x3FB0]  }
0x2e: {  	s3 =	simm.s32 @!p0 $0x1082;
	s9 =	sld [smem:$0x3FB1]  }
0x2f: {  	lr =	sadd.s32 s0, s3;
	s0 =	sld [smem:$0x3FA8]  }
0x30: {  	s3 =	sld [smem:$0x3FAB]  }
0x31: {  	[smem:$0x3FB4] =	sst s10  }
0x32: {  	s10 =	sld [smem:$0x3FB2];
	_ =	sdelay $0x3  }
0x33: {  	p0 =	seq.s32 s10, $0x1;
	s10 =	sld [smem:$0x3FB4];
	_ =	sdelay $0x3  }
0x34: {  	[smem:$0x3FB4] =	sst s10  }
0x35: {  	s10 =	sld [smem:$0x3FB3];
	_ =	sdelay $0x3  }
0x36: {  	p1 =	seq.s32 s10, $0x1;
	s10 =	sld [smem:$0x3FB4];
	_ =	sdelay $0x3  }
0x37: {  	[smem:$0x3FB4] =	sst s10  }
0x38: {  	s10 =	sld [smem:$0x3FB5]  }
0x39: {  	_ = 	snop;
	(pc) =	sbr.ind lr, $3  }
0x3a: {  	_ = 	snop  }
0x3b: {  	_ = 	snop  }
0x3c: {  	p2 =	seq.s32 s10, $0x1;
	s10 =	sld [smem:$0x3FB4]  }
0x3d: {  	_ =	shalt  }
0x3e: {  	_ =	shalt  }
0x3f: {  	_ =	shalt  }
0x40: {  	_ =	shalt  }
0x41: {  	_ =	shalt  }
0x42: {  	_ =	shalt  }
0x43: {  	_ =	shalt  }
0x44: {  	_ =	shalt  }
0x45: {  	_ =	shalt  }
0x46: {  	_ =	shalt  }
0x47: {  	_ =	shalt  }
0x48: {  	_ =	shalt  }
0x49: {  	_ =	shalt  }
0x4a: {  	_ =	shalt  }
0x4b: {  	_ =	shalt  }
0x4c: {  	_ =	shalt  }
0x4d: {  	_ =	shalt  }
0x4e: {  	_ =	shalt  }
0x4f: {  	_ =	shalt  }
0x50: {  	_ =	shalt  }
0x51: {  	_ =	shalt  }
0x52: {  	_ =	shalt  }
0x53: {  	_ =	shalt  }
0x54: {  	_ =	shalt  }
0x55: {  	_ =	shalt  }
0x56: {  	_ =	shalt  }
0x57: {  	_ =	shalt  }
0x58: {  	_ =	shalt  }
0x59: {  	_ =	shalt  }
0x5a: {  	_ =	shalt  }
0x5b: {  	_ =	shalt  }
0x5c: {  	_ =	shalt  }
0x5d: {  	_ =	shalt  }
0x5e: {  	_ =	shalt  }
0x5f: {  	_ =	shalt  }
0x60: {  	_ =	shalt  }
0x61: {  	_ =	shalt  }
0x62: {  	_ =	shalt  }
0x63: {  	_ =	shalt  }
0x64: {  	_ =	shalt  }
0x65: {  	_ =	shalt  }
0x66: {  	_ =	shalt  }
0x67: {  	_ =	shalt  }
0x68: {  	_ =	shalt  }
0x69: {  	_ =	shalt  }
0x6a: {  	_ =	shalt  }
0x6b: {  	_ =	shalt  }
0x6c: {  	_ =	shalt  }
0x6d: {  	_ =	shalt  }
0x6e: {  	_ =	shalt  }
0x6f: {  	_ =	shalt  }
0x70: {  	_ =	shalt  }
0x71: {  	_ =	shalt  }
0x72: {  	_ =	shalt  }
0x73: {  	_ =	shalt  }
0x74: {  	_ =	shalt  }
0x75: {  	_ =	shalt  }
0x76: {  	_ =	shalt  }
0x77: {  	_ =	shalt  }
0x78: {  	_ =	shalt  }
0x79: {  	_ =	shalt  }
0x7a: {  	_ =	shalt  }
0x7b: {  	_ =	shalt  }
0x7c: {  	_ =	shalt  }
0x7d: {  	_ =	shalt  }
0x7e: {  	_ =	shalt  }
0x7f: {  	_ =	shalt  }
0x80: {  	_ =	shalt  }
0x81: {  	_ =	shalt  }
0x82: {  	_ =	shalt  }
0x83: {  	_ =	shalt  }
0x84: {  	_ =	shalt  }
0x85: {  	_ =	shalt  }
0x86: {  	_ =	shalt  }
0x87: {  	_ =	shalt  }
.Lfunc_end0:
.L_simem_size_0:
called_computation.1_lowered:
.L_overlay_start_0:
0x88: {  	s2 =	sld [smem:$0x3FD9]  }
0x89: {  	s3 =	sld [smem:$0x3FFE];
	_ =	sdelay $0x1  }
0x8a: {  	s1 =	srdreg.scid  }
0x8b: {  	s0 =	sand.u32 $0x1, s1  }
0x8c: {  	s30 =	sshll.u32 s0, $0xA;
	s2 =	sadd.s32 s3, s2  }
0x8d: {  	s2 =	sadd.s32 s2, s30  }
0x8e: {  	[smem:$0x3FC0] =	sst s2  }
0x8f: {  	_ = 	snop  }
0x90: {  	s31 =	sld [smem:$0x3FC8]  }
0x91: {  	s4 =	sld [smem:$0x3FC7]  }
0x92: {  	s2 =	sld [smem:$0x3FC5]  }
0x93: {  	s5 =	sld [smem:$0x3FD0]  }
0x94: {  	s6 =	sld [smem:$0x3FC4]  }
0x95: {  	s7 =	sld [smem:$0x3FC3]  }
0x96: {  	s9 =	simm.s32 $0xB;
	s10 =	simm.s32 $0x10;
	s8 =	sld [smem:$0x3FC2]  }
0x97: {  	[smem:s10], [sflag:s9] =	dma.local [hbm:s5], $0x1  }
0x98: {  	_ =	swait.eq [sflag:s9], $0x1  }
0x99: {  	s10 =	sld [smem:$0x10]  }
0x9a: {  	s17 =	sld [smem:$0x11];
	[sflag:s9] =	ssyncset.done $0x0  }
0x9b: {  	s11 =	sld [smem:$0x12];
	[sflag:s9] =	ssyncadd.s32 $0xFFFFFFFF  }
0x9c: {  	s18 =	sld [smem:$0x13];
	(tm) =	ssettm $0x1  }
0x9d: {  	s12 =	sld [smem:$0x3FFB];
	_ =	sdelay $0x3  }
0x9e: {  	_ =	strace s12  }
0x9f: {  	s12 =	sld [smem:$0x3FFC];
	_ =	sdelay $0x3  }
0xa0: {  	_ =	strace s12  }
0xa1: {  	s12 =	sld [smem:$0x3FFD];
	_ =	sdelay $0x3  }
0xa2: {  	_ =	strace s12  }
0xa3: {  	_ =	strace $0x8FFFFFFF  }
0xa4: {  	s19 =	sld [smem:$0x3FDB];
	_ =	sdelay $0x1  }
0xa5: {  	s13 =	simm.s32 $_scs_section_size  }
0xa6: {  	s14 =	simm.s32 $_size__tile_overlayer_lowered;
	s15 =	simm.s32 $_tile_overlayer_lowered  }
0xa7: {  	s22 =	simm.s32 $0x1BFF;
	s21 =	sshll.u32 s15, $0x1;
	s12 =	sadd.s32 s13, s19  }
0xa8: {  	s16 =	simm.s32 $0x0;
	s20 =	sshll.u32 s14, $0x1;
	s14 =	sadd.s32 s21, s12  }
0xa9: {  	[timem:s16], [sflag:s22] =	dma.local [hbm:s14], s20  }
0xaa: {  	_ =	swait.ge [sflag:s22], s20  }
0xab: {  	s13 =	ssub.s32 $0x0, s20;
	[sflag:s22] =	ssyncset.done $0x0  }
0xac: {  	[sflag:s22] =	ssyncadd.s32 s13;
	_ =	sdelay $0x1  }
0xad: {  	s23 =	simm.s32 $0x1B8B  }
0xae: {  	_ =	swait.ge [sflag:s23], $0x1  }
0xaf: {  	[sflag:s23] =	ssyncset.done $0x0  }
0xb0: {  	s25 =	simm.s32 $0x1B8E;
	s24 =	sld [smem:$0x3FFE];
	[sflag:s23] =	ssyncadd.s32 $0xFFFFFFFF  }
0xb1: {  	s26 =	simm.s32 $execute0_lowered;
	[smem:$0x3FD2] =	sst s25  }
0xb2: {  	s14 =	sshll.u32 s26, $0x1;
	_ =	strace $0x80000049;
	[dreg:$0x1] =	wrdreg $0xFFFFFFFF  }
0xb3: {  	s28 =	simm.s32 $_size_execute0_lowered;
	s12 =	sadd.s32 s12, s14;
	[dreg:$0x0] =	wrdreg $0x0  }
0xb4: {  	s14 =	sshll.u32 s28, $0x1;
	[dreg:$0x2] =	wrdreg s12  }
0xb5: {  	[dreg:$0x3] =	wrdreg s14  }
0xb6: {  	[dreg:$0x4] =	wrdreg $0xC0  }
0xb7: {  	_ =	task [dreg:s16], $0x5FFFF  }
0xb8: {  	[dreg:$0x1] =	wrdreg $0xFFFFFFFF  }
0xb9: {  	[dreg:$0x0] =	wrdreg $0x60  }
0xba: {  	[dreg:$0x2] =	wrdreg s24  }
0xbb: {  	[dreg:$0x3] =	wrdreg s31  }
0xbc: {  	[dreg:$0x4] =	wrdreg s4  }
0xbd: {  	[dreg:$0x5] =	wrdreg s10  }
0xbe: {  	[dreg:$0x6] =	wrdreg s2  }
0xbf: {  	[dreg:$0x7] =	wrdreg s6  }
0xc0: {  	[dreg:$0x8] =	wrdreg s7  }
0xc1: {  	[dreg:$0x9] =	wrdreg s8  }
0xc2: {  	[dreg:$0xa] =	wrdreg s18  }
0xc3: {  	[dreg:$0xb] =	wrdreg s17  }
0xc4: {  	[dreg:$0xc] =	wrdreg s11  }
0xc5: {  	[dreg:$0xd] =	wrdreg $0x9  }
0xc6: {  	_ =	task.clear_ibuf [dreg:s16], $0xEFFFF;
	_ =	strace $0x90000049  }
0xc7: {  	s29 =	simm.s32 $0x9;
	_ =	strace $0x8000004B  }
0xc8: {  	_ =	swait.ge [sflag:s29], $0x1  }
0xc9: {  	[sflag:s29] =	ssyncadd.s32 $0xFFFFFFFF  }
0xca: {  	_ =	strace $0x9000004B  }
0xcb: {  	_ =	sfence  }
0xcc: {  	s30 =	sld [smem:$0x0];
	_ =	sdelay $0x2  }
0xcd: {  	s31 =	sshll.u32 s1, $0xD;
	s1 =	sshrl.u32 s1, $0x2  }
0xce: {  	s3 =	sand.u32 $0x4000, s31;
	s1 =	sadd.s32 s1, s30  }
0xcf: {  	s0 =	sor.u32 s3, s0;
	s1 =	sshll.u32 s1, $0x11  }
0xd0: {  	s0 =	sor.u32 s1, s0  }
0xd1: {  	s0 =	sadd.s32 $0x8F2B, s0  }
0xd2: {  	[sflag:s0] =	ssyncadd.remote.s32 $0x1  }
0xd3: {  	_ =	sfence.sel $0xFFFF  }
0xd4: {  	[dreg:$0x0] =	wrdreg $0xFFFFFFFF;
	(pc) =	sbr.abs _section_cstart, $3  }
0xd5: {  	[dreg:$0x1] =	wrdreg $0xFFFFFFFF  }
0xd6: {  	_ =	task.clear_ibuf [dreg:s16], $0x2FFFF;
	_ =	strace $0x9FFFFFFF  }
0xd7: {  	(tm) =	ssettm $0x7FFFFFFF  }
tec
execute0_lowered:
.L_overlay_start_1:
0x0: {  	(tag) =	ssettag $0x1  }
0x1: {  	s8 =	rddreg [dreg:$0x0]  }
0x2: {  	s0 =	rddreg [dreg:$0x1]  }
0x3: {  	s1 =	rddreg [dreg:$0x2]  }
0x4: {  	s2 =	rddreg [dreg:$0x3]  }
0x5: {  	s3 =	rddreg [dreg:$0x4]  }
0x6: {  	s4 =	rddreg [dreg:$0x5]  }
0x7: {  	s12 =	rddreg [dreg:$0x6]  }
0x8: {  	s13 =	rddreg [dreg:$0x7]  }
0x9: {  	s6 =	srdreg.scid;
	s5 =	stileid.u32  }
0xa: {  	s15 =	rddreg [dreg:$0x8];
	s11 =	sand.u32 $0x1, s6;
	s20 =	sshll.u32 s5, $0x1  }
0xb: {  	s16 =	rddreg [dreg:$0x9];
	s7 =	simm.s32 $0x0;
	s18 =	sor.u32 s11, s20  }
0xc: {  	[smem:$0x7FF] =	sst s7;
	s19 =	sshll.u32 s18, $0x6  }
0xd: {  	s17 =	rddreg [dreg:$0xa];
	_ =	strace $0x8000004A;
	s21 =	sadd.s32 s13, s19  }
0xe: {  	s9 =	sshll.u32 s18, $0x9;
	s22 =	sadd.s32 s12, s19;
	[dreg:$0xc] =	wrdreg s21  }
0xf: {  	s26 =	sor.u32 $0x180, s9;
	[dreg:$0xd] =	wrdreg s22  }
0x10: {  	s10 =	sor.u32 $0x80, s9;
	[smem:$0x7F7] =	sst s26;
	s22 =	sadd.s32 s4, s19  }
0x11: {  	s5 =	sshrl.u32 s26, $0x3;
	s26 =	sadd.s32 s16, s19;
	[dreg:$0x14] =	wrdreg s22  }
0x12: {  	s20 =	sshrl.u32 s10, $0x3;
	s16 =	simm.s32 $0xA00;
	[dreg:$0x17] =	wrdreg s26  }
0x13: {  	s14 =	sor.u32 $0x100, s9;
	s23 =	sadd.s32 s13, s20;
	[dreg:$0x1c] =	wrdreg s16  }
0x14: {  	s25 =	sshrl.u32 s14, $0x3;
	s24 =	sadd.s32 s12, s20;
	[dreg:$0xe] =	wrdreg s23  }
0x15: {  	s21 =	sadd.s32 s13, s25;
	[dreg:$0xf] =	wrdreg s24  }
0x16: {  	s20 =	sadd.s32 s12, s25;
	[dreg:$0x10] =	wrdreg s21  }
0x17: {  	s13 =	sadd.s32 s13, s5;
	[dreg:$0x11] =	wrdreg s20  }
0x18: {  	s12 =	sadd.s32 s12, s5;
	[dreg:$0x12] =	wrdreg s13  }
0x19: {  	s5 =	sadd.s32 s17, s19;
	[dreg:$0x13] =	wrdreg s12  }
0x1a: {  	s6 =	sshll.u32 s18, $0xC;
	s17 =	simm.s32 $0xC00;
	[dreg:$0x18] =	wrdreg s5  }
0x1b: {  	s25 =	sshll.u32 s18, $0x4;
	s18 =	simm.s32 $0x800;
	[dreg:$0x1d] =	wrdreg s17  }
0x1c: {  	s22 =	simm.s32 $0xC80;
	[dreg:$0x1e] =	wrdreg s18  }
0x1d: {  	s26 =	simm.s32 $0xB00;
	[smem:$0x7E1] =	sst s22  }
0x1e: {  	s24 =	sadd.s32 s15, s19;
	[smem:$0x7E5] =	sst s26  }
0x1f: {  	s15 =	simm.s32 $0x600;
	[dreg:$0x16] =	wrdreg s24  }
0x20: {  	s19 =	simm.s32 $0x1200;
	[dreg:$0x1b] =	wrdreg s15  }
0x21: {  	s20 =	simm.s32 $0x680;
	[dreg:$0x1f] =	wrdreg s19  }
0x22: {  	s13 =	sadd.s32 s25, s8;
	s25 =	simm.s32 $0x700;
	[smem:$0x7DF] =	sst s20  }
0x23: {  	s5 =	simm.s32 $0xD00;
	[smem:$0x7E4] =	sst s25  }
0x24: {  	s17 =	simm.s32 $0xB80;
	[smem:$0x7E6] =	sst s5  }
0x25: {  	s18 =	simm.s32 $0xD80;
	[smem:$0x7EA] =	sst s17  }
0x26: {  	s22 =	simm.s32 $0x1000;
	[smem:$0x7EB] =	sst s18  }
0x27: {  	s21 =	sadd.s32 s6, s8;
	s26 =	simm.s32 $0x5C00;
	[smem:$0x7EF] =	sst s22  }
0x28: {  	s23 =	sadd.s32 $0x20E00, s21;
	[smem:$0x7F3] =	sst s26  }
0x29: {  	s6 =	sadd.s32 $0x40E00, s13;
	[dreg:$0x15] =	wrdreg s23  }
0x2a: {  	s11 =	ssub.s32 $0x2, s11;
	s13 =	simm.s32 $0x1400;
	[dreg:$0x19] =	wrdreg s6  }
0x2b: {  	v0 =	vlaneseq.u32;
	s28 =	sor.u32 $0x110, s9;
	s21 =	simm.s32 $0xA80;
	[dreg:$0x1a] =	wrdreg s13  }
0x2c: {  	s29 =	sor.u32 $0x120, s9;
	v44 =	vor.u32 s9, v0;
	s24 =	simm.s32 $0x1280;
	[smem:$0x7E0] =	sst s21  }
0x2d: {  	s30 =	sor.u32 $0x130, s9;
	v40 =	vor.u32 s10, v0;
	[tilespmem:$0x1FEB0] =	vst v44;
	s15 =	simm.s32 $0x780;
	[smem:$0x7E3] =	sst s24  }
0x2e: {  	s31 =	sor.u32 $0x140, s9;
	v49 =	vor.u32 s14, v0;
	[tilespmem:$0x1FE70] =	vst v40;
	s19 =	simm.s32 $0x980;
	[smem:$0x7E9] =	sst s15  }
0x2f: {  	v50 =	vor.u32 s28, v0;
	s16 =	sshrl.u32 s11, $0x1;
	[tilespmem:$0x1FF00] =	vst v49;
	s20 =	simm.s32 $0x1380;
	[smem:$0x7EC] =	sst s19  }
0x30: {  	v51 =	vor.u32 s29, v0;
	[tilespmem:$0x1FF10] =	vst v50;
	s11 =	ssub.s32 s11, s16;
	s25 =	simm.s32 $0x1080;
	[smem:$0x7ED] =	sst s20  }
0x31: {  	v52 =	vor.u32 s30, v0;
	[tilespmem:$0x1FF20] =	vst v51;
	s16 =	sor.u32 $0x30, s9;
	s5 =	simm.s32 $0xF00;
	[smem:$0x7F2] =	sst s25  }
0x32: {  	v53 =	vor.u32 s31, v0;
	[tilespmem:$0x1FF30] =	vst v52;
	v35 =	vor.u32 s16, v0;
	s16 =	sor.u32 $0x190, s9;
	[smem:$0x7F4] =	sst s5  }
0x33: {  	[tilespmem:$0x1FF40] =	vst v53;
	s12 =	sor.u32 $0xD0, s9;
	s23 =	simm.s32 $0x880;
	[smem:$0x7F8] =	sst s16  }
0x34: {  	s17 =	sor.u32 $0x40, s9;
	v46 =	vor.u32 s12, v0;
	s6 =	simm.s32 $0x900;
	[tilespmem:$0x1FE20] =	vst v35;
	[smem:$0x7E2] =	sst s23  }
0x35: {  	s18 =	sor.u32 $0x50, s9;
	s13 =	simm.s32 $0x1300;
	v36 =	vor.u32 s17, v0;
	[tilespmem:$0x1FED0] =	vst v46;
	[smem:$0x7E7] =	sst s6  }
0x36: {  	s22 =	sor.u32 $0xA0, s9;
	s21 =	simm.s32 $0xE00;
	v37 =	vor.u32 s18, v0;
	[smem:$0x7E8] =	sst s13;
	[tilespmem:$0x1FE30] =	vst v36  }
0x37: {  	s26 =	sor.u32 $0xF0, s9;
	s24 =	simm.s32 $0xE80;
	v42 =	vor.u32 s22, v0;
	[smem:$0x7EE] =	sst s21;
	[tilespmem:$0x1FE40] =	vst v37  }
0x38: {  	s15 =	sor.u32 $0x20, s9;
	s17 =	sor.u32 $0x1A0, s9;
	v48 =	vor.u32 s26, v0;
	[smem:$0x7F1] =	sst s24;
	[tilespmem:$0x1FE90] =	vst v42  }
0x39: {  	s19 =	sor.u32 $0x60, s9;
	s18 =	sor.u32 $0x1B0, s9;
	v34 =	vor.u32 s15, v0;
	[smem:$0x7F9] =	sst s17;
	[tilespmem:$0x1FEF0] =	vst v48  }
0x3a: {  	s20 =	sor.u32 $0x70, s9;
	s23 =	simm.s32 $0x3C00;
	v38 =	vor.u32 s19, v0;
	[smem:$0x7FA] =	sst s18;
	[tilespmem:$0x1FE10] =	vst v34  }
0x3b: {  	s25 =	sor.u32 $0xE0, s9;
	s6 =	simm.s32 $0x1100;
	v39 =	vor.u32 s20, v0;
	[smem:$0x7F0] =	sst s23;
	[tilespmem:$0x1FE50] =	vst v38  }
0x3c: {  	s5 =	sor.u32 $0x150, s9;
	s15 =	sor.u32 $0x170, s9;
	v47 =	vor.u32 s25, v0;
	[smem:$0x7F5] =	sst s6;
	[tilespmem:$0x1FE60] =	vst v39  }
0x3d: {  	s13 =	sor.u32 $0x10, s9;
	s19 =	sor.u32 $0x1D0, s9;
	v54 =	vor.u32 s5, v0;
	[smem:$0x7F6] =	sst s15;
	[tilespmem:$0x1FEE0] =	vst v47  }
0x3e: {  	s21 =	sor.u32 $0x90, s9;
	s24 =	sor.u32 $0xC0, s9;
	v1 =	vor.u32 s13, v0;
	[smem:$0x7FB] =	sst s19;
	[tilespmem:$0x1FF50] =	vst v54  }
0x3f: {  	v41 =	vor.u32 s21, v0;
	v45 =	vor.u32 s24, v0;
	s24 =	sld [smem:$0x7F8];
	[tilespmem:$0x1FE00] =	vst v1  }
0x40: {  	s20 =	sor.u32 $0x1C0, s9;
	s25 =	sld [smem:$0x7F9];
	[tilespmem:$0x1FE80] =	vst v41  }
0x41: {  	s23 =	sor.u32 $0xB0, s9;
	s21 =	sor.u32 $0x1E0, s9;
	s26 =	sld [smem:$0x7FA];
	v61 =	vor.u32 s20, v0;
	[tilespmem:$0x1FEC0] =	vst v45  }
0x42: {  	s6 =	sor.u32 $0x160, s9;
	s9 =	sor.u32 $0x1F0, s9;
	[smem:$0x7FC] =	sst s21;
	v43 =	vor.u32 s23, v0;
	[tilespmem:$0x1FFC0] =	vst v61  }
0x43: {  	[smem:$0x7FD] =	sst s9;
	v55 =	vor.u32 s6, v0;
	[tilespmem:$0x1FEA0] =	vst v43  }
0x44: {  	s10 =	simm.s32 $0x200;
	s14 =	simm.s32 $0x300;
	s22 =	sld [smem:$0x7F6];
	[tilespmem:$0x1FF60] =	vst v55;
	v58 =	vor.u32 s24, v0  }
0x45: {  	s28 =	simm.s32 $0x3;
	s29 =	simm.s32 $0x1A00;
	s23 =	sld [smem:$0x7F7];
	v59 =	vor.u32 s25, v0;
	[tilespmem:$0x1FF90] =	vst v58  }
0x46: {  	s30 =	simm.s32 $0x1600;
	s31 =	simm.s32 $0x1800;
	s20 =	sld [smem:$0x7FB];
	v60 =	vor.u32 s26, v0;
	[tilespmem:$0x1FFA0] =	vst v59  }
0x47: {  	s8 =	sadd.s32 $0x2200, s8;
	s12 =	simm.s32 $0x280;
	s24 =	sld [smem:$0x7FC];
	v56 =	vor.u32 s22, v0;
	[tilespmem:$0x1FFB0] =	vst v60  }
0x48: {  	s16 =	simm.s32 $0x380;
	s17 =	simm.s32 $0x1;
	s25 =	sld [smem:$0x7FD];
	v57 =	vor.u32 s23, v0;
	[tilespmem:$0x1FF70] =	vst v56  }
0x49: {  	s18 =	simm.s32 $0x2;
	s5 =	simm.s32 $0x1C00;
	s13 =	simm.s32 $0x100;
	v62 =	vor.u32 s20, v0;
	[tilespmem:$0x1FF80] =	vst v57  }
0x4a: {  	s15 =	simm.s32 $0x180;
	s19 =	simm.s32 $0x400;
	s9 =	smax.u32 s11, $0x1;
	[tilespmem:$0x1FFD0] =	vst v62;
	v63 =	vor.u32 s24, v0  }
0x4b: {  	s11 =	simm.s32 $0x80;
	s21 =	simm.s32 $0x480;
	s6 =	simm.s32 $0x9C00;
	v0 =	vor.u32 s25, v0;
	[tilespmem:$0x1FFE0] =	vst v63  }
0x4c: {  	v32 =	vimm.f32 $0.0e+00;
	s26 =	simm.s32 $0x1180;
	s22 =	simm.s32 $0x500;
	s23 =	simm.s32 $0x580;
	[tilespmem:$0x1FFF0] =	vst v0  }
.LBB2_1:
0x4d: {  	s20 =	rddreg [dreg:$0xc]  }
0x4e: {  	s24 =	rddreg [dreg:$0xd]  }
0x4f: {  	[tilespmem:s7], [sflag:$0x1] =	stream.linear.gather [hbm4b:s20+s7], $0x80, $0x38;
	[tilespmem:$0x9C80] =	vst v63  }
0x50: {  	s25 =	rddreg [dreg:$0xe]  }
0x51: {  	[tilespmem:s10], [sflag:$0x1] =	stream.linear.gather [hbm4b:s24+s7], $0x80, $0x38;
	[tilespmem:$0x9C80] =	vst v63  }
0x52: {  	s20 =	rddreg [dreg:$0x13]  }
0x53: {  	[tilespmem:s11], [sflag:$0x1] =	stream.linear.gather [hbm4b:s25+s7], $0x80, $0x38;
	[tilespmem:$0x9C80] =	vst v63  }
0x54: {  	s24 =	rddreg [dreg:$0xf]  }
0x55: {  	[tilespmem:s12], [sflag:$0x1] =	stream.linear.gather [hbm4b:s24+s7], $0x80, $0x38;
	[tilespmem:$0x9C80] =	vst v63  }
0x56: {  	s25 =	rddreg [dreg:$0x10]  }
0x57: {  	[tilespmem:s13], [sflag:$0x1] =	stream.linear.gather [hbm4b:s25+s7], $0x80, $0x38;
	[tilespmem:$0x9C80] =	vst v63  }
0x58: {  	s24 =	rddreg [dreg:$0x11]  }
0x59: {  	[tilespmem:s14], [sflag:$0x1] =	stream.linear.gather [hbm4b:s24+s7], $0x80, $0x38;
	[tilespmem:$0x9C80] =	vst v63  }
0x5a: {  	s25 =	rddreg [dreg:$0x12]  }
0x5b: {  	[tilespmem:s15], [sflag:$0x1] =	stream.linear.gather [hbm4b:s25+s7], $0x80, $0x38;
	[tilespmem:$0x9C80] =	vst v63  }
0x5c: {  	s24 =	rddreg [dreg:$0x14]  }
0x5d: {  	[tilespmem:s16], [sflag:$0x1] =	stream.linear.gather [hbm4b:s20+s7], $0x80, $0x38;
	[tilespmem:$0x9C80] =	vst v63  }
0x5e: {  	s25 =	rddreg [dreg:$0x1a]  }
0x5f: {  	[tilespmem:s25], [sflag:$0x1] =	stream.linear.gather [hbm4b:s24+s7], $0x200, $0x38;
	[tilespmem:$0x9C80] =	vst v63  }
0x60: {  	_ =	swait.ge [sflag:s17], $0x80  }
0x61: {  	[sflag:s17] =	ssyncset.done $0x0  }
0x62: {  	[sflag:s17] =	ssyncadd.s32 $0xFFFFFF80  }
0x63: {  	_ =	swait.ge [sflag:s17], $0x80  }
0x64: {  	[sflag:s17] =	ssyncset.done $0x0  }
0x65: {  	[sflag:s17] =	ssyncadd.s32 $0xFFFFFF80  }
0x66: {  	_ =	swait.ge [sflag:s17], $0x80  }
0x67: {  	[sflag:s17] =	ssyncset.done $0x0  }
0x68: {  	[sflag:s17] =	ssyncadd.s32 $0xFFFFFF80  }
0x69: {  	_ =	swait.ge [sflag:s17], $0x80  }
0x6a: {  	[sflag:s17] =	ssyncset.done $0x0  }
0x6b: {  	[sflag:s17] =	ssyncadd.s32 $0xFFFFFF80  }
0x6c: {  	_ =	swait.ge [sflag:s17], $0x80  }
0x6d: {  	[sflag:s17] =	ssyncset.done $0x0  }
0x6e: {  	[sflag:s17] =	ssyncadd.s32 $0xFFFFFF80  }
0x6f: {  	_ =	swait.ge [sflag:s17], $0x80  }
0x70: {  	[sflag:s17] =	ssyncset.done $0x0  }
0x71: {  	[sflag:s17] =	ssyncadd.s32 $0xFFFFFF80  }
0x72: {  	_ =	swait.ge [sflag:s17], $0x80  }
0x73: {  	[sflag:s17] =	ssyncset.done $0x0  }
0x74: {  	[sflag:s17] =	ssyncadd.s32 $0xFFFFFF80  }
0x75: {  	_ =	swait.ge [sflag:s17], $0x80  }
0x76: {  	[sflag:s17] =	ssyncset.done $0x0  }
0x77: {  	[sflag:s17] =	ssyncadd.s32 $0xFFFFFF80  }
0x78: {  	_ =	swait.ge [sflag:s17], $0x200  }
0x79: {  	s24 =	rddreg [dreg:$0x1b];
	[sflag:s17] =	ssyncset.done $0x0  }
0x7a: {  	s25 =	rddreg [dreg:$0x1c];
	[sflag:s17] =	ssyncadd.s32 $0xFFFFFE00  }
0x7b: {  	[tilespmem:s24], [sflag:$0x2] =	stream.indirect.gather [hbm4b:s8+s11], $0x1, s7, s11, $0xb8;
	[tilespmem:$0x9C80] =	vst v63  }
0x7c: {  	s20 =	rddreg [dreg:$0x1d]  }
0x7d: {  	[tilespmem:s25], [sflag:$0x2] =	stream.indirect.gather [hbm4b:s1+s11], $0x1, s7, s11, $0xb8;
	[tilespmem:$0x9C80] =	vst v63  }
0x7e: {  	s25 =	rddreg [dreg:$0x1e]  }
0x7f: {  	[tilespmem:s20], [sflag:$0x2] =	stream.indirect.gather [hbm4b:s0+s11], $0x1, s7, s11, $0xb8;
	[tilespmem:$0x9C80] =	vst v63  }
0x80: {  	s20 =	rddreg [dreg:$0x1f]  }
0x81: {  	[tilespmem:s25], [sflag:$0x2] =	stream.indirect.gather [hbm4b:s8+s11], $0x1, s10, s11, $0xb8;
	[tilespmem:$0x9C80] =	vst v63  }
0x82: {  	s25 =	sld [smem:$0x7DF]  }
0x83: {  	[tilespmem:s20], [sflag:$0x2] =	stream.indirect.gather [hbm4b:s1+s11], $0x1, s10, s11, $0xb8;
	[tilespmem:$0x9C80] =	vst v63  }
0x84: {  	s20 =	sld [smem:$0x7E0]  }
0x85: {  	[tilespmem:s25], [sflag:$0x2] =	stream.indirect.gather [hbm4b:s8+s11], $0x1, s11, s11, $0xb8;
	[tilespmem:$0x9C80] =	vst v63  }
0x86: {  	s25 =	sld [smem:$0x7E1]  }
0x87: {  	[tilespmem:s20], [sflag:$0x2] =	stream.indirect.gather [hbm4b:s1+s11], $0x1, s11, s11, $0xb8;
	[tilespmem:$0x9C80] =	vst v63  }
0x88: {  	s20 =	sld [smem:$0x7E2]  }
0x89: {  	[tilespmem:s25], [sflag:$0x2] =	stream.indirect.gather [hbm4b:s0+s11], $0x1, s11, s11, $0xb8;
	[tilespmem:$0x9C80] =	vst v63  }
0x8a: {  	s25 =	sld [smem:$0x7E3]  }
0x8b: {  	[tilespmem:s20], [sflag:$0x2] =	stream.indirect.gather [hbm4b:s8+s11], $0x1, s12, s11, $0xb8;
	[tilespmem:$0x9C80] =	vst v63  }
0x8c: {  	s20 =	sld [smem:$0x7E4]  }
0x8d: {  	[tilespmem:s25], [sflag:$0x2] =	stream.indirect.gather [hbm4b:s1+s11], $0x1, s12, s11, $0xb8;
	[tilespmem:$0x9C80] =	vst v63  }
0x8e: {  	s25 =	sld [smem:$0x7E5]  }
0x8f: {  	[tilespmem:s20], [sflag:$0x2] =	stream.indirect.gather [hbm4b:s8+s11], $0x1, s13, s11, $0xb8;
	[tilespmem:$0x9C80] =	vst v63  }
0x90: {  	s20 =	sld [smem:$0x7E6]  }
0x91: {  	[tilespmem:s25], [sflag:$0x2] =	stream.indirect.gather [hbm4b:s1+s11], $0x1, s13, s11, $0xb8;
	[tilespmem:$0x9C80] =	vst v63  }
0x92: {  	s25 =	sld [smem:$0x7E7]  }
0x93: {  	[tilespmem:s20], [sflag:$0x2] =	stream.indirect.gather [hbm4b:s0+s11], $0x1, s13, s11, $0xb8;
	[tilespmem:$0x9C80] =	vst v63  }
0x94: {  	s20 =	sld [smem:$0x7E8]  }
0x95: {  	[tilespmem:s25], [sflag:$0x2] =	stream.indirect.gather [hbm4b:s8+s11], $0x1, s14, s11, $0xb8;
	[tilespmem:$0x9C80] =	vst v63  }
0x96: {  	s25 =	sld [smem:$0x7E9]  }
0x97: {  	[tilespmem:s20], [sflag:$0x2] =	stream.indirect.gather [hbm4b:s1+s11], $0x1, s14, s11, $0xb8;
	[tilespmem:$0x9C80] =	vst v63  }
0x98: {  	s20 =	sld [smem:$0x7EA]  }
0x99: {  	[tilespmem:s25], [sflag:$0x2] =	stream.indirect.gather [hbm4b:s8+s11], $0x1, s15, s11, $0xb8;
	[tilespmem:$0x9C80] =	vst v63  }
0x9a: {  	s25 =	sld [smem:$0x7EB]  }
0x9b: {  	[tilespmem:s20], [sflag:$0x2] =	stream.indirect.gather [hbm4b:s1+s11], $0x1, s15, s11, $0xb8;
	[tilespmem:$0x9C80] =	vst v63  }
0x9c: {  	s20 =	sld [smem:$0x7EC]  }
0x9d: {  	[tilespmem:s25], [sflag:$0x2] =	stream.indirect.gather [hbm4b:s0+s11], $0x1, s15, s11, $0xb8;
	[tilespmem:$0x9C80] =	vst v63  }
0x9e: {  	s25 =	sld [smem:$0x7ED]  }
0x9f: {  	[tilespmem:s20], [sflag:$0x2] =	stream.indirect.gather [hbm4b:s8+s11], $0x1, s16, s11, $0xb8;
	[tilespmem:$0x9C80] =	vst v63  }
0xa0: {  	_ = 	snop  }
0xa1: {  	[tilespmem:s25], [sflag:$0x2] =	stream.indirect.gather [hbm4b:s1+s11], $0x1, s16, s11, $0xb8;
	[tilespmem:$0x9C80] =	vst v63  }
0xa2: {  	_ =	swait.ge [sflag:s18], $0x80  }
0xa3: {  	[sflag:s18] =	ssyncset.done $0x0  }
0xa4: {  	[sflag:s18] =	ssyncadd.s32 $0xFFFFFF80  }
0xa5: {  	_ =	swait.ge [sflag:s18], $0x80  }
0xa6: {  	[sflag:s18] =	ssyncset.done $0x0  }
0xa7: {  	[sflag:s18] =	ssyncadd.s32 $0xFFFFFF80  }
0xa8: {  	_ =	swait.ge [sflag:s18], $0x80  }
0xa9: {  	[sflag:s18] =	ssyncset.done $0x0  }
0xaa: {  	[sflag:s18] =	ssyncadd.s32 $0xFFFFFF80  }
0xab: {  	_ =	swait.ge [sflag:s18], $0x80  }
0xac: {  	[sflag:s18] =	ssyncset.done $0x0  }
0xad: {  	[sflag:s18] =	ssyncadd.s32 $0xFFFFFF80  }
0xae: {  	_ =	swait.ge [sflag:s18], $0x80  }
0xaf: {  	[sflag:s18] =	ssyncset.done $0x0  }
0xb0: {  	[sflag:s18] =	ssyncadd.s32 $0xFFFFFF80  }
0xb1: {  	_ =	swait.ge [sflag:s18], $0x80  }
0xb2: {  	[sflag:s18] =	ssyncset.done $0x0  }
0xb3: {  	[sflag:s18] =	ssyncadd.s32 $0xFFFFFF80  }
0xb4: {  	_ =	swait.ge [sflag:s18], $0x80  }
0xb5: {  	[sflag:s18] =	ssyncset.done $0x0  }
0xb6: {  	[sflag:s18] =	ssyncadd.s32 $0xFFFFFF80  }
0xb7: {  	_ =	swait.ge [sflag:s18], $0x80  }
0xb8: {  	[sflag:s18] =	ssyncset.done $0x0  }
0xb9: {  	[sflag:s18] =	ssyncadd.s32 $0xFFFFFF80  }
0xba: {  	_ =	swait.ge [sflag:s18], $0x80  }
0xbb: {  	[sflag:s18] =	ssyncset.done $0x0  }
0xbc: {  	[sflag:s18] =	ssyncadd.s32 $0xFFFFFF80  }
0xbd: {  	_ =	swait.ge [sflag:s18], $0x80  }
0xbe: {  	[sflag:s18] =	ssyncset.done $0x0  }
0xbf: {  	[sflag:s18] =	ssyncadd.s32 $0xFFFFFF80  }
0xc0: {  	_ =	swait.ge [sflag:s18], $0x80  }
0xc1: {  	[sflag:s18] =	ssyncset.done $0x0  }
0xc2: {  	[sflag:s18] =	ssyncadd.s32 $0xFFFFFF80  }
0xc3: {  	_ =	swait.ge [sflag:s18], $0x80  }
0xc4: {  	[sflag:s18] =	ssyncset.done $0x0  }
0xc5: {  	[sflag:s18] =	ssyncadd.s32 $0xFFFFFF80  }
0xc6: {  	_ =	swait.ge [sflag:s18], $0x80  }
0xc7: {  	[sflag:s18] =	ssyncset.done $0x0  }
0xc8: {  	[sflag:s18] =	ssyncadd.s32 $0xFFFFFF80  }
0xc9: {  	_ =	swait.ge [sflag:s18], $0x80  }
0xca: {  	[sflag:s18] =	ssyncset.done $0x0  }
0xcb: {  	[sflag:s18] =	ssyncadd.s32 $0xFFFFFF80  }
0xcc: {  	_ =	swait.ge [sflag:s18], $0x80  }
0xcd: {  	[sflag:s18] =	ssyncset.done $0x0  }
0xce: {  	[sflag:s18] =	ssyncadd.s32 $0xFFFFFF80  }
0xcf: {  	_ =	swait.ge [sflag:s18], $0x80  }
0xd0: {  	[sflag:s18] =	ssyncset.done $0x0  }
0xd1: {  	[sflag:s18] =	ssyncadd.s32 $0xFFFFFF80  }
0xd2: {  	_ =	swait.ge [sflag:s18], $0x80  }
0xd3: {  	[sflag:s18] =	ssyncset.done $0x0  }
0xd4: {  	[sflag:s18] =	ssyncadd.s32 $0xFFFFFF80  }
0xd5: {  	_ =	swait.ge [sflag:s18], $0x80  }
0xd6: {  	[sflag:s18] =	ssyncset.done $0x0  }
0xd7: {  	[sflag:s18] =	ssyncadd.s32 $0xFFFFFF80  }
0xd8: {  	_ =	swait.ge [sflag:s18], $0x80  }
0xd9: {  	[sflag:s18] =	ssyncset.done $0x0  }
0xda: {  	[sflag:s18] =	ssyncadd.s32 $0xFFFFFF80  }
0xdb: {  	_ =	swait.ge [sflag:s18], $0x80  }
0xdc: {  	[sflag:s18] =	ssyncset.done $0x0  }
0xdd: {  	[sflag:s18] =	ssyncadd.s32 $0xFFFFFF80  }
0xde: {  	v0 =	vld [tilespmem:$0x600]  }
0xdf: {  	v1 =	vld [tilespmem:$0x610]  }
0xe0: {  	v2 =	vld [tilespmem:$0x620]  }
0xe1: {  	v3 =	vld [tilespmem:$0x630]  }
0xe2: {  	v4 =	vld [tilespmem:$0x640]  }
0xe3: {  	v5 =	vld [tilespmem:$0x650];
	vm0 =	vgt.s32 v0, $0x0  }
0xe4: {  	v6 =	vld [tilespmem:$0x660];
	vm7 =	vgt.s32 v1, $0x0;
	v0 =	vnsel vm0, $0x0, v0  }
0xe5: {  	v24 =	vld [tilespmem:$0x670];
	vm8 =	vgt.s32 v2, $0x0;
	v23 =	vnsel vm7, $0x0, v1;
	[tilespmem:$0x400] =	vst v0  }
0xe6: {  	v26 =	vld [tilespmem:$0x680];
	vm9 =	vgt.s32 v3, $0x0;
	v25 =	vnsel vm8, $0x0, v2;
	[tilespmem:$0x410] =	vst v23  }
0xe7: {  	v28 =	vld [tilespmem:$0x690];
	vm10 =	vgt.s32 v4, $0x0;
	v27 =	vnsel vm9, $0x0, v3;
	[tilespmem:$0x420] =	vst v25  }
0xe8: {  	v30 =	vld [tilespmem:$0x6A0];
	vm11 =	vgt.s32 v5, $0x0;
	v29 =	vnsel vm10, $0x0, v4;
	[tilespmem:$0x430] =	vst v27  }
0xe9: {  	v33 =	vld [tilespmem:$0x6B0];
	vm12 =	vgt.s32 v6, $0x0;
	v31 =	vnsel vm11, $0x0, v5;
	[tilespmem:$0x440] =	vst v29  }
0xea: {  	v35 =	vld [tilespmem:$0x6C0];
	vm13 =	vgt.s32 v24, $0x0;
	v34 =	vnsel vm12, $0x0, v6;
	[tilespmem:$0x450] =	vst v31  }
0xeb: {  	v37 =	vld [tilespmem:$0x6D0];
	vm14 =	vgt.s32 v26, $0x0;
	v36 =	vnsel vm13, $0x0, v24;
	[tilespmem:$0x460] =	vst v34  }
0xec: {  	v39 =	vld [tilespmem:$0x6E0];
	vm15 =	vgt.s32 v28, $0x0;
	v38 =	vnsel vm14, $0x0, v26;
	[tilespmem:$0x470] =	vst v36  }
0xed: {  	v41 =	vld [tilespmem:$0x6F0];
	vm4 =	vgt.s32 v30, $0x0;
	v40 =	vnsel vm15, $0x0, v28;
	[tilespmem:$0x480] =	vst v38  }
0xee: {  	v43 =	vld [tilespmem:$0x700];
	vm5 =	vgt.s32 v33, $0x0;
	v42 =	vnsel vm4, $0x0, v30;
	[tilespmem:$0x490] =	vst v40  }
0xef: {  	v45 =	vld [tilespmem:$0x710];
	vm6 =	vgt.s32 v35, $0x0;
	v44 =	vnsel vm5, $0x0, v33;
	[tilespmem:$0x4A0] =	vst v42  }
0xf0: {  	v47 =	vld [tilespmem:$0x720];
	v46 =	vnsel vm6, $0x0, v35;
	vm7 =	vgt.s32 v37, $0x0;
	[tilespmem:$0x4B0] =	vst v44  }
0xf1: {  	v49 =	vld [tilespmem:$0x730];
	vm8 =	vgt.s32 v39, $0x0;
	[tilespmem:$0x4C0] =	vst v46;
	v48 =	vnsel vm7, $0x0, v37  }
0xf2: {  	v51 =	vld [tilespmem:$0x740];
	vm9 =	vgt.s32 v41, $0x0;
	v50 =	vnsel vm8, $0x0, v39;
	[tilespmem:$0x4D0] =	vst v48  }
0xf3: {  	v53 =	vld [tilespmem:$0x750];
	vm10 =	vgt.s32 v43, $0x0;
	v52 =	vnsel vm9, $0x0, v41;
	[tilespmem:$0x4E0] =	vst v50  }
0xf4: {  	v55 =	vld [tilespmem:$0x760];
	vm11 =	vgt.s32 v45, $0x0;
	v54 =	vnsel vm10, $0x0, v43;
	[tilespmem:$0x4F0] =	vst v52  }
0xf5: {  	v57 =	vld [tilespmem:$0x770];
	vm12 =	vgt.s32 v47, $0x0;
	v56 =	vnsel vm11, $0x0, v45;
	[tilespmem:$0x500] =	vst v54  }
0xf6: {  	v59 =	vld [tilespmem:$0x780];
	vm13 =	vgt.s32 v49, $0x0;
	v58 =	vnsel vm12, $0x0, v47;
	[tilespmem:$0x510] =	vst v56  }
0xf7: {  	v61 =	vld [tilespmem:$0x790];
	vm14 =	vgt.s32 v51, $0x0;
	v60 =	vnsel vm13, $0x0, v49;
	[tilespmem:$0x520] =	vst v58  }
0xf8: {  	v9 =	vld [tilespmem:$0x7A0];
	vm15 =	vgt.s32 v53, $0x0;
	v62 =	vnsel vm14, $0x0, v51;
	[tilespmem:$0x530] =	vst v60  }
0xf9: {  	v10 =	vld [tilespmem:$0x7B0];
	vm4 =	vgt.s32 v55, $0x0;
	v63 =	vnsel vm15, $0x0, v53;
	[tilespmem:$0x540] =	vst v62  }
0xfa: {  	v11 =	vld [tilespmem:$0x7C0];
	vm5 =	vgt.s32 v57, $0x0;
	v4 =	vnsel vm4, $0x0, v55;
	[tilespmem:$0x550] =	vst v63  }
0xfb: {  	v12 =	vld [tilespmem:$0x7D0];
	vm6 =	vgt.s32 v59, $0x0;
	v5 =	vnsel vm5, $0x0, v57;
	[tilespmem:$0x560] =	vst v4  }
0xfc: {  	v13 =	vld [tilespmem:$0x7E0];
	v7 =	vnsel vm6, $0x0, v59;
	vm7 =	vgt.s32 v61, $0x0;
	[tilespmem:$0x570] =	vst v5  }
0xfd: {  	v14 =	vld [tilespmem:$0x7F0];
	vm8 =	vgt.s32 v9, $0x0;
	[tilespmem:$0x580] =	vst v7;
	v8 =	vnsel vm7, $0x0, v61  }
0xfe: {  	vm9 =	vgt.s32 v10, $0x0;
	v0 =	vnsel vm8, $0x0, v9;
	[tilespmem:$0x590] =	vst v8  }
0xff: {  	vm10 =	vgt.s32 v11, $0x0;
	v15 =	vnsel vm9, $0x0, v10;
	[tilespmem:$0x5A0] =	vst v0  }
0x100: {  	vm11 =	vgt.s32 v12, $0x0;
	v16 =	vnsel vm10, $0x0, v11;
	[tilespmem:$0x5B0] =	vst v15  }
0x101: {  	vm12 =	vgt.s32 v13, $0x0;
	v17 =	vnsel vm11, $0x0, v12;
	[tilespmem:$0x5C0] =	vst v16  }
0x102: {  	vm13 =	vgt.s32 v14, $0x0;
	v18 =	vnsel vm12, $0x0, v13;
	[tilespmem:$0x5D0] =	vst v17  }
0x103: {  	v19 =	vnsel vm13, $0x0, v14;
	[tilespmem:$0x5E0] =	vst v18  }
0x104: {  	s24 =	sld [smem:$0x7EE];
	[tilespmem:$0x5F0] =	vst v19  }
0x105: {  	[tilespmem:s5], [sflag:$0x1] =	stream.indirect.gather [hbm4b:s2+s11], $0x40, s19, s11, $0xb8;
	[tilespmem:$0x9C80] =	vst v63  }
0x106: {  	s25 =	sld [smem:$0x7EF]  }
0x107: {  	[tilespmem:s24], [sflag:$0x1] =	stream.indirect.gather [hbm4b:s3+s11], $0x1, s19, s11, $0xb8;
	[tilespmem:$0x9C80] =	vst v63  }
0x108: {  	s20 =	sld [smem:$0x7F0]  }
0x109: {  	[tilespmem:s25], [sflag:$0x1] =	stream.indirect.gather [hbm4b:s4+s11], $0x1, s19, s11, $0xb8;
	[tilespmem:$0x9C80] =	vst v63  }
0x10a: {  	s25 =	sld [smem:$0x7F1]  }
0x10b: {  	[tilespmem:s20], [sflag:$0x1] =	stream.indirect.gather [hbm4b:s2+s11], $0x40, s21, s11, $0xb8;
	[tilespmem:$0x9C80] =	vst v63  }
0x10c: {  	s20 =	sld [smem:$0x7F2]  }
0x10d: {  	[tilespmem:s25], [sflag:$0x1] =	stream.indirect.gather [hbm4b:s3+s11], $0x1, s21, s11, $0xb8;
	[tilespmem:$0x9C80] =	vst v63  }
0x10e: {  	s25 =	sld [smem:$0x7F3]  }
0x10f: {  	[tilespmem:s20], [sflag:$0x1] =	stream.indirect.gather [hbm4b:s4+s11], $0x1, s21, s11, $0xb8;
	[tilespmem:$0x9C80] =	vst v63  }
0x110: {  	s20 =	sld [smem:$0x7F4]  }
0x111: {  	[tilespmem:s25], [sflag:$0x1] =	stream.indirect.gather [hbm4b:s2+s11], $0x40, s22, s11, $0xb8;
	[tilespmem:$0x9C80] =	vst v63  }
0x112: {  	s25 =	sld [smem:$0x7F5]  }
0x113: {  	[tilespmem:s20], [sflag:$0x1] =	stream.indirect.gather [hbm4b:s3+s11], $0x1, s22, s11, $0xb8;
	[tilespmem:$0x9C80] =	vst v63  }
0x114: {  	_ = 	snop  }
0x115: {  	[tilespmem:s25], [sflag:$0x1] =	stream.indirect.gather [hbm4b:s4+s11], $0x1, s22, s11, $0xb8;
	[tilespmem:$0x9C80] =	vst v63  }
0x116: {  	s25 =	simm.s32 $0x7C00  }
0x117: {  	[tilespmem:s25], [sflag:$0x1] =	stream.indirect.gather [hbm4b:s2+s11], $0x40, s23, s11, $0xb8;
	[tilespmem:$0x9C80] =	vst v63  }
0x118: {  	s24 =	simm.s32 $0xF80  }
0x119: {  	[tilespmem:s24], [sflag:$0x1] =	stream.indirect.gather [hbm4b:s3+s11], $0x1, s23, s11, $0xb8;
	[tilespmem:$0x9C80] =	vst v63  }
0x11a: {  	_ = 	snop  }
0x11b: {  	[tilespmem:s26], [sflag:$0x1] =	stream.indirect.gather [hbm4b:s4+s11], $0x1, s23, s11, $0xb8;
	[tilespmem:$0x9C80] =	vst v63  }
0x11c: {  	_ =	swait.ge [sflag:s17], $0x2000  }
0x11d: {  	[sflag:s17] =	ssyncset.done $0x0  }
0x11e: {  	[sflag:s17] =	ssyncadd.s32 $0xFFFFE000  }
0x11f: {  	_ =	swait.ge [sflag:s17], $0x80  }
0x120: {  	[sflag:s17] =	ssyncset.done $0x0  }
0x121: {  	[sflag:s17] =	ssyncadd.s32 $0xFFFFFF80  }
0x122: {  	_ =	swait.ge [sflag:s17], $0x80  }
0x123: {  	[sflag:s17] =	ssyncset.done $0x0  }
0x124: {  	[sflag:s17] =	ssyncadd.s32 $0xFFFFFF80  }
0x125: {  	_ =	swait.ge [sflag:s17], $0x2000  }
0x126: {  	[sflag:s17] =	ssyncset.done $0x0  }
0x127: {  	[sflag:s17] =	ssyncadd.s32 $0xFFFFE000  }
0x128: {  	_ =	swait.ge [sflag:s17], $0x80  }
0x129: {  	[sflag:s17] =	ssyncset.done $0x0  }
0x12a: {  	[sflag:s17] =	ssyncadd.s32 $0xFFFFFF80  }
0x12b: {  	_ =	swait.ge [sflag:s17], $0x80  }
0x12c: {  	[sflag:s17] =	ssyncset.done $0x0  }
0x12d: {  	[sflag:s17] =	ssyncadd.s32 $0xFFFFFF80  }
0x12e: {  	_ =	swait.ge [sflag:s17], $0x2000  }
0x12f: {  	[sflag:s17] =	ssyncset.done $0x0  }
0x130: {  	[sflag:s17] =	ssyncadd.s32 $0xFFFFE000  }
0x131: {  	_ =	swait.ge [sflag:s17], $0x80  }
0x132: {  	[sflag:s17] =	ssyncset.done $0x0  }
0x133: {  	[sflag:s17] =	ssyncadd.s32 $0xFFFFFF80  }
0x134: {  	_ =	swait.ge [sflag:s17], $0x80  }
0x135: {  	[sflag:s17] =	ssyncset.done $0x0  }
0x136: {  	[sflag:s17] =	ssyncadd.s32 $0xFFFFFF80  }
0x137: {  	_ =	swait.ge [sflag:s17], $0x2000  }
0x138: {  	[sflag:s17] =	ssyncset.done $0x0  }
0x139: {  	[sflag:s17] =	ssyncadd.s32 $0xFFFFE000  }
0x13a: {  	_ =	swait.ge [sflag:s17], $0x80  }
0x13b: {  	[sflag:s17] =	ssyncset.done $0x0  }
0x13c: {  	[sflag:s17] =	ssyncadd.s32 $0xFFFFFF80  }
0x13d: {  	_ =	swait.ge [sflag:s17], $0x80  }
0x13e: {  	v24 =	vld [tilespmem:$0x1FEB0]  }
0x13f: {  	v30 =	vld [tilespmem:$0x1FE00]  }
0x140: {  	[sflag:s17] =	ssyncset.done $0x0;
	v37 =	vld [tilespmem:$0x1FE10]  }
0x141: {  	v47 =	vld [tilespmem:$0x1FE20];
	[sflag:s17] =	ssyncadd.s32 $0xFFFFFF80  }
0x142: {  	v12 =	vld [tilespmem:$0x600]  }
0x143: {  	v4 =	vld [tilespmem:$0xE00]  }
0x144: {  	v10 =	vld [tilespmem:$0xC00]  }
0x145: {  	v5 =	vld [tilespmem:$0x1000]  }
0x146: {  	v6 =	vld [tilespmem:$0xA00]  }
0x147: {  	v20 =	vld [tilespmem:$0x1400]  }
0x148: {  	v21 =	vld [tilespmem:$0x1200]  }
0x149: {  	v22 =	vld [tilespmem:$0x800]  }
0x14a: {  	v17 =	vld [tilespmem:$0x610]  }
0x14b: {  	v7 =	vld [tilespmem:$0xE10]  }
0x14c: {  	v13 =	vld [tilespmem:$0xC10]  }
0x14d: {  	v8 =	vld [tilespmem:$0x1010]  }
0x14e: {  	[tilespmem:$0x9C00] =	vst v32;
	v14 =	vld [tilespmem:$0xA10]  }
0x14f: {  	v23 =	vld [tilespmem:$0x9C00]  }
0x150: {  	v25 =	vld [tilespmem:$0x1410]  }
0x151: {  	v26 =	vld [tilespmem:$0x1210];
	v0 =	vsub.f32 v20, v21  }
0x152: {  	v27 =	vld [tilespmem:$0x810];
	vm14 =	veq.s32 v22, v24  }
0x153: {  	v18 =	vld [tilespmem:$0x620];
	v0 =	vnsel vm14, $0x0, v0  }
0x154: {  	v11 =	vld [tilespmem:$0xE20];
	v0 =	vadd.f32 v0, v23  }
0x155: {  	v29 =	vld [tilespmem:$0xC20]  }
0x156: {  	v9 =	vld [tilespmem:$0x1020];
	[tilespmem:$0x9C00] =	vst v0  }
0x157: {  	v28 =	vld [tilespmem:$0x9C00]  }
0x158: {  	v31 =	vld [tilespmem:$0x1420]  }
0x159: {  	v33 =	vld [tilespmem:$0x1220];
	v1 =	vsub.f32 v25, v26  }
0x15a: {  	v34 =	vld [tilespmem:$0x820];
	vm15 =	veq.s32 v27, v30  }
0x15b: {  	v16 =	vld [tilespmem:$0x630];
	v0 =	vnsel vm15, $0x0, v1  }
0x15c: {  	v36 =	vld [tilespmem:$0xC30];
	v0 =	vadd.f32 v0, v28  }
0x15d: {  	v38 =	vld [tilespmem:$0x1030]  }
0x15e: {  	v40 =	vld [tilespmem:$0xA30];
	[tilespmem:$0x9C00] =	vst v0  }
0x15f: {  	v35 =	vld [tilespmem:$0x9C00]  }
0x160: {  	v41 =	vld [tilespmem:$0x1430]  }
0x161: {  	v42 =	vld [tilespmem:$0x1230];
	v1 =	vsub.f32 v31, v33  }
0x162: {  	v43 =	vld [tilespmem:$0x830];
	vm4 =	veq.s32 v34, v37  }
0x163: {  	v19 =	vld [tilespmem:$0x640];
	[tilespmem:$0x1FB30] =	vst v29;
	v39 =	vnsel vm4, $0x0, v1  }
0x164: {  	v45 =	vld [tilespmem:$0xE40];
	[tilespmem:$0x1FB40] =	vst v16;
	v0 =	vadd.f32 v39, v35  }
0x165: {  	v46 =	vld [tilespmem:$0xC40];
	[tilespmem:$0x1FB50] =	vst v36  }
0x166: {  	v48 =	vld [tilespmem:$0x1040];
	[tilespmem:$0x9C00] =	vst v0  }
0x167: {  	[tilespmem:$0x1FB60] =	vst v38;
	v44 =	vld [tilespmem:$0x9C00]  }
0x168: {  	v50 =	vld [tilespmem:$0xA40];
	[tilespmem:$0x1FB70] =	vst v40  }
0x169: {  	v15 =	vld [tilespmem:$0xA20];
	[tilespmem:$0x1FB80] =	vst v19;
	v1 =	vsub.f32 v41, v42  }
0x16a: {  	v55 =	vld [tilespmem:$0x650];
	[tilespmem:$0x1FB90] =	vst v45;
	vm5 =	veq.s32 v43, v47  }
0x16b: {  	v51 =	vld [tilespmem:$0x1440];
	[tilespmem:$0x1FBA0] =	vst v46;
	v49 =	vnsel vm5, $0x0, v1  }
0x16c: {  	v52 =	vld [tilespmem:$0x1240];
	[tilespmem:$0x1FBB0] =	vst v48;
	v0 =	vadd.f32 v49, v44  }
0x16d: {  	v53 =	vld [tilespmem:$0x840];
	[tilespmem:$0x1FBC0] =	vst v50  }
0x16e: {  	v16 =	vld [tilespmem:$0xE30];
	[tilespmem:$0x9C00] =	vst v0  }
0x16f: {  	[tilespmem:$0x1FBD0] =	vst v55;
	v54 =	vld [tilespmem:$0x9C00]  }
0x170: {  	v19 =	vld [tilespmem:$0xE50]  }
0x171: {  	v56 =	vld [tilespmem:$0xC50]  }
0x172: {  	v57 =	vld [tilespmem:$0x1FE30]  }
0x173: {  	v58 =	vld [tilespmem:$0x1050]  }
0x174: {  	v60 =	vld [tilespmem:$0xA50]  }
0x175: {  	v61 =	vld [tilespmem:$0x1450]  }
0x176: {  	v62 =	vld [tilespmem:$0x1250]  }
0x177: {  	v63 =	vld [tilespmem:$0x850]  }
0x178: {  	v22 =	vld [tilespmem:$0x660]  }
0x179: {  	v23 =	vld [tilespmem:$0xE60]  }
0x17a: {  	v24 =	vld [tilespmem:$0xC60]  }
0x17b: {  	v25 =	vld [tilespmem:$0x1FE40]  }
0x17c: {  	v26 =	vld [tilespmem:$0x1060]  }
0x17d: {  	v28 =	vld [tilespmem:$0xA60]  }
0x17e: {  	v29 =	vld [tilespmem:$0x1460]  }
0x17f: {  	v30 =	vld [tilespmem:$0x1260]  }
0x180: {  	v31 =	vld [tilespmem:$0x860]  }
0x181: {  	v34 =	vld [tilespmem:$0x670]  }
0x182: {  	v35 =	vld [tilespmem:$0xE70]  }
0x183: {  	v36 =	vld [tilespmem:$0xC70]  }
0x184: {  	v37 =	vld [tilespmem:$0x1FE50]  }
0x185: {  	v38 =	vld [tilespmem:$0x1070]  }
0x186: {  	v40 =	vld [tilespmem:$0xA70]  }
0x187: {  	v41 =	vld [tilespmem:$0x1470]  }
0x188: {  	v42 =	vld [tilespmem:$0x1270]  }
0x189: {  	v43 =	vld [tilespmem:$0x870]  }
0x18a: {  	v45 =	vld [tilespmem:$0x680]  }
0x18b: {  	v46 =	vld [tilespmem:$0xE80]  }
0x18c: {  	v47 =	vld [tilespmem:$0xC80]  }
0x18d: {  	v48 =	vld [tilespmem:$0x1FE60]  }
0x18e: {  	v49 =	vld [tilespmem:$0x1080]  }
0x18f: {  	v1 =	vsub.f32 v51, v52;
	v51 =	vld [tilespmem:$0xA80]  }
0x190: {  	v52 =	vld [tilespmem:$0x1480]  }
0x191: {  	v20 =	vld [tilespmem:$0x8F0]  }
0x192: {  	vm1 =	vgt.s32 v17, $0xFFFFFFFF;
	vm2 =	vgt.s32 v18, $0xFFFFFFFF;
	v18 =	vld [tilespmem:$0xB40]  }
0x193: {  	v13 =	vsel vm1, v7, v13;
	v7 =	vld [tilespmem:$0x1FB30]  }
0x194: {  	v2 =	vld [tilespmem:$0x1540]  }
0x195: {  	v14 =	vsel vm1, v8, v14;
	v8 =	vld [tilespmem:$0x1340]  }
0x196: {  	v17 =	vld [tilespmem:$0x750]  }
0x197: {  	[tilespmem:$0x1610] =	vst v13;
	v13 =	vld [tilespmem:$0x1FB60]  }
0x198: {  	[tilespmem:$0x1810] =	vst v14;
	v14 =	vld [tilespmem:$0x1FB70]  }
0x199: {  	v9 =	vsel vm2, v9, v15;
	v15 =	vld [tilespmem:$0x1FB80]  }
0x19a: {  	[tilespmem:$0x1820] =	vst v9;
	v9 =	vld [tilespmem:$0x1FF40]  }
0x19b: {  	vm6 =	veq.s32 v53, v57;
	v53 =	vld [tilespmem:$0x1280]  }
0x19c: {  	[tilespmem:$0x1FC10] =	vst v60;
	v60 =	vld [tilespmem:$0x690]  }
0x19d: {  	[tilespmem:$0x1FBF0] =	vst v56;
	v56 =	vld [tilespmem:$0xE90]  }
0x19e: {  	v57 =	vld [tilespmem:$0xC90]  }
0x19f: {  	[tilespmem:$0x1FC00] =	vst v58;
	v58 =	vld [tilespmem:$0x1FE70]  }
0x1a0: {  	vm7 =	veq.s32 v63, v25;
	v63 =	vld [tilespmem:$0x1490]  }
0x1a1: {  	[tilespmem:$0x1FC20] =	vst v22;
	v22 =	vld [tilespmem:$0x890]  }
0x1a2: {  	[tilespmem:$0x1FC40] =	vst v24;
	v24 =	vld [tilespmem:$0xEA0]  }
0x1a3: {  	v25 =	vld [tilespmem:$0xCA0]  }
0x1a4: {  	[tilespmem:$0x1FC50] =	vst v26;
	v26 =	vld [tilespmem:$0x1FE80];
	v59 =	vnsel vm6, $0x0, v1  }
0x1a5: {  	[tilespmem:$0x1FC80] =	vst v35;
	vm8 =	veq.s32 v31, v37;
	v31 =	vld [tilespmem:$0x12A0];
	v0 =	vadd.f32 v59, v54  }
0x1a6: {  	[tilespmem:$0x1FC90] =	vst v36;
	v35 =	vld [tilespmem:$0xEB0]  }
0x1a7: {  	v36 =	vld [tilespmem:$0x1FE90];
	[tilespmem:$0x9C00] =	vst v0  }
0x1a8: {  	v21 =	vld [tilespmem:$0x9C00]  }
0x1a9: {  	v37 =	vld [tilespmem:$0x10B0]  }
0x1aa: {  	[tilespmem:$0x1FCB0] =	vst v40;
	v40 =	vld [tilespmem:$0x14B0];
	v1 =	vsub.f32 v61, v62  }
0x1ab: {  	[tilespmem:$0x1FCE0] =	vst v47;
	v47 =	vld [tilespmem:$0x6C0]  }
0x1ac: {  	[tilespmem:$0x1FD00] =	vst v51;
	v51 =	vld [tilespmem:$0xEC0];
	v27 =	vnsel vm7, $0x0, v1  }
0x1ad: {  	[tilespmem:$0x1FCD0] =	vst v46;
	v46 =	vld [tilespmem:$0x6E0];
	v0 =	vadd.f32 v27, v21  }
0x1ae: {  	[tilespmem:$0x1FCC0] =	vst v45;
	v45 =	vld [tilespmem:$0xCF0]  }
0x1af: {  	vm9 =	veq.s32 v43, v48;
	v48 =	vld [tilespmem:$0xAF0];
	[tilespmem:$0x9C00] =	vst v0  }
0x1b0: {  	v33 =	vld [tilespmem:$0x9C00]  }
0x1b1: {  	[tilespmem:$0x1FBE0] =	vst v19;
	v19 =	vld [tilespmem:$0x12F0]  }
0x1b2: {  	[tilespmem:$0x1FCF0] =	vst v49;
	v49 =	vld [tilespmem:$0x1100];
	v1 =	vsub.f32 v29, v30  }
0x1b3: {  	v62 =	vld [tilespmem:$0xA90]  }
0x1b4: {  	v54 =	vld [tilespmem:$0x880];
	v39 =	vnsel vm8, $0x0, v1  }
0x1b5: {  	v59 =	vld [tilespmem:$0x1090];
	v0 =	vadd.f32 v39, v33  }
0x1b6: {  	v29 =	vld [tilespmem:$0xAA0]  }
0x1b7: {  	v30 =	vld [tilespmem:$0x14A0];
	[tilespmem:$0x9C00] =	vst v0  }
0x1b8: {  	v44 =	vld [tilespmem:$0x9C00]  }
0x1b9: {  	[tilespmem:$0x1FD10] =	vst v56;
	v56 =	vld [tilespmem:$0x6B0]  }
0x1ba: {  	v1 =	vsub.f32 v41, v42;
	v41 =	vld [tilespmem:$0x12B0]  }
0x1bb: {  	[tilespmem:$0x1FD50] =	vst v24;
	v42 =	vld [tilespmem:$0x8B0]  }
0x1bc: {  	[tilespmem:$0x1FD60] =	vst v25;
	v24 =	vld [tilespmem:$0x1FEC0];
	v50 =	vnsel vm9, $0x0, v1  }
0x1bd: {  	[tilespmem:$0x1FD90] =	vst v35;
	v25 =	vld [tilespmem:$0x10D0];
	v0 =	vadd.f32 v50, v44  }
0x1be: {  	[tilespmem:$0x1FDA0] =	vst v37;
	v35 =	vld [tilespmem:$0x8E0]  }
0x1bf: {  	v37 =	vld [tilespmem:$0x700];
	[tilespmem:$0x9C00] =	vst v0  }
0x1c0: {  	v55 =	vld [tilespmem:$0x9C00]  }
0x1c1: {  	[tilespmem:$0x1FDC0] =	vst v51;
	v51 =	vld [tilespmem:$0xF00]  }
0x1c2: {  	[tilespmem:$0x1FD40] =	vst v62;
	v62 =	vld [tilespmem:$0x6D0];
	v1 =	vsub.f32 v52, v53  }
0x1c3: {  	vm10 =	veq.s32 v54, v58;
	v53 =	vld [tilespmem:$0xCC0]  }
0x1c4: {  	v52 =	vld [tilespmem:$0x1FEA0];
	v61 =	vnsel vm10, $0x0, v1  }
0x1c5: {  	v21 =	vld [tilespmem:$0x1290];
	v0 =	vadd.f32 v61, v55  }
0x1c6: {  	v54 =	vld [tilespmem:$0x10C0]  }
0x1c7: {  	v58 =	vld [tilespmem:$0x14C0];
	[tilespmem:$0x9C00] =	vst v0  }
0x1c8: {  	[tilespmem:$0x1FC30] =	vst v23;
	v23 =	vld [tilespmem:$0x9C00]  }
0x1c9: {  	[tilespmem:$0x1FD30] =	vst v59;
	v59 =	vld [tilespmem:$0x12C0];
	vm9 =	vgt.s32 v12, $0xFFFFFFFF  }
0x1ca: {  	[tilespmem:$0x1FD80] =	vst v29;
	v29 =	vld [tilespmem:$0x8D0];
	v12 =	vsel vm9, $0x3F800000, v32;
	v1 =	vsub.f32 v63, v21  }
0x1cb: {  	vm11 =	veq.s32 v22, v26;
	[tilespmem:$0x1A00] =	vst v12;
	v12 =	vld [tilespmem:$0x1FB50]  }
0x1cc: {  	[tilespmem:$0x1FC60] =	vst v28;
	v27 =	vld [tilespmem:$0x10A0];
	v28 =	vnsel vm11, $0x0, v1  }
0x1cd: {  	[tilespmem:$0x1FDF0] =	vst v25;
	v25 =	vld [tilespmem:$0x900];
	v0 =	vadd.f32 v28, v23  }
0x1ce: {  	v33 =	vld [tilespmem:$0x8A0]  }
0x1cf: {  	vm13 =	veq.s32 v42, v52;
	v42 =	vld [tilespmem:$0xCE0];
	[tilespmem:$0x9C00] =	vst v0  }
0x1d0: {  	[tilespmem:$0x1FC70] =	vst v34;
	v34 =	vld [tilespmem:$0x9C00]  }
0x1d1: {  	v52 =	vld [tilespmem:$0xEF0]  }
0x1d2: {  	[tilespmem:$0x1FDD0] =	vst v54;
	v54 =	vld [tilespmem:$0x10F0];
	v1 =	vsub.f32 v30, v31  }
0x1d3: {  	v63 =	vld [tilespmem:$0xCB0];
	vm12 =	veq.s32 v33, v36  }
0x1d4: {  	[tilespmem:$0x1FCA0] =	vst v38;
	v21 =	vld [tilespmem:$0x8C0];
	v38 =	vnsel vm12, $0x0, v1  }
0x1d5: {  	v31 =	vld [tilespmem:$0x1FED0];
	v0 =	vadd.f32 v38, v34  }
0x1d6: {  	[tilespmem:$0x1FD70] =	vst v27;
	v27 =	vld [tilespmem:$0x14D0]  }
0x1d7: {  	v39 =	vld [tilespmem:$0xAB0];
	[tilespmem:$0x9C00] =	vst v0  }
0x1d8: {  	v43 =	vld [tilespmem:$0x9C00]  }
0x1d9: {  	vm14 =	veq.s32 v21, v24;
	v24 =	vld [tilespmem:$0x1300]  }
0x1da: {  	vm15 =	veq.s32 v29, v31;
	v31 =	vld [tilespmem:$0xD10];
	v1 =	vsub.f32 v40, v41  }
0x1db: {  	v29 =	vld [tilespmem:$0x1310]  }
0x1dc: {  	[tilespmem:$0x1FD20] =	vst v57;
	v33 =	vld [tilespmem:$0x14E0];
	v57 =	vnsel vm13, $0x0, v1  }
0x1dd: {  	v36 =	vld [tilespmem:$0x6F0];
	v0 =	vadd.f32 v57, v43  }
0x1de: {  	[tilespmem:$0x1FDB0] =	vst v39;
	v39 =	vld [tilespmem:$0x1110]  }
0x1df: {  	v41 =	vld [tilespmem:$0xAE0];
	[tilespmem:$0x9C00] =	vst v0  }
0x1e0: {  	v22 =	vld [tilespmem:$0x9C00]  }
0x1e1: {  	vm12 =	vgt.s32 v15, $0xFFFFFFFF;
	v15 =	vld [tilespmem:$0x1150]  }
0x1e2: {  	v50 =	vld [tilespmem:$0xAC0];
	v1 =	vsub.f32 v58, v59  }
0x1e3: {  	v59 =	vld [tilespmem:$0xAD0]  }
0x1e4: {  	v58 =	vld [tilespmem:$0xEE0];
	v26 =	vnsel vm14, $0x0, v1  }
0x1e5: {  	v28 =	vld [tilespmem:$0x12D0];
	v0 =	vadd.f32 v26, v22  }
0x1e6: {  	v23 =	vld [tilespmem:$0xED0]  }
0x1e7: {  	v44 =	vld [tilespmem:$0x14F0];
	[tilespmem:$0x9C00] =	vst v0  }
0x1e8: {  	v30 =	vld [tilespmem:$0x9C00]  }
0x1e9: {  	v55 =	vld [tilespmem:$0x6A0]  }
0x1ea: {  	v61 =	vld [tilespmem:$0xCD0];
	v1 =	vsub.f32 v27, v28  }
0x1eb: {  	[tilespmem:$0x1FDE0] =	vst v23;
	v23 =	vld [tilespmem:$0x1500]  }
0x1ec: {  	v27 =	vld [tilespmem:$0x1FF00];
	v0 =	vnsel vm15, $0x0, v1  }
0x1ed: {  	v34 =	vld [tilespmem:$0x12E0];
	v0 =	vadd.f32 v0, v30  }
0x1ee: {  	v43 =	vld [tilespmem:$0x1FEE0]  }
0x1ef: {  	v28 =	vld [tilespmem:$0x1510];
	[tilespmem:$0x9C00] =	vst v0  }
0x1f0: {  	v40 =	vld [tilespmem:$0x9C00]  }
0x1f1: {  	v38 =	vld [tilespmem:$0xF10]  }
0x1f2: {  	vm6 =	veq.s32 v25, v27;
	v25 =	vld [tilespmem:$0x730];
	v1 =	vsub.f32 v33, v34  }
0x1f3: {  	v27 =	vld [tilespmem:$0x1FF20];
	vm4 =	veq.s32 v35, v43  }
0x1f4: {  	v57 =	vld [tilespmem:$0x10E0];
	v0 =	vnsel vm4, $0x0, v1  }
0x1f5: {  	v43 =	vld [tilespmem:$0xB00];
	v0 =	vadd.f32 v0, v40  }
0x1f6: {  	v22 =	vld [tilespmem:$0x1FEF0]  }
0x1f7: {  	v35 =	vld [tilespmem:$0xF20];
	[tilespmem:$0x9C00] =	vst v0  }
0x1f8: {  	v21 =	vld [tilespmem:$0x9C00]  }
0x1f9: {  	v33 =	vld [tilespmem:$0xB10]  }
0x1fa: {  	v34 =	vld [tilespmem:$0xB20];
	v1 =	vsub.f32 v44, v19  }
0x1fb: {  	vm5 =	veq.s32 v20, v22;
	v20 =	vld [tilespmem:$0x1FF10]  }
0x1fc: {  	v22 =	vld [tilespmem:$0x1320];
	v0 =	vnsel vm5, $0x0, v1  }
0x1fd: {  	v30 =	vld [tilespmem:$0x710];
	v0 =	vadd.f32 v0, v21  }
0x1fe: {  	v40 =	vld [tilespmem:$0x910]  }
0x1ff: {  	v1 =	vsub.f32 v23, v24;
	v23 =	vld [tilespmem:$0x920];
	[tilespmem:$0x9C00] =	vst v0  }
0x200: {  	v26 =	vld [tilespmem:$0x9C00]  }
0x201: {  	v44 =	vld [tilespmem:$0xD00]  }
0x202: {  	v24 =	vld [tilespmem:$0x720]  }
0x203: {  	vm7 =	veq.s32 v40, v20;
	v40 =	vld [tilespmem:$0x1120]  }
0x204: {  	v20 =	vld [tilespmem:$0xD40];
	v0 =	vnsel vm6, $0x0, v1  }
0x205: {  	vm8 =	veq.s32 v23, v27;
	v27 =	vld [tilespmem:$0x1130];
	v0 =	vadd.f32 v0, v26  }
0x206: {  	v23 =	vld [tilespmem:$0xB30]  }
0x207: {  	v21 =	vld [tilespmem:$0x1520];
	[tilespmem:$0x9C00] =	vst v0  }
0x208: {  	v19 =	vld [tilespmem:$0x9C00]  }
0x209: {  	v1 =	vsub.f32 v28, v29;
	v28 =	vld [tilespmem:$0xD20]  }
0x20a: {  	v29 =	vld [tilespmem:$0xF30]  }
0x20b: {  	v26 =	vld [tilespmem:$0xD30]  }
0x20c: {  	v0 =	vnsel vm7, $0x0, v1;
	v1 =	vsub.f32 v21, v22;
	v21 =	vld [tilespmem:$0x740]  }
0x20d: {  	v22 =	vsel vm9, v4, v10;
	v10 =	vsel vm9, v5, v6;
	v5 =	vld [tilespmem:$0x1FF50];
	v0 =	vadd.f32 v0, v19  }
0x20e: {  	[tilespmem:$0x1800] =	vst v10;
	v10 =	vld [tilespmem:$0x1FB40]  }
0x20f: {  	vm7 =	vgt.s32 v60, $0xFFFFFFFF;
	v60 =	vld [tilespmem:$0xF70];
	[tilespmem:$0x9C00] =	vst v0  }
0x210: {  	v19 =	vld [tilespmem:$0x9C00]  }
0x211: {  	vm9 =	vgt.s32 v55, $0xFFFFFFFF;
	v55 =	vld [tilespmem:$0xB70]  }
0x212: {  	[tilespmem:$0x1600] =	vst v22;
	v22 =	vld [tilespmem:$0xF40]  }
0x213: {  	vm11 =	vgt.s32 v10, $0xFFFFFFFF;
	v10 =	vld [tilespmem:$0x1FBB0]  }
0x214: {  	v0 =	vnsel vm8, $0x0, v1;
	v1 =	vld [tilespmem:$0x1530]  }
0x215: {  	v6 =	vsel vm1, $0x3F800000, v32;
	v0 =	vadd.f32 v0, v19;
	v19 =	vld [tilespmem:$0x1330]  }
0x216: {  	[tilespmem:$0x1A10] =	vst v6;
	v3 =	vsel vm11, v16, v12;
	v16 =	vld [tilespmem:$0xF50];
	v6 =	vsel vm11, $0x3F800000, v32  }
0x217: {  	[tilespmem:$0x1A30] =	vst v6;
	v6 =	vld [tilespmem:$0x1FC20]  }
0x218: {  	[tilespmem:$0x1630] =	vst v3;
	v3 =	vsel vm11, v13, v14;
	v14 =	vld [tilespmem:$0xD50]  }
0x219: {  	[tilespmem:$0x9C00] =	vst v0;
	v0 =	vld [tilespmem:$0x930]  }
0x21a: {  	v1 =	vsub.f32 v1, v19;
	v19 =	vld [tilespmem:$0x1FF30]  }
0x21b: {  	v13 =	vld [tilespmem:$0xB50]  }
0x21c: {  	vm15 =	vgt.s32 v6, $0xFFFFFFFF;
	v4 =	vld [tilespmem:$0x9C00]  }
0x21d: {  	vm11 =	vgt.s32 v47, $0xFFFFFFFF;
	v47 =	vld [tilespmem:$0xD80];
	v6 =	vsel vm15, $0x3F800000, v32  }
0x21e: {  	[tilespmem:$0x1A60] =	vst v6;
	v6 =	vld [tilespmem:$0x1FCB0]  }
0x21f: {  	vm10 =	veq.s32 v0, v19;
	v19 =	vld [tilespmem:$0x1140]  }
0x220: {  	v0 =	vnsel vm10, $0x0, v1;
	v1 =	vsel vm2, v11, v7;
	v7 =	vld [tilespmem:$0x1FB90]  }
0x221: {  	v11 =	vsel vm2, $0x3F800000, v32;
	v0 =	vadd.f32 v0, v4;
	[tilespmem:$0x1620] =	vst v1;
	v1 =	vsub.f32 v2, v8;
	v8 =	vld [tilespmem:$0x1FBA0]  }
0x222: {  	[tilespmem:$0x1A20] =	vst v11;
	v11 =	vld [tilespmem:$0x1FBC0]  }
0x223: {  	vm10 =	vgt.s32 v56, $0xFFFFFFFF;
	v56 =	vsel vm9, $0x3F800000, v32;
	[tilespmem:$0x9C00] =	vst v0;
	v0 =	vld [tilespmem:$0x940]  }
0x224: {  	[tilespmem:$0x1AA0] =	vst v56;
	v56 =	vld [tilespmem:$0x1FD90]  }
0x225: {  	v4 =	vld [tilespmem:$0x9C00]  }
0x226: {  	v2 =	vsel vm12, v7, v8;
	v8 =	vld [tilespmem:$0x1FBD0]  }
0x227: {  	[tilespmem:$0x1640] =	vst v2;
	v2 =	vld [tilespmem:$0x1550]  }
0x228: {  	vm13 =	veq.s32 v0, v9;
	v9 =	vld [tilespmem:$0x1FBE0]  }
0x229: {  	v0 =	vsel vm12, v10, v11;
	v10 =	vld [tilespmem:$0x1FBF0]  }
0x22a: {  	v11 =	vld [tilespmem:$0x1FC00];
	v1 =	vnsel vm13, $0x0, v1  }
0x22b: {  	[tilespmem:$0x1840] =	vst v0;
	v0 =	vld [tilespmem:$0x950];
	v12 =	vadd.f32 v1, v4  }
0x22c: {  	vm14 =	vgt.s32 v8, $0xFFFFFFFF;
	v8 =	vld [tilespmem:$0x1FC30]  }
0x22d: {  	[tilespmem:$0x9C00] =	vst v12;
	v12 =	vld [tilespmem:$0x1FC10]  }
0x22e: {  	[tilespmem:$0x1830] =	vst v3;
	v3 =	vsel vm14, v9, v10;
	v9 =	vld [tilespmem:$0x1FC40]  }
0x22f: {  	vm13 =	vgt.s32 v62, $0xFFFFFFFF;
	v62 =	vld [tilespmem:$0x1FDE0]  }
0x230: {  	v7 =	vsel vm12, $0x3F800000, v32;
	v1 =	vld [tilespmem:$0x1350]  }
0x231: {  	[tilespmem:$0x1A40] =	vst v7;
	v4 =	vld [tilespmem:$0x9C00]  }
0x232: {  	v10 =	vld [tilespmem:$0x1FC50];
	[tilespmem:$0x1650] =	vst v3;
	v3 =	vsel vm14, v11, v12  }
0x233: {  	v7 =	vsel vm14, $0x3F800000, v32;
	[tilespmem:$0x1850] =	vst v3;
	v3 =	vsel vm15, v8, v9;
	v8 =	vld [tilespmem:$0x1FC60]  }
0x234: {  	[tilespmem:$0x1A50] =	vst v7;
	v7 =	vld [tilespmem:$0x1FC80]  }
0x235: {  	vm5 =	veq.s32 v0, v5;
	v5 =	vld [tilespmem:$0x1FCA0]  }
0x236: {  	v1 =	vsub.f32 v2, v1;
	v2 =	vld [tilespmem:$0x960]  }
0x237: {  	v9 =	vld [tilespmem:$0x1FC70]  }
0x238: {  	[tilespmem:$0x1660] =	vst v3;
	v3 =	vsel vm15, v10, v8;
	v8 =	vld [tilespmem:$0x1FC90]  }
0x239: {  	v12 =	vld [tilespmem:$0x760]  }
0x23a: {  	v11 =	vld [tilespmem:$0xF60]  }
0x23b: {  	v1 =	vnsel vm5, $0x0, v1;
	vm14 =	vgt.s32 v46, $0xFFFFFFFF;
	v46 =	vld [tilespmem:$0x790]  }
0x23c: {  	v1 =	vadd.f32 v1, v4;
	v4 =	vld [tilespmem:$0x1560];
	vm4 =	vgt.s32 v9, $0xFFFFFFFF  }
0x23d: {  	v0 =	vsel vm4, v7, v8;
	v7 =	vld [tilespmem:$0x1FCC0]  }
0x23e: {  	v10 =	vld [tilespmem:$0xD60]  }
0x23f: {  	v9 =	vld [tilespmem:$0x1160]  }
0x240: {  	[tilespmem:$0x1670] =	vst v0;
	v0 =	vsel vm4, v5, v6;
	v6 =	vld [tilespmem:$0x1FCD0]  }
0x241: {  	[tilespmem:$0x1870] =	vst v0;
	v0 =	vld [tilespmem:$0x1360]  }
0x242: {  	vm6 =	vgt.s32 v7, $0xFFFFFFFF;
	v7 =	vld [tilespmem:$0x1FCE0]  }
0x243: {  	[tilespmem:$0x9C00] =	vst v1;
	vm15 =	vgt.s32 v36, $0xFFFFFFFF;
	v36 =	vld [tilespmem:$0x1FF80]  }
0x244: {  	[tilespmem:$0x1860] =	vst v3;
	v3 =	vld [tilespmem:$0x9C00];
	v5 =	vsel vm4, $0x3F800000, v32  }
0x245: {  	[tilespmem:$0x1A70] =	vst v5;
	v5 =	vld [tilespmem:$0x1FD00]  }
0x246: {  	v4 =	vsub.f32 v4, v0;
	v0 =	vld [tilespmem:$0x1FD30]  }
0x247: {  	v1 =	vsel vm6, v6, v7;
	v6 =	vld [tilespmem:$0x1FD40]  }
0x248: {  	[tilespmem:$0x1680] =	vst v1;
	v1 =	vld [tilespmem:$0x1FCF0]  }
0x249: {  	v45 =	vsel vm15, v52, v45;
	v52 =	vld [tilespmem:$0x1590]  }
0x24a: {  	v48 =	vsel vm15, v54, v48;
	v54 =	vld [tilespmem:$0x1390]  }
0x24b: {  	[tilespmem:$0x16F0] =	vst v45;
	v45 =	vld [tilespmem:$0x15A0]  }
0x24c: {  	[tilespmem:$0x18F0] =	vst v48;
	v48 =	vld [tilespmem:$0x13A0]  }
0x24d: {  	v0 =	vsel vm7, v0, v6;
	v6 =	vld [tilespmem:$0x1FF60];
	v1 =	vsel vm6, v1, v5  }
0x24e: {  	v5 =	vsel vm6, $0x3F800000, v32;
	[tilespmem:$0x1880] =	vst v1;
	v1 =	vld [tilespmem:$0x1FD10]  }
0x24f: {  	[tilespmem:$0x1A80] =	vst v5;
	v5 =	vld [tilespmem:$0x1FD20]  }
0x250: {  	v8 =	vld [tilespmem:$0xB60]  }
0x251: {  	v7 =	vld [tilespmem:$0x770];
	vm6 =	vgt.s32 v30, $0xFFFFFFFF  }
0x252: {  	v30 =	vld [tilespmem:$0xFA0];
	v31 =	vsel vm6, v38, v31;
	vm8 =	veq.s32 v2, v6  }
0x253: {  	[tilespmem:$0x1890] =	vst v0;
	v38 =	vsel vm6, v39, v33;
	v39 =	vld [tilespmem:$0x1FF90];
	v0 =	vnsel vm8, $0x0, v4;
	v4 =	vsel vm7, $0x3F800000, v32  }
0x254: {  	v1 =	vsel vm7, v1, v5;
	[tilespmem:$0x1A90] =	vst v4;
	v4 =	vld [tilespmem:$0x1FD60]  }
0x255: {  	[tilespmem:$0x1690] =	vst v1;
	v1 =	vld [tilespmem:$0x1FD50]  }
0x256: {  	v33 =	vld [tilespmem:$0x9B0]  }
0x257: {  	[tilespmem:$0x1710] =	vst v31;
	v31 =	vld [tilespmem:$0x13B0]  }
0x258: {  	v6 =	vld [tilespmem:$0x1170]  }
0x259: {  	v0 =	vadd.f32 v0, v3;
	v3 =	vld [tilespmem:$0x1570]  }
0x25a: {  	v2 =	vsel vm9, v1, v4;
	v1 =	vld [tilespmem:$0x1FD70]  }
0x25b: {  	v4 =	vld [tilespmem:$0x1FD80]  }
0x25c: {  	[tilespmem:$0x16A0] =	vst v2;
	v2 =	vld [tilespmem:$0x1370]  }
0x25d: {  	vm8 =	vgt.s32 v24, $0xFFFFFFFF;
	v24 =	vld [tilespmem:$0xBA0]  }
0x25e: {  	v5 =	vld [tilespmem:$0xD70];
	v28 =	vsel vm8, v35, v28  }
0x25f: {  	[tilespmem:$0x1720] =	vst v28;
	v28 =	vld [tilespmem:$0x15B0]  }
0x260: {  	[tilespmem:$0x9C00] =	vst v0;
	v0 =	vld [tilespmem:$0x970];
	v4 =	vsel vm9, v1, v4  }
0x261: {  	[tilespmem:$0x18A0] =	vst v4;
	v4 =	vsel vm10, v56, v63;
	v56 =	vld [tilespmem:$0x1FDB0];
	v2 =	vsub.f32 v3, v2;
	v3 =	vsel vm10, $0x3F800000, v32  }
0x262: {  	[tilespmem:$0x1AB0] =	vst v3;
	v3 =	vld [tilespmem:$0x1FDC0]  }
0x263: {  	[tilespmem:$0x16B0] =	vst v4;
	v4 =	vld [tilespmem:$0x1FDA0]  }
0x264: {  	v1 =	vld [tilespmem:$0x9C00]  }
0x265: {  	vm9 =	vgt.s32 v25, $0xFFFFFFFF;
	v25 =	vld [tilespmem:$0x9D0]  }
0x266: {  	v63 =	vld [tilespmem:$0x780]  }
0x267: {  	v3 =	vsel vm11, v3, v53;
	v53 =	vld [tilespmem:$0x1FF70]  }
0x268: {  	v26 =	vsel vm9, v29, v26;
	v29 =	vld [tilespmem:$0x7B0];
	v4 =	vsel vm10, v4, v56  }
0x269: {  	[tilespmem:$0x18B0] =	vst v4;
	v4 =	vld [tilespmem:$0x1FDD0]  }
0x26a: {  	[tilespmem:$0x9C10] =	vst v32;
	v23 =	vsel vm9, v27, v23;
	v27 =	vld [tilespmem:$0xDB0]  }
0x26b: {  	[tilespmem:$0x1730] =	vst v26;
	v26 =	vld [tilespmem:$0xFB0]  }
0x26c: {  	[tilespmem:$0x1930] =	vst v23;
	v23 =	vld [tilespmem:$0x13D0];
	vm12 =	veq.s32 v0, v53  }
0x26d: {  	[tilespmem:$0x9C20] =	vst v32;
	v56 =	vld [tilespmem:$0xF80];
	v2 =	vnsel vm12, $0x0, v2  }
0x26e: {  	[tilespmem:$0x16C0] =	vst v3;
	v0 =	vsel vm11, v4, v50;
	v1 =	vadd.f32 v2, v1;
	v2 =	vld [tilespmem:$0x1580]  }
0x26f: {  	[tilespmem:$0x18C0] =	vst v0;
	v0 =	vld [tilespmem:$0x1380]  }
0x270: {  	v3 =	vsel vm13, v62, v61;
	v62 =	vsel vm13, $0x3F800000, v32;
	[tilespmem:$0x9C00] =	vst v1;
	v1 =	vld [tilespmem:$0x980]  }
0x271: {  	vm10 =	vgt.s32 v21, $0xFFFFFFFF;
	v61 =	vld [tilespmem:$0x1FDF0];
	[tilespmem:$0x1AD0] =	vst v62;
	v4 =	vsel vm11, $0x3F800000, v32  }
0x272: {  	v20 =	vsel vm10, v22, v20;
	[tilespmem:$0x1AC0] =	vst v4;
	v4 =	vld [tilespmem:$0x9C00]  }
0x273: {  	v18 =	vsel vm10, v19, v18;
	v22 =	vld [tilespmem:$0x15D0];
	[tilespmem:$0x1740] =	vst v20  }
0x274: {  	vm5 =	vgt.s32 v37, $0xFFFFFFFF;
	v62 =	vsel vm14, $0x3F800000, v32;
	v20 =	vld [tilespmem:$0xBB0];
	[tilespmem:$0x1940] =	vst v18;
	v0 =	vsub.f32 v2, v0  }
0x275: {  	v18 =	vld [tilespmem:$0xBD0];
	[tilespmem:$0x1AE0] =	vst v62;
	v62 =	vsel vm5, $0x3F800000, v32;
	vm4 =	veq.s32 v1, v36  }
0x276: {  	[tilespmem:$0x1B00] =	vst v62;
	v62 =	vsel vm10, $0x3F800000, v32;
	v53 =	vld [tilespmem:$0x1180];
	v0 =	vnsel vm4, $0x0, v0  }
0x277: {  	[tilespmem:$0x1B40] =	vst v62;
	v62 =	vld [tilespmem:$0x1FFC0];
	v0 =	vadd.f32 v0, v4  }
0x278: {  	[tilespmem:$0x16D0] =	vst v3;
	v3 =	vsel vm13, v61, v59;
	v61 =	vsel vm14, v57, v41;
	v57 =	vld [tilespmem:$0x990]  }
0x279: {  	v50 =	vld [tilespmem:$0xB80];
	v59 =	vsel vm14, v58, v42;
	[tilespmem:$0x9C00] =	vst v0  }
0x27a: {  	[tilespmem:$0x16E0] =	vst v59;
	v59 =	vld [tilespmem:$0x9C00]  }
0x27b: {  	[tilespmem:$0x9C30] =	vst v32;
	v42 =	vld [tilespmem:$0xF90]  }
0x27c: {  	[tilespmem:$0x9C40] =	vst v32;
	v41 =	vld [tilespmem:$0xD90];
	v2 =	vsub.f32 v52, v54  }
0x27d: {  	[tilespmem:$0x9C50] =	vst v32;
	v58 =	vsel vm5, v51, v44;
	v51 =	vld [tilespmem:$0x9A0];
	vm7 =	veq.s32 v57, v39  }
0x27e: {  	[tilespmem:$0x18D0] =	vst v3;
	v3 =	vld [tilespmem:$0xB90];
	v2 =	vnsel vm7, $0x0, v2  }
0x27f: {  	[tilespmem:$0x18E0] =	vst v61;
	v61 =	vsel vm5, v49, v43;
	v43 =	vld [tilespmem:$0x7A0];
	v2 =	vadd.f32 v2, v59  }
0x280: {  	[tilespmem:$0x9C60] =	vst v32;
	vm13 =	vgt.s32 v12, $0xFFFFFFFF;
	v59 =	vld [tilespmem:$0x1FFA0]  }
0x281: {  	v10 =	vsel vm13, v11, v10;
	v11 =	vld [tilespmem:$0xFC0];
	[tilespmem:$0x9C00] =	vst v2  }
0x282: {  	[tilespmem:$0x9C70] =	vst v32;
	v54 =	vld [tilespmem:$0x9C00]  }
0x283: {  	[tilespmem:$0x1910] =	vst v38;
	v8 =	vsel vm13, v9, v8;
	v9 =	vld [tilespmem:$0xBC0]  }
0x284: {  	[tilespmem:$0x1700] =	vst v58;
	v58 =	vsub.f32 v45, v48;
	v48 =	vld [tilespmem:$0x15C0]  }
0x285: {  	vm5 =	vgt.s32 v46, $0xFFFFFFFF;
	v46 =	vld [tilespmem:$0xBE0];
	[tilespmem:$0x1900] =	vst v61;
	vm11 =	veq.s32 v51, v59  }
0x286: {  	[tilespmem:$0x1760] =	vst v10;
	v10 =	vld [tilespmem:$0xDC0];
	v61 =	vnsel vm11, $0x0, v58  }
0x287: {  	v49 =	vsel vm8, v40, v34;
	[tilespmem:$0x1960] =	vst v8;
	v8 =	vld [tilespmem:$0x11C0];
	v19 =	vadd.f32 v61, v54  }
0x288: {  	[tilespmem:$0x1920] =	vst v49;
	v39 =	vld [tilespmem:$0x1FFB0]  }
0x289: {  	v44 =	vsel vm6, $0x3F800000, v32;
	vm12 =	vgt.s32 v17, $0xFFFFFFFF;
	v49 =	vld [tilespmem:$0x13C0];
	[tilespmem:$0x9C00] =	vst v19  }
0x28a: {  	vm14 =	vgt.s32 v7, $0xFFFFFFFF;
	[tilespmem:$0x1B10] =	vst v44;
	v35 =	vsel vm12, $0x3F800000, v32;
	v34 =	vld [tilespmem:$0x9C00]  }
0x28b: {  	v37 =	vsub.f32 v28, v31;
	v44 =	vsel vm14, v6, v55;
	[tilespmem:$0x1B50] =	vst v35;
	v35 =	vld [tilespmem:$0xFE0]  }
0x28c: {  	v14 =	vsel vm12, v16, v14;
	v5 =	vsel vm14, v60, v5;
	[tilespmem:$0x1970] =	vst v44;
	v44 =	vld [tilespmem:$0x13E0];
	v57 =	vsel vm9, $0x3F800000, v32  }
0x28d: {  	[tilespmem:$0x1750] =	vst v14;
	v60 =	vsel vm5, v42, v41;
	v42 =	vld [tilespmem:$0x15E0];
	v36 =	vsel vm15, $0x3F800000, v32;
	vm15 =	veq.s32 v33, v39  }
0x28e: {  	v52 =	vsel vm8, $0x3F800000, v32;
	[tilespmem:$0x1B30] =	vst v57;
	v57 =	vld [tilespmem:$0x7D0];
	v40 =	vnsel vm15, $0x0, v37  }
0x28f: {  	[tilespmem:$0x1B20] =	vst v52;
	v52 =	vld [tilespmem:$0x9C0];
	v45 =	vadd.f32 v40, v34  }
0x290: {  	v1 =	vld [tilespmem:$0x1190];
	[tilespmem:$0x1AF0] =	vst v36  }
0x291: {  	v13 =	vsel vm12, v15, v13;
	v36 =	vld [tilespmem:$0x7C0];
	[tilespmem:$0x9C00] =	vst v45  }
0x292: {  	v38 =	vsel vm13, $0x3F800000, v32;
	[tilespmem:$0x1950] =	vst v13;
	v55 =	vld [tilespmem:$0x9C00]  }
0x293: {  	[tilespmem:$0x1B60] =	vst v38;
	vm4 =	vgt.s32 v63, $0xFFFFFFFF;
	v63 =	vld [tilespmem:$0x11D0]  }
0x294: {  	[tilespmem:$0x1770] =	vst v5;
	v17 =	vsel vm5, $0x3F800000, v32;
	v5 =	vsub.f32 v48, v49;
	v4 =	vld [tilespmem:$0xDA0]  }
0x295: {  	[tilespmem:$0x1B90] =	vst v17;
	vm8 =	vgt.s32 v29, $0xFFFFFFFF;
	v33 =	vld [tilespmem:$0x7E0];
	vm6 =	veq.s32 v52, v62  }
0x296: {  	[tilespmem:$0x1790] =	vst v60;
	v31 =	vsel vm8, v26, v27;
	vm7 =	vgt.s32 v43, $0xFFFFFFFF;
	v39 =	vld [tilespmem:$0x1FFD0];
	v5 =	vnsel vm6, $0x0, v5  }
0x297: {  	[tilespmem:$0x17B0] =	vst v31;
	v28 =	vsel vm7, $0x3F800000, v32;
	v37 =	vld [tilespmem:$0xDE0];
	v21 =	vadd.f32 v5, v55  }
0x298: {  	[tilespmem:$0x1BA0] =	vst v28;
	v0 =	vld [tilespmem:$0x11A0]  }
0x299: {  	v52 =	vld [tilespmem:$0xFF0];
	v1 =	vsel vm5, v1, v3;
	[tilespmem:$0x9C00] =	vst v21  }
0x29a: {  	[tilespmem:$0x1990] =	vst v1;
	vm9 =	vgt.s32 v36, $0xFFFFFFFF;
	v36 =	vsel vm8, $0x3F800000, v32;
	v19 =	vsel vm7, v30, v4;
	v30 =	vld [tilespmem:$0x9C00]  }
0x29b: {  	[tilespmem:$0x1BB0] =	vst v36;
	v38 =	vsel vm9, v11, v10;
	v2 =	vld [tilespmem:$0x11B0]  }
0x29c: {  	v1 =	vsub.f32 v22, v23;
	[tilespmem:$0x17C0] =	vst v38;
	v51 =	vsel vm14, $0x3F800000, v32;
	v59 =	vld [tilespmem:$0xFD0]  }
0x29d: {  	vm10 =	veq.s32 v25, v39;
	v41 =	vsel vm9, v8, v9;
	[tilespmem:$0x1B70] =	vst v51;
	v51 =	vld [tilespmem:$0x1FFE0]  }
0x29e: {  	v1 =	vnsel vm10, $0x0, v1;
	[tilespmem:$0x19C0] =	vst v41;
	v58 =	vsel vm4, $0x3F800000, v32;
	vm11 =	vgt.s32 v57, $0xFFFFFFFF;
	v57 =	vld [tilespmem:$0x13F0]  }
0x29f: {  	v43 =	vsel vm9, $0x3F800000, v32;
	[tilespmem:$0x1B80] =	vst v58;
	v58 =	vld [tilespmem:$0x9F0];
	v1 =	vadd.f32 v1, v30  }
0x2a0: {  	[tilespmem:$0x1BC0] =	vst v43;
	v45 =	vld [tilespmem:$0x9E0]  }
0x2a1: {  	v0 =	vsel vm7, v0, v24;
	v61 =	vld [tilespmem:$0xDD0];
	[tilespmem:$0x9C00] =	vst v1  }
0x2a2: {  	[tilespmem:$0x19A0] =	vst v0;
	v3 =	vsel vm11, v63, v18;
	v54 =	vsel vm4, v56, v47;
	v47 =	vld [tilespmem:$0x9C00]  }
0x2a3: {  	v48 =	vsel vm11, $0x3F800000, v32;
	v56 =	vsel vm4, v53, v50;
	[tilespmem:$0x19D0] =	vst v3;
	v50 =	vld [tilespmem:$0x7F0]  }
0x2a4: {  	v49 =	vsub.f32 v42, v44;
	vm12 =	vgt.s32 v33, $0xFFFFFFFF;
	[tilespmem:$0x1BD0] =	vst v48;
	v53 =	vld [tilespmem:$0xDF0]  }
0x2a5: {  	[tilespmem:$0x1980] =	vst v56;
	v56 =	vld [tilespmem:$0x15F0];
	v34 =	vsel vm8, v2, v20;
	v2 =	vsel vm12, v35, v37;
	vm13 =	veq.s32 v45, v51  }
0x2a6: {  	v40 =	vld [tilespmem:$0x11E0];
	[tilespmem:$0x17E0] =	vst v2;
	v2 =	vnsel vm13, $0x0, v49  }
0x2a7: {  	[tilespmem:$0x1780] =	vst v54;
	v54 =	vsel vm12, $0x3F800000, v32;
	v7 =	vsel vm11, v59, v61;
	v59 =	vld [tilespmem:$0xBF0];
	v2 =	vadd.f32 v2, v47  }
0x2a8: {  	[tilespmem:$0x1BE0] =	vst v54;
	v61 =	vld [tilespmem:$0x1FFF0]  }
0x2a9: {  	v55 =	vld [tilespmem:$0x11F0];
	[tilespmem:$0x9C00] =	vst v2  }
0x2aa: {  	[tilespmem:$0x17A0] =	vst v19;
	v60 =	vld [tilespmem:$0x9C00]  }
0x2ab: {  	vm14 =	vgt.s32 v50, $0xFFFFFFFF;
	[tilespmem:$0x17D0] =	vst v7;
	v1 =	vsel vm12, v40, v46  }
0x2ac: {  	v0 =	vsel vm14, v52, v53;
	[tilespmem:$0x19E0] =	vst v1;
	v1 =	vsub.f32 v56, v57  }
0x2ad: {  	v63 =	vsel vm14, $0x3F800000, v32;
	[tilespmem:$0x17F0] =	vst v0;
	vm15 =	veq.s32 v58, v61  }
0x2ae: {  	[tilespmem:$0x1BF0] =	vst v63;
	v1 =	vnsel vm15, $0x0, v1  }
0x2af: {  	[tilespmem:$0x19B0] =	vst v34;
	v62 =	vsel vm14, v55, v59;
	v0 =	vadd.f32 v1, v60  }
0x2b0: {  	[tilespmem:$0x19F0] =	vst v62  }
0x2b1: {  	s25 =	rddreg [dreg:$0x15];
	[tilespmem:$0x9C00] =	vst v0  }
0x2b2: {  	[hbm4b:s25+s7] =	stream.linear.scatter [tilespmem:s5], [sflag:$0x3], $0x8000, $0x38;
	[tilespmem:$0x9C80] =	vst v63  }
0x2b3: {  	_ =	swait.ge [sflag:s28], $0x8000  }
0x2b4: {  	[sflag:s28] =	ssyncset.done $0x0  }
0x2b5: {  	s24 =	rddreg [dreg:$0x16];
	[sflag:s28] =	ssyncadd.s32 $0xFFFF8000  }
0x2b6: {  	[hbm4b:s24+s7] =	stream.linear.scatter [tilespmem:s29], [sflag:$0x3], $0x200, $0x38;
	[tilespmem:$0x9C80] =	vst v63  }
0x2b7: {  	_ =	swait.ge [sflag:s28], $0x200  }
0x2b8: {  	[sflag:s28] =	ssyncset.done $0x0  }
0x2b9: {  	s25 =	rddreg [dreg:$0x17];
	[sflag:s28] =	ssyncadd.s32 $0xFFFFFE00  }
0x2ba: {  	[hbm4b:s25+s7] =	stream.linear.scatter [tilespmem:s30], [sflag:$0x3], $0x200, $0x38;
	[tilespmem:$0x9C80] =	vst v63  }
0x2bb: {  	_ =	swait.ge [sflag:s28], $0x200  }
0x2bc: {  	[sflag:s28] =	ssyncset.done $0x0  }
0x2bd: {  	s24 =	rddreg [dreg:$0x18];
	[sflag:s28] =	ssyncadd.s32 $0xFFFFFE00  }
0x2be: {  	[hbm4b:s24+s7] =	stream.linear.scatter [tilespmem:s31], [sflag:$0x3], $0x200, $0x38;
	[tilespmem:$0x9C80] =	vst v63  }
0x2bf: {  	_ =	swait.ge [sflag:s28], $0x200  }
0x2c0: {  	p0 =	sne.s32 s9, $0x1;
	[sflag:s28] =	ssyncset.done $0x0  }
.Ltmp0:
0x2c1: {  	s25 =	rddreg [dreg:$0x19];
	[sflag:s28] =	ssyncadd.s32 $0xFFFFFE00;
	(pc) =	sbr.rel @p0 .LBB2_1-.Ltmp0, $4  }
0x2c2: {  	[hbm4b:s25+s7] =	stream.linear.scatter [tilespmem:s6], [sflag:$0x3], $0x80, $0x38;
	[tilespmem:$0x9C80] =	vst v63  }
0x2c3: {  	_ =	swait.ge [sflag:s28], $0x80  }
0x2c4: {  	[sflag:s28] =	ssyncset.done $0x0  }
0x2c5: {  	s9 =	sadd.s32 $0xFFFFFFFF, s9;
	[sflag:s28] =	ssyncadd.s32 $0xFFFFFF80  }
0x2c6: {  	_ =	sfence.sel $0x180000  }
0x2c7: {  	[bflag:$0x0] =	sbarrier.arrive $0xFFFF  }
0x2c8: {  	_ =	strace $0x9000004A  }
0x2c9: {  	s0 =	stileid.u32;
	[bflag:$0x2] =	sbarrier.arrive $0xFFFF  }
0x2ca: {  	p0 =	sne.s32 s0, $0x0;
	s0 =	rddreg [dreg:$0xb]  }
0x2cb: {  	s0 =	sadd.s32 @!p0 $0x100000, s0  }
0x2cc: {  	[sflag:s0] =	ssyncadd.tile.s32 @!p0 $0x1;
	_ =	shalt  }
.Lfunc_end2:
_tile_overlayer_lowered:
.L_overlay_start_2:
0x2cd: {  	(tag) =	ssettag $0x2  }
0x2ce: {  	s0 =	rddreg [dreg:$0x0];
	s2 =	stileid.u32  }
0x2cf: {  	s1 =	rddreg [dreg:$0x1];
	p0 =	sne.s32 s2, $0x0  }
0x2d0: {  	s3 =	rddreg [dreg:$0x2];
	[bflag:$0x3] =	sbarrier.arrive $0xFFFF;
	s2 =	simm.s32 @!p0 $0x1C03  }
0x2d1: {  	[timem:s3], [sflag:s2] =	dma.local @!p0 [hbm:s0], s1  }
0x2d2: {  	s0 =	simm.s32 @!p0 $0x3  }
0x2d3: {  	_ =	swait.ge @!p0 [sflag:s0], s1  }
0x2d4: {  	s1 =	ssub.s32 @!p0 $0x0, s1;
	[sflag:s0] =	ssyncset.done @!p0 $0x0  }
0x2d5: {  	[sflag:s0] =	ssyncadd.s32 @!p0 s1  }
0x2d6: {  	[bflag:$0x3] =	sbarrier.arrive $0xFFFF  }
0x2d7: {  	_ =	shalt  }

</sc_bundles>
